<compile_context>
chip_gen: v7x
topology: tpu7x:2x2x1
jax: 0.10.2.dev20260603
libtpu: 0.0.44.dev20260713+nightly
codegen_flags: <defaults>
</compile_context>

<pallas_src>
import functools

import jax
import jax.numpy as jnp
from jax import lax
from jax.experimental import pallas as pl
from jax.experimental.pallas import tpu as pltpu
from jax.experimental.pallas import tpu_sc as plsc

D_MODEL = 1024
D_FF = 4096
H = 16
DH = 64
N_BUCKETS = 64
N_HASHES = 4
CHUNK = 64
GRP = 8
TOK_BLK = 512
TOK_BLK_C = 256


def _proj_body(x_ref, g_ref, b_ref, wqk_ref, wv_ref, rot_ref,
               qkv_ref, rt_ref):
    x = x_ref[...]
    m = jnp.mean(x, axis=-1, keepdims=True)
    xc = x - m
    var = jnp.mean(xc * xc, axis=-1, keepdims=True)
    xn = xc * lax.rsqrt(var + 1e-5) * g_ref[...] + b_ref[...]
    qk = jnp.dot(xn, wqk_ref[...], preferred_element_type=jnp.float32)
    v = jnp.dot(xn, wv_ref[...], preferred_element_type=jnp.float32)
    rt_ref[...] = jnp.dot(qk, rot_ref[...], preferred_element_type=jnp.float32)
    parts = []
    for h in range(H):
        parts.append(qk[:, h * DH:(h + 1) * DH])
        parts.append(v[:, h * DH:(h + 1) * DH])
    qkv_ref[...] = jnp.concatenate(parts, axis=1)


def _csort_body(b_ref, inv_ref, offr_ref, offc_ref):
    bcol = b_ref[0]
    s_len = bcol.shape[0]
    iota_row = lax.broadcasted_iota(jnp.int32, (1, N_BUCKETS), 1).astype(jnp.float32)
    onehot = (bcol == iota_row).astype(jnp.float32)
    pre_incl = onehot
    k = 1
    while k < s_len:
        shifted = jnp.concatenate(
            [jnp.zeros((k, N_BUCKETS), jnp.float32), pre_incl[:s_len - k]],
            axis=0)
        pre_incl = pre_incl + shifted
        k *= 2
    pre = pre_incl - onehot
    tot_row = pre_incl[s_len - 1:s_len, :]
    bi0 = lax.broadcasted_iota(jnp.int32, (N_BUCKETS, N_BUCKETS), 0)
    bi1 = lax.broadcasted_iota(jnp.int32, (N_BUCKETS, N_BUCKETS), 1)
    upper = (bi0 < bi1).astype(jnp.float32)
    off_row = jnp.dot(tot_row, upper, preferred_element_type=jnp.float32)
    tot_col = lax.dot_general(onehot, jnp.ones((s_len, 1), jnp.float32),
                              (((0,), (0,)), ((), ())),
                              preferred_element_type=jnp.float32)
    off_col = jnp.dot((bi0 > bi1).astype(jnp.float32), tot_col,
                      preferred_element_type=jnp.float32)
    inv_ref[0] = jnp.sum(onehot * (pre + off_row), axis=-1, keepdims=True)
    offr_ref[0] = off_row
    offc_ref[0] = off_col


def _attn_body(qv_ref, qvp_ref, offr_ref, offc_ref, o_ref):
    W = GRP * CHUNK
    KW = W + CHUNK
    qvfull = qv_ref[0].reshape(W, 2 * DH)
    qvprev = qvp_ref[0, 0]
    off_row = offr_ref[0]
    off_col = offc_ref[0]
    g = pl.program_id(1)
    nc_total = pl.num_programs(1) * GRP
    base0 = g * W
    pidx = lax.rem(g * GRP + nc_total - 1, nc_total)
    qv_ext = jnp.concatenate([qvprev, qvfull], axis=0)
    k = qv_ext[:, :DH]
    knorm = k * (1.0 / (jnp.sqrt(
        jnp.sum(k * k, axis=-1, keepdims=True)) + 1e-6))
    q = qvfull[:, :DH]
    dots = lax.dot_general(q, knorm, (((1,), (1,)), ((), ())),
                           preferred_element_type=jnp.float32)
    dots = dots * (1.0 / (float(DH) ** 0.5))
    ri = lax.broadcasted_iota(jnp.int32, (W, KW), 0)
    ci = lax.broadcasted_iota(jnp.int32, (W, KW), 1)
    kc = lax.div(ci, CHUNK)
    qc = lax.div(ri, CHUNK)
    band = (kc >= qc) & (kc <= qc + 1)
    self_m = ci == ri + CHUNK
    qslot = (base0 + lax.broadcasted_iota(jnp.int32, (W, 1), 0)
             ).astype(jnp.float32)
    bq = jnp.sum((qslot >= off_row).astype(jnp.float32),
                 axis=-1, keepdims=True)
    ci_row = lax.broadcasted_iota(jnp.int32, (1, KW), 1)
    kslot = jnp.where(ci_row < CHUNK, pidx * CHUNK + ci_row,
                      base0 + ci_row - CHUNK).astype(jnp.float32)
    b_e = jnp.sum((kslot >= off_col).astype(jnp.float32),
                  axis=0, keepdims=True)
    dots = jnp.where(band & (bq == b_e), dots, -1e9)
    dots = jnp.where(self_m, -1e5, dots)
    m = jnp.max(dots, axis=-1, keepdims=True)
    e = jnp.exp(dots - m)
    s = jnp.sum(e, axis=-1, keepdims=True)
    o = jnp.dot(e, qv_ext[:, DH:],
                preferred_element_type=jnp.float32) / s
    lse = m + jnp.log(s)
    o_ref[0] = jnp.concatenate(
        [o, lse, jnp.zeros((W, DH - 1), jnp.float32)], axis=1)


def _out_ff_body(o_ref, x1_ref, x2_ref, wo_ref, g_ref, b_ref,
                 w1_ref, b1_ref, w2_ref, b2_ref, y1_ref, y2_ref):
    y1 = x1_ref[...] + jnp.dot(o_ref[...], wo_ref[...],
                               preferred_element_type=jnp.float32)
    y1_ref[...] = y1
    m = jnp.mean(y1, axis=-1, keepdims=True)
    xc = y1 - m
    var = jnp.mean(xc * xc, axis=-1, keepdims=True)
    t = xc * lax.rsqrt(var + 1e-5) * g_ref[...] + b_ref[...]
    h = jax.nn.gelu(jnp.dot(t, w1_ref[...],
                            preferred_element_type=jnp.float32) + b1_ref[...])
    y2_ref[...] = x2_ref[...] + jnp.dot(h, w2_ref[...],
                                        preferred_element_type=jnp.float32) + b2_ref[...]


_SC_NC, _SC_NS = 2, 16
_SC_NW = _SC_NC * _SC_NS
_GCHK = 128


def _sc_gather(tables, idx):
    M = idx.shape[0]
    W = tables[0].shape[1]
    per_w = M // _SC_NW
    n_it = per_w // _GCHK
    nt = len(tables)
    mesh = plsc.VectorSubcoreMesh(core_axis_name="c", subcore_axis_name="s",
                                  num_cores=_SC_NC, num_subcores=_SC_NS)

    @functools.partial(
        pl.kernel, mesh=mesh,
        out_type=[jax.ShapeDtypeStruct((M, W), jnp.float32)
                  for _ in range(nt)],
        scratch_types=(
            [pltpu.VMEM((_GCHK,), jnp.int32)]
            + [pltpu.VMEM((_GCHK, W), jnp.float32) for _ in range(nt)]
            + [pltpu.SemaphoreType.DMA for _ in range(nt)]
        ),
    )
    def gk(*refs):
        t_hbm = refs[:nt]
        idx_hbm = refs[nt]
        o_hbm = refs[nt + 1:nt + 1 + nt]
        idx_v = refs[nt + 1 + nt]
        rows = refs[nt + 2 + nt:nt + 2 + 2 * nt]
        sems = refs[nt + 2 + 2 * nt:]
        wid = lax.axis_index("s") * _SC_NC + lax.axis_index("c")
        base = wid * per_w

        def body(j, carry):
            off = base + j * _GCHK
            pltpu.sync_copy(idx_hbm.at[pl.ds(off, _GCHK)], idx_v)
            cps = [pltpu.async_copy(t_hbm[i].at[idx_v], rows[i], sems[i])
                   for i in range(nt)]
            for c in cps:
                c.wait()
            for i in range(nt):
                pltpu.sync_copy(rows[i], o_hbm[i].at[pl.ds(off, _GCHK)])
            return carry

        lax.fori_loop(0, n_it, body, 0)

    out = gk(*tables, idx)
    return list(out) if isinstance(out, (list, tuple)) else [out]


def _sc_scatter(src, idx3):
    W = src.shape[1]
    n_src = src.shape[0]
    n_it = idx3.shape[1]
    M = _SC_NW * n_it * _GCHK
    per_w = n_it * _GCHK
    mesh = plsc.VectorSubcoreMesh(core_axis_name="c", subcore_axis_name="s",
                                  num_cores=_SC_NC, num_subcores=_SC_NS)

    @functools.partial(
        pl.kernel, mesh=mesh,
        out_type=jax.ShapeDtypeStruct((M, W), jnp.float32),
        scratch_types=[
            pltpu.VMEM((_GCHK,), jnp.int32),
            pltpu.VMEM((_GCHK, W), jnp.float32),
            pltpu.SemaphoreType.DMA,
        ],
    )
    def sk(src_hbm, idx_hbm, out_hbm, idx_v, rows_v, sem):
        wid = lax.axis_index("s") * _SC_NC + lax.axis_index("c")
        base = wid * per_w

        def body(j, carry):
            src_off = lax.rem(base + j * _GCHK, n_src)
            pltpu.sync_copy(src_hbm.at[pl.ds(src_off, _GCHK)], rows_v)
            pltpu.sync_copy(idx_hbm.at[wid, j], idx_v)
            pltpu.async_copy(rows_v, out_hbm.at[idx_v], sem).wait()
            return carry

        lax.fori_loop(0, n_it, body, 0)

    return sk(src, idx3)


def _build_rotmat():
    rot = jax.random.normal(jax.random.key(42),
                            (N_HASHES, DH, N_BUCKETS // 2), dtype=jnp.float32)
    eye = jnp.eye(H, dtype=jnp.float32)
    blk = jnp.einsum('gh,rdn->rgdhn', eye, rot)
    return blk.transpose(1, 2, 0, 3, 4).reshape(D_MODEL, N_HASHES * H * 32)


def kernel(x1, x2, Wqk, Wv, Wo, W1, b1, W2, b2, ln1_g, ln1_b, ln2_g, ln2_b):
    B, S, _ = x1.shape
    nc = S // CHUNK
    ng = nc // GRP
    T = B * S
    nblk = T // TOK_BLK
    inst = N_HASHES * B * H

    rotmat = _build_rotmat()
    x2f = x2.reshape(T, D_MODEL)

    row = lambda a: a.reshape(1, -1)
    full = lambda r, c: pl.BlockSpec((r, c), lambda i: (0, 0))
    qkv, rt = pl.pallas_call(
        _proj_body,
        grid=(nblk,),
        in_specs=[
            pl.BlockSpec((TOK_BLK, D_MODEL), lambda i: (i, 0)),
            full(1, D_MODEL), full(1, D_MODEL),
            full(D_MODEL, D_MODEL), full(D_MODEL, D_MODEL),
            full(D_MODEL, N_HASHES * H * 32),
        ],
        out_specs=[
            pl.BlockSpec((TOK_BLK, 2 * D_MODEL), lambda i: (i, 0)),
            pl.BlockSpec((TOK_BLK, N_HASHES * H * 32), lambda i: (i, 0)),
        ],
        out_shape=[
            jax.ShapeDtypeStruct((T, 2 * D_MODEL), jnp.float32),
            jax.ShapeDtypeStruct((T, N_HASHES * H * 32), jnp.float32),
        ],
    )(x2f, row(ln1_g), row(ln1_b), Wqk, Wv, rotmat)

    rt = rt.reshape(B, S, N_HASHES, H, 32)
    rt = jnp.concatenate([rt, -rt], axis=-1)
    buckets = jnp.argmax(rt, axis=-1).astype(jnp.int32)
    bcol = (buckets.transpose(2, 0, 3, 1)
            .reshape(inst, S, 1).astype(jnp.float32))

    inv_col, off_row, off_col = pl.pallas_call(
        _csort_body,
        grid=(inst,),
        in_specs=[pl.BlockSpec((1, S, 1), lambda i: (i, 0, 0))],
        out_specs=[
            pl.BlockSpec((1, S, 1), lambda i: (i, 0, 0)),
            pl.BlockSpec((1, 1, N_BUCKETS), lambda i: (i, 0, 0)),
            pl.BlockSpec((1, N_BUCKETS, 1), lambda i: (i, 0, 0)),
        ],
        out_shape=[
            jax.ShapeDtypeStruct((inst, S, 1), jnp.float32),
            jax.ShapeDtypeStruct((inst, 1, N_BUCKETS), jnp.float32),
            jax.ShapeDtypeStruct((inst, N_BUCKETS, 1), jnp.float32),
        ],
    )(bcol)
    inv = inv_col.reshape(N_HASHES, B, H, S).astype(jnp.int32)

    rbh_base = (jnp.arange(N_HASHES * B * H, dtype=jnp.int32)
                .reshape(N_HASHES, B, H) * S)
    u_idx = (rbh_base[..., None] + inv).transpose(0, 1, 3, 2)

    inst_r = B * H
    qkv_flat = qkv.reshape(T * H, 2 * DH)
    olr_rounds = []
    for r in range(N_HASHES):
        u_r = u_idx[r] - (r * inst_r * S)
        a_qv = _sc_scatter(qkv_flat, u_r.reshape(_SC_NW, -1, _GCHK))
        a_qv = a_qv.reshape(inst_r, nc, CHUNK, 2 * DH)
        (ol_s,) = pl.pallas_call(
            _attn_body,
            grid=(inst_r, ng),
            in_specs=[
                pl.BlockSpec((1, GRP, CHUNK, 2 * DH),
                             lambda i, g: (i, g, 0, 0)),
                pl.BlockSpec((1, 1, CHUNK, 2 * DH),
                             lambda i, g: (i, (g * GRP + nc - 1) % nc, 0, 0)),
                pl.BlockSpec((1, 1, N_BUCKETS), lambda i, g: (i, 0, 0)),
                pl.BlockSpec((1, N_BUCKETS, 1), lambda i, g: (i, 0, 0)),
            ],
            out_specs=[
                pl.BlockSpec((1, GRP * CHUNK, 2 * DH), lambda i, g: (i, g, 0)),
            ],
            out_shape=[
                jax.ShapeDtypeStruct((inst_r, S, 2 * DH), jnp.float32),
            ],
        )(a_qv, a_qv, off_row[r * inst_r:(r + 1) * inst_r],
          off_col[r * inst_r:(r + 1) * inst_r])
        (ol_u,) = _sc_gather([ol_s.reshape(inst_r * S, 2 * DH)],
                             u_r.reshape(-1))
        olr_rounds.append(ol_u)
    olr = jnp.stack(olr_rounds).reshape(N_HASHES, T, H, 2 * DH)
    o_all = olr[..., :DH]
    lse_all = olr[..., DH]
    w = jax.nn.softmax(lse_all, axis=0)[..., None]
    o_comb = jnp.sum(o_all * w, axis=0).reshape(T, D_MODEL)

    y1, y2 = pl.pallas_call(
        _out_ff_body,
        grid=(T // TOK_BLK_C,),
        in_specs=[
            pl.BlockSpec((TOK_BLK_C, D_MODEL), lambda i: (i, 0)),
            pl.BlockSpec((TOK_BLK_C, D_MODEL), lambda i: (i, 0)),
            pl.BlockSpec((TOK_BLK_C, D_MODEL), lambda i: (i, 0)),
            full(D_MODEL, D_MODEL),
            full(1, D_MODEL), full(1, D_MODEL),
            full(D_MODEL, D_FF), full(1, D_FF),
            full(D_FF, D_MODEL), full(1, D_MODEL),
        ],
        out_specs=[
            pl.BlockSpec((TOK_BLK_C, D_MODEL), lambda i: (i, 0)),
            pl.BlockSpec((TOK_BLK_C, D_MODEL), lambda i: (i, 0)),
        ],
        out_shape=[
            jax.ShapeDtypeStruct((T, D_MODEL), jnp.float32),
            jax.ShapeDtypeStruct((T, D_MODEL), jnp.float32),
        ],
    )(o_comb, x1.reshape(T, D_MODEL), x2f, Wo, row(ln2_g), row(ln2_b),
      W1, row(b1), W2, row(b2))

    return (y1.reshape(B, S, D_MODEL), y2.reshape(B, S, D_MODEL))

# --- scband reference (transcript-rebuilt; emitter-appended) ---
"""Pipeline reference for scband-reformer-layer-43164421325469 (READ-ONLY COPY).

The authoritative reference and input builder live on the scoring server;
editing this copy changes nothing except your own understanding.
"""

import jax, jax.numpy as jnp
import numpy as np

D_MODEL = 1024
D_FF = 4096
H = 16
DH = D_MODEL // H
N_BUCKETS = 64
N_HASHES = 4
CHUNK = 64
B = 2
S = 4096


def setup_inputs(seed: int = 0) -> dict:
    key = jax.random.key(seed)
    ks = jax.random.split(key, 10)
    def w(k, shape):
        return jax.random.normal(k, shape, dtype=jnp.float32) * 0.02
    return {
        "x1": jax.random.normal(ks[0], (B, S, D_MODEL), dtype=jnp.float32),
        "x2": jax.random.normal(ks[1], (B, S, D_MODEL), dtype=jnp.float32),
        "Wqk": w(ks[2], (D_MODEL, D_MODEL)),
        "Wv": w(ks[3], (D_MODEL, D_MODEL)),
        "Wo": w(ks[4], (D_MODEL, D_MODEL)),
        "W1": w(ks[5], (D_MODEL, D_FF)),
        "b1": jnp.zeros((D_FF,), jnp.float32),
        "W2": w(ks[6], (D_FF, D_MODEL)),
        "b2": jnp.zeros((D_MODEL,), jnp.float32),
        "ln1_g": jnp.ones((D_MODEL,), jnp.float32),
        "ln1_b": jnp.zeros((D_MODEL,), jnp.float32),
        "ln2_g": jnp.ones((D_MODEL,), jnp.float32),
        "ln2_b": jnp.zeros((D_MODEL,), jnp.float32),
    }


def _layer_norm(x, g, b):
    m = jnp.mean(x, axis=-1, keepdims=True)
    v = jnp.var(x, axis=-1, keepdims=True)
    return (x - m) / jnp.sqrt(v + 1e-5) * g + b


def _lsh_attention(x, Wqk, Wv, Wo):
    Bb, Ss, _ = x.shape
    nc = Ss // CHUNK
    qk = (x @ Wqk).reshape(Bb, Ss, H, DH).transpose(0, 2, 1, 3)  # [B,H,S,dh]
    v = (x @ Wv).reshape(Bb, Ss, H, DH).transpose(0, 2, 1, 3)
    # LSH bucketing via random rotations (fixed, non-learned)
    rot = jax.random.normal(jax.random.key(42), (N_HASHES, DH, N_BUCKETS // 2), dtype=jnp.float32)
    rotated = jnp.einsum('bhsd,rdn->rbhsn', qk, rot)
    rotated = jnp.concatenate([rotated, -rotated], axis=-1)
    buckets = jnp.argmax(rotated, axis=-1)  # [R,B,H,S]
    pos = jnp.arange(Ss)
    outs = []
    lses = []
    for r in range(N_HASHES):
        b = buckets[r]  # [B,H,S]
        skey = b * Ss + pos[None, None, :]
        perm = jnp.argsort(skey, axis=-1)
        inv = jnp.argsort(perm, axis=-1)
        sqk = jnp.take_along_axis(qk, perm[..., None], axis=2)
        sv = jnp.take_along_axis(v, perm[..., None], axis=2)
        sb = jnp.take_along_axis(b, perm, axis=2)
        sp = jnp.take_along_axis(jnp.broadcast_to(pos, (Bb, H, Ss)), perm, axis=2)
        q_c = sqk.reshape(Bb, H, nc, CHUNK, DH)
        k = sqk / (jnp.linalg.norm(sqk, axis=-1, keepdims=True) + 1e-6)
        k_c = k.reshape(Bb, H, nc, CHUNK, DH)
        v_c = sv.reshape(Bb, H, nc, CHUNK, DH)
        b_c = sb.reshape(Bb, H, nc, CHUNK)
        p_c = sp.reshape(Bb, H, nc, CHUNK)
        def look(t):
            return jnp.concatenate([jnp.roll(t, 1, axis=2), t], axis=3)
        k_e = look(k_c)
        v_e = look(v_c)
        b_e = look(b_c)
        p_e = look(p_c)
        dots = jnp.einsum('bhncd,bhnkd->bhnck', q_c, k_e) / (float(DH) ** 0.5)
        same_bucket = b_c[..., :, None] == b_e[..., None, :]
        self_mask = p_c[..., :, None] == p_e[..., None, :]
        dots = jnp.where(same_bucket, dots, -1e9)
        dots = jnp.where(self_mask, -1e5, dots)
        lse = jax.scipy.special.logsumexp(dots, axis=-1)  # [B,H,nc,CHUNK]
        attn = jnp.exp(dots - lse[..., None])
        o = jnp.einsum('bhnck,bhnkd->bhncd', attn, v_e).reshape(Bb, H, Ss, DH)
        lse_f = lse.reshape(Bb, H, Ss)
        o = jnp.take_along_axis(o, inv[..., None], axis=2)
        lse_f = jnp.take_along_axis(lse_f, inv, axis=2)
        outs.append(o)
        lses.append(lse_f)
    o_all = jnp.stack(outs)   # [R,B,H,S,dh]
    lse_all = jnp.stack(lses)  # [R,B,H,S]
    w_ = jax.nn.softmax(lse_all, axis=0)[..., None]
    o = jnp.sum(o_all * w_, axis=0)  # [B,H,S,dh]
    o = o.transpose(0, 2, 1, 3).reshape(Bb, Ss, D_MODEL)
    return o @ Wo


def _chunked_ff(x, W1, b1, W2, b2):
    Bb, Ss, Dd = x.shape
    nc = Ss // CHUNK
    xs = x.reshape(Bb, nc, CHUNK, Dd)
    h = jax.nn.gelu(xs @ W1 + b1)
    return (h @ W2 + b2).reshape(Bb, Ss, Dd)


def reference(x1, x2, Wqk, Wv, Wo, W1, b1, W2, b2, ln1_g, ln1_b, ln2_g, ln2_b):
    # Reversible block: y1 = x1 + Attn(LN(x2)); y2 = x2 + FF(LN(y1))
    y1 = x1 + _lsh_attention(_layer_norm(x2, ln1_g, ln1_b), Wqk, Wv, Wo)
    y2 = x2 + _chunked_ff(_layer_norm(y1, ln2_g, ln2_b), W1, b1, W2, b2)
    return (y1, y2)

if __name__ == "__main__":
    import jax
    _d = setup_inputs()
    print(jax.jit(kernel)(*tuple(_d.values())))

</pallas_src>

<mosaic_0001>
#map = affine_map<(d0, d1) -> (0, 0)>
#map1 = affine_map<(d0, d1) -> (0, 0, 0)>
module attributes {stable_mosaic.version = 14 : i64} {
  func.func @sk(%arg0: i32, %arg1: i32, %arg2: memref<131072x128xf32, #tpu.memory_space<hbm>>, %arg3: memref<32x32x128xi32, #tpu.memory_space<hbm>>, %arg4: memref<131072x128xf32, #tpu.memory_space<hbm>>, %arg5: memref<128xi32, #tpu.memory_space<vmem>>, %arg6: memref<128x128xf32, #tpu.memory_space<vmem>>, %arg7: memref<!tpu.dma_semaphore, #tpu.memory_space<semaphore_mem>>) attributes {dimension_semantics = [#tpu.dimension_semantics<core_parallel>, #tpu.dimension_semantics<subcore_parallel>], iteration_bounds = array<i64: 2, 16>, scalar_prefetch = 0 : i64, scratch_operands = 3 : i64, tpu.core_type = #tpu.core_type<sc_vector_subcore>, window_params = [{transform_indices = #map}, {transform_indices = #map1}, {transform_indices = #map}]} {
    %mul3A = arith.constant 2 : i32
    %mul3A_0 = arith.muli %arg1, %mul3A : i32
    %add3A = arith.addi %mul3A_0, %arg0 : i32
    %mul3A_1 = arith.constant 4096 : i32
    %mul3A_2 = arith.muli %add3A, %mul3A_1 : i32
    %scan3A = arith.constant 0 : i32
    %scan3A_3 = arith.constant 0 : i32
    %scan3A_4 = arith.constant 32 : i32
    %scan3A_5 = arith.addi %scan3A_3, %scan3A_4 : i32
    %scan3A_6 = arith.constant 1 : i32
    scf.for %scan3A_8 = %scan3A_3 to %scan3A_5 step %scan3A_6  : i32 {
      %mul3A_9 = arith.constant 128 : i32
      %mul3A_10 = arith.muli %scan3A_8, %mul3A_9 : i32
      %add3A_11 = arith.addi %mul3A_2, %mul3A_10 : i32
      %rem3A = arith.constant 131072 : i32
      %rem3A_12 = arith.remsi %add3A_11, %rem3A : i32
      "tpu.region"() ({
        %run_scoped3A = tpu.sem_alloc : memref<!tpu.dma_semaphore, #tpu.memory_space<semaphore_mem>>
        %dma_start3A_17 = arith.constant 0 : i32
        %dma_start3A_18 = tpu.memref_slice %arg2[%rem3A_12, %dma_start3A_17] : memref<131072x128xf32, #tpu.memory_space<hbm>> -> memref<128x128xf32, #tpu.memory_space<hbm>>
        %dma_start3A_19 = arith.constant 0 : i32
        %dma_start3A_20 = tpu.memref_slice %arg2[%rem3A_12, %dma_start3A_19] : memref<131072x128xf32, #tpu.memory_space<hbm>> -> memref<128x128xf32, #tpu.memory_space<hbm>>
        tpu.enqueue_dma source(%dma_start3A_20 : memref<128x128xf32, #tpu.memory_space<hbm>>) target(%arg6 : memref<128x128xf32, #tpu.memory_space<vmem>>) target_semaphore(%run_scoped3A : memref<!tpu.dma_semaphore, #tpu.memory_space<semaphore_mem>>)
        %dma_wait3A_21 = arith.constant 0 : i32
        %dma_wait3A_22 = tpu.memref_slice %arg2[%rem3A_12, %dma_wait3A_21] : memref<131072x128xf32, #tpu.memory_space<hbm>> -> memref<128x128xf32, #tpu.memory_space<hbm>>
        %dma_wait3A_23 = arith.constant 0 : i32
        %dma_wait3A_24 = tpu.memref_slice %arg2[%rem3A_12, %dma_wait3A_23] : memref<131072x128xf32, #tpu.memory_space<hbm>> -> memref<128x128xf32, #tpu.memory_space<hbm>>
        tpu.wait_dma2 semaphore(%run_scoped3A : memref<!tpu.dma_semaphore, #tpu.memory_space<semaphore_mem>>) src(%dma_wait3A_24 : memref<128x128xf32, #tpu.memory_space<hbm>>) dst(%arg6 : memref<128x128xf32, #tpu.memory_space<vmem>>)
        tpu.yield
      }) : () -> ()
      "tpu.region"() ({
        %run_scoped3A = tpu.sem_alloc : memref<!tpu.dma_semaphore, #tpu.memory_space<semaphore_mem>>
        %dma_start3A_17 = arith.constant 0 : i32
        %dma_start3A_18 = tpu.memref_slice %arg3[%add3A, %scan3A_8, %dma_start3A_17] : memref<32x32x128xi32, #tpu.memory_space<hbm>> -> memref<1x1x128xi32, #tpu.memory_space<hbm>>
        %dma_start3A_19 = tpu.memref_squeeze %dma_start3A_18 : memref<1x1x128xi32, #tpu.memory_space<hbm>> -> memref<128xi32, #tpu.memory_space<hbm>>
        %dma_start3A_20 = arith.constant 0 : i32
        %dma_start3A_21 = tpu.memref_slice %arg3[%add3A, %scan3A_8, %dma_start3A_20] : memref<32x32x128xi32, #tpu.memory_space<hbm>> -> memref<1x1x128xi32, #tpu.memory_space<hbm>>
        %dma_start3A_22 = tpu.memref_squeeze %dma_start3A_21 : memref<1x1x128xi32, #tpu.memory_space<hbm>> -> memref<128xi32, #tpu.memory_space<hbm>>
        tpu.enqueue_dma source(%dma_start3A_22 : memref<128xi32, #tpu.memory_space<hbm>>) target(%arg5 : memref<128xi32, #tpu.memory_space<vmem>>) target_semaphore(%run_scoped3A : memref<!tpu.dma_semaphore, #tpu.memory_space<semaphore_mem>>)
        %dma_wait3A_23 = arith.constant 0 : i32
        %dma_wait3A_24 = tpu.memref_slice %arg3[%add3A, %scan3A_8, %dma_wait3A_23] : memref<32x32x128xi32, #tpu.memory_space<hbm>> -> memref<1x1x128xi32, #tpu.memory_space<hbm>>
        %dma_wait3A_25 = tpu.memref_squeeze %dma_wait3A_24 : memref<1x1x128xi32, #tpu.memory_space<hbm>> -> memref<128xi32, #tpu.memory_space<hbm>>
        %dma_wait3A_26 = arith.constant 0 : i32
        %dma_wait3A_27 = tpu.memref_slice %arg3[%add3A, %scan3A_8, %dma_wait3A_26] : memref<32x32x128xi32, #tpu.memory_space<hbm>> -> memref<1x1x128xi32, #tpu.memory_space<hbm>>
        %dma_wait3A_28 = tpu.memref_squeeze %dma_wait3A_27 : memref<1x1x128xi32, #tpu.memory_space<hbm>> -> memref<128xi32, #tpu.memory_space<hbm>>
        tpu.wait_dma2 semaphore(%run_scoped3A : memref<!tpu.dma_semaphore, #tpu.memory_space<semaphore_mem>>) src(%dma_wait3A_28 : memref<128xi32, #tpu.memory_space<hbm>>) dst(%arg5 : memref<128xi32, #tpu.memory_space<vmem>>)
        tpu.yield
      }) : () -> ()
      %dma_start3A = arith.constant 0 : i32
      %dma_start3A_13 = arith.constant 0 : i32
      %dma_start3A_14 = tpu.memref_slice %arg4[%dma_start3A, %dma_start3A_13] : memref<131072x128xf32, #tpu.memory_space<hbm>> -> memref<131072x128xf32, #tpu.memory_space<hbm>>
      tpu.enqueue_indirect_dma source(%arg6 : memref<128x128xf32, #tpu.memory_space<vmem>>) target(%dma_start3A_14 : memref<131072x128xf32, #tpu.memory_space<hbm>>) offsets(%arg5 : memref<128xi32, #tpu.memory_space<vmem>>) semaphore(%arg7 : memref<!tpu.dma_semaphore, #tpu.memory_space<semaphore_mem>>)
      %dma_wait3A = arith.constant 0 : i32
      %dma_wait3A_15 = arith.constant 0 : i32
      %dma_wait3A_16 = tpu.memref_slice %arg4[%dma_wait3A, %dma_wait3A_15] : memref<131072x128xf32, #tpu.memory_space<hbm>> -> memref<131072x128xf32, #tpu.memory_space<hbm>>
      tpu.wait_indirect_dma semaphore(%arg7 : memref<!tpu.dma_semaphore, #tpu.memory_space<semaphore_mem>>) src(%arg6 : memref<128x128xf32, #tpu.memory_space<vmem>>) dst(%dma_wait3A_16 : memref<131072x128xf32, #tpu.memory_space<hbm>>)
    }
    %scan3A_7 = arith.constant 32 : i32
    return
  }
}

#map = affine_map<(d0, d1) -> (0, 0)>
#map1 = affine_map<(d0, d1) -> (0, 0, 0)>
module attributes {stable_mosaic.version = 14 : i64} {
  func.func @sk(%arg0: i32, %arg1: i32, %arg2: memref<131072x128xf32, #tpu.memory_space<hbm>>, %arg3: memref<32x32x128xi32, #tpu.memory_space<hbm>>, %arg4: memref<131072x128xf32, #tpu.memory_space<hbm>>, %arg5: memref<128xi32, #tpu.memory_space<vmem>>, %arg6: memref<128x128xf32, #tpu.memory_space<vmem>>, %arg7: memref<!tpu.dma_semaphore, #tpu.memory_space<semaphore_mem>>) attributes {dimension_semantics = [#tpu.dimension_semantics<core_parallel>, #tpu.dimension_semantics<subcore_parallel>], iteration_bounds = array<i64: 2, 16>, scalar_prefetch = 0 : i64, scratch_operands = 3 : i64, tpu.core_type = #tpu.core_type<sc_vector_subcore>, window_params = [{transform_indices = #map}, {transform_indices = #map1}, {transform_indices = #map}]} {
    %mul3A = arith.constant 2 : i32
    %mul3A_0 = arith.muli %arg1, %mul3A : i32
    %add3A = arith.addi %mul3A_0, %arg0 : i32
    %mul3A_1 = arith.constant 4096 : i32
    %mul3A_2 = arith.muli %add3A, %mul3A_1 : i32
    %scan3A = arith.constant 0 : i32
    %scan3A_3 = arith.constant 0 : i32
    %scan3A_4 = arith.constant 32 : i32
    %scan3A_5 = arith.addi %scan3A_3, %scan3A_4 : i32
    %scan3A_6 = arith.constant 1 : i32
    scf.for %scan3A_8 = %scan3A_3 to %scan3A_5 step %scan3A_6  : i32 {
      %mul3A_9 = arith.constant 128 : i32
      %mul3A_10 = arith.muli %scan3A_8, %mul3A_9 : i32
      %add3A_11 = arith.addi %mul3A_2, %mul3A_10 : i32
      %rem3A = arith.constant 131072 : i32
      %rem3A_12 = arith.remsi %add3A_11, %rem3A : i32
      "tpu.region"() ({
        %run_scoped3A = tpu.sem_alloc : memref<!tpu.dma_semaphore, #tpu.memory_space<semaphore_mem>>
        %dma_start3A_17 = arith.constant 0 : i32
        %dma_start3A_18 = tpu.memref_slice %arg2[%rem3A_12, %dma_start3A_17] : memref<131072x128xf32, #tpu.memory_space<hbm>> -> memref<128x128xf32, #tpu.memory_space<hbm>>
        %dma_start3A_19 = arith.constant 0 : i32
        %dma_start3A_20 = tpu.memref_slice %arg2[%rem3A_12, %dma_start3A_19] : memref<131072x128xf32, #tpu.memory_space<hbm>> -> memref<128x128xf32, #tpu.memory_space<hbm>>
        tpu.enqueue_dma source(%dma_start3A_20 : memref<128x128xf32, #tpu.memory_space<hbm>>) target(%arg6 : memref<128x128xf32, #tpu.memory_space<vmem>>) target_semaphore(%run_scoped3A : memref<!tpu.dma_semaphore, #tpu.memory_space<semaphore_mem>>)
        %dma_wait3A_21 = arith.constant 0 : i32
        %dma_wait3A_22 = tpu.memref_slice %arg2[%rem3A_12, %dma_wait3A_21] : memref<131072x128xf32, #tpu.memory_space<hbm>> -> memref<128x128xf32, #tpu.memory_space<hbm>>
        %dma_wait3A_23 = arith.constant 0 : i32
        %dma_wait3A_24 = tpu.memref_slice %arg2[%rem3A_12, %dma_wait3A_23] : memref<131072x128xf32, #tpu.memory_space<hbm>> -> memref<128x128xf32, #tpu.memory_space<hbm>>
        tpu.wait_dma2 semaphore(%run_scoped3A : memref<!tpu.dma_semaphore, #tpu.memory_space<semaphore_mem>>) src(%dma_wait3A_24 : memref<128x128xf32, #tpu.memory_space<hbm>>) dst(%arg6 : memref<128x128xf32, #tpu.memory_space<vmem>>)
        tpu.yield
      }) : () -> ()
      "tpu.region"() ({
        %run_scoped3A = tpu.sem_alloc : memref<!tpu.dma_semaphore, #tpu.memory_space<semaphore_mem>>
        %dma_start3A_17 = arith.constant 0 : i32
        %dma_start3A_18 = tpu.memref_slice %arg3[%add3A, %scan3A_8, %dma_start3A_17] : memref<32x32x128xi32, #tpu.memory_space<hbm>> -> memref<1x1x128xi32, #tpu.memory_space<hbm>>
        %dma_start3A_19 = tpu.memref_squeeze %dma_start3A_18 : memref<1x1x128xi32, #tpu.memory_space<hbm>> -> memref<128xi32, #tpu.memory_space<hbm>>
        %dma_start3A_20 = arith.constant 0 : i32
        %dma_start3A_21 = tpu.memref_slice %arg3[%add3A, %scan3A_8, %dma_start3A_20] : memref<32x32x128xi32, #tpu.memory_space<hbm>> -> memref<1x1x128xi32, #tpu.memory_space<hbm>>
        %dma_start3A_22 = tpu.memref_squeeze %dma_start3A_21 : memref<1x1x128xi32, #tpu.memory_space<hbm>> -> memref<128xi32, #tpu.memory_space<hbm>>
        tpu.enqueue_dma source(%dma_start3A_22 : memref<128xi32, #tpu.memory_space<hbm>>) target(%arg5 : memref<128xi32, #tpu.memory_space<vmem>>) target_semaphore(%run_scoped3A : memref<!tpu.dma_semaphore, #tpu.memory_space<semaphore_mem>>)
        %dma_wait3A_23 = arith.constant 0 : i32
        %dma_wait3A_24 = tpu.memref_slice %arg3[%add3A, %scan3A_8, %dma_wait3A_23] : memref<32x32x128xi32, #tpu.memory_space<hbm>> -> memref<1x1x128xi32, #tpu.memory_space<hbm>>
        %dma_wait3A_25 = tpu.memref_squeeze %dma_wait3A_24 : memref<1x1x128xi32, #tpu.memory_space<hbm>> -> memref<128xi32, #tpu.memory_space<hbm>>
        %dma_wait3A_26 = arith.constant 0 : i32
        %dma_wait3A_27 = tpu.memref_slice %arg3[%add3A, %scan3A_8, %dma_wait3A_26] : memref<32x32x128xi32, #tpu.memory_space<hbm>> -> memref<1x1x128xi32, #tpu.memory_space<hbm>>
        %dma_wait3A_28 = tpu.memref_squeeze %dma_wait3A_27 : memref<1x1x128xi32, #tpu.memory_space<hbm>> -> memref<128xi32, #tpu.memory_space<hbm>>
        tpu.wait_dma2 semaphore(%run_scoped3A : memref<!tpu.dma_semaphore, #tpu.memory_space<semaphore_mem>>) src(%dma_wait3A_28 : memref<128xi32, #tpu.memory_space<hbm>>) dst(%arg5 : memref<128xi32, #tpu.memory_space<vmem>>)
        tpu.yield
      }) : () -> ()
      %dma_start3A = arith.constant 0 : i32
      %dma_start3A_13 = arith.constant 0 : i32
      %dma_start3A_14 = tpu.memref_slice %arg4[%dma_start3A, %dma_start3A_13] : memref<131072x128xf32, #tpu.memory_space<hbm>> -> memref<131072x128xf32, #tpu.memory_space<hbm>>
      tpu.enqueue_indirect_dma source(%arg6 : memref<128x128xf32, #tpu.memory_space<vmem>>) target(%dma_start3A_14 : memref<131072x128xf32, #tpu.memory_space<hbm>>) offsets(%arg5 : memref<128xi32, #tpu.memory_space<vmem>>) semaphore(%arg7 : memref<!tpu.dma_semaphore, #tpu.memory_space<semaphore_mem>>)
      %dma_wait3A = arith.constant 0 : i32
      %dma_wait3A_15 = arith.constant 0 : i32
      %dma_wait3A_16 = tpu.memref_slice %arg4[%dma_wait3A, %dma_wait3A_15] : memref<131072x128xf32, #tpu.memory_space<hbm>> -> memref<131072x128xf32, #tpu.memory_space<hbm>>
      tpu.wait_indirect_dma semaphore(%arg7 : memref<!tpu.dma_semaphore, #tpu.memory_space<semaphore_mem>>) src(%arg6 : memref<128x128xf32, #tpu.memory_space<vmem>>) dst(%dma_wait3A_16 : memref<131072x128xf32, #tpu.memory_space<hbm>>)
    }
    %scan3A_7 = arith.constant 32 : i32
    return
  }
}

#map = affine_map<(d0, d1) -> (0, 0)>
#map1 = affine_map<(d0, d1) -> (0, 0, 0)>
module attributes {stable_mosaic.version = 14 : i64} {
  func.func @sk(%arg0: i32, %arg1: i32, %arg2: memref<131072x128xf32, #tpu.memory_space<hbm>>, %arg3: memref<32x32x128xi32, #tpu.memory_space<hbm>>, %arg4: memref<131072x128xf32, #tpu.memory_space<hbm>>, %arg5: memref<128xi32, #tpu.memory_space<vmem>>, %arg6: memref<128x128xf32, #tpu.memory_space<vmem>>, %arg7: memref<!tpu.dma_semaphore, #tpu.memory_space<semaphore_mem>>) attributes {dimension_semantics = [#tpu.dimension_semantics<core_parallel>, #tpu.dimension_semantics<subcore_parallel>], iteration_bounds = array<i64: 2, 16>, scalar_prefetch = 0 : i64, scratch_operands = 3 : i64, tpu.core_type = #tpu.core_type<sc_vector_subcore>, window_params = [{transform_indices = #map}, {transform_indices = #map1}, {transform_indices = #map}]} {
    %mul3A = arith.constant 2 : i32
    %mul3A_0 = arith.muli %arg1, %mul3A : i32
    %add3A = arith.addi %mul3A_0, %arg0 : i32
    %mul3A_1 = arith.constant 4096 : i32
    %mul3A_2 = arith.muli %add3A, %mul3A_1 : i32
    %scan3A = arith.constant 0 : i32
    %scan3A_3 = arith.constant 0 : i32
    %scan3A_4 = arith.constant 32 : i32
    %scan3A_5 = arith.addi %scan3A_3, %scan3A_4 : i32
    %scan3A_6 = arith.constant 1 : i32
    scf.for %scan3A_8 = %scan3A_3 to %scan3A_5 step %scan3A_6  : i32 {
      %mul3A_9 = arith.constant 128 : i32
      %mul3A_10 = arith.muli %scan3A_8, %mul3A_9 : i32
      %add3A_11 = arith.addi %mul3A_2, %mul3A_10 : i32
      %rem3A = arith.constant 131072 : i32
      %rem3A_12 = arith.remsi %add3A_11, %rem3A : i32
      "tpu.region"() ({
        %run_scoped3A = tpu.sem_alloc : memref<!tpu.dma_semaphore, #tpu.memory_space<semaphore_mem>>
        %dma_start3A_17 = arith.constant 0 : i32
        %dma_start3A_18 = tpu.memref_slice %arg2[%rem3A_12, %dma_start3A_17] : memref<131072x128xf32, #tpu.memory_space<hbm>> -> memref<128x128xf32, #tpu.memory_space<hbm>>
        %dma_start3A_19 = arith.constant 0 : i32
        %dma_start3A_20 = tpu.memref_slice %arg2[%rem3A_12, %dma_start3A_19] : memref<131072x128xf32, #tpu.memory_space<hbm>> -> memref<128x128xf32, #tpu.memory_space<hbm>>
        tpu.enqueue_dma source(%dma_start3A_20 : memref<128x128xf32, #tpu.memory_space<hbm>>) target(%arg6 : memref<128x128xf32, #tpu.memory_space<vmem>>) target_semaphore(%run_scoped3A : memref<!tpu.dma_semaphore, #tpu.memory_space<semaphore_mem>>)
        %dma_wait3A_21 = arith.constant 0 : i32
        %dma_wait3A_22 = tpu.memref_slice %arg2[%rem3A_12, %dma_wait3A_21] : memref<131072x128xf32, #tpu.memory_space<hbm>> -> memref<128x128xf32, #tpu.memory_space<hbm>>
        %dma_wait3A_23 = arith.constant 0 : i32
        %dma_wait3A_24 = tpu.memref_slice %arg2[%rem3A_12, %dma_wait3A_23] : memref<131072x128xf32, #tpu.memory_space<hbm>> -> memref<128x128xf32, #tpu.memory_space<hbm>>
        tpu.wait_dma2 semaphore(%run_scoped3A : memref<!tpu.dma_semaphore, #tpu.memory_space<semaphore_mem>>) src(%dma_wait3A_24 : memref<128x128xf32, #tpu.memory_space<hbm>>) dst(%arg6 : memref<128x128xf32, #tpu.memory_space<vmem>>)
        tpu.yield
      }) : () -> ()
      "tpu.region"() ({
        %run_scoped3A = tpu.sem_alloc : memref<!tpu.dma_semaphore, #tpu.memory_space<semaphore_mem>>
        %dma_start3A_17 = arith.constant 0 : i32
        %dma_start3A_18 = tpu.memref_slice %arg3[%add3A, %scan3A_8, %dma_start3A_17] : memref<32x32x128xi32, #tpu.memory_space<hbm>> -> memref<1x1x128xi32, #tpu.memory_space<hbm>>
        %dma_start3A_19 = tpu.memref_squeeze %dma_start3A_18 : memref<1x1x128xi32, #tpu.memory_space<hbm>> -> memref<128xi32, #tpu.memory_space<hbm>>
        %dma_start3A_20 = arith.constant 0 : i32
        %dma_start3A_21 = tpu.memref_slice %arg3[%add3A, %scan3A_8, %dma_start3A_20] : memref<32x32x128xi32, #tpu.memory_space<hbm>> -> memref<1x1x128xi32, #tpu.memory_space<hbm>>
        %dma_start3A_22 = tpu.memref_squeeze %dma_start3A_21 : memref<1x1x128xi32, #tpu.memory_space<hbm>> -> memref<128xi32, #tpu.memory_space<hbm>>
        tpu.enqueue_dma source(%dma_start3A_22 : memref<128xi32, #tpu.memory_space<hbm>>) target(%arg5 : memref<128xi32, #tpu.memory_space<vmem>>) target_semaphore(%run_scoped3A : memref<!tpu.dma_semaphore, #tpu.memory_space<semaphore_mem>>)
        %dma_wait3A_23 = arith.constant 0 : i32
        %dma_wait3A_24 = tpu.memref_slice %arg3[%add3A, %scan3A_8, %dma_wait3A_23] : memref<32x32x128xi32, #tpu.memory_space<hbm>> -> memref<1x1x128xi32, #tpu.memory_space<hbm>>
        %dma_wait3A_25 = tpu.memref_squeeze %dma_wait3A_24 : memref<1x1x128xi32, #tpu.memory_space<hbm>> -> memref<128xi32, #tpu.memory_space<hbm>>
        %dma_wait3A_26 = arith.constant 0 : i32
        %dma_wait3A_27 = tpu.memref_slice %arg3[%add3A, %scan3A_8, %dma_wait3A_26] : memref<32x32x128xi32, #tpu.memory_space<hbm>> -> memref<1x1x128xi32, #tpu.memory_space<hbm>>
        %dma_wait3A_28 = tpu.memref_squeeze %dma_wait3A_27 : memref<1x1x128xi32, #tpu.memory_space<hbm>> -> memref<128xi32, #tpu.memory_space<hbm>>
        tpu.wait_dma2 semaphore(%run_scoped3A : memref<!tpu.dma_semaphore, #tpu.memory_space<semaphore_mem>>) src(%dma_wait3A_28 : memref<128xi32, #tpu.memory_space<hbm>>) dst(%arg5 : memref<128xi32, #tpu.memory_space<vmem>>)
        tpu.yield
      }) : () -> ()
      %dma_start3A = arith.constant 0 : i32
      %dma_start3A_13 = arith.constant 0 : i32
      %dma_start3A_14 = tpu.memref_slice %arg4[%dma_start3A, %dma_start3A_13] : memref<131072x128xf32, #tpu.memory_space<hbm>> -> memref<131072x128xf32, #tpu.memory_space<hbm>>
      tpu.enqueue_indirect_dma source(%arg6 : memref<128x128xf32, #tpu.memory_space<vmem>>) target(%dma_start3A_14 : memref<131072x128xf32, #tpu.memory_space<hbm>>) offsets(%arg5 : memref<128xi32, #tpu.memory_space<vmem>>) semaphore(%arg7 : memref<!tpu.dma_semaphore, #tpu.memory_space<semaphore_mem>>)
      %dma_wait3A = arith.constant 0 : i32
      %dma_wait3A_15 = arith.constant 0 : i32
      %dma_wait3A_16 = tpu.memref_slice %arg4[%dma_wait3A, %dma_wait3A_15] : memref<131072x128xf32, #tpu.memory_space<hbm>> -> memref<131072x128xf32, #tpu.memory_space<hbm>>
      tpu.wait_indirect_dma semaphore(%arg7 : memref<!tpu.dma_semaphore, #tpu.memory_space<semaphore_mem>>) src(%arg6 : memref<128x128xf32, #tpu.memory_space<vmem>>) dst(%dma_wait3A_16 : memref<131072x128xf32, #tpu.memory_space<hbm>>)
    }
    %scan3A_7 = arith.constant 32 : i32
    return
  }
}

#map = affine_map<(d0, d1) -> (0, 0)>
#map1 = affine_map<(d0, d1) -> (0, 0, 0)>
module attributes {stable_mosaic.version = 14 : i64} {
  func.func @sk(%arg0: i32, %arg1: i32, %arg2: memref<131072x128xf32, #tpu.memory_space<hbm>>, %arg3: memref<32x32x128xi32, #tpu.memory_space<hbm>>, %arg4: memref<131072x128xf32, #tpu.memory_space<hbm>>, %arg5: memref<128xi32, #tpu.memory_space<vmem>>, %arg6: memref<128x128xf32, #tpu.memory_space<vmem>>, %arg7: memref<!tpu.dma_semaphore, #tpu.memory_space<semaphore_mem>>) attributes {dimension_semantics = [#tpu.dimension_semantics<core_parallel>, #tpu.dimension_semantics<subcore_parallel>], iteration_bounds = array<i64: 2, 16>, scalar_prefetch = 0 : i64, scratch_operands = 3 : i64, tpu.core_type = #tpu.core_type<sc_vector_subcore>, window_params = [{transform_indices = #map}, {transform_indices = #map1}, {transform_indices = #map}]} {
    %mul3A = arith.constant 2 : i32
    %mul3A_0 = arith.muli %arg1, %mul3A : i32
    %add3A = arith.addi %mul3A_0, %arg0 : i32
    %mul3A_1 = arith.constant 4096 : i32
    %mul3A_2 = arith.muli %add3A, %mul3A_1 : i32
    %scan3A = arith.constant 0 : i32
    %scan3A_3 = arith.constant 0 : i32
    %scan3A_4 = arith.constant 32 : i32
    %scan3A_5 = arith.addi %scan3A_3, %scan3A_4 : i32
    %scan3A_6 = arith.constant 1 : i32
    scf.for %scan3A_8 = %scan3A_3 to %scan3A_5 step %scan3A_6  : i32 {
      %mul3A_9 = arith.constant 128 : i32
      %mul3A_10 = arith.muli %scan3A_8, %mul3A_9 : i32
      %add3A_11 = arith.addi %mul3A_2, %mul3A_10 : i32
      %rem3A = arith.constant 131072 : i32
      %rem3A_12 = arith.remsi %add3A_11, %rem3A : i32
      "tpu.region"() ({
        %run_scoped3A = tpu.sem_alloc : memref<!tpu.dma_semaphore, #tpu.memory_space<semaphore_mem>>
        %dma_start3A_17 = arith.constant 0 : i32
        %dma_start3A_18 = tpu.memref_slice %arg2[%rem3A_12, %dma_start3A_17] : memref<131072x128xf32, #tpu.memory_space<hbm>> -> memref<128x128xf32, #tpu.memory_space<hbm>>
        %dma_start3A_19 = arith.constant 0 : i32
        %dma_start3A_20 = tpu.memref_slice %arg2[%rem3A_12, %dma_start3A_19] : memref<131072x128xf32, #tpu.memory_space<hbm>> -> memref<128x128xf32, #tpu.memory_space<hbm>>
        tpu.enqueue_dma source(%dma_start3A_20 : memref<128x128xf32, #tpu.memory_space<hbm>>) target(%arg6 : memref<128x128xf32, #tpu.memory_space<vmem>>) target_semaphore(%run_scoped3A : memref<!tpu.dma_semaphore, #tpu.memory_space<semaphore_mem>>)
        %dma_wait3A_21 = arith.constant 0 : i32
        %dma_wait3A_22 = tpu.memref_slice %arg2[%rem3A_12, %dma_wait3A_21] : memref<131072x128xf32, #tpu.memory_space<hbm>> -> memref<128x128xf32, #tpu.memory_space<hbm>>
        %dma_wait3A_23 = arith.constant 0 : i32
        %dma_wait3A_24 = tpu.memref_slice %arg2[%rem3A_12, %dma_wait3A_23] : memref<131072x128xf32, #tpu.memory_space<hbm>> -> memref<128x128xf32, #tpu.memory_space<hbm>>
        tpu.wait_dma2 semaphore(%run_scoped3A : memref<!tpu.dma_semaphore, #tpu.memory_space<semaphore_mem>>) src(%dma_wait3A_24 : memref<128x128xf32, #tpu.memory_space<hbm>>) dst(%arg6 : memref<128x128xf32, #tpu.memory_space<vmem>>)
        tpu.yield
      }) : () -> ()
      "tpu.region"() ({
        %run_scoped3A = tpu.sem_alloc : memref<!tpu.dma_semaphore, #tpu.memory_space<semaphore_mem>>
        %dma_start3A_17 = arith.constant 0 : i32
        %dma_start3A_18 = tpu.memref_slice %arg3[%add3A, %scan3A_8, %dma_start3A_17] : memref<32x32x128xi32, #tpu.memory_space<hbm>> -> memref<1x1x128xi32, #tpu.memory_space<hbm>>
        %dma_start3A_19 = tpu.memref_squeeze %dma_start3A_18 : memref<1x1x128xi32, #tpu.memory_space<hbm>> -> memref<128xi32, #tpu.memory_space<hbm>>
        %dma_start3A_20 = arith.constant 0 : i32
        %dma_start3A_21 = tpu.memref_slice %arg3[%add3A, %scan3A_8, %dma_start3A_20] : memref<32x32x128xi32, #tpu.memory_space<hbm>> -> memref<1x1x128xi32, #tpu.memory_space<hbm>>
        %dma_start3A_22 = tpu.memref_squeeze %dma_start3A_21 : memref<1x1x128xi32, #tpu.memory_space<hbm>> -> memref<128xi32, #tpu.memory_space<hbm>>
        tpu.enqueue_dma source(%dma_start3A_22 : memref<128xi32, #tpu.memory_space<hbm>>) target(%arg5 : memref<128xi32, #tpu.memory_space<vmem>>) target_semaphore(%run_scoped3A : memref<!tpu.dma_semaphore, #tpu.memory_space<semaphore_mem>>)
        %dma_wait3A_23 = arith.constant 0 : i32
        %dma_wait3A_24 = tpu.memref_slice %arg3[%add3A, %scan3A_8, %dma_wait3A_23] : memref<32x32x128xi32, #tpu.memory_space<hbm>> -> memref<1x1x128xi32, #tpu.memory_space<hbm>>
        %dma_wait3A_25 = tpu.memref_squeeze %dma_wait3A_24 : memref<1x1x128xi32, #tpu.memory_space<hbm>> -> memref<128xi32, #tpu.memory_space<hbm>>
        %dma_wait3A_26 = arith.constant 0 : i32
        %dma_wait3A_27 = tpu.memref_slice %arg3[%add3A, %scan3A_8, %dma_wait3A_26] : memref<32x32x128xi32, #tpu.memory_space<hbm>> -> memref<1x1x128xi32, #tpu.memory_space<hbm>>
        %dma_wait3A_28 = tpu.memref_squeeze %dma_wait3A_27 : memref<1x1x128xi32, #tpu.memory_space<hbm>> -> memref<128xi32, #tpu.memory_space<hbm>>
        tpu.wait_dma2 semaphore(%run_scoped3A : memref<!tpu.dma_semaphore, #tpu.memory_space<semaphore_mem>>) src(%dma_wait3A_28 : memref<128xi32, #tpu.memory_space<hbm>>) dst(%arg5 : memref<128xi32, #tpu.memory_space<vmem>>)
        tpu.yield
      }) : () -> ()
      %dma_start3A = arith.constant 0 : i32
      %dma_start3A_13 = arith.constant 0 : i32
      %dma_start3A_14 = tpu.memref_slice %arg4[%dma_start3A, %dma_start3A_13] : memref<131072x128xf32, #tpu.memory_space<hbm>> -> memref<131072x128xf32, #tpu.memory_space<hbm>>
      tpu.enqueue_indirect_dma source(%arg6 : memref<128x128xf32, #tpu.memory_space<vmem>>) target(%dma_start3A_14 : memref<131072x128xf32, #tpu.memory_space<hbm>>) offsets(%arg5 : memref<128xi32, #tpu.memory_space<vmem>>) semaphore(%arg7 : memref<!tpu.dma_semaphore, #tpu.memory_space<semaphore_mem>>)
      %dma_wait3A = arith.constant 0 : i32
      %dma_wait3A_15 = arith.constant 0 : i32
      %dma_wait3A_16 = tpu.memref_slice %arg4[%dma_wait3A, %dma_wait3A_15] : memref<131072x128xf32, #tpu.memory_space<hbm>> -> memref<131072x128xf32, #tpu.memory_space<hbm>>
      tpu.wait_indirect_dma semaphore(%arg7 : memref<!tpu.dma_semaphore, #tpu.memory_space<semaphore_mem>>) src(%arg6 : memref<128x128xf32, #tpu.memory_space<vmem>>) dst(%dma_wait3A_16 : memref<131072x128xf32, #tpu.memory_space<hbm>>)
    }
    %scan3A_7 = arith.constant 32 : i32
    return
  }
}

#map = affine_map<(d0, d1) -> (0, 0)>
#map1 = affine_map<(d0, d1) -> (0)>
module attributes {stable_mosaic.version = 14 : i64} {
  func.func @gk(%arg0: i32, %arg1: i32, %arg2: memref<131072x128xf32, #tpu.memory_space<hbm>>, %arg3: memref<131072xi32, #tpu.memory_space<hbm>>, %arg4: memref<131072x128xf32, #tpu.memory_space<hbm>>, %arg5: memref<128xi32, #tpu.memory_space<vmem>>, %arg6: memref<128x128xf32, #tpu.memory_space<vmem>>, %arg7: memref<!tpu.dma_semaphore, #tpu.memory_space<semaphore_mem>>) attributes {dimension_semantics = [#tpu.dimension_semantics<core_parallel>, #tpu.dimension_semantics<subcore_parallel>], iteration_bounds = array<i64: 2, 16>, scalar_prefetch = 0 : i64, scratch_operands = 3 : i64, tpu.core_type = #tpu.core_type<sc_vector_subcore>, window_params = [{transform_indices = #map}, {transform_indices = #map1}, {transform_indices = #map}]} {
    %mul3A = arith.constant 2 : i32
    %mul3A_0 = arith.muli %arg1, %mul3A : i32
    %add3A = arith.addi %mul3A_0, %arg0 : i32
    %mul3A_1 = arith.constant 4096 : i32
    %mul3A_2 = arith.muli %add3A, %mul3A_1 : i32
    %scan3A = arith.constant 0 : i32
    %scan3A_3 = arith.constant 0 : i32
    %scan3A_4 = arith.constant 32 : i32
    %scan3A_5 = arith.addi %scan3A_3, %scan3A_4 : i32
    %scan3A_6 = arith.constant 1 : i32
    scf.for %scan3A_8 = %scan3A_3 to %scan3A_5 step %scan3A_6  : i32 {
      %mul3A_9 = arith.constant 128 : i32
      %mul3A_10 = arith.muli %scan3A_8, %mul3A_9 : i32
      %add3A_11 = arith.addi %mul3A_2, %mul3A_10 : i32
      "tpu.region"() ({
        %run_scoped3A = tpu.sem_alloc : memref<!tpu.dma_semaphore, #tpu.memory_space<semaphore_mem>>
        %dma_start3A_16 = tpu.memref_slice %arg3[%add3A_11] : memref<131072xi32, #tpu.memory_space<hbm>> -> memref<128xi32, #tpu.memory_space<hbm>>
        %dma_start3A_17 = tpu.memref_slice %arg3[%add3A_11] : memref<131072xi32, #tpu.memory_space<hbm>> -> memref<128xi32, #tpu.memory_space<hbm>>
        tpu.enqueue_dma source(%dma_start3A_17 : memref<128xi32, #tpu.memory_space<hbm>>) target(%arg5 : memref<128xi32, #tpu.memory_space<vmem>>) target_semaphore(%run_scoped3A : memref<!tpu.dma_semaphore, #tpu.memory_space<semaphore_mem>>)
        %dma_wait3A_18 = tpu.memref_slice %arg3[%add3A_11] : memref<131072xi32, #tpu.memory_space<hbm>> -> memref<128xi32, #tpu.memory_space<hbm>>
        %dma_wait3A_19 = tpu.memref_slice %arg3[%add3A_11] : memref<131072xi32, #tpu.memory_space<hbm>> -> memref<128xi32, #tpu.memory_space<hbm>>
        tpu.wait_dma2 semaphore(%run_scoped3A : memref<!tpu.dma_semaphore, #tpu.memory_space<semaphore_mem>>) src(%dma_wait3A_19 : memref<128xi32, #tpu.memory_space<hbm>>) dst(%arg5 : memref<128xi32, #tpu.memory_space<vmem>>)
        tpu.yield
      }) : () -> ()
      %dma_start3A = arith.constant 0 : i32
      %dma_start3A_12 = arith.constant 0 : i32
      %dma_start3A_13 = tpu.memref_slice %arg2[%dma_start3A, %dma_start3A_12] : memref<131072x128xf32, #tpu.memory_space<hbm>> -> memref<131072x128xf32, #tpu.memory_space<hbm>>
      tpu.enqueue_indirect_dma source(%dma_start3A_13 : memref<131072x128xf32, #tpu.memory_space<hbm>>) target(%arg6 : memref<128x128xf32, #tpu.memory_space<vmem>>) offsets(%arg5 : memref<128xi32, #tpu.memory_space<vmem>>) semaphore(%arg7 : memref<!tpu.dma_semaphore, #tpu.memory_space<semaphore_mem>>)
      %dma_wait3A = arith.constant 0 : i32
      %dma_wait3A_14 = arith.constant 0 : i32
      %dma_wait3A_15 = tpu.memref_slice %arg2[%dma_wait3A, %dma_wait3A_14] : memref<131072x128xf32, #tpu.memory_space<hbm>> -> memref<131072x128xf32, #tpu.memory_space<hbm>>
      tpu.wait_indirect_dma semaphore(%arg7 : memref<!tpu.dma_semaphore, #tpu.memory_space<semaphore_mem>>) src(%dma_wait3A_15 : memref<131072x128xf32, #tpu.memory_space<hbm>>) dst(%arg6 : memref<128x128xf32, #tpu.memory_space<vmem>>)
      "tpu.region"() ({
        %run_scoped3A = tpu.sem_alloc : memref<!tpu.dma_semaphore, #tpu.memory_space<semaphore_mem>>
        %dma_start3A_16 = arith.constant 0 : i32
        %dma_start3A_17 = tpu.memref_slice %arg4[%add3A_11, %dma_start3A_16] : memref<131072x128xf32, #tpu.memory_space<hbm>> -> memref<128x128xf32, #tpu.memory_space<hbm>>
        %dma_start3A_18 = arith.constant 0 : i32
        %dma_start3A_19 = tpu.memref_slice %arg4[%add3A_11, %dma_start3A_18] : memref<131072x128xf32, #tpu.memory_space<hbm>> -> memref<128x128xf32, #tpu.memory_space<hbm>>
        tpu.enqueue_dma source(%arg6 : memref<128x128xf32, #tpu.memory_space<vmem>>) target(%dma_start3A_19 : memref<128x128xf32, #tpu.memory_space<hbm>>) target_semaphore(%run_scoped3A : memref<!tpu.dma_semaphore, #tpu.memory_space<semaphore_mem>>)
        %dma_wait3A_20 = arith.constant 0 : i32
        %dma_wait3A_21 = tpu.memref_slice %arg4[%add3A_11, %dma_wait3A_20] : memref<131072x128xf32, #tpu.memory_space<hbm>> -> memref<128x128xf32, #tpu.memory_space<hbm>>
        %dma_wait3A_22 = arith.constant 0 : i32
        %dma_wait3A_23 = tpu.memref_slice %arg4[%add3A_11, %dma_wait3A_22] : memref<131072x128xf32, #tpu.memory_space<hbm>> -> memref<128x128xf32, #tpu.memory_space<hbm>>
        tpu.wait_dma2 semaphore(%run_scoped3A : memref<!tpu.dma_semaphore, #tpu.memory_space<semaphore_mem>>) src(%arg6 : memref<128x128xf32, #tpu.memory_space<vmem>>) dst(%dma_wait3A_23 : memref<128x128xf32, #tpu.memory_space<hbm>>)
        tpu.yield
      }) : () -> ()
    }
    %scan3A_7 = arith.constant 32 : i32
    return
  }
}

#map = affine_map<(d0, d1) -> (0, 0)>
#map1 = affine_map<(d0, d1) -> (0)>
module attributes {stable_mosaic.version = 14 : i64} {
  func.func @gk(%arg0: i32, %arg1: i32, %arg2: memref<131072x128xf32, #tpu.memory_space<hbm>>, %arg3: memref<131072xi32, #tpu.memory_space<hbm>>, %arg4: memref<131072x128xf32, #tpu.memory_space<hbm>>, %arg5: memref<128xi32, #tpu.memory_space<vmem>>, %arg6: memref<128x128xf32, #tpu.memory_space<vmem>>, %arg7: memref<!tpu.dma_semaphore, #tpu.memory_space<semaphore_mem>>) attributes {dimension_semantics = [#tpu.dimension_semantics<core_parallel>, #tpu.dimension_semantics<subcore_parallel>], iteration_bounds = array<i64: 2, 16>, scalar_prefetch = 0 : i64, scratch_operands = 3 : i64, tpu.core_type = #tpu.core_type<sc_vector_subcore>, window_params = [{transform_indices = #map}, {transform_indices = #map1}, {transform_indices = #map}]} {
    %mul3A = arith.constant 2 : i32
    %mul3A_0 = arith.muli %arg1, %mul3A : i32
    %add3A = arith.addi %mul3A_0, %arg0 : i32
    %mul3A_1 = arith.constant 4096 : i32
    %mul3A_2 = arith.muli %add3A, %mul3A_1 : i32
    %scan3A = arith.constant 0 : i32
    %scan3A_3 = arith.constant 0 : i32
    %scan3A_4 = arith.constant 32 : i32
    %scan3A_5 = arith.addi %scan3A_3, %scan3A_4 : i32
    %scan3A_6 = arith.constant 1 : i32
    scf.for %scan3A_8 = %scan3A_3 to %scan3A_5 step %scan3A_6  : i32 {
      %mul3A_9 = arith.constant 128 : i32
      %mul3A_10 = arith.muli %scan3A_8, %mul3A_9 : i32
      %add3A_11 = arith.addi %mul3A_2, %mul3A_10 : i32
      "tpu.region"() ({
        %run_scoped3A = tpu.sem_alloc : memref<!tpu.dma_semaphore, #tpu.memory_space<semaphore_mem>>
        %dma_start3A_16 = tpu.memref_slice %arg3[%add3A_11] : memref<131072xi32, #tpu.memory_space<hbm>> -> memref<128xi32, #tpu.memory_space<hbm>>
        %dma_start3A_17 = tpu.memref_slice %arg3[%add3A_11] : memref<131072xi32, #tpu.memory_space<hbm>> -> memref<128xi32, #tpu.memory_space<hbm>>
        tpu.enqueue_dma source(%dma_start3A_17 : memref<128xi32, #tpu.memory_space<hbm>>) target(%arg5 : memref<128xi32, #tpu.memory_space<vmem>>) target_semaphore(%run_scoped3A : memref<!tpu.dma_semaphore, #tpu.memory_space<semaphore_mem>>)
        %dma_wait3A_18 = tpu.memref_slice %arg3[%add3A_11] : memref<131072xi32, #tpu.memory_space<hbm>> -> memref<128xi32, #tpu.memory_space<hbm>>
        %dma_wait3A_19 = tpu.memref_slice %arg3[%add3A_11] : memref<131072xi32, #tpu.memory_space<hbm>> -> memref<128xi32, #tpu.memory_space<hbm>>
        tpu.wait_dma2 semaphore(%run_scoped3A : memref<!tpu.dma_semaphore, #tpu.memory_space<semaphore_mem>>) src(%dma_wait3A_19 : memref<128xi32, #tpu.memory_space<hbm>>) dst(%arg5 : memref<128xi32, #tpu.memory_space<vmem>>)
        tpu.yield
      }) : () -> ()
      %dma_start3A = arith.constant 0 : i32
      %dma_start3A_12 = arith.constant 0 : i32
      %dma_start3A_13 = tpu.memref_slice %arg2[%dma_start3A, %dma_start3A_12] : memref<131072x128xf32, #tpu.memory_space<hbm>> -> memref<131072x128xf32, #tpu.memory_space<hbm>>
      tpu.enqueue_indirect_dma source(%dma_start3A_13 : memref<131072x128xf32, #tpu.memory_space<hbm>>) target(%arg6 : memref<128x128xf32, #tpu.memory_space<vmem>>) offsets(%arg5 : memref<128xi32, #tpu.memory_space<vmem>>) semaphore(%arg7 : memref<!tpu.dma_semaphore, #tpu.memory_space<semaphore_mem>>)
      %dma_wait3A = arith.constant 0 : i32
      %dma_wait3A_14 = arith.constant 0 : i32
      %dma_wait3A_15 = tpu.memref_slice %arg2[%dma_wait3A, %dma_wait3A_14] : memref<131072x128xf32, #tpu.memory_space<hbm>> -> memref<131072x128xf32, #tpu.memory_space<hbm>>
      tpu.wait_indirect_dma semaphore(%arg7 : memref<!tpu.dma_semaphore, #tpu.memory_space<semaphore_mem>>) src(%dma_wait3A_15 : memref<131072x128xf32, #tpu.memory_space<hbm>>) dst(%arg6 : memref<128x128xf32, #tpu.memory_space<vmem>>)
      "tpu.region"() ({
        %run_scoped3A = tpu.sem_alloc : memref<!tpu.dma_semaphore, #tpu.memory_space<semaphore_mem>>
        %dma_start3A_16 = arith.constant 0 : i32
        %dma_start3A_17 = tpu.memref_slice %arg4[%add3A_11, %dma_start3A_16] : memref<131072x128xf32, #tpu.memory_space<hbm>> -> memref<128x128xf32, #tpu.memory_space<hbm>>
        %dma_start3A_18 = arith.constant 0 : i32
        %dma_start3A_19 = tpu.memref_slice %arg4[%add3A_11, %dma_start3A_18] : memref<131072x128xf32, #tpu.memory_space<hbm>> -> memref<128x128xf32, #tpu.memory_space<hbm>>
        tpu.enqueue_dma source(%arg6 : memref<128x128xf32, #tpu.memory_space<vmem>>) target(%dma_start3A_19 : memref<128x128xf32, #tpu.memory_space<hbm>>) target_semaphore(%run_scoped3A : memref<!tpu.dma_semaphore, #tpu.memory_space<semaphore_mem>>)
        %dma_wait3A_20 = arith.constant 0 : i32
        %dma_wait3A_21 = tpu.memref_slice %arg4[%add3A_11, %dma_wait3A_20] : memref<131072x128xf32, #tpu.memory_space<hbm>> -> memref<128x128xf32, #tpu.memory_space<hbm>>
        %dma_wait3A_22 = arith.constant 0 : i32
        %dma_wait3A_23 = tpu.memref_slice %arg4[%add3A_11, %dma_wait3A_22] : memref<131072x128xf32, #tpu.memory_space<hbm>> -> memref<128x128xf32, #tpu.memory_space<hbm>>
        tpu.wait_dma2 semaphore(%run_scoped3A : memref<!tpu.dma_semaphore, #tpu.memory_space<semaphore_mem>>) src(%arg6 : memref<128x128xf32, #tpu.memory_space<vmem>>) dst(%dma_wait3A_23 : memref<128x128xf32, #tpu.memory_space<hbm>>)
        tpu.yield
      }) : () -> ()
    }
    %scan3A_7 = arith.constant 32 : i32
    return
  }
}

#map = affine_map<(d0, d1) -> (0, 0)>
#map1 = affine_map<(d0, d1) -> (0)>
module attributes {stable_mosaic.version = 14 : i64} {
  func.func @gk(%arg0: i32, %arg1: i32, %arg2: memref<131072x128xf32, #tpu.memory_space<hbm>>, %arg3: memref<131072xi32, #tpu.memory_space<hbm>>, %arg4: memref<131072x128xf32, #tpu.memory_space<hbm>>, %arg5: memref<128xi32, #tpu.memory_space<vmem>>, %arg6: memref<128x128xf32, #tpu.memory_space<vmem>>, %arg7: memref<!tpu.dma_semaphore, #tpu.memory_space<semaphore_mem>>) attributes {dimension_semantics = [#tpu.dimension_semantics<core_parallel>, #tpu.dimension_semantics<subcore_parallel>], iteration_bounds = array<i64: 2, 16>, scalar_prefetch = 0 : i64, scratch_operands = 3 : i64, tpu.core_type = #tpu.core_type<sc_vector_subcore>, window_params = [{transform_indices = #map}, {transform_indices = #map1}, {transform_indices = #map}]} {
    %mul3A = arith.constant 2 : i32
    %mul3A_0 = arith.muli %arg1, %mul3A : i32
    %add3A = arith.addi %mul3A_0, %arg0 : i32
    %mul3A_1 = arith.constant 4096 : i32
    %mul3A_2 = arith.muli %add3A, %mul3A_1 : i32
    %scan3A = arith.constant 0 : i32
    %scan3A_3 = arith.constant 0 : i32
    %scan3A_4 = arith.constant 32 : i32
    %scan3A_5 = arith.addi %scan3A_3, %scan3A_4 : i32
    %scan3A_6 = arith.constant 1 : i32
    scf.for %scan3A_8 = %scan3A_3 to %scan3A_5 step %scan3A_6  : i32 {
      %mul3A_9 = arith.constant 128 : i32
      %mul3A_10 = arith.muli %scan3A_8, %mul3A_9 : i32
      %add3A_11 = arith.addi %mul3A_2, %mul3A_10 : i32
      "tpu.region"() ({
        %run_scoped3A = tpu.sem_alloc : memref<!tpu.dma_semaphore, #tpu.memory_space<semaphore_mem>>
        %dma_start3A_16 = tpu.memref_slice %arg3[%add3A_11] : memref<131072xi32, #tpu.memory_space<hbm>> -> memref<128xi32, #tpu.memory_space<hbm>>
        %dma_start3A_17 = tpu.memref_slice %arg3[%add3A_11] : memref<131072xi32, #tpu.memory_space<hbm>> -> memref<128xi32, #tpu.memory_space<hbm>>
        tpu.enqueue_dma source(%dma_start3A_17 : memref<128xi32, #tpu.memory_space<hbm>>) target(%arg5 : memref<128xi32, #tpu.memory_space<vmem>>) target_semaphore(%run_scoped3A : memref<!tpu.dma_semaphore, #tpu.memory_space<semaphore_mem>>)
        %dma_wait3A_18 = tpu.memref_slice %arg3[%add3A_11] : memref<131072xi32, #tpu.memory_space<hbm>> -> memref<128xi32, #tpu.memory_space<hbm>>
        %dma_wait3A_19 = tpu.memref_slice %arg3[%add3A_11] : memref<131072xi32, #tpu.memory_space<hbm>> -> memref<128xi32, #tpu.memory_space<hbm>>
        tpu.wait_dma2 semaphore(%run_scoped3A : memref<!tpu.dma_semaphore, #tpu.memory_space<semaphore_mem>>) src(%dma_wait3A_19 : memref<128xi32, #tpu.memory_space<hbm>>) dst(%arg5 : memref<128xi32, #tpu.memory_space<vmem>>)
        tpu.yield
      }) : () -> ()
      %dma_start3A = arith.constant 0 : i32
      %dma_start3A_12 = arith.constant 0 : i32
      %dma_start3A_13 = tpu.memref_slice %arg2[%dma_start3A, %dma_start3A_12] : memref<131072x128xf32, #tpu.memory_space<hbm>> -> memref<131072x128xf32, #tpu.memory_space<hbm>>
      tpu.enqueue_indirect_dma source(%dma_start3A_13 : memref<131072x128xf32, #tpu.memory_space<hbm>>) target(%arg6 : memref<128x128xf32, #tpu.memory_space<vmem>>) offsets(%arg5 : memref<128xi32, #tpu.memory_space<vmem>>) semaphore(%arg7 : memref<!tpu.dma_semaphore, #tpu.memory_space<semaphore_mem>>)
      %dma_wait3A = arith.constant 0 : i32
      %dma_wait3A_14 = arith.constant 0 : i32
      %dma_wait3A_15 = tpu.memref_slice %arg2[%dma_wait3A, %dma_wait3A_14] : memref<131072x128xf32, #tpu.memory_space<hbm>> -> memref<131072x128xf32, #tpu.memory_space<hbm>>
      tpu.wait_indirect_dma semaphore(%arg7 : memref<!tpu.dma_semaphore, #tpu.memory_space<semaphore_mem>>) src(%dma_wait3A_15 : memref<131072x128xf32, #tpu.memory_space<hbm>>) dst(%arg6 : memref<128x128xf32, #tpu.memory_space<vmem>>)
      "tpu.region"() ({
        %run_scoped3A = tpu.sem_alloc : memref<!tpu.dma_semaphore, #tpu.memory_space<semaphore_mem>>
        %dma_start3A_16 = arith.constant 0 : i32
        %dma_start3A_17 = tpu.memref_slice %arg4[%add3A_11, %dma_start3A_16] : memref<131072x128xf32, #tpu.memory_space<hbm>> -> memref<128x128xf32, #tpu.memory_space<hbm>>
        %dma_start3A_18 = arith.constant 0 : i32
        %dma_start3A_19 = tpu.memref_slice %arg4[%add3A_11, %dma_start3A_18] : memref<131072x128xf32, #tpu.memory_space<hbm>> -> memref<128x128xf32, #tpu.memory_space<hbm>>
        tpu.enqueue_dma source(%arg6 : memref<128x128xf32, #tpu.memory_space<vmem>>) target(%dma_start3A_19 : memref<128x128xf32, #tpu.memory_space<hbm>>) target_semaphore(%run_scoped3A : memref<!tpu.dma_semaphore, #tpu.memory_space<semaphore_mem>>)
        %dma_wait3A_20 = arith.constant 0 : i32
        %dma_wait3A_21 = tpu.memref_slice %arg4[%add3A_11, %dma_wait3A_20] : memref<131072x128xf32, #tpu.memory_space<hbm>> -> memref<128x128xf32, #tpu.memory_space<hbm>>
        %dma_wait3A_22 = arith.constant 0 : i32
        %dma_wait3A_23 = tpu.memref_slice %arg4[%add3A_11, %dma_wait3A_22] : memref<131072x128xf32, #tpu.memory_space<hbm>> -> memref<128x128xf32, #tpu.memory_space<hbm>>
        tpu.wait_dma2 semaphore(%run_scoped3A : memref<!tpu.dma_semaphore, #tpu.memory_space<semaphore_mem>>) src(%arg6 : memref<128x128xf32, #tpu.memory_space<vmem>>) dst(%dma_wait3A_23 : memref<128x128xf32, #tpu.memory_space<hbm>>)
        tpu.yield
      }) : () -> ()
    }
    %scan3A_7 = arith.constant 32 : i32
    return
  }
}

#map = affine_map<(d0, d1) -> (0, 0)>
#map1 = affine_map<(d0, d1) -> (0)>
module attributes {stable_mosaic.version = 14 : i64} {
  func.func @gk(%arg0: i32, %arg1: i32, %arg2: memref<131072x128xf32, #tpu.memory_space<hbm>>, %arg3: memref<131072xi32, #tpu.memory_space<hbm>>, %arg4: memref<131072x128xf32, #tpu.memory_space<hbm>>, %arg5: memref<128xi32, #tpu.memory_space<vmem>>, %arg6: memref<128x128xf32, #tpu.memory_space<vmem>>, %arg7: memref<!tpu.dma_semaphore, #tpu.memory_space<semaphore_mem>>) attributes {dimension_semantics = [#tpu.dimension_semantics<core_parallel>, #tpu.dimension_semantics<subcore_parallel>], iteration_bounds = array<i64: 2, 16>, scalar_prefetch = 0 : i64, scratch_operands = 3 : i64, tpu.core_type = #tpu.core_type<sc_vector_subcore>, window_params = [{transform_indices = #map}, {transform_indices = #map1}, {transform_indices = #map}]} {
    %mul3A = arith.constant 2 : i32
    %mul3A_0 = arith.muli %arg1, %mul3A : i32
    %add3A = arith.addi %mul3A_0, %arg0 : i32
    %mul3A_1 = arith.constant 4096 : i32
    %mul3A_2 = arith.muli %add3A, %mul3A_1 : i32
    %scan3A = arith.constant 0 : i32
    %scan3A_3 = arith.constant 0 : i32
    %scan3A_4 = arith.constant 32 : i32
    %scan3A_5 = arith.addi %scan3A_3, %scan3A_4 : i32
    %scan3A_6 = arith.constant 1 : i32
    scf.for %scan3A_8 = %scan3A_3 to %scan3A_5 step %scan3A_6  : i32 {
      %mul3A_9 = arith.constant 128 : i32
      %mul3A_10 = arith.muli %scan3A_8, %mul3A_9 : i32
      %add3A_11 = arith.addi %mul3A_2, %mul3A_10 : i32
      "tpu.region"() ({
        %run_scoped3A = tpu.sem_alloc : memref<!tpu.dma_semaphore, #tpu.memory_space<semaphore_mem>>
        %dma_start3A_16 = tpu.memref_slice %arg3[%add3A_11] : memref<131072xi32, #tpu.memory_space<hbm>> -> memref<128xi32, #tpu.memory_space<hbm>>
        %dma_start3A_17 = tpu.memref_slice %arg3[%add3A_11] : memref<131072xi32, #tpu.memory_space<hbm>> -> memref<128xi32, #tpu.memory_space<hbm>>
        tpu.enqueue_dma source(%dma_start3A_17 : memref<128xi32, #tpu.memory_space<hbm>>) target(%arg5 : memref<128xi32, #tpu.memory_space<vmem>>) target_semaphore(%run_scoped3A : memref<!tpu.dma_semaphore, #tpu.memory_space<semaphore_mem>>)
        %dma_wait3A_18 = tpu.memref_slice %arg3[%add3A_11] : memref<131072xi32, #tpu.memory_space<hbm>> -> memref<128xi32, #tpu.memory_space<hbm>>
        %dma_wait3A_19 = tpu.memref_slice %arg3[%add3A_11] : memref<131072xi32, #tpu.memory_space<hbm>> -> memref<128xi32, #tpu.memory_space<hbm>>
        tpu.wait_dma2 semaphore(%run_scoped3A : memref<!tpu.dma_semaphore, #tpu.memory_space<semaphore_mem>>) src(%dma_wait3A_19 : memref<128xi32, #tpu.memory_space<hbm>>) dst(%arg5 : memref<128xi32, #tpu.memory_space<vmem>>)
        tpu.yield
      }) : () -> ()
      %dma_start3A = arith.constant 0 : i32
      %dma_start3A_12 = arith.constant 0 : i32
      %dma_start3A_13 = tpu.memref_slice %arg2[%dma_start3A, %dma_start3A_12] : memref<131072x128xf32, #tpu.memory_space<hbm>> -> memref<131072x128xf32, #tpu.memory_space<hbm>>
      tpu.enqueue_indirect_dma source(%dma_start3A_13 : memref<131072x128xf32, #tpu.memory_space<hbm>>) target(%arg6 : memref<128x128xf32, #tpu.memory_space<vmem>>) offsets(%arg5 : memref<128xi32, #tpu.memory_space<vmem>>) semaphore(%arg7 : memref<!tpu.dma_semaphore, #tpu.memory_space<semaphore_mem>>)
      %dma_wait3A = arith.constant 0 : i32
      %dma_wait3A_14 = arith.constant 0 : i32
      %dma_wait3A_15 = tpu.memref_slice %arg2[%dma_wait3A, %dma_wait3A_14] : memref<131072x128xf32, #tpu.memory_space<hbm>> -> memref<131072x128xf32, #tpu.memory_space<hbm>>
      tpu.wait_indirect_dma semaphore(%arg7 : memref<!tpu.dma_semaphore, #tpu.memory_space<semaphore_mem>>) src(%dma_wait3A_15 : memref<131072x128xf32, #tpu.memory_space<hbm>>) dst(%arg6 : memref<128x128xf32, #tpu.memory_space<vmem>>)
      "tpu.region"() ({
        %run_scoped3A = tpu.sem_alloc : memref<!tpu.dma_semaphore, #tpu.memory_space<semaphore_mem>>
        %dma_start3A_16 = arith.constant 0 : i32
        %dma_start3A_17 = tpu.memref_slice %arg4[%add3A_11, %dma_start3A_16] : memref<131072x128xf32, #tpu.memory_space<hbm>> -> memref<128x128xf32, #tpu.memory_space<hbm>>
        %dma_start3A_18 = arith.constant 0 : i32
        %dma_start3A_19 = tpu.memref_slice %arg4[%add3A_11, %dma_start3A_18] : memref<131072x128xf32, #tpu.memory_space<hbm>> -> memref<128x128xf32, #tpu.memory_space<hbm>>
        tpu.enqueue_dma source(%arg6 : memref<128x128xf32, #tpu.memory_space<vmem>>) target(%dma_start3A_19 : memref<128x128xf32, #tpu.memory_space<hbm>>) target_semaphore(%run_scoped3A : memref<!tpu.dma_semaphore, #tpu.memory_space<semaphore_mem>>)
        %dma_wait3A_20 = arith.constant 0 : i32
        %dma_wait3A_21 = tpu.memref_slice %arg4[%add3A_11, %dma_wait3A_20] : memref<131072x128xf32, #tpu.memory_space<hbm>> -> memref<128x128xf32, #tpu.memory_space<hbm>>
        %dma_wait3A_22 = arith.constant 0 : i32
        %dma_wait3A_23 = tpu.memref_slice %arg4[%add3A_11, %dma_wait3A_22] : memref<131072x128xf32, #tpu.memory_space<hbm>> -> memref<128x128xf32, #tpu.memory_space<hbm>>
        tpu.wait_dma2 semaphore(%run_scoped3A : memref<!tpu.dma_semaphore, #tpu.memory_space<semaphore_mem>>) src(%arg6 : memref<128x128xf32, #tpu.memory_space<vmem>>) dst(%dma_wait3A_23 : memref<128x128xf32, #tpu.memory_space<hbm>>)
        tpu.yield
      }) : () -> ()
    }
    %scan3A_7 = arith.constant 32 : i32
    return
  }
}

module attributes {stable_mosaic.version = 14 : i64} {
  func.func @_proj_body(%arg0: i32, %arg1: memref<512x1024xf32, #tpu.memory_space<vmem>>, %arg2: memref<1x1024xf32, #tpu.memory_space<vmem>>, %arg3: memref<1x1024xf32, #tpu.memory_space<vmem>>, %arg4: memref<1024x1024xf32, #tpu.memory_space<vmem>>, %arg5: memref<1024x1024xf32, #tpu.memory_space<vmem>>, %arg6: memref<1024x2048xf32, #tpu.memory_space<vmem>>, %arg7: memref<512x2048xf32, #tpu.memory_space<vmem>>, %arg8: memref<512x2048xf32, #tpu.memory_space<vmem>>) attributes {dimension_semantics = [#tpu.dimension_semantics<arbitrary>], iteration_bounds = array<i64: 16>, scalar_prefetch = 0 : i64, scratch_operands = 0 : i64, tpu.core_type = #tpu.core_type<tc>, window_params = [{transform_indices = @transform_0, window_bounds = array<i64: 512, 1024>}, {pipeline_mode = #tpu.pipeline_mode<synchronous>, transform_indices = @transform_1, window_bounds = array<i64: 1, 1024>}, {pipeline_mode = #tpu.pipeline_mode<synchronous>, transform_indices = @transform_2, window_bounds = array<i64: 1, 1024>}, {pipeline_mode = #tpu.pipeline_mode<synchronous>, transform_indices = @transform_3, window_bounds = array<i64: 1024, 1024>}, {pipeline_mode = #tpu.pipeline_mode<synchronous>, transform_indices = @transform_4, window_bounds = array<i64: 1024, 1024>}, {pipeline_mode = #tpu.pipeline_mode<synchronous>, transform_indices = @transform_5, window_bounds = array<i64: 1024, 2048>}, {transform_indices = @transform_6, window_bounds = array<i64: 512, 2048>}, {transform_indices = @transform_7, window_bounds = array<i64: 512, 2048>}]} {
    %get3A = arith.constant 0 : index
    %get3A_0 = arith.constant 0 : index
    %get3A_1 = vector.load %arg1[%get3A, %get3A_0] : memref<512x1024xf32, #tpu.memory_space<vmem>>, vector<512x1024xf32>
    %reduce_sum3A = arith.constant dense<0.000000e+00> : vector<512xf32>
    %reduce_sum3A_2 = vector.multi_reduction <add>, %get3A_1, %reduce_sum3A [1] : vector<512x1024xf32> to vector<512xf32>
    %broadcast_in_dim3A = vector.shape_cast %reduce_sum3A_2 : vector<512xf32> to vector<512x1xf32>
    %div3A = arith.constant 1.024000e+03 : f32
    %div3A_3 = vector.broadcast %div3A : f32 to vector<512x1xf32>
    %div3A_4 = arith.divf %broadcast_in_dim3A, %div3A_3 : vector<512x1xf32>
    %sub3A = vector.broadcast %div3A_4 : vector<512x1xf32> to vector<512x1024xf32>
    %sub3A_5 = arith.subf %get3A_1, %sub3A : vector<512x1024xf32>
    %mul3A = arith.mulf %sub3A_5, %sub3A_5 : vector<512x1024xf32>
    %reduce_sum3A_6 = arith.constant dense<0.000000e+00> : vector<512xf32>
    %reduce_sum3A_7 = vector.multi_reduction <add>, %mul3A, %reduce_sum3A_6 [1] : vector<512x1024xf32> to vector<512xf32>
    %broadcast_in_dim3A_8 = vector.shape_cast %reduce_sum3A_7 : vector<512xf32> to vector<512x1xf32>
    %div3A_9 = arith.constant 1.024000e+03 : f32
    %div3A_10 = vector.broadcast %div3A_9 : f32 to vector<512x1xf32>
    %div3A_11 = arith.divf %broadcast_in_dim3A_8, %div3A_10 : vector<512x1xf32>
    %add3A = arith.constant 9.99999974E-6 : f32
    %add3A_12 = vector.broadcast %add3A : f32 to vector<512x1xf32>
    %add3A_13 = arith.addf %div3A_11, %add3A_12 : vector<512x1xf32>
    %rsqrt3A = math.rsqrt %add3A_13 : vector<512x1xf32>
    %mul3A_14 = vector.broadcast %rsqrt3A : vector<512x1xf32> to vector<512x1024xf32>
    %mul3A_15 = arith.mulf %sub3A_5, %mul3A_14 : vector<512x1024xf32>
    %get3A_16 = arith.constant 0 : index
    %get3A_17 = arith.constant 0 : index
    %get3A_18 = vector.load %arg2[%get3A_16, %get3A_17] : memref<1x1024xf32, #tpu.memory_space<vmem>>, vector<1x1024xf32>
    %mul3A_19 = vector.broadcast %get3A_18 : vector<1x1024xf32> to vector<512x1024xf32>
    %mul3A_20 = arith.mulf %mul3A_15, %mul3A_19 : vector<512x1024xf32>
    %get3A_21 = arith.constant 0 : index
    %get3A_22 = arith.constant 0 : index
    %get3A_23 = vector.load %arg3[%get3A_21, %get3A_22] : memref<1x1024xf32, #tpu.memory_space<vmem>>, vector<1x1024xf32>
    %add3A_24 = vector.broadcast %get3A_23 : vector<1x1024xf32> to vector<512x1024xf32>
    %add3A_25 = arith.addf %mul3A_20, %add3A_24 : vector<512x1024xf32>
    %get3A_26 = arith.constant 0 : index
    %get3A_27 = arith.constant 0 : index
    %get3A_28 = vector.load %arg4[%get3A_26, %get3A_27] : memref<1024x1024xf32, #tpu.memory_space<vmem>>, vector<1024x1024xf32>
    %dot_general3A = arith.constant dense<0.000000e+00> : vector<512x1024xf32>
    %dot_general3A_29 = tpu.matmul %add3A_25, %get3A_28, %dot_general3A {dimension_numbers = #tpu.dot_dimension_numbers<[1], [0], [0], [1], [0, 0, 1, 1], [], []>, transpose_lhs_hint = false} : vector<512x1024xf32>, vector<1024x1024xf32>, vector<512x1024xf32> -> vector<512x1024xf32>
    %get3A_30 = arith.constant 0 : index
    %get3A_31 = arith.constant 0 : index
    %get3A_32 = vector.load %arg5[%get3A_30, %get3A_31] : memref<1024x1024xf32, #tpu.memory_space<vmem>>, vector<1024x1024xf32>
    %dot_general3A_33 = arith.constant dense<0.000000e+00> : vector<512x1024xf32>
    %dot_general3A_34 = tpu.matmul %add3A_25, %get3A_32, %dot_general3A_33 {dimension_numbers = #tpu.dot_dimension_numbers<[1], [0], [0], [1], [0, 0, 1, 1], [], []>, transpose_lhs_hint = false} : vector<512x1024xf32>, vector<1024x1024xf32>, vector<512x1024xf32> -> vector<512x1024xf32>
    %get3A_35 = arith.constant 0 : index
    %get3A_36 = arith.constant 0 : index
    %get3A_37 = vector.load %arg6[%get3A_35, %get3A_36] : memref<1024x2048xf32, #tpu.memory_space<vmem>>, vector<1024x2048xf32>
    %dot_general3A_38 = arith.constant dense<0.000000e+00> : vector<512x2048xf32>
    %dot_general3A_39 = tpu.matmul %dot_general3A_29, %get3A_37, %dot_general3A_38 {dimension_numbers = #tpu.dot_dimension_numbers<[1], [0], [0], [1], [0, 0, 1, 1], [], []>, transpose_lhs_hint = false} : vector<512x1024xf32>, vector<1024x2048xf32>, vector<512x2048xf32> -> vector<512x2048xf32>
    %swap3A = arith.constant 0 : index
    %swap3A_40 = arith.constant 0 : index
    %swap3A_41 = vector.load %arg8[%swap3A, %swap3A_40] : memref<512x2048xf32, #tpu.memory_space<vmem>>, vector<512x2048xf32>
    tpu.vector_store %arg8[%swap3A, %swap3A_40], %dot_general3A_39 {strides = array<i32>} : memref<512x2048xf32, #tpu.memory_space<vmem>>, vector<512x2048xf32>,
    %slice3A = vector.extract_strided_slice %dot_general3A_29 {offsets = [0, 0], sizes = [512, 64], strides = [1, 1]} : vector<512x1024xf32> to vector<512x64xf32>
    %slice3A_42 = vector.extract_strided_slice %dot_general3A_34 {offsets = [0, 0], sizes = [512, 64], strides = [1, 1]} : vector<512x1024xf32> to vector<512x64xf32>
    %slice3A_43 = vector.extract_strided_slice %dot_general3A_29 {offsets = [0, 64], sizes = [512, 64], strides = [1, 1]} : vector<512x1024xf32> to vector<512x64xf32>
    %slice3A_44 = vector.extract_strided_slice %dot_general3A_34 {offsets = [0, 64], sizes = [512, 64], strides = [1, 1]} : vector<512x1024xf32> to vector<512x64xf32>
    %slice3A_45 = vector.extract_strided_slice %dot_general3A_29 {offsets = [0, 128], sizes = [512, 64], strides = [1, 1]} : vector<512x1024xf32> to vector<512x64xf32>
    %slice3A_46 = vector.extract_strided_slice %dot_general3A_34 {offsets = [0, 128], sizes = [512, 64], strides = [1, 1]} : vector<512x1024xf32> to vector<512x64xf32>
    %slice3A_47 = vector.extract_strided_slice %dot_general3A_29 {offsets = [0, 192], sizes = [512, 64], strides = [1, 1]} : vector<512x1024xf32> to vector<512x64xf32>
    %slice3A_48 = vector.extract_strided_slice %dot_general3A_34 {offsets = [0, 192], sizes = [512, 64], strides = [1, 1]} : vector<512x1024xf32> to vector<512x64xf32>
    %slice3A_49 = vector.extract_strided_slice %dot_general3A_29 {offsets = [0, 256], sizes = [512, 64], strides = [1, 1]} : vector<512x1024xf32> to vector<512x64xf32>
    %slice3A_50 = vector.extract_strided_slice %dot_general3A_34 {offsets = [0, 256], sizes = [512, 64], strides = [1, 1]} : vector<512x1024xf32> to vector<512x64xf32>
    %slice3A_51 = vector.extract_strided_slice %dot_general3A_29 {offsets = [0, 320], sizes = [512, 64], strides = [1, 1]} : vector<512x1024xf32> to vector<512x64xf32>
    %slice3A_52 = vector.extract_strided_slice %dot_general3A_34 {offsets = [0, 320], sizes = [512, 64], strides = [1, 1]} : vector<512x1024xf32> to vector<512x64xf32>
    %slice3A_53 = vector.extract_strided_slice %dot_general3A_29 {offsets = [0, 384], sizes = [512, 64], strides = [1, 1]} : vector<512x1024xf32> to vector<512x64xf32>
    %slice3A_54 = vector.extract_strided_slice %dot_general3A_34 {offsets = [0, 384], sizes = [512, 64], strides = [1, 1]} : vector<512x1024xf32> to vector<512x64xf32>
    %slice3A_55 = vector.extract_strided_slice %dot_general3A_29 {offsets = [0, 448], sizes = [512, 64], strides = [1, 1]} : vector<512x1024xf32> to vector<512x64xf32>
    %slice3A_56 = vector.extract_strided_slice %dot_general3A_34 {offsets = [0, 448], sizes = [512, 64], strides = [1, 1]} : vector<512x1024xf32> to vector<512x64xf32>
    %slice3A_57 = vector.extract_strided_slice %dot_general3A_29 {offsets = [0, 512], sizes = [512, 64], strides = [1, 1]} : vector<512x1024xf32> to vector<512x64xf32>
    %slice3A_58 = vector.extract_strided_slice %dot_general3A_34 {offsets = [0, 512], sizes = [512, 64], strides = [1, 1]} : vector<512x1024xf32> to vector<512x64xf32>
    %slice3A_59 = vector.extract_strided_slice %dot_general3A_29 {offsets = [0, 576], sizes = [512, 64], strides = [1, 1]} : vector<512x1024xf32> to vector<512x64xf32>
    %slice3A_60 = vector.extract_strided_slice %dot_general3A_34 {offsets = [0, 576], sizes = [512, 64], strides = [1, 1]} : vector<512x1024xf32> to vector<512x64xf32>
    %slice3A_61 = vector.extract_strided_slice %dot_general3A_29 {offsets = [0, 640], sizes = [512, 64], strides = [1, 1]} : vector<512x1024xf32> to vector<512x64xf32>
    %slice3A_62 = vector.extract_strided_slice %dot_general3A_34 {offsets = [0, 640], sizes = [512, 64], strides = [1, 1]} : vector<512x1024xf32> to vector<512x64xf32>
    %slice3A_63 = vector.extract_strided_slice %dot_general3A_29 {offsets = [0, 704], sizes = [512, 64], strides = [1, 1]} : vector<512x1024xf32> to vector<512x64xf32>
    %slice3A_64 = vector.extract_strided_slice %dot_general3A_34 {offsets = [0, 704], sizes = [512, 64], strides = [1, 1]} : vector<512x1024xf32> to vector<512x64xf32>
    %slice3A_65 = vector.extract_strided_slice %dot_general3A_29 {offsets = [0, 768], sizes = [512, 64], strides = [1, 1]} : vector<512x1024xf32> to vector<512x64xf32>
    %slice3A_66 = vector.extract_strided_slice %dot_general3A_34 {offsets = [0, 768], sizes = [512, 64], strides = [1, 1]} : vector<512x1024xf32> to vector<512x64xf32>
    %slice3A_67 = vector.extract_strided_slice %dot_general3A_29 {offsets = [0, 832], sizes = [512, 64], strides = [1, 1]} : vector<512x1024xf32> to vector<512x64xf32>
    %slice3A_68 = vector.extract_strided_slice %dot_general3A_34 {offsets = [0, 832], sizes = [512, 64], strides = [1, 1]} : vector<512x1024xf32> to vector<512x64xf32>
    %slice3A_69 = vector.extract_strided_slice %dot_general3A_29 {offsets = [0, 896], sizes = [512, 64], strides = [1, 1]} : vector<512x1024xf32> to vector<512x64xf32>
    %slice3A_70 = vector.extract_strided_slice %dot_general3A_34 {offsets = [0, 896], sizes = [512, 64], strides = [1, 1]} : vector<512x1024xf32> to vector<512x64xf32>
    %slice3A_71 = vector.extract_strided_slice %dot_general3A_29 {offsets = [0, 960], sizes = [512, 64], strides = [1, 1]} : vector<512x1024xf32> to vector<512x64xf32>
    %slice3A_72 = vector.extract_strided_slice %dot_general3A_34 {offsets = [0, 960], sizes = [512, 64], strides = [1, 1]} : vector<512x1024xf32> to vector<512x64xf32>
    %concatenate3A = tpu.concatenate %slice3A, %slice3A_42, %slice3A_43, %slice3A_44, %slice3A_45, %slice3A_46, %slice3A_47, %slice3A_48, %slice3A_49, %slice3A_50, %slice3A_51, %slice3A_52, %slice3A_53, %slice3A_54, %slice3A_55, %slice3A_56, %slice3A_57, %slice3A_58, %slice3A_59, %slice3A_60, %slice3A_61, %slice3A_62, %slice3A_63, %slice3A_64, %slice3A_65, %slice3A_66, %slice3A_67, %slice3A_68, %slice3A_69, %slice3A_70, %slice3A_71, %slice3A_72 in 1 : vector<512x64xf32>, vector<512x64xf32>, vector<512x64xf32>, vector<512x64xf32>, vector<512x64xf32>, vector<512x64xf32>, vector<512x64xf32>, vector<512x64xf32>, vector<512x64xf32>, vector<512x64xf32>, vector<512x64xf32>, vector<512x64xf32>, vector<512x64xf32>, vector<512x64xf32>, vector<512x64xf32>, vector<512x64xf32>, vector<512x64xf32>, vector<512x64xf32>, vector<512x64xf32>, vector<512x64xf32>, vector<512x64xf32>, vector<512x64xf32>, vector<512x64xf32>, vector<512x64xf32>, vector<512x64xf32>, vector<512x64xf32>, vector<512x64xf32>, vector<512x64xf32>, vector<512x64xf32>, vector<512x64xf32>, vector<512x64xf32>, vector<512x64xf32> -> vector<512x2048xf32>
    %swap3A_73 = arith.constant 0 : index
    %swap3A_74 = arith.constant 0 : index
    %swap3A_75 = vector.load %arg7[%swap3A_73, %swap3A_74] : memref<512x2048xf32, #tpu.memory_space<vmem>>, vector<512x2048xf32>
    tpu.vector_store %arg7[%swap3A_73, %swap3A_74], %concatenate3A {strides = array<i32>} : memref<512x2048xf32, #tpu.memory_space<vmem>>, vector<512x2048xf32>,
    return
  }
  func.func @transform_0(%arg0: i32) -> (i32, i32) {
    %c0_i32 = arith.constant 0 : i32
    %c0_i32_0 = arith.constant 0 : i32
    return %arg0, %c0_i32 : i32, i32
  }
  func.func @transform_1(%arg0: i32) -> (i32, i32) {
    %c0_i32 = arith.constant 0 : i32
    %c0_i32_0 = arith.constant 0 : i32
    %c0_i32_1 = arith.constant 0 : i32
    return %c0_i32, %c0_i32_0 : i32, i32
  }
  func.func @transform_2(%arg0: i32) -> (i32, i32) {
    %c0_i32 = arith.constant 0 : i32
    %c0_i32_0 = arith.constant 0 : i32
    %c0_i32_1 = arith.constant 0 : i32
    return %c0_i32, %c0_i32_0 : i32, i32
  }
  func.func @transform_3(%arg0: i32) -> (i32, i32) {
    %c0_i32 = arith.constant 0 : i32
    %c0_i32_0 = arith.constant 0 : i32
    %c0_i32_1 = arith.constant 0 : i32
    return %c0_i32, %c0_i32_0 : i32, i32
  }
  func.func @transform_4(%arg0: i32) -> (i32, i32) {
    %c0_i32 = arith.constant 0 : i32
    %c0_i32_0 = arith.constant 0 : i32
    %c0_i32_1 = arith.constant 0 : i32
    return %c0_i32, %c0_i32_0 : i32, i32
  }
  func.func @transform_5(%arg0: i32) -> (i32, i32) {
    %c0_i32 = arith.constant 0 : i32
    %c0_i32_0 = arith.constant 0 : i32
    %c0_i32_1 = arith.constant 0 : i32
    return %c0_i32, %c0_i32_0 : i32, i32
  }
  func.func @transform_6(%arg0: i32) -> (i32, i32) {
    %c0_i32 = arith.constant 0 : i32
    %c0_i32_0 = arith.constant 0 : i32
    return %arg0, %c0_i32 : i32, i32
  }
  func.func @transform_7(%arg0: i32) -> (i32, i32) {
    %c0_i32 = arith.constant 0 : i32
    %c0_i32_0 = arith.constant 0 : i32
    return %arg0, %c0_i32 : i32, i32
  }
}

module attributes {stable_mosaic.version = 14 : i64} {
  func.func @_csort_body(%arg0: i32, %arg1: memref<1x4096x1xf32, #tpu.memory_space<vmem>>, %arg2: memref<1x4096x1xf32, #tpu.memory_space<vmem>>, %arg3: memref<1x1x64xf32, #tpu.memory_space<vmem>>, %arg4: memref<1x64x1xf32, #tpu.memory_space<vmem>>) attributes {dimension_semantics = [#tpu.dimension_semantics<arbitrary>], iteration_bounds = array<i64: 128>, scalar_prefetch = 0 : i64, scratch_operands = 0 : i64, tpu.core_type = #tpu.core_type<tc>, window_params = [{transform_indices = @transform_0, window_bounds = array<i64: 1, 4096, 1>}, {transform_indices = @transform_1, window_bounds = array<i64: 1, 4096, 1>}, {transform_indices = @transform_2, window_bounds = array<i64: 1, 1, 64>}, {transform_indices = @transform_3, window_bounds = array<i64: 1, 64, 1>}]} {
    %get3A = arith.constant 0 : index
    %get3A_0 = arith.constant 0 : index
    %get3A_1 = arith.constant 0 : index
    %get3A_2 = vector.load %arg1[%get3A, %get3A_0, %get3A_1] : memref<1x4096x1xf32, #tpu.memory_space<vmem>>, vector<1x4096x1xf32>
    %get3A_3 = vector.shape_cast %get3A_2 : vector<1x4096x1xf32> to vector<4096x1xf32>
    %iota3A = tpu.iota {dimensions = array<i32: 1>} : vector<1x64xi32>
    %convert_element_type3A = arith.sitofp %iota3A : vector<1x64xi32> to vector<1x64xf32>
    %eq3A = vector.broadcast %get3A_3 : vector<4096x1xf32> to vector<4096x64xf32>
    %eq3A_4 = vector.broadcast %convert_element_type3A : vector<1x64xf32> to vector<4096x64xf32>
    %eq3A_5 = arith.cmpf oeq, %eq3A, %eq3A_4 : vector<4096x64xf32>
    %convert_element_type3A_6 = arith.extui %eq3A_5 : vector<4096x64xi1> to vector<4096x64xi32>
    %convert_element_type3A_7 = arith.sitofp %convert_element_type3A_6 : vector<4096x64xi32> to vector<4096x64xf32>
    %broadcast_in_dim3A = arith.constant 0.000000e+00 : f32
    %broadcast_in_dim3A_8 = vector.broadcast %broadcast_in_dim3A : f32 to vector<1x64xf32>
    %slice3A = vector.extract_strided_slice %convert_element_type3A_7 {offsets = [0, 0], sizes = [4095, 64], strides = [1, 1]} : vector<4096x64xf32> to vector<4095x64xf32>
    %concatenate3A = tpu.concatenate %broadcast_in_dim3A_8, %slice3A in 0 : vector<1x64xf32>, vector<4095x64xf32> -> vector<4096x64xf32>
    %add3A = arith.addf %convert_element_type3A_7, %concatenate3A : vector<4096x64xf32>
    %broadcast_in_dim3A_9 = arith.constant 0.000000e+00 : f32
    %broadcast_in_dim3A_10 = vector.broadcast %broadcast_in_dim3A_9 : f32 to vector<2x64xf32>
    %slice3A_11 = vector.extract_strided_slice %add3A {offsets = [0, 0], sizes = [4094, 64], strides = [1, 1]} : vector<4096x64xf32> to vector<4094x64xf32>
    %concatenate3A_12 = tpu.concatenate %broadcast_in_dim3A_10, %slice3A_11 in 0 : vector<2x64xf32>, vector<4094x64xf32> -> vector<4096x64xf32>
    %add3A_13 = arith.addf %add3A, %concatenate3A_12 : vector<4096x64xf32>
    %broadcast_in_dim3A_14 = arith.constant 0.000000e+00 : f32
    %broadcast_in_dim3A_15 = vector.broadcast %broadcast_in_dim3A_14 : f32 to vector<4x64xf32>
    %slice3A_16 = vector.extract_strided_slice %add3A_13 {offsets = [0, 0], sizes = [4092, 64], strides = [1, 1]} : vector<4096x64xf32> to vector<4092x64xf32>
    %concatenate3A_17 = tpu.concatenate %broadcast_in_dim3A_15, %slice3A_16 in 0 : vector<4x64xf32>, vector<4092x64xf32> -> vector<4096x64xf32>
    %add3A_18 = arith.addf %add3A_13, %concatenate3A_17 : vector<4096x64xf32>
    %broadcast_in_dim3A_19 = arith.constant 0.000000e+00 : f32
    %broadcast_in_dim3A_20 = vector.broadcast %broadcast_in_dim3A_19 : f32 to vector<8x64xf32>
    %slice3A_21 = vector.extract_strided_slice %add3A_18 {offsets = [0, 0], sizes = [4088, 64], strides = [1, 1]} : vector<4096x64xf32> to vector<4088x64xf32>
    %concatenate3A_22 = tpu.concatenate %broadcast_in_dim3A_20, %slice3A_21 in 0 : vector<8x64xf32>, vector<4088x64xf32> -> vector<4096x64xf32>
    %add3A_23 = arith.addf %add3A_18, %concatenate3A_22 : vector<4096x64xf32>
    %broadcast_in_dim3A_24 = arith.constant 0.000000e+00 : f32
    %broadcast_in_dim3A_25 = vector.broadcast %broadcast_in_dim3A_24 : f32 to vector<16x64xf32>
    %slice3A_26 = vector.extract_strided_slice %add3A_23 {offsets = [0, 0], sizes = [4080, 64], strides = [1, 1]} : vector<4096x64xf32> to vector<4080x64xf32>
    %concatenate3A_27 = tpu.concatenate %broadcast_in_dim3A_25, %slice3A_26 in 0 : vector<16x64xf32>, vector<4080x64xf32> -> vector<4096x64xf32>
    %add3A_28 = arith.addf %add3A_23, %concatenate3A_27 : vector<4096x64xf32>
    %broadcast_in_dim3A_29 = arith.constant 0.000000e+00 : f32
    %broadcast_in_dim3A_30 = vector.broadcast %broadcast_in_dim3A_29 : f32 to vector<32x64xf32>
    %slice3A_31 = vector.extract_strided_slice %add3A_28 {offsets = [0, 0], sizes = [4064, 64], strides = [1, 1]} : vector<4096x64xf32> to vector<4064x64xf32>
    %concatenate3A_32 = tpu.concatenate %broadcast_in_dim3A_30, %slice3A_31 in 0 : vector<32x64xf32>, vector<4064x64xf32> -> vector<4096x64xf32>
    %add3A_33 = arith.addf %add3A_28, %concatenate3A_32 : vector<4096x64xf32>
    %broadcast_in_dim3A_34 = arith.constant 0.000000e+00 : f32
    %broadcast_in_dim3A_35 = vector.broadcast %broadcast_in_dim3A_34 : f32 to vector<64x64xf32>
    %slice3A_36 = vector.extract_strided_slice %add3A_33 {offsets = [0, 0], sizes = [4032, 64], strides = [1, 1]} : vector<4096x64xf32> to vector<4032x64xf32>
    %concatenate3A_37 = tpu.concatenate %broadcast_in_dim3A_35, %slice3A_36 in 0 : vector<64x64xf32>, vector<4032x64xf32> -> vector<4096x64xf32>
    %add3A_38 = arith.addf %add3A_33, %concatenate3A_37 : vector<4096x64xf32>
    %broadcast_in_dim3A_39 = arith.constant 0.000000e+00 : f32
    %broadcast_in_dim3A_40 = vector.broadcast %broadcast_in_dim3A_39 : f32 to vector<128x64xf32>
    %slice3A_41 = vector.extract_strided_slice %add3A_38 {offsets = [0, 0], sizes = [3968, 64], strides = [1, 1]} : vector<4096x64xf32> to vector<3968x64xf32>
    %concatenate3A_42 = tpu.concatenate %broadcast_in_dim3A_40, %slice3A_41 in 0 : vector<128x64xf32>, vector<3968x64xf32> -> vector<4096x64xf32>
    %add3A_43 = arith.addf %add3A_38, %concatenate3A_42 : vector<4096x64xf32>
    %broadcast_in_dim3A_44 = arith.constant 0.000000e+00 : f32
    %broadcast_in_dim3A_45 = vector.broadcast %broadcast_in_dim3A_44 : f32 to vector<256x64xf32>
    %slice3A_46 = vector.extract_strided_slice %add3A_43 {offsets = [0, 0], sizes = [3840, 64], strides = [1, 1]} : vector<4096x64xf32> to vector<3840x64xf32>
    %concatenate3A_47 = tpu.concatenate %broadcast_in_dim3A_45, %slice3A_46 in 0 : vector<256x64xf32>, vector<3840x64xf32> -> vector<4096x64xf32>
    %add3A_48 = arith.addf %add3A_43, %concatenate3A_47 : vector<4096x64xf32>
    %broadcast_in_dim3A_49 = arith.constant 0.000000e+00 : f32
    %broadcast_in_dim3A_50 = vector.broadcast %broadcast_in_dim3A_49 : f32 to vector<512x64xf32>
    %slice3A_51 = vector.extract_strided_slice %add3A_48 {offsets = [0, 0], sizes = [3584, 64], strides = [1, 1]} : vector<4096x64xf32> to vector<3584x64xf32>
    %concatenate3A_52 = tpu.concatenate %broadcast_in_dim3A_50, %slice3A_51 in 0 : vector<512x64xf32>, vector<3584x64xf32> -> vector<4096x64xf32>
    %add3A_53 = arith.addf %add3A_48, %concatenate3A_52 : vector<4096x64xf32>
    %broadcast_in_dim3A_54 = arith.constant 0.000000e+00 : f32
    %broadcast_in_dim3A_55 = vector.broadcast %broadcast_in_dim3A_54 : f32 to vector<1024x64xf32>
    %slice3A_56 = vector.extract_strided_slice %add3A_53 {offsets = [0, 0], sizes = [3072, 64], strides = [1, 1]} : vector<4096x64xf32> to vector<3072x64xf32>
    %concatenate3A_57 = tpu.concatenate %broadcast_in_dim3A_55, %slice3A_56 in 0 : vector<1024x64xf32>, vector<3072x64xf32> -> vector<4096x64xf32>
    %add3A_58 = arith.addf %add3A_53, %concatenate3A_57 : vector<4096x64xf32>
    %broadcast_in_dim3A_59 = arith.constant 0.000000e+00 : f32
    %broadcast_in_dim3A_60 = vector.broadcast %broadcast_in_dim3A_59 : f32 to vector<2048x64xf32>
    %slice3A_61 = vector.extract_strided_slice %add3A_58 {offsets = [0, 0], sizes = [2048, 64], strides = [1, 1]} : vector<4096x64xf32> to vector<2048x64xf32>
    %concatenate3A_62 = tpu.concatenate %broadcast_in_dim3A_60, %slice3A_61 in 0 : vector<2048x64xf32>, vector<2048x64xf32> -> vector<4096x64xf32>
    %add3A_63 = arith.addf %add3A_58, %concatenate3A_62 : vector<4096x64xf32>
    %sub3A = arith.subf %add3A_63, %convert_element_type3A_7 : vector<4096x64xf32>
    %slice3A_64 = vector.extract_strided_slice %add3A_63 {offsets = [4095, 0], sizes = [1, 64], strides = [1, 1]} : vector<4096x64xf32> to vector<1x64xf32>
    %iota3A_65 = tpu.iota {dimensions = array<i32: 0>} : vector<64x64xi32>
    %iota3A_66 = tpu.iota {dimensions = array<i32: 1>} : vector<64x64xi32>
    %lt3A = arith.cmpi slt, %iota3A_65, %iota3A_66 : vector<64x64xi32>
    %convert_element_type3A_67 = arith.extui %lt3A : vector<64x64xi1> to vector<64x64xi32>
    %convert_element_type3A_68 = arith.sitofp %convert_element_type3A_67 : vector<64x64xi32> to vector<64x64xf32>
    %dot_general3A = arith.constant dense<0.000000e+00> : vector<1x64xf32>
    %dot_general3A_69 = tpu.matmul %slice3A_64, %convert_element_type3A_68, %dot_general3A {dimension_numbers = #tpu.dot_dimension_numbers<[1], [0], [0], [1], [0, 0, 1, 1], [], []>, transpose_lhs_hint = false} : vector<1x64xf32>, vector<64x64xf32>, vector<1x64xf32> -> vector<1x64xf32>
    %broadcast_in_dim3A_70 = arith.constant 1.000000e+00 : f32
    %broadcast_in_dim3A_71 = vector.broadcast %broadcast_in_dim3A_70 : f32 to vector<4096x1xf32>
    %dot_general3A_72 = arith.constant dense<0.000000e+00> : vector<64x1xf32>
    %dot_general3A_73 = tpu.matmul %convert_element_type3A_7, %broadcast_in_dim3A_71, %dot_general3A_72 {dimension_numbers = #tpu.dot_dimension_numbers<[0], [0], [1], [1], [0, 1, 1, 1], [], []>, transpose_lhs_hint = false} : vector<4096x64xf32>, vector<4096x1xf32>, vector<64x1xf32> -> vector<64x1xf32>
    %gt3A = arith.cmpi sgt, %iota3A_65, %iota3A_66 : vector<64x64xi32>
    %convert_element_type3A_74 = arith.extui %gt3A : vector<64x64xi1> to vector<64x64xi32>
    %convert_element_type3A_75 = arith.sitofp %convert_element_type3A_74 : vector<64x64xi32> to vector<64x64xf32>
    %dot_general3A_76 = arith.constant dense<0.000000e+00> : vector<64x1xf32>
    %dot_general3A_77 = tpu.matmul %convert_element_type3A_75, %dot_general3A_73, %dot_general3A_76 {dimension_numbers = #tpu.dot_dimension_numbers<[1], [0], [0], [1], [0, 0, 1, 1], [], []>, transpose_lhs_hint = false} : vector<64x64xf32>, vector<64x1xf32>, vector<64x1xf32> -> vector<64x1xf32>
    %add3A_78 = vector.broadcast %dot_general3A_69 : vector<1x64xf32> to vector<4096x64xf32>
    %add3A_79 = arith.addf %sub3A, %add3A_78 : vector<4096x64xf32>
    %mul3A = arith.mulf %convert_element_type3A_7, %add3A_79 : vector<4096x64xf32>
    %reduce_sum3A = arith.constant dense<0.000000e+00> : vector<4096xf32>
    %reduce_sum3A_80 = vector.multi_reduction <add>, %mul3A, %reduce_sum3A [1] : vector<4096x64xf32> to vector<4096xf32>
    %broadcast_in_dim3A_81 = vector.shape_cast %reduce_sum3A_80 : vector<4096xf32> to vector<4096x1xf32>
    %swap3A = arith.constant 0 : index
    %swap3A_82 = arith.constant 0 : index
    %swap3A_83 = arith.constant 0 : index
    %swap3A_84 = vector.load %arg2[%swap3A, %swap3A_82, %swap3A_83] : memref<1x4096x1xf32, #tpu.memory_space<vmem>>, vector<1x4096x1xf32>
    %swap3A_85 = vector.shape_cast %swap3A_84 : vector<1x4096x1xf32> to vector<4096x1xf32>
    %swap3A_86 = vector.shape_cast %broadcast_in_dim3A_81 : vector<4096x1xf32> to vector<1x4096x1xf32>
    tpu.vector_store %arg2[%swap3A, %swap3A_82, %swap3A_83], %swap3A_86 {strides = array<i32>} : memref<1x4096x1xf32, #tpu.memory_space<vmem>>, vector<1x4096x1xf32>,
    %swap3A_87 = arith.constant 0 : index
    %swap3A_88 = arith.constant 0 : index
    %swap3A_89 = arith.constant 0 : index
    %swap3A_90 = vector.load %arg3[%swap3A_87, %swap3A_88, %swap3A_89] : memref<1x1x64xf32, #tpu.memory_space<vmem>>, vector<1x1x64xf32>
    %swap3A_91 = vector.shape_cast %swap3A_90 : vector<1x1x64xf32> to vector<1x64xf32>
    %swap3A_92 = vector.shape_cast %dot_general3A_69 : vector<1x64xf32> to vector<1x1x64xf32>
    tpu.vector_store %arg3[%swap3A_87, %swap3A_88, %swap3A_89], %swap3A_92 {strides = array<i32>} : memref<1x1x64xf32, #tpu.memory_space<vmem>>, vector<1x1x64xf32>,
    %swap3A_93 = arith.constant 0 : index
    %swap3A_94 = arith.constant 0 : index
    %swap3A_95 = arith.constant 0 : index
    %swap3A_96 = vector.load %arg4[%swap3A_93, %swap3A_94, %swap3A_95] : memref<1x64x1xf32, #tpu.memory_space<vmem>>, vector<1x64x1xf32>
    %swap3A_97 = vector.shape_cast %swap3A_96 : vector<1x64x1xf32> to vector<64x1xf32>
    %swap3A_98 = vector.shape_cast %dot_general3A_77 : vector<64x1xf32> to vector<1x64x1xf32>
    tpu.vector_store %arg4[%swap3A_93, %swap3A_94, %swap3A_95], %swap3A_98 {strides = array<i32>} : memref<1x64x1xf32, #tpu.memory_space<vmem>>, vector<1x64x1xf32>,
    return
  }
  func.func @transform_0(%arg0: i32) -> (i32, i32, i32) {
    %c0_i32 = arith.constant 0 : i32
    %c0_i32_0 = arith.constant 0 : i32
    %c0_i32_1 = arith.constant 0 : i32
    return %arg0, %c0_i32, %c0_i32_0 : i32, i32, i32
  }
  func.func @transform_1(%arg0: i32) -> (i32, i32, i32) {
    %c0_i32 = arith.constant 0 : i32
    %c0_i32_0 = arith.constant 0 : i32
    %c0_i32_1 = arith.constant 0 : i32
    return %arg0, %c0_i32, %c0_i32_0 : i32, i32, i32
  }
  func.func @transform_2(%arg0: i32) -> (i32, i32, i32) {
    %c0_i32 = arith.constant 0 : i32
    %c0_i32_0 = arith.constant 0 : i32
    %c0_i32_1 = arith.constant 0 : i32
    return %arg0, %c0_i32, %c0_i32_0 : i32, i32, i32
  }
  func.func @transform_3(%arg0: i32) -> (i32, i32, i32) {
    %c0_i32 = arith.constant 0 : i32
    %c0_i32_0 = arith.constant 0 : i32
    %c0_i32_1 = arith.constant 0 : i32
    return %arg0, %c0_i32, %c0_i32_0 : i32, i32, i32
  }
}

module attributes {stable_mosaic.version = 14 : i64} {
  func.func @_attn_body(%arg0: i32, %arg1: i32, %arg2: memref<1x8x64x128xf32, #tpu.memory_space<vmem>>, %arg3: memref<1x1x64x128xf32, #tpu.memory_space<vmem>>, %arg4: memref<1x1x64xf32, #tpu.memory_space<vmem>>, %arg5: memref<1x64x1xf32, #tpu.memory_space<vmem>>, %arg6: memref<1x512x128xf32, #tpu.memory_space<vmem>>) attributes {dimension_semantics = [#tpu.dimension_semantics<arbitrary>, #tpu.dimension_semantics<arbitrary>], iteration_bounds = array<i64: 32, 8>, scalar_prefetch = 0 : i64, scratch_operands = 0 : i64, tpu.core_type = #tpu.core_type<tc>, window_params = [{transform_indices = @transform_0, window_bounds = array<i64: 1, 8, 64, 128>}, {transform_indices = @transform_1, window_bounds = array<i64: 1, 1, 64, 128>}, {transform_indices = @transform_2, window_bounds = array<i64: 1, 1, 64>}, {transform_indices = @transform_3, window_bounds = array<i64: 1, 64, 1>}, {transform_indices = @transform_4, window_bounds = array<i64: 1, 512, 128>}]} {
    %get3A = arith.constant 0 : index
    %get3A_0 = arith.constant 0 : index
    %get3A_1 = arith.constant 0 : index
    %get3A_2 = arith.constant 0 : index
    %get3A_3 = vector.load %arg2[%get3A, %get3A_0, %get3A_1, %get3A_2] : memref<1x8x64x128xf32, #tpu.memory_space<vmem>>, vector<1x8x64x128xf32>
    %get3A_4 = vector.shape_cast %get3A_3 : vector<1x8x64x128xf32> to vector<8x64x128xf32>
    %reshape3A = vector.shape_cast %get3A_4 : vector<8x64x128xf32> to vector<512x128xf32>
    %get3A_5 = arith.constant 0 : index
    %get3A_6 = arith.constant 0 : index
    %get3A_7 = arith.constant 0 : index
    %get3A_8 = arith.constant 0 : index
    %get3A_9 = vector.load %arg3[%get3A_5, %get3A_6, %get3A_7, %get3A_8] : memref<1x1x64x128xf32, #tpu.memory_space<vmem>>, vector<1x1x64x128xf32>
    %get3A_10 = vector.shape_cast %get3A_9 : vector<1x1x64x128xf32> to vector<64x128xf32>
    %get3A_11 = arith.constant 0 : index
    %get3A_12 = arith.constant 0 : index
    %get3A_13 = arith.constant 0 : index
    %get3A_14 = vector.load %arg4[%get3A_11, %get3A_12, %get3A_13] : memref<1x1x64xf32, #tpu.memory_space<vmem>>, vector<1x1x64xf32>
    %get3A_15 = vector.shape_cast %get3A_14 : vector<1x1x64xf32> to vector<1x64xf32>
    %get3A_16 = arith.constant 0 : index
    %get3A_17 = arith.constant 0 : index
    %get3A_18 = arith.constant 0 : index
    %get3A_19 = vector.load %arg5[%get3A_16, %get3A_17, %get3A_18] : memref<1x64x1xf32, #tpu.memory_space<vmem>>, vector<1x64x1xf32>
    %get3A_20 = vector.shape_cast %get3A_19 : vector<1x64x1xf32> to vector<64x1xf32>
    %mul3A = arith.constant 512 : i32
    %mul3A_21 = arith.muli %arg1, %mul3A : i32
    %mul3A_22 = arith.constant 8 : i32
    %mul3A_23 = arith.muli %arg1, %mul3A_22 : i32
    %add3A = arith.constant 64 : i32
    %add3A_24 = arith.addi %mul3A_23, %add3A : i32
    %sub3A = arith.constant 1 : i32
    %sub3A_25 = arith.subi %add3A_24, %sub3A : i32
    %rem3A = arith.constant 64 : i32
    %rem3A_26 = arith.remsi %sub3A_25, %rem3A : i32
    %concatenate3A = tpu.concatenate %get3A_10, %reshape3A in 0 : vector<64x128xf32>, vector<512x128xf32> -> vector<576x128xf32>
    %slice3A = vector.extract_strided_slice %concatenate3A {offsets = [0, 0], sizes = [576, 64], strides = [1, 1]} : vector<576x128xf32> to vector<576x64xf32>
    %mul3A_27 = arith.mulf %slice3A, %slice3A : vector<576x64xf32>
    %reduce_sum3A = arith.constant dense<0.000000e+00> : vector<576xf32>
    %reduce_sum3A_28 = vector.multi_reduction <add>, %mul3A_27, %reduce_sum3A [1] : vector<576x64xf32> to vector<576xf32>
    %broadcast_in_dim3A = vector.shape_cast %reduce_sum3A_28 : vector<576xf32> to vector<576x1xf32>
    %sqrt3A = math.sqrt %broadcast_in_dim3A : vector<576x1xf32>
    %add3A_29 = arith.constant 9.99999997E-7 : f32
    %add3A_30 = vector.broadcast %add3A_29 : f32 to vector<576x1xf32>
    %add3A_31 = arith.addf %sqrt3A, %add3A_30 : vector<576x1xf32>
    %div3A = arith.constant 1.000000e+00 : f32
    %div3A_32 = vector.broadcast %div3A : f32 to vector<576x1xf32>
    %div3A_33 = arith.divf %div3A_32, %add3A_31 : vector<576x1xf32>
    %mul3A_34 = vector.broadcast %div3A_33 : vector<576x1xf32> to vector<576x64xf32>
    %mul3A_35 = arith.mulf %slice3A, %mul3A_34 : vector<576x64xf32>
    %slice3A_36 = vector.extract_strided_slice %reshape3A {offsets = [0, 0], sizes = [512, 64], strides = [1, 1]} : vector<512x128xf32> to vector<512x64xf32>
    %dot_general3A = arith.constant dense<0.000000e+00> : vector<512x576xf32>
    %dot_general3A_37 = tpu.matmul %slice3A_36, %mul3A_35, %dot_general3A {dimension_numbers = #tpu.dot_dimension_numbers<[1], [1], [0], [0], [0, 0, 1, 0], [], []>, transpose_lhs_hint = false} : vector<512x64xf32>, vector<576x64xf32>, vector<512x576xf32> -> vector<512x576xf32>
    %mul3A_38 = arith.constant 1.250000e-01 : f32
    %mul3A_39 = vector.broadcast %mul3A_38 : f32 to vector<512x576xf32>
    %mul3A_40 = arith.mulf %dot_general3A_37, %mul3A_39 : vector<512x576xf32>
    %iota3A = tpu.iota {dimensions = array<i32: 0>} : vector<512x576xi32>
    %iota3A_41 = tpu.iota {dimensions = array<i32: 1>} : vector<512x576xi32>
    %div3A_42 = arith.constant 64 : i32
    %div3A_43 = vector.broadcast %div3A_42 : i32 to vector<512x576xi32>
    %div3A_44 = arith.divsi %iota3A_41, %div3A_43 : vector<512x576xi32>
    %div3A_45 = arith.constant 64 : i32
    %div3A_46 = vector.broadcast %div3A_45 : i32 to vector<512x576xi32>
    %div3A_47 = arith.divsi %iota3A, %div3A_46 : vector<512x576xi32>
    %ge3A = arith.cmpi sge, %div3A_44, %div3A_47 : vector<512x576xi32>
    %add3A_48 = arith.constant 1 : i32
    %add3A_49 = vector.broadcast %add3A_48 : i32 to vector<512x576xi32>
    %add3A_50 = arith.addi %div3A_47, %add3A_49 : vector<512x576xi32>
    %le3A = arith.cmpi sle, %div3A_44, %add3A_50 : vector<512x576xi32>
    %and3A = arith.andi %ge3A, %le3A : vector<512x576xi1>
    %add3A_51 = arith.constant 64 : i32
    %add3A_52 = vector.broadcast %add3A_51 : i32 to vector<512x576xi32>
    %add3A_53 = arith.addi %iota3A, %add3A_52 : vector<512x576xi32>
    %eq3A = arith.cmpi eq, %iota3A_41, %add3A_53 : vector<512x576xi32>
    %iota3A_54 = tpu.iota {dimensions = array<i32: 0>} : vector<512x1xi32>
    %add3A_55 = vector.broadcast %mul3A_21 : i32 to vector<512x1xi32>
    %add3A_56 = arith.addi %add3A_55, %iota3A_54 : vector<512x1xi32>
    %convert_element_type3A = arith.sitofp %add3A_56 : vector<512x1xi32> to vector<512x1xf32>
    %ge3A_57 = vector.broadcast %convert_element_type3A : vector<512x1xf32> to vector<512x64xf32>
    %ge3A_58 = vector.broadcast %get3A_15 : vector<1x64xf32> to vector<512x64xf32>
    %ge3A_59 = arith.cmpf oge, %ge3A_57, %ge3A_58 : vector<512x64xf32>
    %convert_element_type3A_60 = arith.extui %ge3A_59 : vector<512x64xi1> to vector<512x64xi32>
    %convert_element_type3A_61 = arith.sitofp %convert_element_type3A_60 : vector<512x64xi32> to vector<512x64xf32>
    %reduce_sum3A_62 = arith.constant dense<0.000000e+00> : vector<512xf32>
    %reduce_sum3A_63 = vector.multi_reduction <add>, %convert_element_type3A_61, %reduce_sum3A_62 [1] : vector<512x64xf32> to vector<512xf32>
    %broadcast_in_dim3A_64 = vector.shape_cast %reduce_sum3A_63 : vector<512xf32> to vector<512x1xf32>
    %iota3A_65 = tpu.iota {dimensions = array<i32: 1>} : vector<1x576xi32>
    %lt3A = arith.constant 64 : i32
    %lt3A_66 = vector.broadcast %lt3A : i32 to vector<1x576xi32>
    %lt3A_67 = arith.cmpi slt, %iota3A_65, %lt3A_66 : vector<1x576xi32>
    %mul3A_68 = arith.constant 64 : i32
    %mul3A_69 = arith.muli %rem3A_26, %mul3A_68 : i32
    %add3A_70 = vector.broadcast %mul3A_69 : i32 to vector<1x576xi32>
    %add3A_71 = arith.addi %add3A_70, %iota3A_65 : vector<1x576xi32>
    %add3A_72 = vector.broadcast %mul3A_21 : i32 to vector<1x576xi32>
    %add3A_73 = arith.addi %add3A_72, %iota3A_65 : vector<1x576xi32>
    %sub3A_74 = arith.constant 64 : i32
    %sub3A_75 = vector.broadcast %sub3A_74 : i32 to vector<1x576xi32>
    %sub3A_76 = arith.subi %add3A_73, %sub3A_75 : vector<1x576xi32>
    %select_n3A = arith.select %lt3A_67, %add3A_71, %sub3A_76 : vector<1x576xi1>, vector<1x576xi32>
    %convert_element_type3A_77 = arith.sitofp %select_n3A : vector<1x576xi32> to vector<1x576xf32>
    %ge3A_78 = vector.broadcast %convert_element_type3A_77 : vector<1x576xf32> to vector<64x576xf32>
    %ge3A_79 = vector.broadcast %get3A_20 : vector<64x1xf32> to vector<64x576xf32>
    %ge3A_80 = arith.cmpf oge, %ge3A_78, %ge3A_79 : vector<64x576xf32>
    %convert_element_type3A_81 = arith.extui %ge3A_80 : vector<64x576xi1> to vector<64x576xi32>
    %convert_element_type3A_82 = arith.sitofp %convert_element_type3A_81 : vector<64x576xi32> to vector<64x576xf32>
    %reduce_sum3A_83 = arith.constant dense<0.000000e+00> : vector<576xf32>
    %reduce_sum3A_84 = vector.multi_reduction <add>, %convert_element_type3A_82, %reduce_sum3A_83 [0] : vector<64x576xf32> to vector<576xf32>
    %broadcast_in_dim3A_85 = vector.shape_cast %reduce_sum3A_84 : vector<576xf32> to vector<1x576xf32>
    %eq3A_86 = vector.broadcast %broadcast_in_dim3A_64 : vector<512x1xf32> to vector<512x576xf32>
    %eq3A_87 = vector.broadcast %broadcast_in_dim3A_85 : vector<1x576xf32> to vector<512x576xf32>
    %eq3A_88 = arith.cmpf oeq, %eq3A_86, %eq3A_87 : vector<512x576xf32>
    %and3A_89 = arith.andi %and3A, %eq3A_88 : vector<512x576xi1>
    %jit3A = arith.constant -1.000000e+09 : f32
    %broadcast_in_dim3A_90 = vector.broadcast %jit3A : f32 to vector<512x576xf32>
    %select_n3A_91 = arith.select %and3A_89, %mul3A_40, %broadcast_in_dim3A_90 : vector<512x576xi1>, vector<512x576xf32>
    %jit3A_92 = arith.constant -1.000000e+05 : f32
    %broadcast_in_dim3A_93 = vector.broadcast %jit3A_92 : f32 to vector<512x576xf32>
    %select_n3A_94 = arith.select %eq3A, %broadcast_in_dim3A_93, %select_n3A_91 : vector<512x576xi1>, vector<512x576xf32>
    %reduce_max3A = arith.constant dense<0xFF800000> : vector<512xf32>
    %reduce_max3A_95 = vector.multi_reduction <maximumf>, %select_n3A_94, %reduce_max3A [1] : vector<512x576xf32> to vector<512xf32>
    %broadcast_in_dim3A_96 = vector.shape_cast %reduce_max3A_95 : vector<512xf32> to vector<512x1xf32>
    %sub3A_97 = vector.broadcast %broadcast_in_dim3A_96 : vector<512x1xf32> to vector<512x576xf32>
    %sub3A_98 = arith.subf %select_n3A_94, %sub3A_97 : vector<512x576xf32>
    %exp3A = math.exp %sub3A_98 : vector<512x576xf32>
    %reduce_sum3A_99 = arith.constant dense<0.000000e+00> : vector<512xf32>
    %reduce_sum3A_100 = vector.multi_reduction <add>, %exp3A, %reduce_sum3A_99 [1] : vector<512x576xf32> to vector<512xf32>
    %broadcast_in_dim3A_101 = vector.shape_cast %reduce_sum3A_100 : vector<512xf32> to vector<512x1xf32>
    %slice3A_102 = vector.extract_strided_slice %concatenate3A {offsets = [0, 64], sizes = [576, 64], strides = [1, 1]} : vector<576x128xf32> to vector<576x64xf32>
    %dot_general3A_103 = arith.constant dense<0.000000e+00> : vector<512x64xf32>
    %dot_general3A_104 = tpu.matmul %exp3A, %slice3A_102, %dot_general3A_103 {dimension_numbers = #tpu.dot_dimension_numbers<[1], [0], [0], [1], [0, 0, 1, 1], [], []>, transpose_lhs_hint = false} : vector<512x576xf32>, vector<576x64xf32>, vector<512x64xf32> -> vector<512x64xf32>
    %div3A_105 = vector.broadcast %broadcast_in_dim3A_101 : vector<512x1xf32> to vector<512x64xf32>
    %div3A_106 = arith.divf %dot_general3A_104, %div3A_105 : vector<512x64xf32>
    %log3A = math.log %broadcast_in_dim3A_101 : vector<512x1xf32>
    %add3A_107 = arith.addf %broadcast_in_dim3A_96, %log3A : vector<512x1xf32>
    %broadcast_in_dim3A_108 = arith.constant 0.000000e+00 : f32
    %broadcast_in_dim3A_109 = vector.broadcast %broadcast_in_dim3A_108 : f32 to vector<512x63xf32>
    %concatenate3A_110 = tpu.concatenate %div3A_106, %add3A_107, %broadcast_in_dim3A_109 in 1 : vector<512x64xf32>, vector<512x1xf32>, vector<512x63xf32> -> vector<512x128xf32>
    %swap3A = arith.constant 0 : index
    %swap3A_111 = arith.constant 0 : index
    %swap3A_112 = arith.constant 0 : index
    %swap3A_113 = vector.load %arg6[%swap3A, %swap3A_111, %swap3A_112] : memref<1x512x128xf32, #tpu.memory_space<vmem>>, vector<1x512x128xf32>
    %swap3A_114 = vector.shape_cast %swap3A_113 : vector<1x512x128xf32> to vector<512x128xf32>
    %swap3A_115 = vector.shape_cast %concatenate3A_110 : vector<512x128xf32> to vector<1x512x128xf32>
    tpu.vector_store %arg6[%swap3A, %swap3A_111, %swap3A_112], %swap3A_115 {strides = array<i32>} : memref<1x512x128xf32, #tpu.memory_space<vmem>>, vector<1x512x128xf32>,
    return
  }
  func.func @transform_0(%arg0: i32, %arg1: i32) -> (i32, i32, i32, i32) {
    %c0_i32 = arith.constant 0 : i32
    %c0_i32_0 = arith.constant 0 : i32
    %c0_i32_1 = arith.constant 0 : i32
    return %arg0, %arg1, %c0_i32, %c0_i32_0 : i32, i32, i32, i32
  }
  func.func @transform_1(%arg0: i32, %arg1: i32) -> (i32, i32, i32, i32) {
    %mul3A = arith.constant 8 : i32
    %mul3A_0 = arith.muli %arg1, %mul3A : i32
    %add3A = arith.constant 64 : i32
    %add3A_1 = arith.addi %mul3A_0, %add3A : i32
    %sub3A = arith.constant 1 : i32
    %sub3A_2 = arith.subi %add3A_1, %sub3A : i32
    %jit3A = arith.constant 64 : i32
    %eq3A = arith.constant 0 : i32
    %eq3A_3 = arith.cmpi eq, %jit3A, %eq3A : i32
    %jit3A_4 = arith.constant 1 : i32
    %select_n3A = arith.select %eq3A_3, %jit3A_4, %jit3A : i32
    %rem3A = arith.remsi %sub3A_2, %select_n3A : i32
    %ne3A = arith.constant 0 : i32
    %ne3A_5 = arith.cmpi ne, %rem3A, %ne3A : i32
    %lt3A = arith.constant 0 : i32
    %lt3A_6 = arith.cmpi slt, %rem3A, %lt3A : i32
    %lt3A_7 = arith.constant 0 : i32
    %lt3A_8 = arith.cmpi slt, %select_n3A, %lt3A_7 : i32
    %ne3A_9 = arith.xori %lt3A_6, %lt3A_8 : i1
    %and3A = arith.andi %ne3A_9, %ne3A_5 : i1
    %add3A_10 = arith.addi %rem3A, %select_n3A : i32
    %select_n3A_11 = arith.select %and3A, %add3A_10, %rem3A : i32
    %c0_i32 = arith.constant 0 : i32
    %c0_i32_12 = arith.constant 0 : i32
    %c0_i32_13 = arith.constant 0 : i32
    return %arg0, %select_n3A_11, %c0_i32, %c0_i32_12 : i32, i32, i32, i32
  }
  func.func @transform_2(%arg0: i32, %arg1: i32) -> (i32, i32, i32) {
    %c0_i32 = arith.constant 0 : i32
    %c0_i32_0 = arith.constant 0 : i32
    %c0_i32_1 = arith.constant 0 : i32
    return %arg0, %c0_i32, %c0_i32_0 : i32, i32, i32
  }
  func.func @transform_3(%arg0: i32, %arg1: i32) -> (i32, i32, i32) {
    %c0_i32 = arith.constant 0 : i32
    %c0_i32_0 = arith.constant 0 : i32
    %c0_i32_1 = arith.constant 0 : i32
    return %arg0, %c0_i32, %c0_i32_0 : i32, i32, i32
  }
  func.func @transform_4(%arg0: i32, %arg1: i32) -> (i32, i32, i32) {
    %c0_i32 = arith.constant 0 : i32
    %c0_i32_0 = arith.constant 0 : i32
    return %arg0, %arg1, %c0_i32 : i32, i32, i32
  }
}

module attributes {stable_mosaic.version = 14 : i64} {
  func.func @_out_ff_body(%arg0: i32, %arg1: memref<256x1024xf32, #tpu.memory_space<vmem>>, %arg2: memref<256x1024xf32, #tpu.memory_space<vmem>>, %arg3: memref<256x1024xf32, #tpu.memory_space<vmem>>, %arg4: memref<1024x1024xf32, #tpu.memory_space<vmem>>, %arg5: memref<1x1024xf32, #tpu.memory_space<vmem>>, %arg6: memref<1x1024xf32, #tpu.memory_space<vmem>>, %arg7: memref<1024x4096xf32, #tpu.memory_space<vmem>>, %arg8: memref<1x4096xf32, #tpu.memory_space<vmem>>, %arg9: memref<4096x1024xf32, #tpu.memory_space<vmem>>, %arg10: memref<1x1024xf32, #tpu.memory_space<vmem>>, %arg11: memref<256x1024xf32, #tpu.memory_space<vmem>>, %arg12: memref<256x1024xf32, #tpu.memory_space<vmem>>) attributes {dimension_semantics = [#tpu.dimension_semantics<arbitrary>], iteration_bounds = array<i64: 32>, scalar_prefetch = 0 : i64, scratch_operands = 0 : i64, tpu.core_type = #tpu.core_type<tc>, window_params = [{transform_indices = @transform_0, window_bounds = array<i64: 256, 1024>}, {transform_indices = @transform_1, window_bounds = array<i64: 256, 1024>}, {transform_indices = @transform_2, window_bounds = array<i64: 256, 1024>}, {pipeline_mode = #tpu.pipeline_mode<synchronous>, transform_indices = @transform_3, window_bounds = array<i64: 1024, 1024>}, {pipeline_mode = #tpu.pipeline_mode<synchronous>, transform_indices = @transform_4, window_bounds = array<i64: 1, 1024>}, {pipeline_mode = #tpu.pipeline_mode<synchronous>, transform_indices = @transform_5, window_bounds = array<i64: 1, 1024>}, {pipeline_mode = #tpu.pipeline_mode<synchronous>, transform_indices = @transform_6, window_bounds = array<i64: 1024, 4096>}, {pipeline_mode = #tpu.pipeline_mode<synchronous>, transform_indices = @transform_7, window_bounds = array<i64: 1, 4096>}, {pipeline_mode = #tpu.pipeline_mode<synchronous>, transform_indices = @transform_8, window_bounds = array<i64: 4096, 1024>}, {pipeline_mode = #tpu.pipeline_mode<synchronous>, transform_indices = @transform_9, window_bounds = array<i64: 1, 1024>}, {transform_indices = @transform_10, window_bounds = array<i64: 256, 1024>}, {transform_indices = @transform_11, window_bounds = array<i64: 256, 1024>}]} {
    %get3A = arith.constant 0 : index
    %get3A_0 = arith.constant 0 : index
    %get3A_1 = vector.load %arg2[%get3A, %get3A_0] : memref<256x1024xf32, #tpu.memory_space<vmem>>, vector<256x1024xf32>
    %get3A_2 = arith.constant 0 : index
    %get3A_3 = arith.constant 0 : index
    %get3A_4 = vector.load %arg1[%get3A_2, %get3A_3] : memref<256x1024xf32, #tpu.memory_space<vmem>>, vector<256x1024xf32>
    %get3A_5 = arith.constant 0 : index
    %get3A_6 = arith.constant 0 : index
    %get3A_7 = vector.load %arg4[%get3A_5, %get3A_6] : memref<1024x1024xf32, #tpu.memory_space<vmem>>, vector<1024x1024xf32>
    %dot_general3A = arith.constant dense<0.000000e+00> : vector<256x1024xf32>
    %dot_general3A_8 = tpu.matmul %get3A_4, %get3A_7, %dot_general3A {dimension_numbers = #tpu.dot_dimension_numbers<[1], [0], [0], [1], [0, 0, 1, 1], [], []>, transpose_lhs_hint = false} : vector<256x1024xf32>, vector<1024x1024xf32>, vector<256x1024xf32> -> vector<256x1024xf32>
    %add3A = arith.addf %get3A_1, %dot_general3A_8 : vector<256x1024xf32>
    %swap3A = arith.constant 0 : index
    %swap3A_9 = arith.constant 0 : index
    %swap3A_10 = vector.load %arg11[%swap3A, %swap3A_9] : memref<256x1024xf32, #tpu.memory_space<vmem>>, vector<256x1024xf32>
    tpu.vector_store %arg11[%swap3A, %swap3A_9], %add3A {strides = array<i32>} : memref<256x1024xf32, #tpu.memory_space<vmem>>, vector<256x1024xf32>,
    %reduce_sum3A = arith.constant dense<0.000000e+00> : vector<256xf32>
    %reduce_sum3A_11 = vector.multi_reduction <add>, %add3A, %reduce_sum3A [1] : vector<256x1024xf32> to vector<256xf32>
    %broadcast_in_dim3A = vector.shape_cast %reduce_sum3A_11 : vector<256xf32> to vector<256x1xf32>
    %div3A = arith.constant 1.024000e+03 : f32
    %div3A_12 = vector.broadcast %div3A : f32 to vector<256x1xf32>
    %div3A_13 = arith.divf %broadcast_in_dim3A, %div3A_12 : vector<256x1xf32>
    %sub3A = vector.broadcast %div3A_13 : vector<256x1xf32> to vector<256x1024xf32>
    %sub3A_14 = arith.subf %add3A, %sub3A : vector<256x1024xf32>
    %mul3A = arith.mulf %sub3A_14, %sub3A_14 : vector<256x1024xf32>
    %reduce_sum3A_15 = arith.constant dense<0.000000e+00> : vector<256xf32>
    %reduce_sum3A_16 = vector.multi_reduction <add>, %mul3A, %reduce_sum3A_15 [1] : vector<256x1024xf32> to vector<256xf32>
    %broadcast_in_dim3A_17 = vector.shape_cast %reduce_sum3A_16 : vector<256xf32> to vector<256x1xf32>
    %div3A_18 = arith.constant 1.024000e+03 : f32
    %div3A_19 = vector.broadcast %div3A_18 : f32 to vector<256x1xf32>
    %div3A_20 = arith.divf %broadcast_in_dim3A_17, %div3A_19 : vector<256x1xf32>
    %add3A_21 = arith.constant 9.99999974E-6 : f32
    %add3A_22 = vector.broadcast %add3A_21 : f32 to vector<256x1xf32>
    %add3A_23 = arith.addf %div3A_20, %add3A_22 : vector<256x1xf32>
    %rsqrt3A = math.rsqrt %add3A_23 : vector<256x1xf32>
    %mul3A_24 = vector.broadcast %rsqrt3A : vector<256x1xf32> to vector<256x1024xf32>
    %mul3A_25 = arith.mulf %sub3A_14, %mul3A_24 : vector<256x1024xf32>
    %get3A_26 = arith.constant 0 : index
    %get3A_27 = arith.constant 0 : index
    %get3A_28 = vector.load %arg5[%get3A_26, %get3A_27] : memref<1x1024xf32, #tpu.memory_space<vmem>>, vector<1x1024xf32>
    %mul3A_29 = vector.broadcast %get3A_28 : vector<1x1024xf32> to vector<256x1024xf32>
    %mul3A_30 = arith.mulf %mul3A_25, %mul3A_29 : vector<256x1024xf32>
    %get3A_31 = arith.constant 0 : index
    %get3A_32 = arith.constant 0 : index
    %get3A_33 = vector.load %arg6[%get3A_31, %get3A_32] : memref<1x1024xf32, #tpu.memory_space<vmem>>, vector<1x1024xf32>
    %add3A_34 = vector.broadcast %get3A_33 : vector<1x1024xf32> to vector<256x1024xf32>
    %add3A_35 = arith.addf %mul3A_30, %add3A_34 : vector<256x1024xf32>
    %get3A_36 = arith.constant 0 : index
    %get3A_37 = arith.constant 0 : index
    %get3A_38 = vector.load %arg7[%get3A_36, %get3A_37] : memref<1024x4096xf32, #tpu.memory_space<vmem>>, vector<1024x4096xf32>
    %dot_general3A_39 = arith.constant dense<0.000000e+00> : vector<256x4096xf32>
    %dot_general3A_40 = tpu.matmul %add3A_35, %get3A_38, %dot_general3A_39 {dimension_numbers = #tpu.dot_dimension_numbers<[1], [0], [0], [1], [0, 0, 1, 1], [], []>, transpose_lhs_hint = false} : vector<256x1024xf32>, vector<1024x4096xf32>, vector<256x4096xf32> -> vector<256x4096xf32>
    %get3A_41 = arith.constant 0 : index
    %get3A_42 = arith.constant 0 : index
    %get3A_43 = vector.load %arg8[%get3A_41, %get3A_42] : memref<1x4096xf32, #tpu.memory_space<vmem>>, vector<1x4096xf32>
    %add3A_44 = vector.broadcast %get3A_43 : vector<1x4096xf32> to vector<256x4096xf32>
    %add3A_45 = arith.addf %dot_general3A_40, %add3A_44 : vector<256x4096xf32>
    %integer_pow3A = arith.mulf %add3A_45, %add3A_45 : vector<256x4096xf32>
    %integer_pow3A_46 = arith.mulf %add3A_45, %integer_pow3A : vector<256x4096xf32>
    %mul3A_47 = arith.constant 4.471500e-02 : f32
    %mul3A_48 = vector.broadcast %mul3A_47 : f32 to vector<256x4096xf32>
    %mul3A_49 = arith.mulf %mul3A_48, %integer_pow3A_46 : vector<256x4096xf32>
    %add3A_50 = arith.addf %add3A_45, %mul3A_49 : vector<256x4096xf32>
    %mul3A_51 = arith.constant 0.797884583 : f32
    %mul3A_52 = vector.broadcast %mul3A_51 : f32 to vector<256x4096xf32>
    %mul3A_53 = arith.mulf %mul3A_52, %add3A_50 : vector<256x4096xf32>
    %tanh3A = math.tanh %mul3A_53 : vector<256x4096xf32>
    %add3A_54 = arith.constant 1.000000e+00 : f32
    %add3A_55 = vector.broadcast %add3A_54 : f32 to vector<256x4096xf32>
    %add3A_56 = arith.addf %add3A_55, %tanh3A : vector<256x4096xf32>
    %mul3A_57 = arith.constant 5.000000e-01 : f32
    %mul3A_58 = vector.broadcast %mul3A_57 : f32 to vector<256x4096xf32>
    %mul3A_59 = arith.mulf %mul3A_58, %add3A_56 : vector<256x4096xf32>
    %mul3A_60 = arith.mulf %add3A_45, %mul3A_59 : vector<256x4096xf32>
    %get3A_61 = arith.constant 0 : index
    %get3A_62 = arith.constant 0 : index
    %get3A_63 = vector.load %arg3[%get3A_61, %get3A_62] : memref<256x1024xf32, #tpu.memory_space<vmem>>, vector<256x1024xf32>
    %get3A_64 = arith.constant 0 : index
    %get3A_65 = arith.constant 0 : index
    %get3A_66 = vector.load %arg9[%get3A_64, %get3A_65] : memref<4096x1024xf32, #tpu.memory_space<vmem>>, vector<4096x1024xf32>
    %dot_general3A_67 = arith.constant dense<0.000000e+00> : vector<256x1024xf32>
    %dot_general3A_68 = tpu.matmul %mul3A_60, %get3A_66, %dot_general3A_67 {dimension_numbers = #tpu.dot_dimension_numbers<[1], [0], [0], [1], [0, 0, 1, 1], [], []>, transpose_lhs_hint = false} : vector<256x4096xf32>, vector<4096x1024xf32>, vector<256x1024xf32> -> vector<256x1024xf32>
    %add3A_69 = arith.addf %get3A_63, %dot_general3A_68 : vector<256x1024xf32>
    %get3A_70 = arith.constant 0 : index
    %get3A_71 = arith.constant 0 : index
    %get3A_72 = vector.load %arg10[%get3A_70, %get3A_71] : memref<1x1024xf32, #tpu.memory_space<vmem>>, vector<1x1024xf32>
    %add3A_73 = vector.broadcast %get3A_72 : vector<1x1024xf32> to vector<256x1024xf32>
    %add3A_74 = arith.addf %add3A_69, %add3A_73 : vector<256x1024xf32>
    %swap3A_75 = arith.constant 0 : index
    %swap3A_76 = arith.constant 0 : index
    %swap3A_77 = vector.load %arg12[%swap3A_75, %swap3A_76] : memref<256x1024xf32, #tpu.memory_space<vmem>>, vector<256x1024xf32>
    tpu.vector_store %arg12[%swap3A_75, %swap3A_76], %add3A_74 {strides = array<i32>} : memref<256x1024xf32, #tpu.memory_space<vmem>>, vector<256x1024xf32>,
    return
  }
  func.func @transform_0(%arg0: i32) -> (i32, i32) {
    %c0_i32 = arith.constant 0 : i32
    %c0_i32_0 = arith.constant 0 : i32
    return %arg0, %c0_i32 : i32, i32
  }
  func.func @transform_1(%arg0: i32) -> (i32, i32) {
    %c0_i32 = arith.constant 0 : i32
    %c0_i32_0 = arith.constant 0 : i32
    return %arg0, %c0_i32 : i32, i32
  }
  func.func @transform_2(%arg0: i32) -> (i32, i32) {
    %c0_i32 = arith.constant 0 : i32
    %c0_i32_0 = arith.constant 0 : i32
    return %arg0, %c0_i32 : i32, i32
  }
  func.func @transform_3(%arg0: i32) -> (i32, i32) {
    %c0_i32 = arith.constant 0 : i32
    %c0_i32_0 = arith.constant 0 : i32
    %c0_i32_1 = arith.constant 0 : i32
    return %c0_i32, %c0_i32_0 : i32, i32
  }
  func.func @transform_4(%arg0: i32) -> (i32, i32) {
    %c0_i32 = arith.constant 0 : i32
    %c0_i32_0 = arith.constant 0 : i32
    %c0_i32_1 = arith.constant 0 : i32
    return %c0_i32, %c0_i32_0 : i32, i32
  }
  func.func @transform_5(%arg0: i32) -> (i32, i32) {
    %c0_i32 = arith.constant 0 : i32
    %c0_i32_0 = arith.constant 0 : i32
    %c0_i32_1 = arith.constant 0 : i32
    return %c0_i32, %c0_i32_0 : i32, i32
  }
  func.func @transform_6(%arg0: i32) -> (i32, i32) {
    %c0_i32 = arith.constant 0 : i32
    %c0_i32_0 = arith.constant 0 : i32
    %c0_i32_1 = arith.constant 0 : i32
    return %c0_i32, %c0_i32_0 : i32, i32
  }
  func.func @transform_7(%arg0: i32) -> (i32, i32) {
    %c0_i32 = arith.constant 0 : i32
    %c0_i32_0 = arith.constant 0 : i32
    %c0_i32_1 = arith.constant 0 : i32
    return %c0_i32, %c0_i32_0 : i32, i32
  }
  func.func @transform_8(%arg0: i32) -> (i32, i32) {
    %c0_i32 = arith.constant 0 : i32
    %c0_i32_0 = arith.constant 0 : i32
    %c0_i32_1 = arith.constant 0 : i32
    return %c0_i32, %c0_i32_0 : i32, i32
  }
  func.func @transform_9(%arg0: i32) -> (i32, i32) {
    %c0_i32 = arith.constant 0 : i32
    %c0_i32_0 = arith.constant 0 : i32
    %c0_i32_1 = arith.constant 0 : i32
    return %c0_i32, %c0_i32_0 : i32, i32
  }
  func.func @transform_10(%arg0: i32) -> (i32, i32) {
    %c0_i32 = arith.constant 0 : i32
    %c0_i32_0 = arith.constant 0 : i32
    return %arg0, %c0_i32 : i32, i32
  }
  func.func @transform_11(%arg0: i32) -> (i32, i32) {
    %c0_i32 = arith.constant 0 : i32
    %c0_i32_0 = arith.constant 0 : i32
    return %arg0, %c0_i32 : i32, i32
  }
}

</mosaic_0001>

<sc_bundles>
// kernel: kernel.17.cloned.1.call-start
scs
__scs_entry_jumppad:
0x0: {  	(pc) =	sbr.rel $0x88, $3  }
0x1: {  	(tag) =	ssettag $0x0;
	lr =	simm.s32 $0x1  }
0x2: {  	[smem:$0x3F94] =	sst lr;
	_ =	strace $0xD0000000  }
0x3: {  	_ = 	snop  }
0x4: {  	_ = 	snop  }
0x5: {  	_ = 	snop  }
0x6: {  	_ = 	snop  }
0x7: {  	_ = 	snop  }
__scs_overlays_trampoline_lowered:
0x8: {  	[smem:$0x3FA3] =	sst s0  }
0x9: {  	[smem:$0x3FA4] =	sst s1  }
0xa: {  	[smem:$0x3FA5] =	sst s2  }
0xb: {  	[smem:$0x3FA6] =	sst s3  }
0xc: {  	[smem:$0x3FA7] =	sst s4  }
0xd: {  	[smem:$0x3FA8] =	sst s5  }
0xe: {  	[smem:$0x3FA9] =	sst s6  }
0xf: {  	[smem:$0x3FAA] =	sst s7  }
0x10: {  	[smem:$0x3FAB] =	sst s8  }
0x11: {  	[smem:$0x3FAC] =	sst s9;
	s0 =	simm.s32 @!p0 $0x0  }
0x12: {  	s1 =	sld [smem:$0x3F92];
	s0 =	simm.s32 @p0 $0x1  }
0x13: {  	[smem:$0x3FAD] =	sst s0;
	s0 =	simm.s32 @!p1 $0x0  }
0x14: {  	s2 =	sld [smem:$0x3F91];
	s0 =	simm.s32 @p1 $0x1  }
0x15: {  	[smem:$0x3FAE] =	sst s0;
	s0 =	simm.s32 @!p2 $0x0  }
0x16: {  	s3 =	sld [smem:$0x3FDB];
	s0 =	simm.s32 @p2 $0x1  }
0x17: {  	s4 =	simm.s32 $0x1BF5;
	[smem:$0x3FB0] =	sst s0  }
0x18: {  	s0 =	sld [smem:$0x3F93];
	_ =	swait.ge [sflag:s4], $0x0  }
0x19: {  	s7 =	sld [smem:$0x3F94]  }
0x1a: {  	s8 =	sadd.s32 $0xFFFFE003, lr  }
0x1b: {  	s9 =	sadd.s32 $0xFFFFFEF7, lr;
	s5 =	simm.s32 $0xFFFFFFFF;
	p2 =	slt.u32 s8, $0xFFFFF086  }
0x1c: {  	p1 =	slt.u32 s9, $0xF7A;
	s5 =	simm.s32 @!p2 $0x0  }
0x1d: {  	s5 =	simm.s32 @p1 $0x1;
	p0 =	seq.s32 s7, s2  }
0x1e: {  	s7 =	smul.u32 @!p0 $0xF7A, s2;
	p2 =	seq.s32 @!p0 s5, $0x0  }
0x1f: {  	s9 =	smul.u32 $0xF7A, s1;
	s8 =	simm.s32 @!p0 $0x1BF5;
	p2 =	por !p2, p0  }
0x20: {  	[sflag:s8] =	ssyncset.s32 @!p0 $0xFFFFF086;
	s6 =	sadd.s32 @!p0 s3, s7;
	s7 =	simm.s32 @!p0 $0x108  }
0x21: {  	s3 =	sadd.s32 s3, s9;
	s6 =	sadd.s32 @!p0 $0x88, s6;
	s7 =	simm.s32 @p2 $0x1082  }
0x22: {  	[simem:s7], [sflag:s8] =	dma.local @!p0 [hbm:s6], $0xF7A  }
0x23: {  	s9 =	sor.u32 $0xD0000000, s2;
	s6 =	simm.s32 $0x108;
	_ =	swait.ge @!p0 [sflag:s8], $0x0  }
0x24: {  	s3 =	sadd.s32 $0x88, s3;
	s6 =	simm.s32 @!p1 $0x1082;
	[sflag:s4] =	ssyncset.s32 $0xFFFFF086  }
0x25: {  	[simem:s6], [sflag:s4] =	dma.local [hbm:s3], $0xF7A  }
0x26: {  	[smem:$0x3F94] =	sst s1;
	(tag) =	ssettag s2;
	_ =	strace s9  }
0x27: {  	s1 =	sld [smem:$0x3FA4]  }
0x28: {  	s2 =	sld [smem:$0x3FA5]  }
0x29: {  	s4 =	sld [smem:$0x3FA7]  }
0x2a: {  	p0 =	seq.s32 s5, $0x0;
	s5 =	sld [smem:$0x3FA8]  }
0x2b: {  	s6 =	sld [smem:$0x3FA9]  }
0x2c: {  	s7 =	sld [smem:$0x3FAA]  }
0x2d: {  	s3 =	simm.s32 $0x108;
	s8 =	sld [smem:$0x3FAB]  }
0x2e: {  	s3 =	simm.s32 @!p0 $0x1082;
	s9 =	sld [smem:$0x3FAC]  }
0x2f: {  	lr =	sadd.s32 s0, s3;
	s0 =	sld [smem:$0x3FA3]  }
0x30: {  	s3 =	sld [smem:$0x3FA6]  }
0x31: {  	[smem:$0x3FAF] =	sst s10  }
0x32: {  	s10 =	sld [smem:$0x3FAD];
	_ =	sdelay $0x3  }
0x33: {  	p0 =	seq.s32 s10, $0x1;
	s10 =	sld [smem:$0x3FAF];
	_ =	sdelay $0x3  }
0x34: {  	[smem:$0x3FAF] =	sst s10  }
0x35: {  	s10 =	sld [smem:$0x3FAE];
	_ =	sdelay $0x3  }
0x36: {  	p1 =	seq.s32 s10, $0x1;
	s10 =	sld [smem:$0x3FAF];
	_ =	sdelay $0x3  }
0x37: {  	[smem:$0x3FAF] =	sst s10  }
0x38: {  	s10 =	sld [smem:$0x3FB0]  }
0x39: {  	_ = 	snop;
	(pc) =	sbr.ind lr, $3  }
0x3a: {  	_ = 	snop  }
0x3b: {  	_ = 	snop  }
0x3c: {  	p2 =	seq.s32 s10, $0x1;
	s10 =	sld [smem:$0x3FAF]  }
0x3d: {  	_ =	shalt  }
0x3e: {  	_ =	shalt  }
0x3f: {  	_ =	shalt  }
0x40: {  	_ =	shalt  }
0x41: {  	_ =	shalt  }
0x42: {  	_ =	shalt  }
0x43: {  	_ =	shalt  }
0x44: {  	_ =	shalt  }
0x45: {  	_ =	shalt  }
0x46: {  	_ =	shalt  }
0x47: {  	_ =	shalt  }
0x48: {  	_ =	shalt  }
0x49: {  	_ =	shalt  }
0x4a: {  	_ =	shalt  }
0x4b: {  	_ =	shalt  }
0x4c: {  	_ =	shalt  }
0x4d: {  	_ =	shalt  }
0x4e: {  	_ =	shalt  }
0x4f: {  	_ =	shalt  }
0x50: {  	_ =	shalt  }
0x51: {  	_ =	shalt  }
0x52: {  	_ =	shalt  }
0x53: {  	_ =	shalt  }
0x54: {  	_ =	shalt  }
0x55: {  	_ =	shalt  }
0x56: {  	_ =	shalt  }
0x57: {  	_ =	shalt  }
0x58: {  	_ =	shalt  }
0x59: {  	_ =	shalt  }
0x5a: {  	_ =	shalt  }
0x5b: {  	_ =	shalt  }
0x5c: {  	_ =	shalt  }
0x5d: {  	_ =	shalt  }
0x5e: {  	_ =	shalt  }
0x5f: {  	_ =	shalt  }
0x60: {  	_ =	shalt  }
0x61: {  	_ =	shalt  }
0x62: {  	_ =	shalt  }
0x63: {  	_ =	shalt  }
0x64: {  	_ =	shalt  }
0x65: {  	_ =	shalt  }
0x66: {  	_ =	shalt  }
0x67: {  	_ =	shalt  }
0x68: {  	_ =	shalt  }
0x69: {  	_ =	shalt  }
0x6a: {  	_ =	shalt  }
0x6b: {  	_ =	shalt  }
0x6c: {  	_ =	shalt  }
0x6d: {  	_ =	shalt  }
0x6e: {  	_ =	shalt  }
0x6f: {  	_ =	shalt  }
0x70: {  	_ =	shalt  }
0x71: {  	_ =	shalt  }
0x72: {  	_ =	shalt  }
0x73: {  	_ =	shalt  }
0x74: {  	_ =	shalt  }
0x75: {  	_ =	shalt  }
0x76: {  	_ =	shalt  }
0x77: {  	_ =	shalt  }
0x78: {  	_ =	shalt  }
0x79: {  	_ =	shalt  }
0x7a: {  	_ =	shalt  }
0x7b: {  	_ =	shalt  }
0x7c: {  	_ =	shalt  }
0x7d: {  	_ =	shalt  }
0x7e: {  	_ =	shalt  }
0x7f: {  	_ =	shalt  }
0x80: {  	_ =	shalt  }
0x81: {  	_ =	shalt  }
0x82: {  	_ =	shalt  }
0x83: {  	_ =	shalt  }
0x84: {  	_ =	shalt  }
0x85: {  	_ =	shalt  }
0x86: {  	_ =	shalt  }
0x87: {  	_ =	shalt  }
.Lfunc_end0:
.L_simem_size_0:
called_computation.5_lowered:
.L_overlay_start_0:
0x88: {  	s2 =	sld [smem:$0x3FD9]  }
0x89: {  	s3 =	sld [smem:$0x3FFE];
	_ =	sdelay $0x1  }
0x8a: {  	s1 =	srdreg.scid  }
0x8b: {  	s0 =	sand.u32 $0x1, s1  }
0x8c: {  	s17 =	sshll.u32 s0, $0xA;
	s2 =	sadd.s32 s3, s2  }
0x8d: {  	s2 =	sadd.s32 s2, s17  }
0x8e: {  	[smem:$0x3FBB] =	sst s2  }
0x8f: {  	_ = 	snop  }
0x90: {  	(tm) =	ssettm $0x1  }
0x91: {  	s18 =	sld [smem:$0x3FFB];
	_ =	sdelay $0x3  }
0x92: {  	_ =	strace s18  }
0x93: {  	s2 =	sld [smem:$0x3FFC];
	_ =	sdelay $0x3  }
0x94: {  	_ =	strace s2  }
0x95: {  	s2 =	sld [smem:$0x3FFD];
	_ =	sdelay $0x3  }
0x96: {  	_ =	strace s2  }
0x97: {  	_ =	strace $0x8FFFFFFF  }
0x98: {  	s19 =	sld [smem:$0x3FDB];
	_ =	sdelay $0x1  }
0x99: {  	s20 =	simm.s32 $_scs_section_size  }
0x9a: {  	s4 =	simm.s32 $_size__tile_overlayer_lowered;
	s5 =	simm.s32 $_tile_overlayer_lowered  }
0x9b: {  	s6 =	simm.s32 $0x1BFF;
	s21 =	sshll.u32 s5, $0x1;
	s3 =	sadd.s32 s20, s19  }
0x9c: {  	s22 =	simm.s32 $0x0;
	s4 =	sshll.u32 s4, $0x1;
	s5 =	sadd.s32 s21, s3  }
0x9d: {  	[timem:s22], [sflag:s6] =	dma.local [hbm:s5], s4  }
0x9e: {  	_ =	swait.ge [sflag:s6], s4  }
0x9f: {  	s4 =	ssub.s32 $0x0, s4;
	[sflag:s6] =	ssyncset.done $0x0  }
0xa0: {  	[sflag:s6] =	ssyncadd.s32 s4;
	_ =	sdelay $0x1  }
0xa1: {  	s23 =	simm.s32 $0x1B8B  }
0xa2: {  	_ =	swait.ge [sflag:s23], $0x1  }
0xa3: {  	[sflag:s23] =	ssyncset.done $0x0  }
0xa4: {  	[sflag:s23] =	ssyncadd.s32 $0xFFFFFFFF  }
0xa5: {  	s4 =	sld [smem:$0x0]  }
0xa6: {  	s5 =	sand.u32 $0xFFFFFFFE, s1  }
0xa7: {  	p0 =	sne.s32 s1, s5  }
0xa8: {  	s5 =	sshll.u32 @p0 s5, $0xE  }
0xa9: {  	s5 =	sadd.s32 @p0 $0x11B8D, s5;
	s6 =	sshll.u32 @p0 s4, $0x11  }
0xaa: {  	s5 =	sor.u32 @p0 s6, s5  }
0xab: {  	[sflag:s5] =	ssyncadd.remote.s32 @p0 $0x1;
	_ =	sdelay $0x1  }
0xac: {  	s5 =	simm.s32 @p0 $0x1B8D  }
0xad: {  	_ =	swait.eq @p0 [sflag:s5], $0x1  }
0xae: {  	[sflag:s5] =	ssyncadd.s32 @p0 $0xFFFFFFFF  }
0xaf: {  	s6 =	sshll.u32 @!p0 s1, $0xE  }
0xb0: {  	s6 =	sor.u32 @!p0 $0x4000, s6;
	s5 =	simm.s32 @!p0 $0x1B8D  }
0xb1: {  	s4 =	sshll.u32 @!p0 s4, $0x11;
	s6 =	sadd.s32 @!p0 $0x11B8D, s6;
	_ =	swait.eq @!p0 [sflag:s5], $0x1  }
0xb2: {  	s4 =	sor.u32 @!p0 s4, s6;
	[sflag:s5] =	ssyncadd.s32 @!p0 $0xFFFFFFFF  }
0xb3: {  	s25 =	simm.s32 $0x1B8E;
	s24 =	sld [smem:$0x3FFE];
	[sflag:s4] =	ssyncadd.remote.s32 @!p0 $0x1  }
0xb4: {  	s26 =	simm.s32 $execute0_lowered;
	[smem:$0x3FD2] =	sst s25  }
0xb5: {  	s5 =	sshll.u32 s26, $0x1;
	_ =	strace $0x8000004F;
	[dreg:$0x1] =	wrdreg $0xFFFFFFFF  }
0xb6: {  	s28 =	simm.s32 $_size_execute0_lowered;
	s3 =	sadd.s32 s3, s5;
	[dreg:$0x0] =	wrdreg $0x0  }
0xb7: {  	s5 =	sshll.u32 s28, $0x1;
	[dreg:$0x2] =	wrdreg s3  }
0xb8: {  	[dreg:$0x3] =	wrdreg s5  }
0xb9: {  	[dreg:$0x4] =	wrdreg $0xC0  }
0xba: {  	_ =	task [dreg:s22], $0x5FFFF  }
0xbb: {  	[dreg:$0x1] =	wrdreg $0xFFFFFFFF  }
0xbc: {  	[dreg:$0x0] =	wrdreg $0x60  }
0xbd: {  	[dreg:$0x2] =	wrdreg s24  }
0xbe: {  	[dreg:$0x3] =	wrdreg $0x9  }
0xbf: {  	_ =	task.clear_ibuf [dreg:s22], $0x4FFFF;
	_ =	strace $0x9000004F  }
0xc0: {  	s29 =	simm.s32 $0x9;
	_ =	strace $0x80000051  }
0xc1: {  	_ =	swait.ge [sflag:s29], $0x1  }
0xc2: {  	[sflag:s29] =	ssyncadd.s32 $0xFFFFFFFF  }
0xc3: {  	_ =	strace $0x90000051  }
0xc4: {  	_ =	sfence  }
0xc5: {  	s30 =	sld [smem:$0x0];
	_ =	sdelay $0x2  }
0xc6: {  	s31 =	sshll.u32 s1, $0xD;
	s1 =	sshrl.u32 s1, $0x2  }
0xc7: {  	s4 =	sand.u32 $0x4000, s31;
	s1 =	sadd.s32 s1, s30  }
0xc8: {  	s0 =	sor.u32 s4, s0;
	s1 =	sshll.u32 s1, $0x11  }
0xc9: {  	s0 =	sor.u32 s1, s0  }
0xca: {  	s0 =	sadd.s32 $0x8F2B, s0  }
0xcb: {  	[sflag:s0] =	ssyncadd.remote.s32 $0x1  }
0xcc: {  	_ =	sfence.sel $0xFFFF  }
0xcd: {  	[dreg:$0x0] =	wrdreg $0xFFFFFFFF;
	(pc) =	sbr.abs _section_cstart, $3  }
0xce: {  	[dreg:$0x1] =	wrdreg $0xFFFFFFFF  }
0xcf: {  	_ =	task.clear_ibuf [dreg:s22], $0x2FFFF;
	_ =	strace $0x9FFFFFFF  }
0xd0: {  	(tm) =	ssettm $0x7FFFFFFF  }
0xd1: {  	_ =	shalt  }
tec
execute0_lowered:
.L_overlay_start_1:
0x0: {  	(tag) =	ssettag $0x1  }
0x1: {  	s3 =	rddreg [dreg:$0x0]  }
0x2: {  	s0 =	rddreg [dreg:$0x1];
	s2 =	simm.s32 $0x0;
	s4 =	srdreg.scid  }
0x3: {  	s1 =	stileid.u32;
	s9 =	simm.s32 $0x1;
	s10 =	simm.s32 $0x0  }
0x4: {  	[smem:$0x7FF] =	sst s2;
	s4 =	sand.u32 $0x1, s4;
	s5 =	sshll.u32 s1, $0xD  }
0x5: {  	s7 =	sshll.u32 s1, $0x11;
	_ =	strace $0x80000050;
	s6 =	sshll.u32 s4, $0xC  }
0x6: {  	s29 =	ssub.s32 $0x2, s4;
	s7 =	sadd.s32 s7, s3;
	s30 =	sshll.u32 s4, $0x10  }
0x7: {  	s5 =	sor.u32 s6, s5;
	s8 =	sshrl.u32 s29, $0x1;
	s31 =	sadd.s32 s30, s7  }
0x8: {  	s7 =	simm.s32 $0x80;
	s5 =	sshrl.u32 s5, $0x3;
	s6 =	ssub.s32 s29, s8  }
0x9: {  	s8 =	simm.s32 $0x2;
	s5 =	sadd.s32 s5, s3;
	s3 =	sadd.s32 $0xA06400, s3  }
0xa: {  	s4 =	smax.u32 s6, $0x1;
	s6 =	sadd.s32 $0x406400, s31;
	s5 =	sadd.s32 $0xAC00, s5  }
.LBB2_1:
0xb: {  	[tilespmem:s7], [sflag:$0x2] =	stream.linear.gather [hbm4b:s6+s2], $0x4000, $0x38;
	[tilespmem:$0x4080] =	vst v63  }
0xc: {  	_ =	swait.ge [sflag:s8], $0x4000  }
0xd: {  	[sflag:s8] =	ssyncset.done $0x0  }
0xe: {  	s11 =	sadd.s32 $0x0, s5;
	[sflag:s8] =	ssyncadd.s32 $0xFFFFC000  }
0xf: {  	[tilespmem:s2], [sflag:$0x2] =	stream.linear.gather [hbm4b:s11+s2], $0x80, $0x38;
	[tilespmem:$0x4080] =	vst v63  }
0x10: {  	_ =	swait.ge [sflag:s8], $0x80  }
0x11: {  	[sflag:s8] =	ssyncset.done $0x0  }
0x12: {  	[sflag:s8] =	ssyncadd.s32 $0xFFFFFF80  }
0x13: {  	[hbm4b:s3+s7] =	stream.indirect.scatter [tilespmem:s7], [sflag:$0x1], $0x80, s2, s7, $0xb8;
	[tilespmem:$0x4080] =	vst v63  }
0x14: {  	_ =	swait.ge [sflag:s9], $0x4000  }
0x15: {  	s12 =	smov.u32 s6;
	s11 =	simm.s32 $0x10;
	[sflag:s9] =	ssyncset.done $0x0  }
.LBB2_2:
0x16: {  	p0 =	sne.s32 s11, $0x1F0;
	[sflag:s9] =	ssyncadd.s32 $0xFFFFC000;
	s12 =	sadd.s32 $0x800, s12  }
0x17: {  	[tilespmem:s7], [sflag:$0x2] =	stream.linear.gather [hbm4b:s12+s2], $0x4000, $0x38;
	[tilespmem:$0x4080] =	vst v63  }
0x18: {  	s13 =	smov.u32 s11;
	s11 =	sadd.s32 $0x10, s11;
	_ =	swait.ge [sflag:s8], $0x4000  }
0x19: {  	[sflag:s8] =	ssyncset.done $0x0  }
0x1a: {  	s13 =	sadd.s32 s13, s5;
	[sflag:s8] =	ssyncadd.s32 $0xFFFFC000  }
0x1b: {  	[tilespmem:s2], [sflag:$0x2] =	stream.linear.gather [hbm4b:s13+s2], $0x80, $0x38;
	[tilespmem:$0x4080] =	vst v63  }
0x1c: {  	_ =	swait.ge [sflag:s8], $0x80  }
.Ltmp0:
0x1d: {  	[sflag:s8] =	ssyncset.done $0x0;
	(pc) =	sbr.rel @p0 .LBB2_2-.Ltmp0, $4  }
0x1e: {  	[sflag:s8] =	ssyncadd.s32 $0xFFFFFF80  }
0x1f: {  	[hbm4b:s3+s7] =	stream.indirect.scatter [tilespmem:s7], [sflag:$0x1], $0x80, s2, s7, $0xb8;
	[tilespmem:$0x4080] =	vst v63  }
0x20: {  	_ =	swait.ge [sflag:s9], $0x4000  }
0x21: {  	[sflag:s9] =	ssyncset.done $0x0  }
0x22: {  	s10 =	sadd.s32 $0x1, s10  }
0x23: {  	p0 =	sne.s32 s10, s4  }
.Ltmp1:
0x24: {  	_ = 	snop;
	(pc) =	sbr.rel @p0 .LBB2_1-.Ltmp1, $2  }
0x25: {  	_ =	sdelay $0x2  }
0x26: {  	[sflag:s9] =	ssyncadd.s32 $0xFFFFC000  }
0x27: {  	_ =	sfence.sel $0x180000  }
0x28: {  	[bflag:$0x0] =	sbarrier.arrive $0xFFFF  }
0x29: {  	p0 =	sne.s32 s1, $0x0;
	_ =	strace $0x90000050  }
0x2a: {  	s0 =	sadd.s32 @!p0 $0x100000, s0;
	[bflag:$0x2] =	sbarrier.arrive $0xFFFF  }
0x2b: {  	[sflag:s0] =	ssyncadd.tile.s32 @!p0 $0x1;
	_ =	shalt  }
.Lfunc_end2:
_tile_overlayer_lowered:
.L_overlay_start_2:
0x2c: {  	(tag) =	ssettag $0x2  }
0x2d: {  	s0 =	rddreg [dreg:$0x0];
	s2 =	stileid.u32  }
0x2e: {  	s1 =	rddreg [dreg:$0x1];
	p0 =	sne.s32 s2, $0x0  }
0x2f: {  	s3 =	rddreg [dreg:$0x2];
	[bflag:$0x3] =	sbarrier.arrive $0xFFFF;
	s2 =	simm.s32 @!p0 $0x1C02  }
0x30: {  	[timem:s3], [sflag:s2] =	dma.local @!p0 [hbm:s0], s1  }
0x31: {  	s0 =	simm.s32 @!p0 $0x2  }
0x32: {  	_ =	swait.ge @!p0 [sflag:s0], s1  }
0x33: {  	s1 =	ssub.s32 @!p0 $0x0, s1;
	[sflag:s0] =	ssyncset.done @!p0 $0x0  }
0x34: {  	[sflag:s0] =	ssyncadd.s32 @!p0 s1  }
0x35: {  	[bflag:$0x3] =	sbarrier.arrive $0xFFFF  }
0x36: {  	_ =	shalt  }

// kernel: kernel.20.cloned.1.call-start
scs
__scs_entry_jumppad:
0x0: {  	(pc) =	sbr.rel $0x88, $3  }
0x1: {  	(tag) =	ssettag $0x0;
	lr =	simm.s32 $0x1  }
0x2: {  	[smem:$0x3F94] =	sst lr;
	_ =	strace $0xD0000000  }
0x3: {  	_ = 	snop  }
0x4: {  	_ = 	snop  }
0x5: {  	_ = 	snop  }
0x6: {  	_ = 	snop  }
0x7: {  	_ = 	snop  }
__scs_overlays_trampoline_lowered:
0x8: {  	[smem:$0x3FA3] =	sst s0  }
0x9: {  	[smem:$0x3FA4] =	sst s1  }
0xa: {  	[smem:$0x3FA5] =	sst s2  }
0xb: {  	[smem:$0x3FA6] =	sst s3  }
0xc: {  	[smem:$0x3FA7] =	sst s4  }
0xd: {  	[smem:$0x3FA8] =	sst s5  }
0xe: {  	[smem:$0x3FA9] =	sst s6  }
0xf: {  	[smem:$0x3FAA] =	sst s7  }
0x10: {  	[smem:$0x3FAB] =	sst s8  }
0x11: {  	[smem:$0x3FAC] =	sst s9;
	s0 =	simm.s32 @!p0 $0x0  }
0x12: {  	s1 =	sld [smem:$0x3F92];
	s0 =	simm.s32 @p0 $0x1  }
0x13: {  	[smem:$0x3FAD] =	sst s0;
	s0 =	simm.s32 @!p1 $0x0  }
0x14: {  	s2 =	sld [smem:$0x3F91];
	s0 =	simm.s32 @p1 $0x1  }
0x15: {  	[smem:$0x3FAE] =	sst s0;
	s0 =	simm.s32 @!p2 $0x0  }
0x16: {  	s3 =	sld [smem:$0x3FDB];
	s0 =	simm.s32 @p2 $0x1  }
0x17: {  	s4 =	simm.s32 $0x1BF5;
	[smem:$0x3FB0] =	sst s0  }
0x18: {  	s0 =	sld [smem:$0x3F93];
	_ =	swait.ge [sflag:s4], $0x0  }
0x19: {  	s7 =	sld [smem:$0x3F94]  }
0x1a: {  	s8 =	sadd.s32 $0xFFFFE003, lr  }
0x1b: {  	s9 =	sadd.s32 $0xFFFFFEF7, lr;
	s5 =	simm.s32 $0xFFFFFFFF;
	p2 =	slt.u32 s8, $0xFFFFF086  }
0x1c: {  	p1 =	slt.u32 s9, $0xF7A;
	s5 =	simm.s32 @!p2 $0x0  }
0x1d: {  	s5 =	simm.s32 @p1 $0x1;
	p0 =	seq.s32 s7, s2  }
0x1e: {  	s7 =	smul.u32 @!p0 $0xF7A, s2;
	p2 =	seq.s32 @!p0 s5, $0x0  }
0x1f: {  	s9 =	smul.u32 $0xF7A, s1;
	s8 =	simm.s32 @!p0 $0x1BF5;
	p2 =	por !p2, p0  }
0x20: {  	[sflag:s8] =	ssyncset.s32 @!p0 $0xFFFFF086;
	s6 =	sadd.s32 @!p0 s3, s7;
	s7 =	simm.s32 @!p0 $0x108  }
0x21: {  	s3 =	sadd.s32 s3, s9;
	s6 =	sadd.s32 @!p0 $0x88, s6;
	s7 =	simm.s32 @p2 $0x1082  }
0x22: {  	[simem:s7], [sflag:s8] =	dma.local @!p0 [hbm:s6], $0xF7A  }
0x23: {  	s9 =	sor.u32 $0xD0000000, s2;
	s6 =	simm.s32 $0x108;
	_ =	swait.ge @!p0 [sflag:s8], $0x0  }
0x24: {  	s3 =	sadd.s32 $0x88, s3;
	s6 =	simm.s32 @!p1 $0x1082;
	[sflag:s4] =	ssyncset.s32 $0xFFFFF086  }
0x25: {  	[simem:s6], [sflag:s4] =	dma.local [hbm:s3], $0xF7A  }
0x26: {  	[smem:$0x3F94] =	sst s1;
	(tag) =	ssettag s2;
	_ =	strace s9  }
0x27: {  	s1 =	sld [smem:$0x3FA4]  }
0x28: {  	s2 =	sld [smem:$0x3FA5]  }
0x29: {  	s4 =	sld [smem:$0x3FA7]  }
0x2a: {  	p0 =	seq.s32 s5, $0x0;
	s5 =	sld [smem:$0x3FA8]  }
0x2b: {  	s6 =	sld [smem:$0x3FA9]  }
0x2c: {  	s7 =	sld [smem:$0x3FAA]  }
0x2d: {  	s3 =	simm.s32 $0x108;
	s8 =	sld [smem:$0x3FAB]  }
0x2e: {  	s3 =	simm.s32 @!p0 $0x1082;
	s9 =	sld [smem:$0x3FAC]  }
0x2f: {  	lr =	sadd.s32 s0, s3;
	s0 =	sld [smem:$0x3FA3]  }
0x30: {  	s3 =	sld [smem:$0x3FA6]  }
0x31: {  	[smem:$0x3FAF] =	sst s10  }
0x32: {  	s10 =	sld [smem:$0x3FAD];
	_ =	sdelay $0x3  }
0x33: {  	p0 =	seq.s32 s10, $0x1;
	s10 =	sld [smem:$0x3FAF];
	_ =	sdelay $0x3  }
0x34: {  	[smem:$0x3FAF] =	sst s10  }
0x35: {  	s10 =	sld [smem:$0x3FAE];
	_ =	sdelay $0x3  }
0x36: {  	p1 =	seq.s32 s10, $0x1;
	s10 =	sld [smem:$0x3FAF];
	_ =	sdelay $0x3  }
0x37: {  	[smem:$0x3FAF] =	sst s10  }
0x38: {  	s10 =	sld [smem:$0x3FB0]  }
0x39: {  	_ = 	snop;
	(pc) =	sbr.ind lr, $3  }
0x3a: {  	_ = 	snop  }
0x3b: {  	_ = 	snop  }
0x3c: {  	p2 =	seq.s32 s10, $0x1;
	s10 =	sld [smem:$0x3FAF]  }
0x3d: {  	_ =	shalt  }
0x3e: {  	_ =	shalt  }
0x3f: {  	_ =	shalt  }
0x40: {  	_ =	shalt  }
0x41: {  	_ =	shalt  }
0x42: {  	_ =	shalt  }
0x43: {  	_ =	shalt  }
0x44: {  	_ =	shalt  }
0x45: {  	_ =	shalt  }
0x46: {  	_ =	shalt  }
0x47: {  	_ =	shalt  }
0x48: {  	_ =	shalt  }
0x49: {  	_ =	shalt  }
0x4a: {  	_ =	shalt  }
0x4b: {  	_ =	shalt  }
0x4c: {  	_ =	shalt  }
0x4d: {  	_ =	shalt  }
0x4e: {  	_ =	shalt  }
0x4f: {  	_ =	shalt  }
0x50: {  	_ =	shalt  }
0x51: {  	_ =	shalt  }
0x52: {  	_ =	shalt  }
0x53: {  	_ =	shalt  }
0x54: {  	_ =	shalt  }
0x55: {  	_ =	shalt  }
0x56: {  	_ =	shalt  }
0x57: {  	_ =	shalt  }
0x58: {  	_ =	shalt  }
0x59: {  	_ =	shalt  }
0x5a: {  	_ =	shalt  }
0x5b: {  	_ =	shalt  }
0x5c: {  	_ =	shalt  }
0x5d: {  	_ =	shalt  }
0x5e: {  	_ =	shalt  }
0x5f: {  	_ =	shalt  }
0x60: {  	_ =	shalt  }
0x61: {  	_ =	shalt  }
0x62: {  	_ =	shalt  }
0x63: {  	_ =	shalt  }
0x64: {  	_ =	shalt  }
0x65: {  	_ =	shalt  }
0x66: {  	_ =	shalt  }
0x67: {  	_ =	shalt  }
0x68: {  	_ =	shalt  }
0x69: {  	_ =	shalt  }
0x6a: {  	_ =	shalt  }
0x6b: {  	_ =	shalt  }
0x6c: {  	_ =	shalt  }
0x6d: {  	_ =	shalt  }
0x6e: {  	_ =	shalt  }
0x6f: {  	_ =	shalt  }
0x70: {  	_ =	shalt  }
0x71: {  	_ =	shalt  }
0x72: {  	_ =	shalt  }
0x73: {  	_ =	shalt  }
0x74: {  	_ =	shalt  }
0x75: {  	_ =	shalt  }
0x76: {  	_ =	shalt  }
0x77: {  	_ =	shalt  }
0x78: {  	_ =	shalt  }
0x79: {  	_ =	shalt  }
0x7a: {  	_ =	shalt  }
0x7b: {  	_ =	shalt  }
0x7c: {  	_ =	shalt  }
0x7d: {  	_ =	shalt  }
0x7e: {  	_ =	shalt  }
0x7f: {  	_ =	shalt  }
0x80: {  	_ =	shalt  }
0x81: {  	_ =	shalt  }
0x82: {  	_ =	shalt  }
0x83: {  	_ =	shalt  }
0x84: {  	_ =	shalt  }
0x85: {  	_ =	shalt  }
0x86: {  	_ =	shalt  }
0x87: {  	_ =	shalt  }
.Lfunc_end0:
.L_simem_size_0:
called_computation.6_lowered:
.L_overlay_start_0:
0x88: {  	s2 =	sld [smem:$0x3FD9]  }
0x89: {  	s3 =	sld [smem:$0x3FFE];
	_ =	sdelay $0x1  }
0x8a: {  	s1 =	srdreg.scid  }
0x8b: {  	s0 =	sand.u32 $0x1, s1  }
0x8c: {  	s17 =	sshll.u32 s0, $0xA;
	s2 =	sadd.s32 s3, s2  }
0x8d: {  	s2 =	sadd.s32 s2, s17  }
0x8e: {  	[smem:$0x3FBB] =	sst s2  }
0x8f: {  	_ = 	snop  }
0x90: {  	(tm) =	ssettm $0x1  }
0x91: {  	s18 =	sld [smem:$0x3FFB];
	_ =	sdelay $0x3  }
0x92: {  	_ =	strace s18  }
0x93: {  	s2 =	sld [smem:$0x3FFC];
	_ =	sdelay $0x3  }
0x94: {  	_ =	strace s2  }
0x95: {  	s2 =	sld [smem:$0x3FFD];
	_ =	sdelay $0x3  }
0x96: {  	_ =	strace s2  }
0x97: {  	_ =	strace $0x8FFFFFFF  }
0x98: {  	s19 =	sld [smem:$0x3FDB];
	_ =	sdelay $0x1  }
0x99: {  	s20 =	simm.s32 $_scs_section_size  }
0x9a: {  	s4 =	simm.s32 $_size__tile_overlayer_lowered;
	s5 =	simm.s32 $_tile_overlayer_lowered  }
0x9b: {  	s6 =	simm.s32 $0x1BFF;
	s21 =	sshll.u32 s5, $0x1;
	s3 =	sadd.s32 s20, s19  }
0x9c: {  	s22 =	simm.s32 $0x0;
	s4 =	sshll.u32 s4, $0x1;
	s5 =	sadd.s32 s21, s3  }
0x9d: {  	[timem:s22], [sflag:s6] =	dma.local [hbm:s5], s4  }
0x9e: {  	_ =	swait.ge [sflag:s6], s4  }
0x9f: {  	s4 =	ssub.s32 $0x0, s4;
	[sflag:s6] =	ssyncset.done $0x0  }
0xa0: {  	[sflag:s6] =	ssyncadd.s32 s4;
	_ =	sdelay $0x1  }
0xa1: {  	s23 =	simm.s32 $0x1B8B  }
0xa2: {  	_ =	swait.ge [sflag:s23], $0x1  }
0xa3: {  	[sflag:s23] =	ssyncset.done $0x0  }
0xa4: {  	[sflag:s23] =	ssyncadd.s32 $0xFFFFFFFF  }
0xa5: {  	s4 =	sld [smem:$0x0]  }
0xa6: {  	s5 =	sand.u32 $0xFFFFFFFE, s1  }
0xa7: {  	p0 =	sne.s32 s1, s5  }
0xa8: {  	s5 =	sshll.u32 @p0 s5, $0xE  }
0xa9: {  	s5 =	sadd.s32 @p0 $0x11B8D, s5;
	s6 =	sshll.u32 @p0 s4, $0x11  }
0xaa: {  	s5 =	sor.u32 @p0 s6, s5  }
0xab: {  	[sflag:s5] =	ssyncadd.remote.s32 @p0 $0x1;
	_ =	sdelay $0x1  }
0xac: {  	s5 =	simm.s32 @p0 $0x1B8D  }
0xad: {  	_ =	swait.eq @p0 [sflag:s5], $0x1  }
0xae: {  	[sflag:s5] =	ssyncadd.s32 @p0 $0xFFFFFFFF  }
0xaf: {  	s6 =	sshll.u32 @!p0 s1, $0xE  }
0xb0: {  	s6 =	sor.u32 @!p0 $0x4000, s6;
	s5 =	simm.s32 @!p0 $0x1B8D  }
0xb1: {  	s4 =	sshll.u32 @!p0 s4, $0x11;
	s6 =	sadd.s32 @!p0 $0x11B8D, s6;
	_ =	swait.eq @!p0 [sflag:s5], $0x1  }
0xb2: {  	s4 =	sor.u32 @!p0 s4, s6;
	[sflag:s5] =	ssyncadd.s32 @!p0 $0xFFFFFFFF  }
0xb3: {  	s25 =	simm.s32 $0x1B8E;
	s24 =	sld [smem:$0x3FFE];
	[sflag:s4] =	ssyncadd.remote.s32 @!p0 $0x1  }
0xb4: {  	s26 =	simm.s32 $execute0_lowered;
	[smem:$0x3FD2] =	sst s25  }
0xb5: {  	s5 =	sshll.u32 s26, $0x1;
	_ =	strace $0x8000005B;
	[dreg:$0x1] =	wrdreg $0xFFFFFFFF  }
0xb6: {  	s28 =	simm.s32 $_size_execute0_lowered;
	s3 =	sadd.s32 s3, s5;
	[dreg:$0x0] =	wrdreg $0x0  }
0xb7: {  	s5 =	sshll.u32 s28, $0x1;
	[dreg:$0x2] =	wrdreg s3  }
0xb8: {  	[dreg:$0x3] =	wrdreg s5  }
0xb9: {  	[dreg:$0x4] =	wrdreg $0xC0  }
0xba: {  	_ =	task [dreg:s22], $0x5FFFF  }
0xbb: {  	[dreg:$0x1] =	wrdreg $0xFFFFFFFF  }
0xbc: {  	[dreg:$0x0] =	wrdreg $0x60  }
0xbd: {  	[dreg:$0x2] =	wrdreg s24  }
0xbe: {  	[dreg:$0x3] =	wrdreg $0xA  }
0xbf: {  	_ =	task.clear_ibuf [dreg:s22], $0x4FFFF;
	_ =	strace $0x9000005B  }
0xc0: {  	s29 =	simm.s32 $0xA;
	_ =	strace $0x8000005D  }
0xc1: {  	_ =	swait.ge [sflag:s29], $0x1  }
0xc2: {  	[sflag:s29] =	ssyncadd.s32 $0xFFFFFFFF  }
0xc3: {  	_ =	strace $0x9000005D  }
0xc4: {  	_ =	sfence  }
0xc5: {  	s30 =	sld [smem:$0x0];
	_ =	sdelay $0x2  }
0xc6: {  	s31 =	sshll.u32 s1, $0xD;
	s1 =	sshrl.u32 s1, $0x2  }
0xc7: {  	s4 =	sand.u32 $0x4000, s31;
	s1 =	sadd.s32 s1, s30  }
0xc8: {  	s0 =	sor.u32 s4, s0;
	s1 =	sshll.u32 s1, $0x11  }
0xc9: {  	s0 =	sor.u32 s1, s0  }
0xca: {  	s0 =	sadd.s32 $0x8F2B, s0  }
0xcb: {  	[sflag:s0] =	ssyncadd.remote.s32 $0x1  }
0xcc: {  	_ =	sfence.sel $0xFFFF  }
0xcd: {  	[dreg:$0x0] =	wrdreg $0xFFFFFFFF;
	(pc) =	sbr.abs _section_cstart, $3  }
0xce: {  	[dreg:$0x1] =	wrdreg $0xFFFFFFFF  }
0xcf: {  	_ =	task.clear_ibuf [dreg:s22], $0x2FFFF;
	_ =	strace $0x9FFFFFFF  }
0xd0: {  	(tm) =	ssettm $0x7FFFFFFF  }
0xd1: {  	_ =	shalt  }
tec
execute0_lowered:
.L_overlay_start_1:
0x0: {  	(tag) =	ssettag $0x1  }
0x1: {  	s4 =	rddreg [dreg:$0x0]  }
0x2: {  	s0 =	rddreg [dreg:$0x1];
	s2 =	simm.s32 $0x0;
	s3 =	srdreg.scid  }
0x3: {  	s1 =	stileid.u32;
	s10 =	simm.s32 $0x0;
	[smem:$0x7FF] =	sst s2  }
0x4: {  	s5 =	sand.u32 $0x1, s3;
	s6 =	sshll.u32 s1, $0xD;
	s3 =	sadd.s32 $0x27AC00, s4  }
0x5: {  	s8 =	sshll.u32 s1, $0x11;
	_ =	strace $0x8000005C;
	s7 =	sshll.u32 s5, $0xC  }
0x6: {  	s31 =	ssub.s32 $0x2, s5;
	s8 =	sadd.s32 s8, s4;
	s5 =	sshll.u32 s5, $0x10  }
0x7: {  	s6 =	sor.u32 s7, s6;
	s9 =	sshrl.u32 s31, $0x1;
	s5 =	sadd.s32 s5, s8  }
0x8: {  	s8 =	simm.s32 $0x80;
	s6 =	sshrl.u32 s6, $0x3;
	s7 =	ssub.s32 s31, s9  }
0x9: {  	s5 =	sadd.s32 $0xA06400, s5;
	s9 =	simm.s32 $0x1;
	s6 =	sadd.s32 s6, s4  }
0xa: {  	s4 =	smax.u32 s7, $0x1;
	s7 =	simm.s32 $0x2;
	s6 =	sadd.s32 $0x6A00, s6  }
.LBB2_1:
0xb: {  	s11 =	sadd.s32 $0x0, s6  }
0xc: {  	[tilespmem:s2], [sflag:$0x2] =	stream.linear.gather [hbm4b:s11+s2], $0x80, $0x38;
	[tilespmem:$0x4080] =	vst v63  }
0xd: {  	_ =	swait.ge [sflag:s7], $0x80  }
0xe: {  	[sflag:s7] =	ssyncset.done $0x0  }
0xf: {  	[sflag:s7] =	ssyncadd.s32 $0xFFFFFF80  }
0x10: {  	[tilespmem:s8], [sflag:$0x1] =	stream.indirect.gather [hbm4b:s3+s8], $0x80, s2, s8, $0xb8;
	[tilespmem:$0x4080] =	vst v63  }
0x11: {  	_ =	swait.ge [sflag:s9], $0x4000  }
0x12: {  	[sflag:s9] =	ssyncset.done $0x0  }
0x13: {  	[sflag:s9] =	ssyncadd.s32 $0xFFFFC000  }
0x14: {  	[hbm4b:s5+s2] =	stream.linear.scatter [tilespmem:s8], [sflag:$0x2], $0x4000, $0x38;
	[tilespmem:$0x4080] =	vst v63  }
0x15: {  	s12 =	simm.s32 $0x10;
	_ =	swait.ge [sflag:s7], $0x4000  }
0x16: {  	s13 =	simm.s32 $0x20;
	s11 =	sadd.s32 $0x800, s5;
	[sflag:s7] =	ssyncset.done $0x0  }
.LBB2_2:
0x17: {  	s14 =	sadd.s32 s12, s6  }
0x18: {  	[sflag:s7] =	ssyncadd.s32 $0xFFFFC000;
	s12 =	smov.u32 s13;
	s15 =	sadd.s32 $0x10, s13  }
0x19: {  	[tilespmem:s2], [sflag:$0x2] =	stream.linear.gather [hbm4b:s14+s2], $0x80, $0x38;
	[tilespmem:$0x4080] =	vst v63  }
0x1a: {  	p0 =	sne.s32 s13, $0x1F0;
	_ =	swait.ge [sflag:s7], $0x80  }
0x1b: {  	[sflag:s7] =	ssyncset.done $0x0  }
0x1c: {  	[sflag:s7] =	ssyncadd.s32 $0xFFFFFF80  }
0x1d: {  	[tilespmem:s8], [sflag:$0x1] =	stream.indirect.gather [hbm4b:s3+s8], $0x80, s2, s8, $0xb8;
	[tilespmem:$0x4080] =	vst v63  }
0x1e: {  	_ =	swait.ge [sflag:s9], $0x4000  }
.Ltmp0:
0x1f: {  	[sflag:s9] =	ssyncset.done $0x0;
	(pc) =	sbr.rel @p0 .LBB2_2-.Ltmp0, $4  }
0x20: {  	[sflag:s9] =	ssyncadd.s32 $0xFFFFC000  }
0x21: {  	[hbm4b:s11+s2] =	stream.linear.scatter [tilespmem:s8], [sflag:$0x2], $0x4000, $0x38;
	[tilespmem:$0x4080] =	vst v63  }
0x22: {  	_ =	swait.ge [sflag:s7], $0x4000  }
0x23: {  	s13 =	smov.u32 s15;
	s11 =	sadd.s32 $0x800, s11;
	[sflag:s7] =	ssyncset.done $0x0  }
0x24: {  	s12 =	sadd.s32 s12, s6;
	[sflag:s7] =	ssyncadd.s32 $0xFFFFC000  }
0x25: {  	[tilespmem:s2], [sflag:$0x2] =	stream.linear.gather [hbm4b:s12+s2], $0x80, $0x38;
	[tilespmem:$0x4080] =	vst v63  }
0x26: {  	_ =	swait.ge [sflag:s7], $0x80  }
0x27: {  	[sflag:s7] =	ssyncset.done $0x0  }
0x28: {  	[sflag:s7] =	ssyncadd.s32 $0xFFFFFF80  }
0x29: {  	[tilespmem:s8], [sflag:$0x1] =	stream.indirect.gather [hbm4b:s3+s8], $0x80, s2, s8, $0xb8;
	[tilespmem:$0x4080] =	vst v63  }
0x2a: {  	s10 =	sadd.s32 $0x1, s10;
	_ =	swait.ge [sflag:s9], $0x4000  }
0x2b: {  	p0 =	sne.s32 s10, s4;
	[sflag:s9] =	ssyncset.done $0x0  }
.Ltmp1:
0x2c: {  	[sflag:s9] =	ssyncadd.s32 $0xFFFFC000;
	(pc) =	sbr.rel @p0 .LBB2_1-.Ltmp1, $4  }
0x2d: {  	[hbm4b:s11+s2] =	stream.linear.scatter [tilespmem:s8], [sflag:$0x2], $0x4000, $0x38;
	[tilespmem:$0x4080] =	vst v63  }
0x2e: {  	_ =	swait.ge [sflag:s7], $0x4000  }
0x2f: {  	[sflag:s7] =	ssyncset.done $0x0  }
0x30: {  	[sflag:s7] =	ssyncadd.s32 $0xFFFFC000  }
0x31: {  	_ =	sfence.sel $0x180000  }
0x32: {  	[bflag:$0x0] =	sbarrier.arrive $0xFFFF  }
0x33: {  	p0 =	sne.s32 s1, $0x0;
	_ =	strace $0x9000005C  }
0x34: {  	s0 =	sadd.s32 @!p0 $0x100000, s0;
	[bflag:$0x2] =	sbarrier.arrive $0xFFFF  }
0x35: {  	[sflag:s0] =	ssyncadd.tile.s32 @!p0 $0x1;
	_ =	shalt  }
.Lfunc_end2:
_tile_overlayer_lowered:
.L_overlay_start_2:
0x36: {  	(tag) =	ssettag $0x2  }
0x37: {  	s0 =	rddreg [dreg:$0x0];
	s2 =	stileid.u32  }
0x38: {  	s1 =	rddreg [dreg:$0x1];
	p0 =	sne.s32 s2, $0x0  }
0x39: {  	s3 =	rddreg [dreg:$0x2];
	[bflag:$0x3] =	sbarrier.arrive $0xFFFF;
	s2 =	simm.s32 @!p0 $0x1C02  }
0x3a: {  	[timem:s3], [sflag:s2] =	dma.local @!p0 [hbm:s0], s1  }
0x3b: {  	s0 =	simm.s32 @!p0 $0x2  }
0x3c: {  	_ =	swait.ge @!p0 [sflag:s0], s1  }
0x3d: {  	s1 =	ssub.s32 @!p0 $0x0, s1;
	[sflag:s0] =	ssyncset.done @!p0 $0x0  }
0x3e: {  	[sflag:s0] =	ssyncadd.s32 @!p0 s1  }
0x3f: {  	[bflag:$0x3] =	sbarrier.arrive $0xFFFF  }
0x40: {  	_ =	shalt  }

// kernel: kernel.23.cloned.1.call-start
scs
__scs_entry_jumppad:
0x0: {  	(pc) =	sbr.rel $0x88, $3  }
0x1: {  	(tag) =	ssettag $0x0;
	lr =	simm.s32 $0x1  }
0x2: {  	[smem:$0x3F94] =	sst lr;
	_ =	strace $0xD0000000  }
0x3: {  	_ = 	snop  }
0x4: {  	_ = 	snop  }
0x5: {  	_ = 	snop  }
0x6: {  	_ = 	snop  }
0x7: {  	_ = 	snop  }
__scs_overlays_trampoline_lowered:
0x8: {  	[smem:$0x3FA3] =	sst s0  }
0x9: {  	[smem:$0x3FA4] =	sst s1  }
0xa: {  	[smem:$0x3FA5] =	sst s2  }
0xb: {  	[smem:$0x3FA6] =	sst s3  }
0xc: {  	[smem:$0x3FA7] =	sst s4  }
0xd: {  	[smem:$0x3FA8] =	sst s5  }
0xe: {  	[smem:$0x3FA9] =	sst s6  }
0xf: {  	[smem:$0x3FAA] =	sst s7  }
0x10: {  	[smem:$0x3FAB] =	sst s8  }
0x11: {  	[smem:$0x3FAC] =	sst s9;
	s0 =	simm.s32 @!p0 $0x0  }
0x12: {  	s1 =	sld [smem:$0x3F92];
	s0 =	simm.s32 @p0 $0x1  }
0x13: {  	[smem:$0x3FAD] =	sst s0;
	s0 =	simm.s32 @!p1 $0x0  }
0x14: {  	s2 =	sld [smem:$0x3F91];
	s0 =	simm.s32 @p1 $0x1  }
0x15: {  	[smem:$0x3FAE] =	sst s0;
	s0 =	simm.s32 @!p2 $0x0  }
0x16: {  	s3 =	sld [smem:$0x3FDB];
	s0 =	simm.s32 @p2 $0x1  }
0x17: {  	s4 =	simm.s32 $0x1BF5;
	[smem:$0x3FB0] =	sst s0  }
0x18: {  	s0 =	sld [smem:$0x3F93];
	_ =	swait.ge [sflag:s4], $0x0  }
0x19: {  	s7 =	sld [smem:$0x3F94]  }
0x1a: {  	s8 =	sadd.s32 $0xFFFFE003, lr  }
0x1b: {  	s9 =	sadd.s32 $0xFFFFFEF7, lr;
	s5 =	simm.s32 $0xFFFFFFFF;
	p2 =	slt.u32 s8, $0xFFFFF086  }
0x1c: {  	p1 =	slt.u32 s9, $0xF7A;
	s5 =	simm.s32 @!p2 $0x0  }
0x1d: {  	s5 =	simm.s32 @p1 $0x1;
	p0 =	seq.s32 s7, s2  }
0x1e: {  	s7 =	smul.u32 @!p0 $0xF7A, s2;
	p2 =	seq.s32 @!p0 s5, $0x0  }
0x1f: {  	s9 =	smul.u32 $0xF7A, s1;
	s8 =	simm.s32 @!p0 $0x1BF5;
	p2 =	por !p2, p0  }
0x20: {  	[sflag:s8] =	ssyncset.s32 @!p0 $0xFFFFF086;
	s6 =	sadd.s32 @!p0 s3, s7;
	s7 =	simm.s32 @!p0 $0x108  }
0x21: {  	s3 =	sadd.s32 s3, s9;
	s6 =	sadd.s32 @!p0 $0x88, s6;
	s7 =	simm.s32 @p2 $0x1082  }
0x22: {  	[simem:s7], [sflag:s8] =	dma.local @!p0 [hbm:s6], $0xF7A  }
0x23: {  	s9 =	sor.u32 $0xD0000000, s2;
	s6 =	simm.s32 $0x108;
	_ =	swait.ge @!p0 [sflag:s8], $0x0  }
0x24: {  	s3 =	sadd.s32 $0x88, s3;
	s6 =	simm.s32 @!p1 $0x1082;
	[sflag:s4] =	ssyncset.s32 $0xFFFFF086  }
0x25: {  	[simem:s6], [sflag:s4] =	dma.local [hbm:s3], $0xF7A  }
0x26: {  	[smem:$0x3F94] =	sst s1;
	(tag) =	ssettag s2;
	_ =	strace s9  }
0x27: {  	s1 =	sld [smem:$0x3FA4]  }
0x28: {  	s2 =	sld [smem:$0x3FA5]  }
0x29: {  	s4 =	sld [smem:$0x3FA7]  }
0x2a: {  	p0 =	seq.s32 s5, $0x0;
	s5 =	sld [smem:$0x3FA8]  }
0x2b: {  	s6 =	sld [smem:$0x3FA9]  }
0x2c: {  	s7 =	sld [smem:$0x3FAA]  }
0x2d: {  	s3 =	simm.s32 $0x108;
	s8 =	sld [smem:$0x3FAB]  }
0x2e: {  	s3 =	simm.s32 @!p0 $0x1082;
	s9 =	sld [smem:$0x3FAC]  }
0x2f: {  	lr =	sadd.s32 s0, s3;
	s0 =	sld [smem:$0x3FA3]  }
0x30: {  	s3 =	sld [smem:$0x3FA6]  }
0x31: {  	[smem:$0x3FAF] =	sst s10  }
0x32: {  	s10 =	sld [smem:$0x3FAD];
	_ =	sdelay $0x3  }
0x33: {  	p0 =	seq.s32 s10, $0x1;
	s10 =	sld [smem:$0x3FAF];
	_ =	sdelay $0x3  }
0x34: {  	[smem:$0x3FAF] =	sst s10  }
0x35: {  	s10 =	sld [smem:$0x3FAE];
	_ =	sdelay $0x3  }
0x36: {  	p1 =	seq.s32 s10, $0x1;
	s10 =	sld [smem:$0x3FAF];
	_ =	sdelay $0x3  }
0x37: {  	[smem:$0x3FAF] =	sst s10  }
0x38: {  	s10 =	sld [smem:$0x3FB0]  }
0x39: {  	_ = 	snop;
	(pc) =	sbr.ind lr, $3  }
0x3a: {  	_ = 	snop  }
0x3b: {  	_ = 	snop  }
0x3c: {  	p2 =	seq.s32 s10, $0x1;
	s10 =	sld [smem:$0x3FAF]  }
0x3d: {  	_ =	shalt  }
0x3e: {  	_ =	shalt  }
0x3f: {  	_ =	shalt  }
0x40: {  	_ =	shalt  }
0x41: {  	_ =	shalt  }
0x42: {  	_ =	shalt  }
0x43: {  	_ =	shalt  }
0x44: {  	_ =	shalt  }
0x45: {  	_ =	shalt  }
0x46: {  	_ =	shalt  }
0x47: {  	_ =	shalt  }
0x48: {  	_ =	shalt  }
0x49: {  	_ =	shalt  }
0x4a: {  	_ =	shalt  }
0x4b: {  	_ =	shalt  }
0x4c: {  	_ =	shalt  }
0x4d: {  	_ =	shalt  }
0x4e: {  	_ =	shalt  }
0x4f: {  	_ =	shalt  }
0x50: {  	_ =	shalt  }
0x51: {  	_ =	shalt  }
0x52: {  	_ =	shalt  }
0x53: {  	_ =	shalt  }
0x54: {  	_ =	shalt  }
0x55: {  	_ =	shalt  }
0x56: {  	_ =	shalt  }
0x57: {  	_ =	shalt  }
0x58: {  	_ =	shalt  }
0x59: {  	_ =	shalt  }
0x5a: {  	_ =	shalt  }
0x5b: {  	_ =	shalt  }
0x5c: {  	_ =	shalt  }
0x5d: {  	_ =	shalt  }
0x5e: {  	_ =	shalt  }
0x5f: {  	_ =	shalt  }
0x60: {  	_ =	shalt  }
0x61: {  	_ =	shalt  }
0x62: {  	_ =	shalt  }
0x63: {  	_ =	shalt  }
0x64: {  	_ =	shalt  }
0x65: {  	_ =	shalt  }
0x66: {  	_ =	shalt  }
0x67: {  	_ =	shalt  }
0x68: {  	_ =	shalt  }
0x69: {  	_ =	shalt  }
0x6a: {  	_ =	shalt  }
0x6b: {  	_ =	shalt  }
0x6c: {  	_ =	shalt  }
0x6d: {  	_ =	shalt  }
0x6e: {  	_ =	shalt  }
0x6f: {  	_ =	shalt  }
0x70: {  	_ =	shalt  }
0x71: {  	_ =	shalt  }
0x72: {  	_ =	shalt  }
0x73: {  	_ =	shalt  }
0x74: {  	_ =	shalt  }
0x75: {  	_ =	shalt  }
0x76: {  	_ =	shalt  }
0x77: {  	_ =	shalt  }
0x78: {  	_ =	shalt  }
0x79: {  	_ =	shalt  }
0x7a: {  	_ =	shalt  }
0x7b: {  	_ =	shalt  }
0x7c: {  	_ =	shalt  }
0x7d: {  	_ =	shalt  }
0x7e: {  	_ =	shalt  }
0x7f: {  	_ =	shalt  }
0x80: {  	_ =	shalt  }
0x81: {  	_ =	shalt  }
0x82: {  	_ =	shalt  }
0x83: {  	_ =	shalt  }
0x84: {  	_ =	shalt  }
0x85: {  	_ =	shalt  }
0x86: {  	_ =	shalt  }
0x87: {  	_ =	shalt  }
.Lfunc_end0:
.L_simem_size_0:
called_computation.7_lowered:
.L_overlay_start_0:
0x88: {  	s2 =	sld [smem:$0x3FD9]  }
0x89: {  	s3 =	sld [smem:$0x3FFE];
	_ =	sdelay $0x1  }
0x8a: {  	s1 =	srdreg.scid  }
0x8b: {  	s0 =	sand.u32 $0x1, s1  }
0x8c: {  	s17 =	sshll.u32 s0, $0xA;
	s2 =	sadd.s32 s3, s2  }
0x8d: {  	s2 =	sadd.s32 s2, s17  }
0x8e: {  	[smem:$0x3FBB] =	sst s2  }
0x8f: {  	_ = 	snop  }
0x90: {  	(tm) =	ssettm $0x1  }
0x91: {  	s18 =	sld [smem:$0x3FFB];
	_ =	sdelay $0x3  }
0x92: {  	_ =	strace s18  }
0x93: {  	s2 =	sld [smem:$0x3FFC];
	_ =	sdelay $0x3  }
0x94: {  	_ =	strace s2  }
0x95: {  	s2 =	sld [smem:$0x3FFD];
	_ =	sdelay $0x3  }
0x96: {  	_ =	strace s2  }
0x97: {  	_ =	strace $0x8FFFFFFF  }
0x98: {  	s19 =	sld [smem:$0x3FDB];
	_ =	sdelay $0x1  }
0x99: {  	s20 =	simm.s32 $_scs_section_size  }
0x9a: {  	s4 =	simm.s32 $_size__tile_overlayer_lowered;
	s5 =	simm.s32 $_tile_overlayer_lowered  }
0x9b: {  	s6 =	simm.s32 $0x1BFF;
	s21 =	sshll.u32 s5, $0x1;
	s3 =	sadd.s32 s20, s19  }
0x9c: {  	s22 =	simm.s32 $0x0;
	s4 =	sshll.u32 s4, $0x1;
	s5 =	sadd.s32 s21, s3  }
0x9d: {  	[timem:s22], [sflag:s6] =	dma.local [hbm:s5], s4  }
0x9e: {  	_ =	swait.ge [sflag:s6], s4  }
0x9f: {  	s4 =	ssub.s32 $0x0, s4;
	[sflag:s6] =	ssyncset.done $0x0  }
0xa0: {  	[sflag:s6] =	ssyncadd.s32 s4;
	_ =	sdelay $0x1  }
0xa1: {  	s23 =	simm.s32 $0x1B8B  }
0xa2: {  	_ =	swait.ge [sflag:s23], $0x1  }
0xa3: {  	[sflag:s23] =	ssyncset.done $0x0  }
0xa4: {  	[sflag:s23] =	ssyncadd.s32 $0xFFFFFFFF  }
0xa5: {  	s4 =	sld [smem:$0x0]  }
0xa6: {  	s5 =	sand.u32 $0xFFFFFFFE, s1  }
0xa7: {  	p0 =	sne.s32 s1, s5  }
0xa8: {  	s5 =	sshll.u32 @p0 s5, $0xE  }
0xa9: {  	s5 =	sadd.s32 @p0 $0x11B8D, s5;
	s6 =	sshll.u32 @p0 s4, $0x11  }
0xaa: {  	s5 =	sor.u32 @p0 s6, s5  }
0xab: {  	[sflag:s5] =	ssyncadd.remote.s32 @p0 $0x1;
	_ =	sdelay $0x1  }
0xac: {  	s5 =	simm.s32 @p0 $0x1B8D  }
0xad: {  	_ =	swait.eq @p0 [sflag:s5], $0x1  }
0xae: {  	[sflag:s5] =	ssyncadd.s32 @p0 $0xFFFFFFFF  }
0xaf: {  	s6 =	sshll.u32 @!p0 s1, $0xE  }
0xb0: {  	s6 =	sor.u32 @!p0 $0x4000, s6;
	s5 =	simm.s32 @!p0 $0x1B8D  }
0xb1: {  	s4 =	sshll.u32 @!p0 s4, $0x11;
	s6 =	sadd.s32 @!p0 $0x11B8D, s6;
	_ =	swait.eq @!p0 [sflag:s5], $0x1  }
0xb2: {  	s4 =	sor.u32 @!p0 s4, s6;
	[sflag:s5] =	ssyncadd.s32 @!p0 $0xFFFFFFFF  }
0xb3: {  	s25 =	simm.s32 $0x1B8E;
	s24 =	sld [smem:$0x3FFE];
	[sflag:s4] =	ssyncadd.remote.s32 @!p0 $0x1  }
0xb4: {  	s26 =	simm.s32 $execute0_lowered;
	[smem:$0x3FD2] =	sst s25  }
0xb5: {  	s5 =	sshll.u32 s26, $0x1;
	_ =	strace $0x8000004C;
	[dreg:$0x1] =	wrdreg $0xFFFFFFFF  }
0xb6: {  	s28 =	simm.s32 $_size_execute0_lowered;
	s3 =	sadd.s32 s3, s5;
	[dreg:$0x0] =	wrdreg $0x0  }
0xb7: {  	s5 =	sshll.u32 s28, $0x1;
	[dreg:$0x2] =	wrdreg s3  }
0xb8: {  	[dreg:$0x3] =	wrdreg s5  }
0xb9: {  	[dreg:$0x4] =	wrdreg $0xC0  }
0xba: {  	_ =	task [dreg:s22], $0x5FFFF  }
0xbb: {  	[dreg:$0x1] =	wrdreg $0xFFFFFFFF  }
0xbc: {  	[dreg:$0x0] =	wrdreg $0x60  }
0xbd: {  	[dreg:$0x2] =	wrdreg s24  }
0xbe: {  	[dreg:$0x3] =	wrdreg $0xA  }
0xbf: {  	_ =	task.clear_ibuf [dreg:s22], $0x4FFFF;
	_ =	strace $0x9000004C  }
0xc0: {  	s29 =	simm.s32 $0xA;
	_ =	strace $0x8000004E  }
0xc1: {  	_ =	swait.ge [sflag:s29], $0x1  }
0xc2: {  	[sflag:s29] =	ssyncadd.s32 $0xFFFFFFFF  }
0xc3: {  	_ =	strace $0x9000004E  }
0xc4: {  	_ =	sfence  }
0xc5: {  	s30 =	sld [smem:$0x0];
	_ =	sdelay $0x2  }
0xc6: {  	s31 =	sshll.u32 s1, $0xD;
	s1 =	sshrl.u32 s1, $0x2  }
0xc7: {  	s4 =	sand.u32 $0x4000, s31;
	s1 =	sadd.s32 s1, s30  }
0xc8: {  	s0 =	sor.u32 s4, s0;
	s1 =	sshll.u32 s1, $0x11  }
0xc9: {  	s0 =	sor.u32 s1, s0  }
0xca: {  	s0 =	sadd.s32 $0x8F2B, s0  }
0xcb: {  	[sflag:s0] =	ssyncadd.remote.s32 $0x1  }
0xcc: {  	_ =	sfence.sel $0xFFFF  }
0xcd: {  	[dreg:$0x0] =	wrdreg $0xFFFFFFFF;
	(pc) =	sbr.abs _section_cstart, $3  }
0xce: {  	[dreg:$0x1] =	wrdreg $0xFFFFFFFF  }
0xcf: {  	_ =	task.clear_ibuf [dreg:s22], $0x2FFFF;
	_ =	strace $0x9FFFFFFF  }
0xd0: {  	(tm) =	ssettm $0x7FFFFFFF  }
0xd1: {  	_ =	shalt  }
tec
execute0_lowered:
.L_overlay_start_1:
0x0: {  	(tag) =	ssettag $0x1  }
0x1: {  	s3 =	rddreg [dreg:$0x0]  }
0x2: {  	s0 =	rddreg [dreg:$0x1];
	s2 =	simm.s32 $0x0;
	s4 =	srdreg.scid  }
0x3: {  	s1 =	stileid.u32;
	s9 =	simm.s32 $0x1;
	s10 =	simm.s32 $0x0  }
0x4: {  	[smem:$0x7FF] =	sst s2;
	s4 =	sand.u32 $0x1, s4;
	s5 =	sshll.u32 s1, $0xD  }
0x5: {  	s7 =	sshll.u32 s1, $0x11;
	_ =	strace $0x8000004D;
	s6 =	sshll.u32 s4, $0xC  }
0x6: {  	s29 =	ssub.s32 $0x2, s4;
	s7 =	sadd.s32 s7, s3;
	s30 =	sshll.u32 s4, $0x10  }
0x7: {  	s5 =	sor.u32 s6, s5;
	s8 =	sshrl.u32 s29, $0x1;
	s31 =	sadd.s32 s30, s7  }
0x8: {  	s7 =	simm.s32 $0x80;
	s5 =	sshrl.u32 s5, $0x3;
	s6 =	ssub.s32 s29, s8  }
0x9: {  	s8 =	simm.s32 $0x2;
	s5 =	sadd.s32 s5, s3;
	s3 =	sadd.s32 $0x806400, s3  }
0xa: {  	s4 =	smax.u32 s6, $0x1;
	s6 =	sadd.s32 $0x406400, s31;
	s5 =	sadd.s32 $0x6C00, s5  }
.LBB2_1:
0xb: {  	[tilespmem:s7], [sflag:$0x2] =	stream.linear.gather [hbm4b:s6+s2], $0x4000, $0x38;
	[tilespmem:$0x4080] =	vst v63  }
0xc: {  	_ =	swait.ge [sflag:s8], $0x4000  }
0xd: {  	[sflag:s8] =	ssyncset.done $0x0  }
0xe: {  	s11 =	sadd.s32 $0x0, s5;
	[sflag:s8] =	ssyncadd.s32 $0xFFFFC000  }
0xf: {  	[tilespmem:s2], [sflag:$0x2] =	stream.linear.gather [hbm4b:s11+s2], $0x80, $0x38;
	[tilespmem:$0x4080] =	vst v63  }
0x10: {  	_ =	swait.ge [sflag:s8], $0x80  }
0x11: {  	[sflag:s8] =	ssyncset.done $0x0  }
0x12: {  	[sflag:s8] =	ssyncadd.s32 $0xFFFFFF80  }
0x13: {  	[hbm4b:s3+s7] =	stream.indirect.scatter [tilespmem:s7], [sflag:$0x1], $0x80, s2, s7, $0xb8;
	[tilespmem:$0x4080] =	vst v63  }
0x14: {  	_ =	swait.ge [sflag:s9], $0x4000  }
0x15: {  	s12 =	smov.u32 s6;
	s11 =	simm.s32 $0x10;
	[sflag:s9] =	ssyncset.done $0x0  }
.LBB2_2:
0x16: {  	p0 =	sne.s32 s11, $0x1F0;
	[sflag:s9] =	ssyncadd.s32 $0xFFFFC000;
	s12 =	sadd.s32 $0x800, s12  }
0x17: {  	[tilespmem:s7], [sflag:$0x2] =	stream.linear.gather [hbm4b:s12+s2], $0x4000, $0x38;
	[tilespmem:$0x4080] =	vst v63  }
0x18: {  	s13 =	smov.u32 s11;
	s11 =	sadd.s32 $0x10, s11;
	_ =	swait.ge [sflag:s8], $0x4000  }
0x19: {  	[sflag:s8] =	ssyncset.done $0x0  }
0x1a: {  	s13 =	sadd.s32 s13, s5;
	[sflag:s8] =	ssyncadd.s32 $0xFFFFC000  }
0x1b: {  	[tilespmem:s2], [sflag:$0x2] =	stream.linear.gather [hbm4b:s13+s2], $0x80, $0x38;
	[tilespmem:$0x4080] =	vst v63  }
0x1c: {  	_ =	swait.ge [sflag:s8], $0x80  }
.Ltmp0:
0x1d: {  	[sflag:s8] =	ssyncset.done $0x0;
	(pc) =	sbr.rel @p0 .LBB2_2-.Ltmp0, $4  }
0x1e: {  	[sflag:s8] =	ssyncadd.s32 $0xFFFFFF80  }
0x1f: {  	[hbm4b:s3+s7] =	stream.indirect.scatter [tilespmem:s7], [sflag:$0x1], $0x80, s2, s7, $0xb8;
	[tilespmem:$0x4080] =	vst v63  }
0x20: {  	_ =	swait.ge [sflag:s9], $0x4000  }
0x21: {  	[sflag:s9] =	ssyncset.done $0x0  }
0x22: {  	s10 =	sadd.s32 $0x1, s10  }
0x23: {  	p0 =	sne.s32 s10, s4  }
.Ltmp1:
0x24: {  	_ = 	snop;
	(pc) =	sbr.rel @p0 .LBB2_1-.Ltmp1, $2  }
0x25: {  	_ =	sdelay $0x2  }
0x26: {  	[sflag:s9] =	ssyncadd.s32 $0xFFFFC000  }
0x27: {  	_ =	sfence.sel $0x180000  }
0x28: {  	[bflag:$0x0] =	sbarrier.arrive $0xFFFF  }
0x29: {  	p0 =	sne.s32 s1, $0x0;
	_ =	strace $0x9000004D  }
0x2a: {  	s0 =	sadd.s32 @!p0 $0x100000, s0;
	[bflag:$0x2] =	sbarrier.arrive $0xFFFF  }
0x2b: {  	[sflag:s0] =	ssyncadd.tile.s32 @!p0 $0x1;
	_ =	shalt  }
.Lfunc_end2:
_tile_overlayer_lowered:
.L_overlay_start_2:
0x2c: {  	(tag) =	ssettag $0x2  }
0x2d: {  	s0 =	rddreg [dreg:$0x0];
	s2 =	stileid.u32  }
0x2e: {  	s1 =	rddreg [dreg:$0x1];
	p0 =	sne.s32 s2, $0x0  }
0x2f: {  	s3 =	rddreg [dreg:$0x2];
	[bflag:$0x3] =	sbarrier.arrive $0xFFFF;
	s2 =	simm.s32 @!p0 $0x1C02  }
0x30: {  	[timem:s3], [sflag:s2] =	dma.local @!p0 [hbm:s0], s1  }
0x31: {  	s0 =	simm.s32 @!p0 $0x2  }
0x32: {  	_ =	swait.ge @!p0 [sflag:s0], s1  }
0x33: {  	s1 =	ssub.s32 @!p0 $0x0, s1;
	[sflag:s0] =	ssyncset.done @!p0 $0x0  }
0x34: {  	[sflag:s0] =	ssyncadd.s32 @!p0 s1  }
0x35: {  	[bflag:$0x3] =	sbarrier.arrive $0xFFFF  }
0x36: {  	_ =	shalt  }

// kernel: kernel.26.cloned.1.call-start
scs
__scs_entry_jumppad:
0x0: {  	(pc) =	sbr.rel $0x88, $3  }
0x1: {  	(tag) =	ssettag $0x0;
	lr =	simm.s32 $0x1  }
0x2: {  	[smem:$0x3F94] =	sst lr;
	_ =	strace $0xD0000000  }
0x3: {  	_ = 	snop  }
0x4: {  	_ = 	snop  }
0x5: {  	_ = 	snop  }
0x6: {  	_ = 	snop  }
0x7: {  	_ = 	snop  }
__scs_overlays_trampoline_lowered:
0x8: {  	[smem:$0x3FA3] =	sst s0  }
0x9: {  	[smem:$0x3FA4] =	sst s1  }
0xa: {  	[smem:$0x3FA5] =	sst s2  }
0xb: {  	[smem:$0x3FA6] =	sst s3  }
0xc: {  	[smem:$0x3FA7] =	sst s4  }
0xd: {  	[smem:$0x3FA8] =	sst s5  }
0xe: {  	[smem:$0x3FA9] =	sst s6  }
0xf: {  	[smem:$0x3FAA] =	sst s7  }
0x10: {  	[smem:$0x3FAB] =	sst s8  }
0x11: {  	[smem:$0x3FAC] =	sst s9;
	s0 =	simm.s32 @!p0 $0x0  }
0x12: {  	s1 =	sld [smem:$0x3F92];
	s0 =	simm.s32 @p0 $0x1  }
0x13: {  	[smem:$0x3FAD] =	sst s0;
	s0 =	simm.s32 @!p1 $0x0  }
0x14: {  	s2 =	sld [smem:$0x3F91];
	s0 =	simm.s32 @p1 $0x1  }
0x15: {  	[smem:$0x3FAE] =	sst s0;
	s0 =	simm.s32 @!p2 $0x0  }
0x16: {  	s3 =	sld [smem:$0x3FDB];
	s0 =	simm.s32 @p2 $0x1  }
0x17: {  	s4 =	simm.s32 $0x1BF5;
	[smem:$0x3FB0] =	sst s0  }
0x18: {  	s0 =	sld [smem:$0x3F93];
	_ =	swait.ge [sflag:s4], $0x0  }
0x19: {  	s7 =	sld [smem:$0x3F94]  }
0x1a: {  	s8 =	sadd.s32 $0xFFFFE003, lr  }
0x1b: {  	s9 =	sadd.s32 $0xFFFFFEF7, lr;
	s5 =	simm.s32 $0xFFFFFFFF;
	p2 =	slt.u32 s8, $0xFFFFF086  }
0x1c: {  	p1 =	slt.u32 s9, $0xF7A;
	s5 =	simm.s32 @!p2 $0x0  }
0x1d: {  	s5 =	simm.s32 @p1 $0x1;
	p0 =	seq.s32 s7, s2  }
0x1e: {  	s7 =	smul.u32 @!p0 $0xF7A, s2;
	p2 =	seq.s32 @!p0 s5, $0x0  }
0x1f: {  	s9 =	smul.u32 $0xF7A, s1;
	s8 =	simm.s32 @!p0 $0x1BF5;
	p2 =	por !p2, p0  }
0x20: {  	[sflag:s8] =	ssyncset.s32 @!p0 $0xFFFFF086;
	s6 =	sadd.s32 @!p0 s3, s7;
	s7 =	simm.s32 @!p0 $0x108  }
0x21: {  	s3 =	sadd.s32 s3, s9;
	s6 =	sadd.s32 @!p0 $0x88, s6;
	s7 =	simm.s32 @p2 $0x1082  }
0x22: {  	[simem:s7], [sflag:s8] =	dma.local @!p0 [hbm:s6], $0xF7A  }
0x23: {  	s9 =	sor.u32 $0xD0000000, s2;
	s6 =	simm.s32 $0x108;
	_ =	swait.ge @!p0 [sflag:s8], $0x0  }
0x24: {  	s3 =	sadd.s32 $0x88, s3;
	s6 =	simm.s32 @!p1 $0x1082;
	[sflag:s4] =	ssyncset.s32 $0xFFFFF086  }
0x25: {  	[simem:s6], [sflag:s4] =	dma.local [hbm:s3], $0xF7A  }
0x26: {  	[smem:$0x3F94] =	sst s1;
	(tag) =	ssettag s2;
	_ =	strace s9  }
0x27: {  	s1 =	sld [smem:$0x3FA4]  }
0x28: {  	s2 =	sld [smem:$0x3FA5]  }
0x29: {  	s4 =	sld [smem:$0x3FA7]  }
0x2a: {  	p0 =	seq.s32 s5, $0x0;
	s5 =	sld [smem:$0x3FA8]  }
0x2b: {  	s6 =	sld [smem:$0x3FA9]  }
0x2c: {  	s7 =	sld [smem:$0x3FAA]  }
0x2d: {  	s3 =	simm.s32 $0x108;
	s8 =	sld [smem:$0x3FAB]  }
0x2e: {  	s3 =	simm.s32 @!p0 $0x1082;
	s9 =	sld [smem:$0x3FAC]  }
0x2f: {  	lr =	sadd.s32 s0, s3;
	s0 =	sld [smem:$0x3FA3]  }
0x30: {  	s3 =	sld [smem:$0x3FA6]  }
0x31: {  	[smem:$0x3FAF] =	sst s10  }
0x32: {  	s10 =	sld [smem:$0x3FAD];
	_ =	sdelay $0x3  }
0x33: {  	p0 =	seq.s32 s10, $0x1;
	s10 =	sld [smem:$0x3FAF];
	_ =	sdelay $0x3  }
0x34: {  	[smem:$0x3FAF] =	sst s10  }
0x35: {  	s10 =	sld [smem:$0x3FAE];
	_ =	sdelay $0x3  }
0x36: {  	p1 =	seq.s32 s10, $0x1;
	s10 =	sld [smem:$0x3FAF];
	_ =	sdelay $0x3  }
0x37: {  	[smem:$0x3FAF] =	sst s10  }
0x38: {  	s10 =	sld [smem:$0x3FB0]  }
0x39: {  	_ = 	snop;
	(pc) =	sbr.ind lr, $3  }
0x3a: {  	_ = 	snop  }
0x3b: {  	_ = 	snop  }
0x3c: {  	p2 =	seq.s32 s10, $0x1;
	s10 =	sld [smem:$0x3FAF]  }
0x3d: {  	_ =	shalt  }
0x3e: {  	_ =	shalt  }
0x3f: {  	_ =	shalt  }
0x40: {  	_ =	shalt  }
0x41: {  	_ =	shalt  }
0x42: {  	_ =	shalt  }
0x43: {  	_ =	shalt  }
0x44: {  	_ =	shalt  }
0x45: {  	_ =	shalt  }
0x46: {  	_ =	shalt  }
0x47: {  	_ =	shalt  }
0x48: {  	_ =	shalt  }
0x49: {  	_ =	shalt  }
0x4a: {  	_ =	shalt  }
0x4b: {  	_ =	shalt  }
0x4c: {  	_ =	shalt  }
0x4d: {  	_ =	shalt  }
0x4e: {  	_ =	shalt  }
0x4f: {  	_ =	shalt  }
0x50: {  	_ =	shalt  }
0x51: {  	_ =	shalt  }
0x52: {  	_ =	shalt  }
0x53: {  	_ =	shalt  }
0x54: {  	_ =	shalt  }
0x55: {  	_ =	shalt  }
0x56: {  	_ =	shalt  }
0x57: {  	_ =	shalt  }
0x58: {  	_ =	shalt  }
0x59: {  	_ =	shalt  }
0x5a: {  	_ =	shalt  }
0x5b: {  	_ =	shalt  }
0x5c: {  	_ =	shalt  }
0x5d: {  	_ =	shalt  }
0x5e: {  	_ =	shalt  }
0x5f: {  	_ =	shalt  }
0x60: {  	_ =	shalt  }
0x61: {  	_ =	shalt  }
0x62: {  	_ =	shalt  }
0x63: {  	_ =	shalt  }
0x64: {  	_ =	shalt  }
0x65: {  	_ =	shalt  }
0x66: {  	_ =	shalt  }
0x67: {  	_ =	shalt  }
0x68: {  	_ =	shalt  }
0x69: {  	_ =	shalt  }
0x6a: {  	_ =	shalt  }
0x6b: {  	_ =	shalt  }
0x6c: {  	_ =	shalt  }
0x6d: {  	_ =	shalt  }
0x6e: {  	_ =	shalt  }
0x6f: {  	_ =	shalt  }
0x70: {  	_ =	shalt  }
0x71: {  	_ =	shalt  }
0x72: {  	_ =	shalt  }
0x73: {  	_ =	shalt  }
0x74: {  	_ =	shalt  }
0x75: {  	_ =	shalt  }
0x76: {  	_ =	shalt  }
0x77: {  	_ =	shalt  }
0x78: {  	_ =	shalt  }
0x79: {  	_ =	shalt  }
0x7a: {  	_ =	shalt  }
0x7b: {  	_ =	shalt  }
0x7c: {  	_ =	shalt  }
0x7d: {  	_ =	shalt  }
0x7e: {  	_ =	shalt  }
0x7f: {  	_ =	shalt  }
0x80: {  	_ =	shalt  }
0x81: {  	_ =	shalt  }
0x82: {  	_ =	shalt  }
0x83: {  	_ =	shalt  }
0x84: {  	_ =	shalt  }
0x85: {  	_ =	shalt  }
0x86: {  	_ =	shalt  }
0x87: {  	_ =	shalt  }
.Lfunc_end0:
.L_simem_size_0:
called_computation.8_lowered:
.L_overlay_start_0:
0x88: {  	s2 =	sld [smem:$0x3FD9]  }
0x89: {  	s3 =	sld [smem:$0x3FFE];
	_ =	sdelay $0x1  }
0x8a: {  	s1 =	srdreg.scid  }
0x8b: {  	s0 =	sand.u32 $0x1, s1  }
0x8c: {  	s15 =	sshll.u32 s0, $0xA;
	s2 =	sadd.s32 s3, s2  }
0x8d: {  	s2 =	sadd.s32 s2, s15  }
0x8e: {  	[smem:$0x3FBB] =	sst s2  }
0x8f: {  	_ = 	snop  }
0x90: {  	s2 =	sld [smem:$0x3FD0];
	_ =	sdelay $0x2  }
0x91: {  	s16 =	simm.s32 $0xE;
	s4 =	simm.s32 $0x10  }
0x92: {  	[smem:s4], [sflag:s16] =	dma.local [hbm:s2], $0x1  }
0x93: {  	_ =	swait.eq [sflag:s16], $0x1  }
0x94: {  	[sflag:s16] =	ssyncset.done $0x0  }
0x95: {  	[sflag:s16] =	ssyncadd.s32 $0xFFFFFFFF  }
0x96: {  	s17 =	sld [smem:$0x10];
	(tm) =	ssettm $0x1  }
0x97: {  	s18 =	sld [smem:$0x3FFB];
	_ =	sdelay $0x3  }
0x98: {  	_ =	strace s18  }
0x99: {  	s2 =	sld [smem:$0x3FFC];
	_ =	sdelay $0x3  }
0x9a: {  	_ =	strace s2  }
0x9b: {  	s2 =	sld [smem:$0x3FFD];
	_ =	sdelay $0x3  }
0x9c: {  	_ =	strace s2  }
0x9d: {  	_ =	strace $0x8FFFFFFF  }
0x9e: {  	s19 =	sld [smem:$0x3FDB];
	_ =	sdelay $0x1  }
0x9f: {  	s20 =	simm.s32 $_scs_section_size  }
0xa0: {  	s5 =	simm.s32 $_size__tile_overlayer_lowered;
	s6 =	simm.s32 $_tile_overlayer_lowered  }
0xa1: {  	s7 =	simm.s32 $0x1BFF;
	s21 =	sshll.u32 s6, $0x1;
	s4 =	sadd.s32 s20, s19  }
0xa2: {  	s22 =	simm.s32 $0x0;
	s5 =	sshll.u32 s5, $0x1;
	s6 =	sadd.s32 s21, s4  }
0xa3: {  	[timem:s22], [sflag:s7] =	dma.local [hbm:s6], s5  }
0xa4: {  	_ =	swait.ge [sflag:s7], s5  }
0xa5: {  	s5 =	ssub.s32 $0x0, s5;
	[sflag:s7] =	ssyncset.done $0x0  }
0xa6: {  	[sflag:s7] =	ssyncadd.s32 s5;
	_ =	sdelay $0x1  }
0xa7: {  	s23 =	simm.s32 $0x1B8B  }
0xa8: {  	_ =	swait.ge [sflag:s23], $0x1  }
0xa9: {  	[sflag:s23] =	ssyncset.done $0x0  }
0xaa: {  	[sflag:s23] =	ssyncadd.s32 $0xFFFFFFFF  }
0xab: {  	s5 =	sld [smem:$0x0]  }
0xac: {  	s6 =	sand.u32 $0xFFFFFFFE, s1  }
0xad: {  	p0 =	sne.s32 s1, s6  }
0xae: {  	s6 =	sshll.u32 @p0 s6, $0xE  }
0xaf: {  	s6 =	sadd.s32 @p0 $0x11B8D, s6;
	s7 =	sshll.u32 @p0 s5, $0x11  }
0xb0: {  	s6 =	sor.u32 @p0 s7, s6  }
0xb1: {  	[sflag:s6] =	ssyncadd.remote.s32 @p0 $0x1;
	_ =	sdelay $0x1  }
0xb2: {  	s6 =	simm.s32 @p0 $0x1B8D  }
0xb3: {  	_ =	swait.eq @p0 [sflag:s6], $0x1  }
0xb4: {  	[sflag:s6] =	ssyncadd.s32 @p0 $0xFFFFFFFF  }
0xb5: {  	s7 =	sshll.u32 @!p0 s1, $0xE  }
0xb6: {  	s7 =	sor.u32 @!p0 $0x4000, s7;
	s6 =	simm.s32 @!p0 $0x1B8D  }
0xb7: {  	s5 =	sshll.u32 @!p0 s5, $0x11;
	s7 =	sadd.s32 @!p0 $0x11B8D, s7;
	_ =	swait.eq @!p0 [sflag:s6], $0x1  }
0xb8: {  	s5 =	sor.u32 @!p0 s5, s7;
	[sflag:s6] =	ssyncadd.s32 @!p0 $0xFFFFFFFF  }
0xb9: {  	s25 =	simm.s32 $0x1B8E;
	s24 =	sld [smem:$0x3FFE];
	[sflag:s5] =	ssyncadd.remote.s32 @!p0 $0x1  }
0xba: {  	s26 =	simm.s32 $execute0_lowered;
	[smem:$0x3FD2] =	sst s25  }
0xbb: {  	s6 =	sshll.u32 s26, $0x1;
	_ =	strace $0x80000058;
	[dreg:$0x1] =	wrdreg $0xFFFFFFFF  }
0xbc: {  	s28 =	simm.s32 $_size_execute0_lowered;
	s4 =	sadd.s32 s4, s6;
	[dreg:$0x0] =	wrdreg $0x0  }
0xbd: {  	s6 =	sshll.u32 s28, $0x1;
	[dreg:$0x2] =	wrdreg s4  }
0xbe: {  	[dreg:$0x3] =	wrdreg s6  }
0xbf: {  	[dreg:$0x4] =	wrdreg $0xC0  }
0xc0: {  	_ =	task [dreg:s22], $0x5FFFF  }
0xc1: {  	[dreg:$0x1] =	wrdreg $0xFFFFFFFF  }
0xc2: {  	[dreg:$0x0] =	wrdreg $0x60  }
0xc3: {  	[dreg:$0x2] =	wrdreg s24  }
0xc4: {  	[dreg:$0x3] =	wrdreg s17  }
0xc5: {  	[dreg:$0x4] =	wrdreg $0xB  }
0xc6: {  	_ =	task.clear_ibuf [dreg:s22], $0x5FFFF;
	_ =	strace $0x90000058  }
0xc7: {  	s29 =	simm.s32 $0xB;
	_ =	strace $0x8000005A  }
0xc8: {  	_ =	swait.ge [sflag:s29], $0x1  }
0xc9: {  	[sflag:s29] =	ssyncadd.s32 $0xFFFFFFFF  }
0xca: {  	_ =	strace $0x9000005A  }
0xcb: {  	_ =	sfence  }
0xcc: {  	s30 =	sld [smem:$0x0];
	_ =	sdelay $0x2  }
0xcd: {  	s31 =	sshll.u32 s1, $0xD;
	s1 =	sshrl.u32 s1, $0x2  }
0xce: {  	s4 =	sand.u32 $0x4000, s31;
	s1 =	sadd.s32 s1, s30  }
0xcf: {  	s0 =	sor.u32 s4, s0;
	s1 =	sshll.u32 s1, $0x11  }
0xd0: {  	s0 =	sor.u32 s1, s0  }
0xd1: {  	s0 =	sadd.s32 $0x8F2B, s0  }
0xd2: {  	[sflag:s0] =	ssyncadd.remote.s32 $0x1  }
0xd3: {  	_ =	sfence.sel $0xFFFF  }
0xd4: {  	[dreg:$0x0] =	wrdreg $0xFFFFFFFF;
	(pc) =	sbr.abs _section_cstart, $3  }
0xd5: {  	[dreg:$0x1] =	wrdreg $0xFFFFFFFF  }
0xd6: {  	_ =	task.clear_ibuf [dreg:s22], $0x2FFFF;
	_ =	strace $0x9FFFFFFF  }
0xd7: {  	(tm) =	ssettm $0x7FFFFFFF  }
tec
execute0_lowered:
.L_overlay_start_1:
0x0: {  	(tag) =	ssettag $0x1  }
0x1: {  	s4 =	rddreg [dreg:$0x0]  }
0x2: {  	s6 =	rddreg [dreg:$0x1]  }
0x3: {  	s0 =	rddreg [dreg:$0x2];
	s2 =	simm.s32 $0x0;
	s1 =	stileid.u32  }
0x4: {  	s3 =	srdreg.scid;
	[smem:$0x7FF] =	sst s2  }
0x5: {  	s5 =	sshll.u32 s1, $0x11;
	s7 =	sand.u32 $0x1, s3;
	s3 =	sadd.s32 $0x1006400, s4  }
0x6: {  	s9 =	sshll.u32 s1, $0xD;
	_ =	strace $0x80000059;
	s5 =	sadd.s32 s5, s4  }
0x7: {  	s29 =	ssub.s32 $0x2, s7;
	s10 =	sshll.u32 s7, $0xC;
	s7 =	sshll.u32 s7, $0x10  }
0x8: {  	s8 =	sshrl.u32 s29, $0x1;
	s30 =	sor.u32 s10, s9;
	s5 =	sadd.s32 s7, s5  }
0x9: {  	s7 =	simm.s32 $0x2;
	s9 =	simm.s32 $0x1;
	s10 =	simm.s32 $0x0  }
0xa: {  	s4 =	ssub.s32 s29, s8;
	s31 =	sshrl.u32 s30, $0x3;
	s5 =	sadd.s32 $0x806400, s5  }
0xb: {  	s8 =	simm.s32 $0x80;
	s4 =	smax.u32 s4, $0x1;
	s6 =	sadd.s32 s31, s6  }
.LBB2_1:
0xc: {  	s11 =	sadd.s32 $0x0, s6  }
0xd: {  	[tilespmem:s2], [sflag:$0x2] =	stream.linear.gather [hbm4b:s11+s2], $0x80, $0x38;
	[tilespmem:$0x4080] =	vst v63  }
0xe: {  	_ =	swait.ge [sflag:s7], $0x80  }
0xf: {  	[sflag:s7] =	ssyncset.done $0x0  }
0x10: {  	[sflag:s7] =	ssyncadd.s32 $0xFFFFFF80  }
0x11: {  	[tilespmem:s8], [sflag:$0x1] =	stream.indirect.gather [hbm4b:s3+s8], $0x80, s2, s8, $0xb8;
	[tilespmem:$0x4080] =	vst v63  }
0x12: {  	_ =	swait.ge [sflag:s9], $0x4000  }
0x13: {  	[sflag:s9] =	ssyncset.done $0x0  }
0x14: {  	[sflag:s9] =	ssyncadd.s32 $0xFFFFC000  }
0x15: {  	[hbm4b:s5+s2] =	stream.linear.scatter [tilespmem:s8], [sflag:$0x2], $0x4000, $0x38;
	[tilespmem:$0x4080] =	vst v63  }
0x16: {  	s12 =	simm.s32 $0x10;
	_ =	swait.ge [sflag:s7], $0x4000  }
0x17: {  	s13 =	simm.s32 $0x20;
	s11 =	sadd.s32 $0x800, s5;
	[sflag:s7] =	ssyncset.done $0x0  }
.LBB2_2:
0x18: {  	s14 =	sadd.s32 s12, s6  }
0x19: {  	[sflag:s7] =	ssyncadd.s32 $0xFFFFC000;
	s12 =	smov.u32 s13;
	s15 =	sadd.s32 $0x10, s13  }
0x1a: {  	[tilespmem:s2], [sflag:$0x2] =	stream.linear.gather [hbm4b:s14+s2], $0x80, $0x38;
	[tilespmem:$0x4080] =	vst v63  }
0x1b: {  	p0 =	sne.s32 s13, $0x1F0;
	_ =	swait.ge [sflag:s7], $0x80  }
0x1c: {  	[sflag:s7] =	ssyncset.done $0x0  }
0x1d: {  	[sflag:s7] =	ssyncadd.s32 $0xFFFFFF80  }
0x1e: {  	[tilespmem:s8], [sflag:$0x1] =	stream.indirect.gather [hbm4b:s3+s8], $0x80, s2, s8, $0xb8;
	[tilespmem:$0x4080] =	vst v63  }
0x1f: {  	_ =	swait.ge [sflag:s9], $0x4000  }
.Ltmp0:
0x20: {  	[sflag:s9] =	ssyncset.done $0x0;
	(pc) =	sbr.rel @p0 .LBB2_2-.Ltmp0, $4  }
0x21: {  	[sflag:s9] =	ssyncadd.s32 $0xFFFFC000  }
0x22: {  	[hbm4b:s11+s2] =	stream.linear.scatter [tilespmem:s8], [sflag:$0x2], $0x4000, $0x38;
	[tilespmem:$0x4080] =	vst v63  }
0x23: {  	_ =	swait.ge [sflag:s7], $0x4000  }
0x24: {  	s13 =	smov.u32 s15;
	s11 =	sadd.s32 $0x800, s11;
	[sflag:s7] =	ssyncset.done $0x0  }
0x25: {  	s12 =	sadd.s32 s12, s6;
	[sflag:s7] =	ssyncadd.s32 $0xFFFFC000  }
0x26: {  	[tilespmem:s2], [sflag:$0x2] =	stream.linear.gather [hbm4b:s12+s2], $0x80, $0x38;
	[tilespmem:$0x4080] =	vst v63  }
0x27: {  	_ =	swait.ge [sflag:s7], $0x80  }
0x28: {  	[sflag:s7] =	ssyncset.done $0x0  }
0x29: {  	[sflag:s7] =	ssyncadd.s32 $0xFFFFFF80  }
0x2a: {  	[tilespmem:s8], [sflag:$0x1] =	stream.indirect.gather [hbm4b:s3+s8], $0x80, s2, s8, $0xb8;
	[tilespmem:$0x4080] =	vst v63  }
0x2b: {  	s10 =	sadd.s32 $0x1, s10;
	_ =	swait.ge [sflag:s9], $0x4000  }
0x2c: {  	p0 =	sne.s32 s10, s4;
	[sflag:s9] =	ssyncset.done $0x0  }
.Ltmp1:
0x2d: {  	[sflag:s9] =	ssyncadd.s32 $0xFFFFC000;
	(pc) =	sbr.rel @p0 .LBB2_1-.Ltmp1, $4  }
0x2e: {  	[hbm4b:s11+s2] =	stream.linear.scatter [tilespmem:s8], [sflag:$0x2], $0x4000, $0x38;
	[tilespmem:$0x4080] =	vst v63  }
0x2f: {  	_ =	swait.ge [sflag:s7], $0x4000  }
0x30: {  	[sflag:s7] =	ssyncset.done $0x0  }
0x31: {  	[sflag:s7] =	ssyncadd.s32 $0xFFFFC000  }
0x32: {  	_ =	sfence.sel $0x180000  }
0x33: {  	[bflag:$0x0] =	sbarrier.arrive $0xFFFF  }
0x34: {  	p0 =	sne.s32 s1, $0x0;
	_ =	strace $0x90000059  }
0x35: {  	s0 =	sadd.s32 @!p0 $0x100000, s0;
	[bflag:$0x2] =	sbarrier.arrive $0xFFFF  }
0x36: {  	[sflag:s0] =	ssyncadd.tile.s32 @!p0 $0x1;
	_ =	shalt  }
.Lfunc_end2:
_tile_overlayer_lowered:
.L_overlay_start_2:
0x37: {  	(tag) =	ssettag $0x2  }
0x38: {  	s0 =	rddreg [dreg:$0x0];
	s2 =	stileid.u32  }
0x39: {  	s1 =	rddreg [dreg:$0x1];
	p0 =	sne.s32 s2, $0x0  }
0x3a: {  	s3 =	rddreg [dreg:$0x2];
	[bflag:$0x3] =	sbarrier.arrive $0xFFFF;
	s2 =	simm.s32 @!p0 $0x1C02  }
0x3b: {  	[timem:s3], [sflag:s2] =	dma.local @!p0 [hbm:s0], s1  }
0x3c: {  	s0 =	simm.s32 @!p0 $0x2  }
0x3d: {  	_ =	swait.ge @!p0 [sflag:s0], s1  }
0x3e: {  	s1 =	ssub.s32 @!p0 $0x0, s1;
	[sflag:s0] =	ssyncset.done @!p0 $0x0  }
0x3f: {  	[sflag:s0] =	ssyncadd.s32 @!p0 s1  }
0x40: {  	[bflag:$0x3] =	sbarrier.arrive $0xFFFF  }
0x41: {  	_ =	shalt  }

// kernel: kernel.29.cloned.1.call-start
scs
__scs_entry_jumppad:
0x0: {  	(pc) =	sbr.rel $0x88, $3  }
0x1: {  	(tag) =	ssettag $0x0;
	lr =	simm.s32 $0x1  }
0x2: {  	[smem:$0x3F94] =	sst lr;
	_ =	strace $0xD0000000  }
0x3: {  	_ = 	snop  }
0x4: {  	_ = 	snop  }
0x5: {  	_ = 	snop  }
0x6: {  	_ = 	snop  }
0x7: {  	_ = 	snop  }
__scs_overlays_trampoline_lowered:
0x8: {  	[smem:$0x3FA3] =	sst s0  }
0x9: {  	[smem:$0x3FA4] =	sst s1  }
0xa: {  	[smem:$0x3FA5] =	sst s2  }
0xb: {  	[smem:$0x3FA6] =	sst s3  }
0xc: {  	[smem:$0x3FA7] =	sst s4  }
0xd: {  	[smem:$0x3FA8] =	sst s5  }
0xe: {  	[smem:$0x3FA9] =	sst s6  }
0xf: {  	[smem:$0x3FAA] =	sst s7  }
0x10: {  	[smem:$0x3FAB] =	sst s8  }
0x11: {  	[smem:$0x3FAC] =	sst s9;
	s0 =	simm.s32 @!p0 $0x0  }
0x12: {  	s1 =	sld [smem:$0x3F92];
	s0 =	simm.s32 @p0 $0x1  }
0x13: {  	[smem:$0x3FAD] =	sst s0;
	s0 =	simm.s32 @!p1 $0x0  }
0x14: {  	s2 =	sld [smem:$0x3F91];
	s0 =	simm.s32 @p1 $0x1  }
0x15: {  	[smem:$0x3FAE] =	sst s0;
	s0 =	simm.s32 @!p2 $0x0  }
0x16: {  	s3 =	sld [smem:$0x3FDB];
	s0 =	simm.s32 @p2 $0x1  }
0x17: {  	s4 =	simm.s32 $0x1BF5;
	[smem:$0x3FB0] =	sst s0  }
0x18: {  	s0 =	sld [smem:$0x3F93];
	_ =	swait.ge [sflag:s4], $0x0  }
0x19: {  	s7 =	sld [smem:$0x3F94]  }
0x1a: {  	s8 =	sadd.s32 $0xFFFFE003, lr  }
0x1b: {  	s9 =	sadd.s32 $0xFFFFFEF7, lr;
	s5 =	simm.s32 $0xFFFFFFFF;
	p2 =	slt.u32 s8, $0xFFFFF086  }
0x1c: {  	p1 =	slt.u32 s9, $0xF7A;
	s5 =	simm.s32 @!p2 $0x0  }
0x1d: {  	s5 =	simm.s32 @p1 $0x1;
	p0 =	seq.s32 s7, s2  }
0x1e: {  	s7 =	smul.u32 @!p0 $0xF7A, s2;
	p2 =	seq.s32 @!p0 s5, $0x0  }
0x1f: {  	s9 =	smul.u32 $0xF7A, s1;
	s8 =	simm.s32 @!p0 $0x1BF5;
	p2 =	por !p2, p0  }
0x20: {  	[sflag:s8] =	ssyncset.s32 @!p0 $0xFFFFF086;
	s6 =	sadd.s32 @!p0 s3, s7;
	s7 =	simm.s32 @!p0 $0x108  }
0x21: {  	s3 =	sadd.s32 s3, s9;
	s6 =	sadd.s32 @!p0 $0x88, s6;
	s7 =	simm.s32 @p2 $0x1082  }
0x22: {  	[simem:s7], [sflag:s8] =	dma.local @!p0 [hbm:s6], $0xF7A  }
0x23: {  	s9 =	sor.u32 $0xD0000000, s2;
	s6 =	simm.s32 $0x108;
	_ =	swait.ge @!p0 [sflag:s8], $0x0  }
0x24: {  	s3 =	sadd.s32 $0x88, s3;
	s6 =	simm.s32 @!p1 $0x1082;
	[sflag:s4] =	ssyncset.s32 $0xFFFFF086  }
0x25: {  	[simem:s6], [sflag:s4] =	dma.local [hbm:s3], $0xF7A  }
0x26: {  	[smem:$0x3F94] =	sst s1;
	(tag) =	ssettag s2;
	_ =	strace s9  }
0x27: {  	s1 =	sld [smem:$0x3FA4]  }
0x28: {  	s2 =	sld [smem:$0x3FA5]  }
0x29: {  	s4 =	sld [smem:$0x3FA7]  }
0x2a: {  	p0 =	seq.s32 s5, $0x0;
	s5 =	sld [smem:$0x3FA8]  }
0x2b: {  	s6 =	sld [smem:$0x3FA9]  }
0x2c: {  	s7 =	sld [smem:$0x3FAA]  }
0x2d: {  	s3 =	simm.s32 $0x108;
	s8 =	sld [smem:$0x3FAB]  }
0x2e: {  	s3 =	simm.s32 @!p0 $0x1082;
	s9 =	sld [smem:$0x3FAC]  }
0x2f: {  	lr =	sadd.s32 s0, s3;
	s0 =	sld [smem:$0x3FA3]  }
0x30: {  	s3 =	sld [smem:$0x3FA6]  }
0x31: {  	[smem:$0x3FAF] =	sst s10  }
0x32: {  	s10 =	sld [smem:$0x3FAD];
	_ =	sdelay $0x3  }
0x33: {  	p0 =	seq.s32 s10, $0x1;
	s10 =	sld [smem:$0x3FAF];
	_ =	sdelay $0x3  }
0x34: {  	[smem:$0x3FAF] =	sst s10  }
0x35: {  	s10 =	sld [smem:$0x3FAE];
	_ =	sdelay $0x3  }
0x36: {  	p1 =	seq.s32 s10, $0x1;
	s10 =	sld [smem:$0x3FAF];
	_ =	sdelay $0x3  }
0x37: {  	[smem:$0x3FAF] =	sst s10  }
0x38: {  	s10 =	sld [smem:$0x3FB0]  }
0x39: {  	_ = 	snop;
	(pc) =	sbr.ind lr, $3  }
0x3a: {  	_ = 	snop  }
0x3b: {  	_ = 	snop  }
0x3c: {  	p2 =	seq.s32 s10, $0x1;
	s10 =	sld [smem:$0x3FAF]  }
0x3d: {  	_ =	shalt  }
0x3e: {  	_ =	shalt  }
0x3f: {  	_ =	shalt  }
0x40: {  	_ =	shalt  }
0x41: {  	_ =	shalt  }
0x42: {  	_ =	shalt  }
0x43: {  	_ =	shalt  }
0x44: {  	_ =	shalt  }
0x45: {  	_ =	shalt  }
0x46: {  	_ =	shalt  }
0x47: {  	_ =	shalt  }
0x48: {  	_ =	shalt  }
0x49: {  	_ =	shalt  }
0x4a: {  	_ =	shalt  }
0x4b: {  	_ =	shalt  }
0x4c: {  	_ =	shalt  }
0x4d: {  	_ =	shalt  }
0x4e: {  	_ =	shalt  }
0x4f: {  	_ =	shalt  }
0x50: {  	_ =	shalt  }
0x51: {  	_ =	shalt  }
0x52: {  	_ =	shalt  }
0x53: {  	_ =	shalt  }
0x54: {  	_ =	shalt  }
0x55: {  	_ =	shalt  }
0x56: {  	_ =	shalt  }
0x57: {  	_ =	shalt  }
0x58: {  	_ =	shalt  }
0x59: {  	_ =	shalt  }
0x5a: {  	_ =	shalt  }
0x5b: {  	_ =	shalt  }
0x5c: {  	_ =	shalt  }
0x5d: {  	_ =	shalt  }
0x5e: {  	_ =	shalt  }
0x5f: {  	_ =	shalt  }
0x60: {  	_ =	shalt  }
0x61: {  	_ =	shalt  }
0x62: {  	_ =	shalt  }
0x63: {  	_ =	shalt  }
0x64: {  	_ =	shalt  }
0x65: {  	_ =	shalt  }
0x66: {  	_ =	shalt  }
0x67: {  	_ =	shalt  }
0x68: {  	_ =	shalt  }
0x69: {  	_ =	shalt  }
0x6a: {  	_ =	shalt  }
0x6b: {  	_ =	shalt  }
0x6c: {  	_ =	shalt  }
0x6d: {  	_ =	shalt  }
0x6e: {  	_ =	shalt  }
0x6f: {  	_ =	shalt  }
0x70: {  	_ =	shalt  }
0x71: {  	_ =	shalt  }
0x72: {  	_ =	shalt  }
0x73: {  	_ =	shalt  }
0x74: {  	_ =	shalt  }
0x75: {  	_ =	shalt  }
0x76: {  	_ =	shalt  }
0x77: {  	_ =	shalt  }
0x78: {  	_ =	shalt  }
0x79: {  	_ =	shalt  }
0x7a: {  	_ =	shalt  }
0x7b: {  	_ =	shalt  }
0x7c: {  	_ =	shalt  }
0x7d: {  	_ =	shalt  }
0x7e: {  	_ =	shalt  }
0x7f: {  	_ =	shalt  }
0x80: {  	_ =	shalt  }
0x81: {  	_ =	shalt  }
0x82: {  	_ =	shalt  }
0x83: {  	_ =	shalt  }
0x84: {  	_ =	shalt  }
0x85: {  	_ =	shalt  }
0x86: {  	_ =	shalt  }
0x87: {  	_ =	shalt  }
.Lfunc_end0:
.L_simem_size_0:
called_computation.9_lowered:
.L_overlay_start_0:
0x88: {  	s2 =	sld [smem:$0x3FD9]  }
0x89: {  	s3 =	sld [smem:$0x3FFE];
	_ =	sdelay $0x1  }
0x8a: {  	s1 =	srdreg.scid  }
0x8b: {  	s0 =	sand.u32 $0x1, s1  }
0x8c: {  	s17 =	sshll.u32 s0, $0xA;
	s2 =	sadd.s32 s3, s2  }
0x8d: {  	s2 =	sadd.s32 s2, s17  }
0x8e: {  	[smem:$0x3FBB] =	sst s2  }
0x8f: {  	_ = 	snop  }
0x90: {  	(tm) =	ssettm $0x1  }
0x91: {  	s18 =	sld [smem:$0x3FFB];
	_ =	sdelay $0x3  }
0x92: {  	_ =	strace s18  }
0x93: {  	s2 =	sld [smem:$0x3FFC];
	_ =	sdelay $0x3  }
0x94: {  	_ =	strace s2  }
0x95: {  	s2 =	sld [smem:$0x3FFD];
	_ =	sdelay $0x3  }
0x96: {  	_ =	strace s2  }
0x97: {  	_ =	strace $0x8FFFFFFF  }
0x98: {  	s19 =	sld [smem:$0x3FDB];
	_ =	sdelay $0x1  }
0x99: {  	s20 =	simm.s32 $_scs_section_size  }
0x9a: {  	s4 =	simm.s32 $_size__tile_overlayer_lowered;
	s5 =	simm.s32 $_tile_overlayer_lowered  }
0x9b: {  	s6 =	simm.s32 $0x1BFF;
	s21 =	sshll.u32 s5, $0x1;
	s3 =	sadd.s32 s20, s19  }
0x9c: {  	s22 =	simm.s32 $0x0;
	s4 =	sshll.u32 s4, $0x1;
	s5 =	sadd.s32 s21, s3  }
0x9d: {  	[timem:s22], [sflag:s6] =	dma.local [hbm:s5], s4  }
0x9e: {  	_ =	swait.ge [sflag:s6], s4  }
0x9f: {  	s4 =	ssub.s32 $0x0, s4;
	[sflag:s6] =	ssyncset.done $0x0  }
0xa0: {  	[sflag:s6] =	ssyncadd.s32 s4;
	_ =	sdelay $0x1  }
0xa1: {  	s23 =	simm.s32 $0x1B8B  }
0xa2: {  	_ =	swait.ge [sflag:s23], $0x1  }
0xa3: {  	[sflag:s23] =	ssyncset.done $0x0  }
0xa4: {  	[sflag:s23] =	ssyncadd.s32 $0xFFFFFFFF  }
0xa5: {  	s4 =	sld [smem:$0x0]  }
0xa6: {  	s5 =	sand.u32 $0xFFFFFFFE, s1  }
0xa7: {  	p0 =	sne.s32 s1, s5  }
0xa8: {  	s5 =	sshll.u32 @p0 s5, $0xE  }
0xa9: {  	s5 =	sadd.s32 @p0 $0x11B8D, s5;
	s6 =	sshll.u32 @p0 s4, $0x11  }
0xaa: {  	s5 =	sor.u32 @p0 s6, s5  }
0xab: {  	[sflag:s5] =	ssyncadd.remote.s32 @p0 $0x1;
	_ =	sdelay $0x1  }
0xac: {  	s5 =	simm.s32 @p0 $0x1B8D  }
0xad: {  	_ =	swait.eq @p0 [sflag:s5], $0x1  }
0xae: {  	[sflag:s5] =	ssyncadd.s32 @p0 $0xFFFFFFFF  }
0xaf: {  	s6 =	sshll.u32 @!p0 s1, $0xE  }
0xb0: {  	s6 =	sor.u32 @!p0 $0x4000, s6;
	s5 =	simm.s32 @!p0 $0x1B8D  }
0xb1: {  	s4 =	sshll.u32 @!p0 s4, $0x11;
	s6 =	sadd.s32 @!p0 $0x11B8D, s6;
	_ =	swait.eq @!p0 [sflag:s5], $0x1  }
0xb2: {  	s4 =	sor.u32 @!p0 s4, s6;
	[sflag:s5] =	ssyncadd.s32 @!p0 $0xFFFFFFFF  }
0xb3: {  	s25 =	simm.s32 $0x1B8E;
	s24 =	sld [smem:$0x3FFE];
	[sflag:s4] =	ssyncadd.remote.s32 @!p0 $0x1  }
0xb4: {  	s26 =	simm.s32 $execute0_lowered;
	[smem:$0x3FD2] =	sst s25  }
0xb5: {  	s5 =	sshll.u32 s26, $0x1;
	_ =	strace $0x80000049;
	[dreg:$0x1] =	wrdreg $0xFFFFFFFF  }
0xb6: {  	s28 =	simm.s32 $_size_execute0_lowered;
	s3 =	sadd.s32 s3, s5;
	[dreg:$0x0] =	wrdreg $0x0  }
0xb7: {  	s5 =	sshll.u32 s28, $0x1;
	[dreg:$0x2] =	wrdreg s3  }
0xb8: {  	[dreg:$0x3] =	wrdreg s5  }
0xb9: {  	[dreg:$0x4] =	wrdreg $0xC0  }
0xba: {  	_ =	task [dreg:s22], $0x5FFFF  }
0xbb: {  	[dreg:$0x1] =	wrdreg $0xFFFFFFFF  }
0xbc: {  	[dreg:$0x0] =	wrdreg $0x60  }
0xbd: {  	[dreg:$0x2] =	wrdreg s24  }
0xbe: {  	[dreg:$0x3] =	wrdreg $0xB  }
0xbf: {  	_ =	task.clear_ibuf [dreg:s22], $0x4FFFF;
	_ =	strace $0x90000049  }
0xc0: {  	s29 =	simm.s32 $0xB;
	_ =	strace $0x8000004B  }
0xc1: {  	_ =	swait.ge [sflag:s29], $0x1  }
0xc2: {  	[sflag:s29] =	ssyncadd.s32 $0xFFFFFFFF  }
0xc3: {  	_ =	strace $0x9000004B  }
0xc4: {  	_ =	sfence  }
0xc5: {  	s30 =	sld [smem:$0x0];
	_ =	sdelay $0x2  }
0xc6: {  	s31 =	sshll.u32 s1, $0xD;
	s1 =	sshrl.u32 s1, $0x2  }
0xc7: {  	s4 =	sand.u32 $0x4000, s31;
	s1 =	sadd.s32 s1, s30  }
0xc8: {  	s0 =	sor.u32 s4, s0;
	s1 =	sshll.u32 s1, $0x11  }
0xc9: {  	s0 =	sor.u32 s1, s0  }
0xca: {  	s0 =	sadd.s32 $0x8F2B, s0  }
0xcb: {  	[sflag:s0] =	ssyncadd.remote.s32 $0x1  }
0xcc: {  	_ =	sfence.sel $0xFFFF  }
0xcd: {  	[dreg:$0x0] =	wrdreg $0xFFFFFFFF;
	(pc) =	sbr.abs _section_cstart, $3  }
0xce: {  	[dreg:$0x1] =	wrdreg $0xFFFFFFFF  }
0xcf: {  	_ =	task.clear_ibuf [dreg:s22], $0x2FFFF;
	_ =	strace $0x9FFFFFFF  }
0xd0: {  	(tm) =	ssettm $0x7FFFFFFF  }
0xd1: {  	_ =	shalt  }
tec
execute0_lowered:
.L_overlay_start_1:
0x0: {  	(tag) =	ssettag $0x1  }
0x1: {  	s3 =	rddreg [dreg:$0x0]  }
0x2: {  	s0 =	rddreg [dreg:$0x1];
	s2 =	simm.s32 $0x0;
	s4 =	srdreg.scid  }
0x3: {  	s1 =	stileid.u32;
	s9 =	simm.s32 $0x1;
	s10 =	simm.s32 $0x0  }
0x4: {  	[smem:$0x7FF] =	sst s2;
	s4 =	sand.u32 $0x1, s4;
	s5 =	sshll.u32 s1, $0xD  }
0x5: {  	s7 =	sshll.u32 s1, $0x11;
	_ =	strace $0x8000004A;
	s6 =	sshll.u32 s4, $0xC  }
0x6: {  	s29 =	ssub.s32 $0x2, s4;
	s7 =	sadd.s32 s7, s3;
	s30 =	sshll.u32 s4, $0x10  }
0x7: {  	s5 =	sor.u32 s6, s5;
	s8 =	sshrl.u32 s29, $0x1;
	s31 =	sadd.s32 s30, s7  }
0x8: {  	s7 =	simm.s32 $0x80;
	s5 =	sshrl.u32 s5, $0x3;
	s6 =	ssub.s32 s29, s8  }
0x9: {  	s8 =	simm.s32 $0x2;
	s5 =	sadd.s32 s5, s3;
	s3 =	sadd.s32 $0x606400, s3  }
0xa: {  	s4 =	smax.u32 s6, $0x1;
	s6 =	sadd.s32 $0x406400, s31;
	s5 =	sadd.s32 $0x232C00, s5  }
.LBB2_1:
0xb: {  	[tilespmem:s7], [sflag:$0x2] =	stream.linear.gather [hbm4b:s6+s2], $0x4000, $0x38;
	[tilespmem:$0x4080] =	vst v63  }
0xc: {  	_ =	swait.ge [sflag:s8], $0x4000  }
0xd: {  	[sflag:s8] =	ssyncset.done $0x0  }
0xe: {  	s11 =	sadd.s32 $0x0, s5;
	[sflag:s8] =	ssyncadd.s32 $0xFFFFC000  }
0xf: {  	[tilespmem:s2], [sflag:$0x2] =	stream.linear.gather [hbm4b:s11+s2], $0x80, $0x38;
	[tilespmem:$0x4080] =	vst v63  }
0x10: {  	_ =	swait.ge [sflag:s8], $0x80  }
0x11: {  	[sflag:s8] =	ssyncset.done $0x0  }
0x12: {  	[sflag:s8] =	ssyncadd.s32 $0xFFFFFF80  }
0x13: {  	[hbm4b:s3+s7] =	stream.indirect.scatter [tilespmem:s7], [sflag:$0x1], $0x80, s2, s7, $0xb8;
	[tilespmem:$0x4080] =	vst v63  }
0x14: {  	_ =	swait.ge [sflag:s9], $0x4000  }
0x15: {  	s12 =	smov.u32 s6;
	s11 =	simm.s32 $0x10;
	[sflag:s9] =	ssyncset.done $0x0  }
.LBB2_2:
0x16: {  	p0 =	sne.s32 s11, $0x1F0;
	[sflag:s9] =	ssyncadd.s32 $0xFFFFC000;
	s12 =	sadd.s32 $0x800, s12  }
0x17: {  	[tilespmem:s7], [sflag:$0x2] =	stream.linear.gather [hbm4b:s12+s2], $0x4000, $0x38;
	[tilespmem:$0x4080] =	vst v63  }
0x18: {  	s13 =	smov.u32 s11;
	s11 =	sadd.s32 $0x10, s11;
	_ =	swait.ge [sflag:s8], $0x4000  }
0x19: {  	[sflag:s8] =	ssyncset.done $0x0  }
0x1a: {  	s13 =	sadd.s32 s13, s5;
	[sflag:s8] =	ssyncadd.s32 $0xFFFFC000  }
0x1b: {  	[tilespmem:s2], [sflag:$0x2] =	stream.linear.gather [hbm4b:s13+s2], $0x80, $0x38;
	[tilespmem:$0x4080] =	vst v63  }
0x1c: {  	_ =	swait.ge [sflag:s8], $0x80  }
.Ltmp0:
0x1d: {  	[sflag:s8] =	ssyncset.done $0x0;
	(pc) =	sbr.rel @p0 .LBB2_2-.Ltmp0, $4  }
0x1e: {  	[sflag:s8] =	ssyncadd.s32 $0xFFFFFF80  }
0x1f: {  	[hbm4b:s3+s7] =	stream.indirect.scatter [tilespmem:s7], [sflag:$0x1], $0x80, s2, s7, $0xb8;
	[tilespmem:$0x4080] =	vst v63  }
0x20: {  	_ =	swait.ge [sflag:s9], $0x4000  }
0x21: {  	[sflag:s9] =	ssyncset.done $0x0  }
0x22: {  	s10 =	sadd.s32 $0x1, s10  }
0x23: {  	p0 =	sne.s32 s10, s4  }
.Ltmp1:
0x24: {  	_ = 	snop;
	(pc) =	sbr.rel @p0 .LBB2_1-.Ltmp1, $2  }
0x25: {  	_ =	sdelay $0x2  }
0x26: {  	[sflag:s9] =	ssyncadd.s32 $0xFFFFC000  }
0x27: {  	_ =	sfence.sel $0x180000  }
0x28: {  	[bflag:$0x0] =	sbarrier.arrive $0xFFFF  }
0x29: {  	p0 =	sne.s32 s1, $0x0;
	_ =	strace $0x9000004A  }
0x2a: {  	s0 =	sadd.s32 @!p0 $0x100000, s0;
	[bflag:$0x2] =	sbarrier.arrive $0xFFFF  }
0x2b: {  	[sflag:s0] =	ssyncadd.tile.s32 @!p0 $0x1;
	_ =	shalt  }
.Lfunc_end2:
_tile_overlayer_lowered:
.L_overlay_start_2:
0x2c: {  	(tag) =	ssettag $0x2  }
0x2d: {  	s0 =	rddreg [dreg:$0x0];
	s2 =	stileid.u32  }
0x2e: {  	s1 =	rddreg [dreg:$0x1];
	p0 =	sne.s32 s2, $0x0  }
0x2f: {  	s3 =	rddreg [dreg:$0x2];
	[bflag:$0x3] =	sbarrier.arrive $0xFFFF;
	s2 =	simm.s32 @!p0 $0x1C02  }
0x30: {  	[timem:s3], [sflag:s2] =	dma.local @!p0 [hbm:s0], s1  }
0x31: {  	s0 =	simm.s32 @!p0 $0x2  }
0x32: {  	_ =	swait.ge @!p0 [sflag:s0], s1  }
0x33: {  	s1 =	ssub.s32 @!p0 $0x0, s1;
	[sflag:s0] =	ssyncset.done @!p0 $0x0  }
0x34: {  	[sflag:s0] =	ssyncadd.s32 @!p0 s1  }
0x35: {  	[bflag:$0x3] =	sbarrier.arrive $0xFFFF  }
0x36: {  	_ =	shalt  }

// kernel: kernel.32.cloned.1.call-start
scs
__scs_entry_jumppad:
0x0: {  	(pc) =	sbr.rel $0x88, $3  }
0x1: {  	(tag) =	ssettag $0x0;
	lr =	simm.s32 $0x1  }
0x2: {  	[smem:$0x3F94] =	sst lr;
	_ =	strace $0xD0000000  }
0x3: {  	_ = 	snop  }
0x4: {  	_ = 	snop  }
0x5: {  	_ = 	snop  }
0x6: {  	_ = 	snop  }
0x7: {  	_ = 	snop  }
__scs_overlays_trampoline_lowered:
0x8: {  	[smem:$0x3FA3] =	sst s0  }
0x9: {  	[smem:$0x3FA4] =	sst s1  }
0xa: {  	[smem:$0x3FA5] =	sst s2  }
0xb: {  	[smem:$0x3FA6] =	sst s3  }
0xc: {  	[smem:$0x3FA7] =	sst s4  }
0xd: {  	[smem:$0x3FA8] =	sst s5  }
0xe: {  	[smem:$0x3FA9] =	sst s6  }
0xf: {  	[smem:$0x3FAA] =	sst s7  }
0x10: {  	[smem:$0x3FAB] =	sst s8  }
0x11: {  	[smem:$0x3FAC] =	sst s9;
	s0 =	simm.s32 @!p0 $0x0  }
0x12: {  	s1 =	sld [smem:$0x3F92];
	s0 =	simm.s32 @p0 $0x1  }
0x13: {  	[smem:$0x3FAD] =	sst s0;
	s0 =	simm.s32 @!p1 $0x0  }
0x14: {  	s2 =	sld [smem:$0x3F91];
	s0 =	simm.s32 @p1 $0x1  }
0x15: {  	[smem:$0x3FAE] =	sst s0;
	s0 =	simm.s32 @!p2 $0x0  }
0x16: {  	s3 =	sld [smem:$0x3FDB];
	s0 =	simm.s32 @p2 $0x1  }
0x17: {  	s4 =	simm.s32 $0x1BF5;
	[smem:$0x3FB0] =	sst s0  }
0x18: {  	s0 =	sld [smem:$0x3F93];
	_ =	swait.ge [sflag:s4], $0x0  }
0x19: {  	s7 =	sld [smem:$0x3F94]  }
0x1a: {  	s8 =	sadd.s32 $0xFFFFE003, lr  }
0x1b: {  	s9 =	sadd.s32 $0xFFFFFEF7, lr;
	s5 =	simm.s32 $0xFFFFFFFF;
	p2 =	slt.u32 s8, $0xFFFFF086  }
0x1c: {  	p1 =	slt.u32 s9, $0xF7A;
	s5 =	simm.s32 @!p2 $0x0  }
0x1d: {  	s5 =	simm.s32 @p1 $0x1;
	p0 =	seq.s32 s7, s2  }
0x1e: {  	s7 =	smul.u32 @!p0 $0xF7A, s2;
	p2 =	seq.s32 @!p0 s5, $0x0  }
0x1f: {  	s9 =	smul.u32 $0xF7A, s1;
	s8 =	simm.s32 @!p0 $0x1BF5;
	p2 =	por !p2, p0  }
0x20: {  	[sflag:s8] =	ssyncset.s32 @!p0 $0xFFFFF086;
	s6 =	sadd.s32 @!p0 s3, s7;
	s7 =	simm.s32 @!p0 $0x108  }
0x21: {  	s3 =	sadd.s32 s3, s9;
	s6 =	sadd.s32 @!p0 $0x88, s6;
	s7 =	simm.s32 @p2 $0x1082  }
0x22: {  	[simem:s7], [sflag:s8] =	dma.local @!p0 [hbm:s6], $0xF7A  }
0x23: {  	s9 =	sor.u32 $0xD0000000, s2;
	s6 =	simm.s32 $0x108;
	_ =	swait.ge @!p0 [sflag:s8], $0x0  }
0x24: {  	s3 =	sadd.s32 $0x88, s3;
	s6 =	simm.s32 @!p1 $0x1082;
	[sflag:s4] =	ssyncset.s32 $0xFFFFF086  }
0x25: {  	[simem:s6], [sflag:s4] =	dma.local [hbm:s3], $0xF7A  }
0x26: {  	[smem:$0x3F94] =	sst s1;
	(tag) =	ssettag s2;
	_ =	strace s9  }
0x27: {  	s1 =	sld [smem:$0x3FA4]  }
0x28: {  	s2 =	sld [smem:$0x3FA5]  }
0x29: {  	s4 =	sld [smem:$0x3FA7]  }
0x2a: {  	p0 =	seq.s32 s5, $0x0;
	s5 =	sld [smem:$0x3FA8]  }
0x2b: {  	s6 =	sld [smem:$0x3FA9]  }
0x2c: {  	s7 =	sld [smem:$0x3FAA]  }
0x2d: {  	s3 =	simm.s32 $0x108;
	s8 =	sld [smem:$0x3FAB]  }
0x2e: {  	s3 =	simm.s32 @!p0 $0x1082;
	s9 =	sld [smem:$0x3FAC]  }
0x2f: {  	lr =	sadd.s32 s0, s3;
	s0 =	sld [smem:$0x3FA3]  }
0x30: {  	s3 =	sld [smem:$0x3FA6]  }
0x31: {  	[smem:$0x3FAF] =	sst s10  }
0x32: {  	s10 =	sld [smem:$0x3FAD];
	_ =	sdelay $0x3  }
0x33: {  	p0 =	seq.s32 s10, $0x1;
	s10 =	sld [smem:$0x3FAF];
	_ =	sdelay $0x3  }
0x34: {  	[smem:$0x3FAF] =	sst s10  }
0x35: {  	s10 =	sld [smem:$0x3FAE];
	_ =	sdelay $0x3  }
0x36: {  	p1 =	seq.s32 s10, $0x1;
	s10 =	sld [smem:$0x3FAF];
	_ =	sdelay $0x3  }
0x37: {  	[smem:$0x3FAF] =	sst s10  }
0x38: {  	s10 =	sld [smem:$0x3FB0]  }
0x39: {  	_ = 	snop;
	(pc) =	sbr.ind lr, $3  }
0x3a: {  	_ = 	snop  }
0x3b: {  	_ = 	snop  }
0x3c: {  	p2 =	seq.s32 s10, $0x1;
	s10 =	sld [smem:$0x3FAF]  }
0x3d: {  	_ =	shalt  }
0x3e: {  	_ =	shalt  }
0x3f: {  	_ =	shalt  }
0x40: {  	_ =	shalt  }
0x41: {  	_ =	shalt  }
0x42: {  	_ =	shalt  }
0x43: {  	_ =	shalt  }
0x44: {  	_ =	shalt  }
0x45: {  	_ =	shalt  }
0x46: {  	_ =	shalt  }
0x47: {  	_ =	shalt  }
0x48: {  	_ =	shalt  }
0x49: {  	_ =	shalt  }
0x4a: {  	_ =	shalt  }
0x4b: {  	_ =	shalt  }
0x4c: {  	_ =	shalt  }
0x4d: {  	_ =	shalt  }
0x4e: {  	_ =	shalt  }
0x4f: {  	_ =	shalt  }
0x50: {  	_ =	shalt  }
0x51: {  	_ =	shalt  }
0x52: {  	_ =	shalt  }
0x53: {  	_ =	shalt  }
0x54: {  	_ =	shalt  }
0x55: {  	_ =	shalt  }
0x56: {  	_ =	shalt  }
0x57: {  	_ =	shalt  }
0x58: {  	_ =	shalt  }
0x59: {  	_ =	shalt  }
0x5a: {  	_ =	shalt  }
0x5b: {  	_ =	shalt  }
0x5c: {  	_ =	shalt  }
0x5d: {  	_ =	shalt  }
0x5e: {  	_ =	shalt  }
0x5f: {  	_ =	shalt  }
0x60: {  	_ =	shalt  }
0x61: {  	_ =	shalt  }
0x62: {  	_ =	shalt  }
0x63: {  	_ =	shalt  }
0x64: {  	_ =	shalt  }
0x65: {  	_ =	shalt  }
0x66: {  	_ =	shalt  }
0x67: {  	_ =	shalt  }
0x68: {  	_ =	shalt  }
0x69: {  	_ =	shalt  }
0x6a: {  	_ =	shalt  }
0x6b: {  	_ =	shalt  }
0x6c: {  	_ =	shalt  }
0x6d: {  	_ =	shalt  }
0x6e: {  	_ =	shalt  }
0x6f: {  	_ =	shalt  }
0x70: {  	_ =	shalt  }
0x71: {  	_ =	shalt  }
0x72: {  	_ =	shalt  }
0x73: {  	_ =	shalt  }
0x74: {  	_ =	shalt  }
0x75: {  	_ =	shalt  }
0x76: {  	_ =	shalt  }
0x77: {  	_ =	shalt  }
0x78: {  	_ =	shalt  }
0x79: {  	_ =	shalt  }
0x7a: {  	_ =	shalt  }
0x7b: {  	_ =	shalt  }
0x7c: {  	_ =	shalt  }
0x7d: {  	_ =	shalt  }
0x7e: {  	_ =	shalt  }
0x7f: {  	_ =	shalt  }
0x80: {  	_ =	shalt  }
0x81: {  	_ =	shalt  }
0x82: {  	_ =	shalt  }
0x83: {  	_ =	shalt  }
0x84: {  	_ =	shalt  }
0x85: {  	_ =	shalt  }
0x86: {  	_ =	shalt  }
0x87: {  	_ =	shalt  }
.Lfunc_end0:
.L_simem_size_0:
called_computation.10_lowered:
.L_overlay_start_0:
0x88: {  	s2 =	sld [smem:$0x3FD9]  }
0x89: {  	s3 =	sld [smem:$0x3FFE];
	_ =	sdelay $0x1  }
0x8a: {  	s1 =	srdreg.scid  }
0x8b: {  	s0 =	sand.u32 $0x1, s1  }
0x8c: {  	s17 =	sshll.u32 s0, $0xA;
	s2 =	sadd.s32 s3, s2  }
0x8d: {  	s2 =	sadd.s32 s2, s17  }
0x8e: {  	[smem:$0x3FBB] =	sst s2  }
0x8f: {  	_ = 	snop  }
0x90: {  	(tm) =	ssettm $0x1  }
0x91: {  	s18 =	sld [smem:$0x3FFB];
	_ =	sdelay $0x3  }
0x92: {  	_ =	strace s18  }
0x93: {  	s2 =	sld [smem:$0x3FFC];
	_ =	sdelay $0x3  }
0x94: {  	_ =	strace s2  }
0x95: {  	s2 =	sld [smem:$0x3FFD];
	_ =	sdelay $0x3  }
0x96: {  	_ =	strace s2  }
0x97: {  	_ =	strace $0x8FFFFFFF  }
0x98: {  	s19 =	sld [smem:$0x3FDB];
	_ =	sdelay $0x1  }
0x99: {  	s20 =	simm.s32 $_scs_section_size  }
0x9a: {  	s4 =	simm.s32 $_size__tile_overlayer_lowered;
	s5 =	simm.s32 $_tile_overlayer_lowered  }
0x9b: {  	s6 =	simm.s32 $0x1BFF;
	s21 =	sshll.u32 s5, $0x1;
	s3 =	sadd.s32 s20, s19  }
0x9c: {  	s22 =	simm.s32 $0x0;
	s4 =	sshll.u32 s4, $0x1;
	s5 =	sadd.s32 s21, s3  }
0x9d: {  	[timem:s22], [sflag:s6] =	dma.local [hbm:s5], s4  }
0x9e: {  	_ =	swait.ge [sflag:s6], s4  }
0x9f: {  	s4 =	ssub.s32 $0x0, s4;
	[sflag:s6] =	ssyncset.done $0x0  }
0xa0: {  	[sflag:s6] =	ssyncadd.s32 s4;
	_ =	sdelay $0x1  }
0xa1: {  	s23 =	simm.s32 $0x1B8B  }
0xa2: {  	_ =	swait.ge [sflag:s23], $0x1  }
0xa3: {  	[sflag:s23] =	ssyncset.done $0x0  }
0xa4: {  	[sflag:s23] =	ssyncadd.s32 $0xFFFFFFFF  }
0xa5: {  	s4 =	sld [smem:$0x0]  }
0xa6: {  	s5 =	sand.u32 $0xFFFFFFFE, s1  }
0xa7: {  	p0 =	sne.s32 s1, s5  }
0xa8: {  	s5 =	sshll.u32 @p0 s5, $0xE  }
0xa9: {  	s5 =	sadd.s32 @p0 $0x11B8D, s5;
	s6 =	sshll.u32 @p0 s4, $0x11  }
0xaa: {  	s5 =	sor.u32 @p0 s6, s5  }
0xab: {  	[sflag:s5] =	ssyncadd.remote.s32 @p0 $0x1;
	_ =	sdelay $0x1  }
0xac: {  	s5 =	simm.s32 @p0 $0x1B8D  }
0xad: {  	_ =	swait.eq @p0 [sflag:s5], $0x1  }
0xae: {  	[sflag:s5] =	ssyncadd.s32 @p0 $0xFFFFFFFF  }
0xaf: {  	s6 =	sshll.u32 @!p0 s1, $0xE  }
0xb0: {  	s6 =	sor.u32 @!p0 $0x4000, s6;
	s5 =	simm.s32 @!p0 $0x1B8D  }
0xb1: {  	s4 =	sshll.u32 @!p0 s4, $0x11;
	s6 =	sadd.s32 @!p0 $0x11B8D, s6;
	_ =	swait.eq @!p0 [sflag:s5], $0x1  }
0xb2: {  	s4 =	sor.u32 @!p0 s4, s6;
	[sflag:s5] =	ssyncadd.s32 @!p0 $0xFFFFFFFF  }
0xb3: {  	s25 =	simm.s32 $0x1B8E;
	s24 =	sld [smem:$0x3FFE];
	[sflag:s4] =	ssyncadd.remote.s32 @!p0 $0x1  }
0xb4: {  	s26 =	simm.s32 $execute0_lowered;
	[smem:$0x3FD2] =	sst s25  }
0xb5: {  	s5 =	sshll.u32 s26, $0x1;
	_ =	strace $0x80000055;
	[dreg:$0x1] =	wrdreg $0xFFFFFFFF  }
0xb6: {  	s28 =	simm.s32 $_size_execute0_lowered;
	s3 =	sadd.s32 s3, s5;
	[dreg:$0x0] =	wrdreg $0x0  }
0xb7: {  	s5 =	sshll.u32 s28, $0x1;
	[dreg:$0x2] =	wrdreg s3  }
0xb8: {  	[dreg:$0x3] =	wrdreg s5  }
0xb9: {  	[dreg:$0x4] =	wrdreg $0xC0  }
0xba: {  	_ =	task [dreg:s22], $0x5FFFF  }
0xbb: {  	[dreg:$0x1] =	wrdreg $0xFFFFFFFF  }
0xbc: {  	[dreg:$0x0] =	wrdreg $0x60  }
0xbd: {  	[dreg:$0x2] =	wrdreg s24  }
0xbe: {  	[dreg:$0x3] =	wrdreg $0xC  }
0xbf: {  	_ =	task.clear_ibuf [dreg:s22], $0x4FFFF;
	_ =	strace $0x90000055  }
0xc0: {  	s29 =	simm.s32 $0xC;
	_ =	strace $0x80000057  }
0xc1: {  	_ =	swait.ge [sflag:s29], $0x1  }
0xc2: {  	[sflag:s29] =	ssyncadd.s32 $0xFFFFFFFF  }
0xc3: {  	_ =	strace $0x90000057  }
0xc4: {  	_ =	sfence  }
0xc5: {  	s30 =	sld [smem:$0x0];
	_ =	sdelay $0x2  }
0xc6: {  	s31 =	sshll.u32 s1, $0xD;
	s1 =	sshrl.u32 s1, $0x2  }
0xc7: {  	s4 =	sand.u32 $0x4000, s31;
	s1 =	sadd.s32 s1, s30  }
0xc8: {  	s0 =	sor.u32 s4, s0;
	s1 =	sshll.u32 s1, $0x11  }
0xc9: {  	s0 =	sor.u32 s1, s0  }
0xca: {  	s0 =	sadd.s32 $0x8F2B, s0  }
0xcb: {  	[sflag:s0] =	ssyncadd.remote.s32 $0x1  }
0xcc: {  	_ =	sfence.sel $0xFFFF  }
0xcd: {  	[dreg:$0x0] =	wrdreg $0xFFFFFFFF;
	(pc) =	sbr.abs _section_cstart, $3  }
0xce: {  	[dreg:$0x1] =	wrdreg $0xFFFFFFFF  }
0xcf: {  	_ =	task.clear_ibuf [dreg:s22], $0x2FFFF;
	_ =	strace $0x9FFFFFFF  }
0xd0: {  	(tm) =	ssettm $0x7FFFFFFF  }
0xd1: {  	_ =	shalt  }
tec
execute0_lowered:
.L_overlay_start_1:
0x0: {  	(tag) =	ssettag $0x1  }
0x1: {  	s4 =	rddreg [dreg:$0x0]  }
0x2: {  	s0 =	rddreg [dreg:$0x1];
	s2 =	simm.s32 $0x0;
	s3 =	srdreg.scid  }
0x3: {  	s1 =	stileid.u32;
	s10 =	simm.s32 $0x0;
	[smem:$0x7FF] =	sst s2  }
0x4: {  	s5 =	sand.u32 $0x1, s3;
	s6 =	sshll.u32 s1, $0xD;
	s3 =	sadd.s32 $0xE06400, s4  }
0x5: {  	s8 =	sshll.u32 s1, $0x11;
	_ =	strace $0x80000056;
	s7 =	sshll.u32 s5, $0xC  }
0x6: {  	s31 =	ssub.s32 $0x2, s5;
	s8 =	sadd.s32 s8, s4;
	s5 =	sshll.u32 s5, $0x10  }
0x7: {  	s6 =	sor.u32 s7, s6;
	s9 =	sshrl.u32 s31, $0x1;
	s5 =	sadd.s32 s5, s8  }
0x8: {  	s8 =	simm.s32 $0x80;
	s6 =	sshrl.u32 s6, $0x3;
	s7 =	ssub.s32 s31, s9  }
0x9: {  	s5 =	sadd.s32 $0x606400, s5;
	s9 =	simm.s32 $0x1;
	s6 =	sadd.s32 s6, s4  }
0xa: {  	s4 =	smax.u32 s7, $0x1;
	s7 =	simm.s32 $0x2;
	s6 =	sadd.s32 $0x20EC00, s6  }
.LBB2_1:
0xb: {  	s11 =	sadd.s32 $0x0, s6  }
0xc: {  	[tilespmem:s2], [sflag:$0x2] =	stream.linear.gather [hbm4b:s11+s2], $0x80, $0x38;
	[tilespmem:$0x4080] =	vst v63  }
0xd: {  	_ =	swait.ge [sflag:s7], $0x80  }
0xe: {  	[sflag:s7] =	ssyncset.done $0x0  }
0xf: {  	[sflag:s7] =	ssyncadd.s32 $0xFFFFFF80  }
0x10: {  	[tilespmem:s8], [sflag:$0x1] =	stream.indirect.gather [hbm4b:s3+s8], $0x80, s2, s8, $0xb8;
	[tilespmem:$0x4080] =	vst v63  }
0x11: {  	_ =	swait.ge [sflag:s9], $0x4000  }
0x12: {  	[sflag:s9] =	ssyncset.done $0x0  }
0x13: {  	[sflag:s9] =	ssyncadd.s32 $0xFFFFC000  }
0x14: {  	[hbm4b:s5+s2] =	stream.linear.scatter [tilespmem:s8], [sflag:$0x2], $0x4000, $0x38;
	[tilespmem:$0x4080] =	vst v63  }
0x15: {  	s12 =	simm.s32 $0x10;
	_ =	swait.ge [sflag:s7], $0x4000  }
0x16: {  	s13 =	simm.s32 $0x20;
	s11 =	sadd.s32 $0x800, s5;
	[sflag:s7] =	ssyncset.done $0x0  }
.LBB2_2:
0x17: {  	s14 =	sadd.s32 s12, s6  }
0x18: {  	[sflag:s7] =	ssyncadd.s32 $0xFFFFC000;
	s12 =	smov.u32 s13;
	s15 =	sadd.s32 $0x10, s13  }
0x19: {  	[tilespmem:s2], [sflag:$0x2] =	stream.linear.gather [hbm4b:s14+s2], $0x80, $0x38;
	[tilespmem:$0x4080] =	vst v63  }
0x1a: {  	p0 =	sne.s32 s13, $0x1F0;
	_ =	swait.ge [sflag:s7], $0x80  }
0x1b: {  	[sflag:s7] =	ssyncset.done $0x0  }
0x1c: {  	[sflag:s7] =	ssyncadd.s32 $0xFFFFFF80  }
0x1d: {  	[tilespmem:s8], [sflag:$0x1] =	stream.indirect.gather [hbm4b:s3+s8], $0x80, s2, s8, $0xb8;
	[tilespmem:$0x4080] =	vst v63  }
0x1e: {  	_ =	swait.ge [sflag:s9], $0x4000  }
.Ltmp0:
0x1f: {  	[sflag:s9] =	ssyncset.done $0x0;
	(pc) =	sbr.rel @p0 .LBB2_2-.Ltmp0, $4  }
0x20: {  	[sflag:s9] =	ssyncadd.s32 $0xFFFFC000  }
0x21: {  	[hbm4b:s11+s2] =	stream.linear.scatter [tilespmem:s8], [sflag:$0x2], $0x4000, $0x38;
	[tilespmem:$0x4080] =	vst v63  }
0x22: {  	_ =	swait.ge [sflag:s7], $0x4000  }
0x23: {  	s13 =	smov.u32 s15;
	s11 =	sadd.s32 $0x800, s11;
	[sflag:s7] =	ssyncset.done $0x0  }
0x24: {  	s12 =	sadd.s32 s12, s6;
	[sflag:s7] =	ssyncadd.s32 $0xFFFFC000  }
0x25: {  	[tilespmem:s2], [sflag:$0x2] =	stream.linear.gather [hbm4b:s12+s2], $0x80, $0x38;
	[tilespmem:$0x4080] =	vst v63  }
0x26: {  	_ =	swait.ge [sflag:s7], $0x80  }
0x27: {  	[sflag:s7] =	ssyncset.done $0x0  }
0x28: {  	[sflag:s7] =	ssyncadd.s32 $0xFFFFFF80  }
0x29: {  	[tilespmem:s8], [sflag:$0x1] =	stream.indirect.gather [hbm4b:s3+s8], $0x80, s2, s8, $0xb8;
	[tilespmem:$0x4080] =	vst v63  }
0x2a: {  	s10 =	sadd.s32 $0x1, s10;
	_ =	swait.ge [sflag:s9], $0x4000  }
0x2b: {  	p0 =	sne.s32 s10, s4;
	[sflag:s9] =	ssyncset.done $0x0  }
.Ltmp1:
0x2c: {  	[sflag:s9] =	ssyncadd.s32 $0xFFFFC000;
	(pc) =	sbr.rel @p0 .LBB2_1-.Ltmp1, $4  }
0x2d: {  	[hbm4b:s11+s2] =	stream.linear.scatter [tilespmem:s8], [sflag:$0x2], $0x4000, $0x38;
	[tilespmem:$0x4080] =	vst v63  }
0x2e: {  	_ =	swait.ge [sflag:s7], $0x4000  }
0x2f: {  	[sflag:s7] =	ssyncset.done $0x0  }
0x30: {  	[sflag:s7] =	ssyncadd.s32 $0xFFFFC000  }
0x31: {  	_ =	sfence.sel $0x180000  }
0x32: {  	[bflag:$0x0] =	sbarrier.arrive $0xFFFF  }
0x33: {  	p0 =	sne.s32 s1, $0x0;
	_ =	strace $0x90000056  }
0x34: {  	s0 =	sadd.s32 @!p0 $0x100000, s0;
	[bflag:$0x2] =	sbarrier.arrive $0xFFFF  }
0x35: {  	[sflag:s0] =	ssyncadd.tile.s32 @!p0 $0x1;
	_ =	shalt  }
.Lfunc_end2:
_tile_overlayer_lowered:
.L_overlay_start_2:
0x36: {  	(tag) =	ssettag $0x2  }
0x37: {  	s0 =	rddreg [dreg:$0x0];
	s2 =	stileid.u32  }
0x38: {  	s1 =	rddreg [dreg:$0x1];
	p0 =	sne.s32 s2, $0x0  }
0x39: {  	s3 =	rddreg [dreg:$0x2];
	[bflag:$0x3] =	sbarrier.arrive $0xFFFF;
	s2 =	simm.s32 @!p0 $0x1C02  }
0x3a: {  	[timem:s3], [sflag:s2] =	dma.local @!p0 [hbm:s0], s1  }
0x3b: {  	s0 =	simm.s32 @!p0 $0x2  }
0x3c: {  	_ =	swait.ge @!p0 [sflag:s0], s1  }
0x3d: {  	s1 =	ssub.s32 @!p0 $0x0, s1;
	[sflag:s0] =	ssyncset.done @!p0 $0x0  }
0x3e: {  	[sflag:s0] =	ssyncadd.s32 @!p0 s1  }
0x3f: {  	[bflag:$0x3] =	sbarrier.arrive $0xFFFF  }
0x40: {  	_ =	shalt  }

// kernel: kernel.35.cloned.1.call-start
scs
__scs_entry_jumppad:
0x0: {  	(pc) =	sbr.rel $0x88, $3  }
0x1: {  	(tag) =	ssettag $0x0;
	lr =	simm.s32 $0x1  }
0x2: {  	[smem:$0x3F94] =	sst lr;
	_ =	strace $0xD0000000  }
0x3: {  	_ = 	snop  }
0x4: {  	_ = 	snop  }
0x5: {  	_ = 	snop  }
0x6: {  	_ = 	snop  }
0x7: {  	_ = 	snop  }
__scs_overlays_trampoline_lowered:
0x8: {  	[smem:$0x3FA3] =	sst s0  }
0x9: {  	[smem:$0x3FA4] =	sst s1  }
0xa: {  	[smem:$0x3FA5] =	sst s2  }
0xb: {  	[smem:$0x3FA6] =	sst s3  }
0xc: {  	[smem:$0x3FA7] =	sst s4  }
0xd: {  	[smem:$0x3FA8] =	sst s5  }
0xe: {  	[smem:$0x3FA9] =	sst s6  }
0xf: {  	[smem:$0x3FAA] =	sst s7  }
0x10: {  	[smem:$0x3FAB] =	sst s8  }
0x11: {  	[smem:$0x3FAC] =	sst s9;
	s0 =	simm.s32 @!p0 $0x0  }
0x12: {  	s1 =	sld [smem:$0x3F92];
	s0 =	simm.s32 @p0 $0x1  }
0x13: {  	[smem:$0x3FAD] =	sst s0;
	s0 =	simm.s32 @!p1 $0x0  }
0x14: {  	s2 =	sld [smem:$0x3F91];
	s0 =	simm.s32 @p1 $0x1  }
0x15: {  	[smem:$0x3FAE] =	sst s0;
	s0 =	simm.s32 @!p2 $0x0  }
0x16: {  	s3 =	sld [smem:$0x3FDB];
	s0 =	simm.s32 @p2 $0x1  }
0x17: {  	s4 =	simm.s32 $0x1BF5;
	[smem:$0x3FB0] =	sst s0  }
0x18: {  	s0 =	sld [smem:$0x3F93];
	_ =	swait.ge [sflag:s4], $0x0  }
0x19: {  	s7 =	sld [smem:$0x3F94]  }
0x1a: {  	s8 =	sadd.s32 $0xFFFFE003, lr  }
0x1b: {  	s9 =	sadd.s32 $0xFFFFFEF7, lr;
	s5 =	simm.s32 $0xFFFFFFFF;
	p2 =	slt.u32 s8, $0xFFFFF086  }
0x1c: {  	p1 =	slt.u32 s9, $0xF7A;
	s5 =	simm.s32 @!p2 $0x0  }
0x1d: {  	s5 =	simm.s32 @p1 $0x1;
	p0 =	seq.s32 s7, s2  }
0x1e: {  	s7 =	smul.u32 @!p0 $0xF7A, s2;
	p2 =	seq.s32 @!p0 s5, $0x0  }
0x1f: {  	s9 =	smul.u32 $0xF7A, s1;
	s8 =	simm.s32 @!p0 $0x1BF5;
	p2 =	por !p2, p0  }
0x20: {  	[sflag:s8] =	ssyncset.s32 @!p0 $0xFFFFF086;
	s6 =	sadd.s32 @!p0 s3, s7;
	s7 =	simm.s32 @!p0 $0x108  }
0x21: {  	s3 =	sadd.s32 s3, s9;
	s6 =	sadd.s32 @!p0 $0x88, s6;
	s7 =	simm.s32 @p2 $0x1082  }
0x22: {  	[simem:s7], [sflag:s8] =	dma.local @!p0 [hbm:s6], $0xF7A  }
0x23: {  	s9 =	sor.u32 $0xD0000000, s2;
	s6 =	simm.s32 $0x108;
	_ =	swait.ge @!p0 [sflag:s8], $0x0  }
0x24: {  	s3 =	sadd.s32 $0x88, s3;
	s6 =	simm.s32 @!p1 $0x1082;
	[sflag:s4] =	ssyncset.s32 $0xFFFFF086  }
0x25: {  	[simem:s6], [sflag:s4] =	dma.local [hbm:s3], $0xF7A  }
0x26: {  	[smem:$0x3F94] =	sst s1;
	(tag) =	ssettag s2;
	_ =	strace s9  }
0x27: {  	s1 =	sld [smem:$0x3FA4]  }
0x28: {  	s2 =	sld [smem:$0x3FA5]  }
0x29: {  	s4 =	sld [smem:$0x3FA7]  }
0x2a: {  	p0 =	seq.s32 s5, $0x0;
	s5 =	sld [smem:$0x3FA8]  }
0x2b: {  	s6 =	sld [smem:$0x3FA9]  }
0x2c: {  	s7 =	sld [smem:$0x3FAA]  }
0x2d: {  	s3 =	simm.s32 $0x108;
	s8 =	sld [smem:$0x3FAB]  }
0x2e: {  	s3 =	simm.s32 @!p0 $0x1082;
	s9 =	sld [smem:$0x3FAC]  }
0x2f: {  	lr =	sadd.s32 s0, s3;
	s0 =	sld [smem:$0x3FA3]  }
0x30: {  	s3 =	sld [smem:$0x3FA6]  }
0x31: {  	[smem:$0x3FAF] =	sst s10  }
0x32: {  	s10 =	sld [smem:$0x3FAD];
	_ =	sdelay $0x3  }
0x33: {  	p0 =	seq.s32 s10, $0x1;
	s10 =	sld [smem:$0x3FAF];
	_ =	sdelay $0x3  }
0x34: {  	[smem:$0x3FAF] =	sst s10  }
0x35: {  	s10 =	sld [smem:$0x3FAE];
	_ =	sdelay $0x3  }
0x36: {  	p1 =	seq.s32 s10, $0x1;
	s10 =	sld [smem:$0x3FAF];
	_ =	sdelay $0x3  }
0x37: {  	[smem:$0x3FAF] =	sst s10  }
0x38: {  	s10 =	sld [smem:$0x3FB0]  }
0x39: {  	_ = 	snop;
	(pc) =	sbr.ind lr, $3  }
0x3a: {  	_ = 	snop  }
0x3b: {  	_ = 	snop  }
0x3c: {  	p2 =	seq.s32 s10, $0x1;
	s10 =	sld [smem:$0x3FAF]  }
0x3d: {  	_ =	shalt  }
0x3e: {  	_ =	shalt  }
0x3f: {  	_ =	shalt  }
0x40: {  	_ =	shalt  }
0x41: {  	_ =	shalt  }
0x42: {  	_ =	shalt  }
0x43: {  	_ =	shalt  }
0x44: {  	_ =	shalt  }
0x45: {  	_ =	shalt  }
0x46: {  	_ =	shalt  }
0x47: {  	_ =	shalt  }
0x48: {  	_ =	shalt  }
0x49: {  	_ =	shalt  }
0x4a: {  	_ =	shalt  }
0x4b: {  	_ =	shalt  }
0x4c: {  	_ =	shalt  }
0x4d: {  	_ =	shalt  }
0x4e: {  	_ =	shalt  }
0x4f: {  	_ =	shalt  }
0x50: {  	_ =	shalt  }
0x51: {  	_ =	shalt  }
0x52: {  	_ =	shalt  }
0x53: {  	_ =	shalt  }
0x54: {  	_ =	shalt  }
0x55: {  	_ =	shalt  }
0x56: {  	_ =	shalt  }
0x57: {  	_ =	shalt  }
0x58: {  	_ =	shalt  }
0x59: {  	_ =	shalt  }
0x5a: {  	_ =	shalt  }
0x5b: {  	_ =	shalt  }
0x5c: {  	_ =	shalt  }
0x5d: {  	_ =	shalt  }
0x5e: {  	_ =	shalt  }
0x5f: {  	_ =	shalt  }
0x60: {  	_ =	shalt  }
0x61: {  	_ =	shalt  }
0x62: {  	_ =	shalt  }
0x63: {  	_ =	shalt  }
0x64: {  	_ =	shalt  }
0x65: {  	_ =	shalt  }
0x66: {  	_ =	shalt  }
0x67: {  	_ =	shalt  }
0x68: {  	_ =	shalt  }
0x69: {  	_ =	shalt  }
0x6a: {  	_ =	shalt  }
0x6b: {  	_ =	shalt  }
0x6c: {  	_ =	shalt  }
0x6d: {  	_ =	shalt  }
0x6e: {  	_ =	shalt  }
0x6f: {  	_ =	shalt  }
0x70: {  	_ =	shalt  }
0x71: {  	_ =	shalt  }
0x72: {  	_ =	shalt  }
0x73: {  	_ =	shalt  }
0x74: {  	_ =	shalt  }
0x75: {  	_ =	shalt  }
0x76: {  	_ =	shalt  }
0x77: {  	_ =	shalt  }
0x78: {  	_ =	shalt  }
0x79: {  	_ =	shalt  }
0x7a: {  	_ =	shalt  }
0x7b: {  	_ =	shalt  }
0x7c: {  	_ =	shalt  }
0x7d: {  	_ =	shalt  }
0x7e: {  	_ =	shalt  }
0x7f: {  	_ =	shalt  }
0x80: {  	_ =	shalt  }
0x81: {  	_ =	shalt  }
0x82: {  	_ =	shalt  }
0x83: {  	_ =	shalt  }
0x84: {  	_ =	shalt  }
0x85: {  	_ =	shalt  }
0x86: {  	_ =	shalt  }
0x87: {  	_ =	shalt  }
.Lfunc_end0:
.L_simem_size_0:
called_computation.11_lowered:
.L_overlay_start_0:
0x88: {  	s2 =	sld [smem:$0x3FD9]  }
0x89: {  	s3 =	sld [smem:$0x3FFE];
	_ =	sdelay $0x1  }
0x8a: {  	s1 =	srdreg.scid  }
0x8b: {  	s0 =	sand.u32 $0x1, s1  }
0x8c: {  	s16 =	sshll.u32 s0, $0xA;
	s2 =	sadd.s32 s3, s2  }
0x8d: {  	s2 =	sadd.s32 s2, s16  }
0x8e: {  	[smem:$0x3FBB] =	sst s2  }
0x8f: {  	_ = 	snop  }
0x90: {  	(tm) =	ssettm $0x1  }
0x91: {  	s17 =	sld [smem:$0x3FFB];
	_ =	sdelay $0x3  }
0x92: {  	_ =	strace s17  }
0x93: {  	s2 =	sld [smem:$0x3FFC];
	_ =	sdelay $0x3  }
0x94: {  	_ =	strace s2  }
0x95: {  	s2 =	sld [smem:$0x3FFD];
	_ =	sdelay $0x3  }
0x96: {  	_ =	strace s2  }
0x97: {  	_ =	strace $0x8FFFFFFF  }
0x98: {  	s18 =	sld [smem:$0x3FDB];
	_ =	sdelay $0x1  }
0x99: {  	s19 =	simm.s32 $_scs_section_size  }
0x9a: {  	s4 =	simm.s32 $_size__tile_overlayer_lowered;
	s5 =	simm.s32 $_tile_overlayer_lowered  }
0x9b: {  	s22 =	simm.s32 $0x1BFF;
	s21 =	sshll.u32 s5, $0x1;
	s2 =	sadd.s32 s19, s18  }
0x9c: {  	s6 =	simm.s32 $0x0;
	s20 =	sshll.u32 s4, $0x1;
	s4 =	sadd.s32 s21, s2  }
0x9d: {  	[timem:s6], [sflag:s22] =	dma.local [hbm:s4], s20  }
0x9e: {  	_ =	swait.ge [sflag:s22], s20  }
0x9f: {  	s3 =	ssub.s32 $0x0, s20;
	[sflag:s22] =	ssyncset.done $0x0  }
0xa0: {  	[sflag:s22] =	ssyncadd.s32 s3;
	_ =	sdelay $0x1  }
0xa1: {  	s23 =	simm.s32 $0x1B8B  }
0xa2: {  	_ =	swait.ge [sflag:s23], $0x1  }
0xa3: {  	[sflag:s23] =	ssyncset.done $0x0  }
0xa4: {  	s25 =	simm.s32 $0x1B8E;
	s24 =	sld [smem:$0x3FFE];
	[sflag:s23] =	ssyncadd.s32 $0xFFFFFFFF  }
0xa5: {  	s26 =	simm.s32 $execute0_lowered;
	[smem:$0x3FD2] =	sst s25  }
0xa6: {  	s4 =	sshll.u32 s26, $0x1;
	_ =	strace $0x80000046;
	[dreg:$0x1] =	wrdreg $0xFFFFFFFF  }
0xa7: {  	s28 =	simm.s32 $_size_execute0_lowered;
	s2 =	sadd.s32 s2, s4;
	[dreg:$0x0] =	wrdreg $0x0  }
0xa8: {  	s4 =	sshll.u32 s28, $0x1;
	[dreg:$0x2] =	wrdreg s2  }
0xa9: {  	[dreg:$0x3] =	wrdreg s4  }
0xaa: {  	[dreg:$0x4] =	wrdreg $0xC0  }
0xab: {  	_ =	task [dreg:s6], $0x5FFFF  }
0xac: {  	[dreg:$0x1] =	wrdreg $0xFFFFFFFF  }
0xad: {  	[dreg:$0x0] =	wrdreg $0x60  }
0xae: {  	[dreg:$0x2] =	wrdreg s24  }
0xaf: {  	[dreg:$0x3] =	wrdreg $0xC  }
0xb0: {  	_ =	task.clear_ibuf [dreg:s6], $0x4FFFF;
	_ =	strace $0x90000046  }
0xb1: {  	s29 =	simm.s32 $0xC;
	_ =	strace $0x80000048  }
0xb2: {  	_ =	swait.ge [sflag:s29], $0x1  }
0xb3: {  	[sflag:s29] =	ssyncadd.s32 $0xFFFFFFFF  }
0xb4: {  	_ =	strace $0x90000048  }
0xb5: {  	_ =	sfence  }
0xb6: {  	s30 =	sld [smem:$0x0];
	_ =	sdelay $0x2  }
0xb7: {  	s31 =	sshll.u32 s1, $0xD;
	s1 =	sshrl.u32 s1, $0x2  }
0xb8: {  	s3 =	sand.u32 $0x4000, s31;
	s1 =	sadd.s32 s1, s30  }
0xb9: {  	s0 =	sor.u32 s3, s0;
	s1 =	sshll.u32 s1, $0x11  }
0xba: {  	s0 =	sor.u32 s1, s0  }
0xbb: {  	s0 =	sadd.s32 $0x8F2B, s0  }
0xbc: {  	[sflag:s0] =	ssyncadd.remote.s32 $0x1  }
0xbd: {  	_ =	sfence.sel $0xFFFF  }
0xbe: {  	[dreg:$0x0] =	wrdreg $0xFFFFFFFF;
	(pc) =	sbr.abs _section_cstart, $3  }
0xbf: {  	[dreg:$0x1] =	wrdreg $0xFFFFFFFF  }
0xc0: {  	_ =	task.clear_ibuf [dreg:s6], $0x2FFFF;
	_ =	strace $0x9FFFFFFF  }
0xc1: {  	(tm) =	ssettm $0x7FFFFFFF  }
tec
execute0_lowered:
.L_overlay_start_1:
0x0: {  	(tag) =	ssettag $0x1  }
0x1: {  	s3 =	rddreg [dreg:$0x0]  }
0x2: {  	s0 =	rddreg [dreg:$0x1];
	s2 =	simm.s32 $0x0;
	s4 =	srdreg.scid  }
0x3: {  	s1 =	stileid.u32;
	s9 =	simm.s32 $0x1;
	s10 =	simm.s32 $0x0  }
0x4: {  	[smem:$0x7FF] =	sst s2;
	s4 =	sand.u32 $0x1, s4;
	s5 =	sshll.u32 s1, $0xD  }
0x5: {  	s7 =	sshll.u32 s1, $0x11;
	_ =	strace $0x80000047;
	s6 =	sshll.u32 s4, $0xC  }
0x6: {  	s29 =	ssub.s32 $0x2, s4;
	s7 =	sadd.s32 s7, s3;
	s30 =	sshll.u32 s4, $0x10  }
0x7: {  	s5 =	sor.u32 s6, s5;
	s8 =	sshrl.u32 s29, $0x1;
	s31 =	sadd.s32 s30, s7  }
0x8: {  	s7 =	simm.s32 $0x80;
	s5 =	sshrl.u32 s5, $0x3;
	s6 =	ssub.s32 s29, s8  }
0x9: {  	s8 =	simm.s32 $0x2;
	s5 =	sadd.s32 s5, s3;
	s3 =	sadd.s32 $0x12C00, s3  }
0xa: {  	s4 =	smax.u32 s6, $0x1;
	s6 =	sadd.s32 $0x406400, s31;
	s5 =	sadd.s32 $0xEC00, s5  }
.LBB2_1:
0xb: {  	[tilespmem:s7], [sflag:$0x2] =	stream.linear.gather [hbm4b:s6+s2], $0x4000, $0x38;
	[tilespmem:$0x4080] =	vst v63  }
0xc: {  	_ =	swait.ge [sflag:s8], $0x4000  }
0xd: {  	[sflag:s8] =	ssyncset.done $0x0  }
0xe: {  	s11 =	sadd.s32 $0x0, s5;
	[sflag:s8] =	ssyncadd.s32 $0xFFFFC000  }
0xf: {  	[tilespmem:s2], [sflag:$0x2] =	stream.linear.gather [hbm4b:s11+s2], $0x80, $0x38;
	[tilespmem:$0x4080] =	vst v63  }
0x10: {  	_ =	swait.ge [sflag:s8], $0x80  }
0x11: {  	[sflag:s8] =	ssyncset.done $0x0  }
0x12: {  	[sflag:s8] =	ssyncadd.s32 $0xFFFFFF80  }
0x13: {  	[hbm4b:s3+s7] =	stream.indirect.scatter [tilespmem:s7], [sflag:$0x1], $0x80, s2, s7, $0xb8;
	[tilespmem:$0x4080] =	vst v63  }
0x14: {  	_ =	swait.ge [sflag:s9], $0x4000  }
0x15: {  	s12 =	smov.u32 s6;
	s11 =	simm.s32 $0x10;
	[sflag:s9] =	ssyncset.done $0x0  }
.LBB2_2:
0x16: {  	p0 =	sne.s32 s11, $0x1F0;
	[sflag:s9] =	ssyncadd.s32 $0xFFFFC000;
	s12 =	sadd.s32 $0x800, s12  }
0x17: {  	[tilespmem:s7], [sflag:$0x2] =	stream.linear.gather [hbm4b:s12+s2], $0x4000, $0x38;
	[tilespmem:$0x4080] =	vst v63  }
0x18: {  	s13 =	smov.u32 s11;
	s11 =	sadd.s32 $0x10, s11;
	_ =	swait.ge [sflag:s8], $0x4000  }
0x19: {  	[sflag:s8] =	ssyncset.done $0x0  }
0x1a: {  	s13 =	sadd.s32 s13, s5;
	[sflag:s8] =	ssyncadd.s32 $0xFFFFC000  }
0x1b: {  	[tilespmem:s2], [sflag:$0x2] =	stream.linear.gather [hbm4b:s13+s2], $0x80, $0x38;
	[tilespmem:$0x4080] =	vst v63  }
0x1c: {  	_ =	swait.ge [sflag:s8], $0x80  }
.Ltmp0:
0x1d: {  	[sflag:s8] =	ssyncset.done $0x0;
	(pc) =	sbr.rel @p0 .LBB2_2-.Ltmp0, $4  }
0x1e: {  	[sflag:s8] =	ssyncadd.s32 $0xFFFFFF80  }
0x1f: {  	[hbm4b:s3+s7] =	stream.indirect.scatter [tilespmem:s7], [sflag:$0x1], $0x80, s2, s7, $0xb8;
	[tilespmem:$0x4080] =	vst v63  }
0x20: {  	_ =	swait.ge [sflag:s9], $0x4000  }
0x21: {  	[sflag:s9] =	ssyncset.done $0x0  }
0x22: {  	s10 =	sadd.s32 $0x1, s10  }
0x23: {  	p0 =	sne.s32 s10, s4  }
.Ltmp1:
0x24: {  	_ = 	snop;
	(pc) =	sbr.rel @p0 .LBB2_1-.Ltmp1, $2  }
0x25: {  	_ =	sdelay $0x2  }
0x26: {  	[sflag:s9] =	ssyncadd.s32 $0xFFFFC000  }
0x27: {  	_ =	sfence.sel $0x180000  }
0x28: {  	[bflag:$0x0] =	sbarrier.arrive $0xFFFF  }
0x29: {  	p0 =	sne.s32 s1, $0x0;
	_ =	strace $0x90000047  }
0x2a: {  	s0 =	sadd.s32 @!p0 $0x100000, s0;
	[bflag:$0x2] =	sbarrier.arrive $0xFFFF  }
0x2b: {  	[sflag:s0] =	ssyncadd.tile.s32 @!p0 $0x1;
	_ =	shalt  }
.Lfunc_end2:
_tile_overlayer_lowered:
.L_overlay_start_2:
0x2c: {  	(tag) =	ssettag $0x2  }
0x2d: {  	s0 =	rddreg [dreg:$0x0];
	s2 =	stileid.u32  }
0x2e: {  	s1 =	rddreg [dreg:$0x1];
	p0 =	sne.s32 s2, $0x0  }
0x2f: {  	s3 =	rddreg [dreg:$0x2];
	[bflag:$0x3] =	sbarrier.arrive $0xFFFF;
	s2 =	simm.s32 @!p0 $0x1C02  }
0x30: {  	[timem:s3], [sflag:s2] =	dma.local @!p0 [hbm:s0], s1  }
0x31: {  	s0 =	simm.s32 @!p0 $0x2  }
0x32: {  	_ =	swait.ge @!p0 [sflag:s0], s1  }
0x33: {  	s1 =	ssub.s32 @!p0 $0x0, s1;
	[sflag:s0] =	ssyncset.done @!p0 $0x0  }
0x34: {  	[sflag:s0] =	ssyncadd.s32 @!p0 s1  }
0x35: {  	[bflag:$0x3] =	sbarrier.arrive $0xFFFF  }
0x36: {  	_ =	shalt  }

// kernel: kernel.38.cloned.1.call-start
scs
__scs_entry_jumppad:
0x0: {  	(pc) =	sbr.rel $0x88, $3  }
0x1: {  	(tag) =	ssettag $0x0;
	lr =	simm.s32 $0x1  }
0x2: {  	[smem:$0x3F94] =	sst lr;
	_ =	strace $0xD0000000  }
0x3: {  	_ = 	snop  }
0x4: {  	_ = 	snop  }
0x5: {  	_ = 	snop  }
0x6: {  	_ = 	snop  }
0x7: {  	_ = 	snop  }
__scs_overlays_trampoline_lowered:
0x8: {  	[smem:$0x3FA3] =	sst s0  }
0x9: {  	[smem:$0x3FA4] =	sst s1  }
0xa: {  	[smem:$0x3FA5] =	sst s2  }
0xb: {  	[smem:$0x3FA6] =	sst s3  }
0xc: {  	[smem:$0x3FA7] =	sst s4  }
0xd: {  	[smem:$0x3FA8] =	sst s5  }
0xe: {  	[smem:$0x3FA9] =	sst s6  }
0xf: {  	[smem:$0x3FAA] =	sst s7  }
0x10: {  	[smem:$0x3FAB] =	sst s8  }
0x11: {  	[smem:$0x3FAC] =	sst s9;
	s0 =	simm.s32 @!p0 $0x0  }
0x12: {  	s1 =	sld [smem:$0x3F92];
	s0 =	simm.s32 @p0 $0x1  }
0x13: {  	[smem:$0x3FAD] =	sst s0;
	s0 =	simm.s32 @!p1 $0x0  }
0x14: {  	s2 =	sld [smem:$0x3F91];
	s0 =	simm.s32 @p1 $0x1  }
0x15: {  	[smem:$0x3FAE] =	sst s0;
	s0 =	simm.s32 @!p2 $0x0  }
0x16: {  	s3 =	sld [smem:$0x3FDB];
	s0 =	simm.s32 @p2 $0x1  }
0x17: {  	s4 =	simm.s32 $0x1BF5;
	[smem:$0x3FB0] =	sst s0  }
0x18: {  	s0 =	sld [smem:$0x3F93];
	_ =	swait.ge [sflag:s4], $0x0  }
0x19: {  	s7 =	sld [smem:$0x3F94]  }
0x1a: {  	s8 =	sadd.s32 $0xFFFFE003, lr  }
0x1b: {  	s9 =	sadd.s32 $0xFFFFFEF7, lr;
	s5 =	simm.s32 $0xFFFFFFFF;
	p2 =	slt.u32 s8, $0xFFFFF086  }
0x1c: {  	p1 =	slt.u32 s9, $0xF7A;
	s5 =	simm.s32 @!p2 $0x0  }
0x1d: {  	s5 =	simm.s32 @p1 $0x1;
	p0 =	seq.s32 s7, s2  }
0x1e: {  	s7 =	smul.u32 @!p0 $0xF7A, s2;
	p2 =	seq.s32 @!p0 s5, $0x0  }
0x1f: {  	s9 =	smul.u32 $0xF7A, s1;
	s8 =	simm.s32 @!p0 $0x1BF5;
	p2 =	por !p2, p0  }
0x20: {  	[sflag:s8] =	ssyncset.s32 @!p0 $0xFFFFF086;
	s6 =	sadd.s32 @!p0 s3, s7;
	s7 =	simm.s32 @!p0 $0x108  }
0x21: {  	s3 =	sadd.s32 s3, s9;
	s6 =	sadd.s32 @!p0 $0x88, s6;
	s7 =	simm.s32 @p2 $0x1082  }
0x22: {  	[simem:s7], [sflag:s8] =	dma.local @!p0 [hbm:s6], $0xF7A  }
0x23: {  	s9 =	sor.u32 $0xD0000000, s2;
	s6 =	simm.s32 $0x108;
	_ =	swait.ge @!p0 [sflag:s8], $0x0  }
0x24: {  	s3 =	sadd.s32 $0x88, s3;
	s6 =	simm.s32 @!p1 $0x1082;
	[sflag:s4] =	ssyncset.s32 $0xFFFFF086  }
0x25: {  	[simem:s6], [sflag:s4] =	dma.local [hbm:s3], $0xF7A  }
0x26: {  	[smem:$0x3F94] =	sst s1;
	(tag) =	ssettag s2;
	_ =	strace s9  }
0x27: {  	s1 =	sld [smem:$0x3FA4]  }
0x28: {  	s2 =	sld [smem:$0x3FA5]  }
0x29: {  	s4 =	sld [smem:$0x3FA7]  }
0x2a: {  	p0 =	seq.s32 s5, $0x0;
	s5 =	sld [smem:$0x3FA8]  }
0x2b: {  	s6 =	sld [smem:$0x3FA9]  }
0x2c: {  	s7 =	sld [smem:$0x3FAA]  }
0x2d: {  	s3 =	simm.s32 $0x108;
	s8 =	sld [smem:$0x3FAB]  }
0x2e: {  	s3 =	simm.s32 @!p0 $0x1082;
	s9 =	sld [smem:$0x3FAC]  }
0x2f: {  	lr =	sadd.s32 s0, s3;
	s0 =	sld [smem:$0x3FA3]  }
0x30: {  	s3 =	sld [smem:$0x3FA6]  }
0x31: {  	[smem:$0x3FAF] =	sst s10  }
0x32: {  	s10 =	sld [smem:$0x3FAD];
	_ =	sdelay $0x3  }
0x33: {  	p0 =	seq.s32 s10, $0x1;
	s10 =	sld [smem:$0x3FAF];
	_ =	sdelay $0x3  }
0x34: {  	[smem:$0x3FAF] =	sst s10  }
0x35: {  	s10 =	sld [smem:$0x3FAE];
	_ =	sdelay $0x3  }
0x36: {  	p1 =	seq.s32 s10, $0x1;
	s10 =	sld [smem:$0x3FAF];
	_ =	sdelay $0x3  }
0x37: {  	[smem:$0x3FAF] =	sst s10  }
0x38: {  	s10 =	sld [smem:$0x3FB0]  }
0x39: {  	_ = 	snop;
	(pc) =	sbr.ind lr, $3  }
0x3a: {  	_ = 	snop  }
0x3b: {  	_ = 	snop  }
0x3c: {  	p2 =	seq.s32 s10, $0x1;
	s10 =	sld [smem:$0x3FAF]  }
0x3d: {  	_ =	shalt  }
0x3e: {  	_ =	shalt  }
0x3f: {  	_ =	shalt  }
0x40: {  	_ =	shalt  }
0x41: {  	_ =	shalt  }
0x42: {  	_ =	shalt  }
0x43: {  	_ =	shalt  }
0x44: {  	_ =	shalt  }
0x45: {  	_ =	shalt  }
0x46: {  	_ =	shalt  }
0x47: {  	_ =	shalt  }
0x48: {  	_ =	shalt  }
0x49: {  	_ =	shalt  }
0x4a: {  	_ =	shalt  }
0x4b: {  	_ =	shalt  }
0x4c: {  	_ =	shalt  }
0x4d: {  	_ =	shalt  }
0x4e: {  	_ =	shalt  }
0x4f: {  	_ =	shalt  }
0x50: {  	_ =	shalt  }
0x51: {  	_ =	shalt  }
0x52: {  	_ =	shalt  }
0x53: {  	_ =	shalt  }
0x54: {  	_ =	shalt  }
0x55: {  	_ =	shalt  }
0x56: {  	_ =	shalt  }
0x57: {  	_ =	shalt  }
0x58: {  	_ =	shalt  }
0x59: {  	_ =	shalt  }
0x5a: {  	_ =	shalt  }
0x5b: {  	_ =	shalt  }
0x5c: {  	_ =	shalt  }
0x5d: {  	_ =	shalt  }
0x5e: {  	_ =	shalt  }
0x5f: {  	_ =	shalt  }
0x60: {  	_ =	shalt  }
0x61: {  	_ =	shalt  }
0x62: {  	_ =	shalt  }
0x63: {  	_ =	shalt  }
0x64: {  	_ =	shalt  }
0x65: {  	_ =	shalt  }
0x66: {  	_ =	shalt  }
0x67: {  	_ =	shalt  }
0x68: {  	_ =	shalt  }
0x69: {  	_ =	shalt  }
0x6a: {  	_ =	shalt  }
0x6b: {  	_ =	shalt  }
0x6c: {  	_ =	shalt  }
0x6d: {  	_ =	shalt  }
0x6e: {  	_ =	shalt  }
0x6f: {  	_ =	shalt  }
0x70: {  	_ =	shalt  }
0x71: {  	_ =	shalt  }
0x72: {  	_ =	shalt  }
0x73: {  	_ =	shalt  }
0x74: {  	_ =	shalt  }
0x75: {  	_ =	shalt  }
0x76: {  	_ =	shalt  }
0x77: {  	_ =	shalt  }
0x78: {  	_ =	shalt  }
0x79: {  	_ =	shalt  }
0x7a: {  	_ =	shalt  }
0x7b: {  	_ =	shalt  }
0x7c: {  	_ =	shalt  }
0x7d: {  	_ =	shalt  }
0x7e: {  	_ =	shalt  }
0x7f: {  	_ =	shalt  }
0x80: {  	_ =	shalt  }
0x81: {  	_ =	shalt  }
0x82: {  	_ =	shalt  }
0x83: {  	_ =	shalt  }
0x84: {  	_ =	shalt  }
0x85: {  	_ =	shalt  }
0x86: {  	_ =	shalt  }
0x87: {  	_ =	shalt  }
.Lfunc_end0:
.L_simem_size_0:
called_computation.12_lowered:
.L_overlay_start_0:
0x88: {  	s2 =	sld [smem:$0x3FD9]  }
0x89: {  	s3 =	sld [smem:$0x3FFE];
	_ =	sdelay $0x1  }
0x8a: {  	s1 =	srdreg.scid  }
0x8b: {  	s0 =	sand.u32 $0x1, s1  }
0x8c: {  	s17 =	sshll.u32 s0, $0xA;
	s2 =	sadd.s32 s3, s2  }
0x8d: {  	s2 =	sadd.s32 s2, s17  }
0x8e: {  	[smem:$0x3FBB] =	sst s2  }
0x8f: {  	_ = 	snop  }
0x90: {  	(tm) =	ssettm $0x1  }
0x91: {  	s18 =	sld [smem:$0x3FFB];
	_ =	sdelay $0x3  }
0x92: {  	_ =	strace s18  }
0x93: {  	s2 =	sld [smem:$0x3FFC];
	_ =	sdelay $0x3  }
0x94: {  	_ =	strace s2  }
0x95: {  	s2 =	sld [smem:$0x3FFD];
	_ =	sdelay $0x3  }
0x96: {  	_ =	strace s2  }
0x97: {  	_ =	strace $0x8FFFFFFF  }
0x98: {  	s19 =	sld [smem:$0x3FDB];
	_ =	sdelay $0x1  }
0x99: {  	s20 =	simm.s32 $_scs_section_size  }
0x9a: {  	s4 =	simm.s32 $_size__tile_overlayer_lowered;
	s5 =	simm.s32 $_tile_overlayer_lowered  }
0x9b: {  	s6 =	simm.s32 $0x1BFF;
	s21 =	sshll.u32 s5, $0x1;
	s3 =	sadd.s32 s20, s19  }
0x9c: {  	s22 =	simm.s32 $0x0;
	s4 =	sshll.u32 s4, $0x1;
	s5 =	sadd.s32 s21, s3  }
0x9d: {  	[timem:s22], [sflag:s6] =	dma.local [hbm:s5], s4  }
0x9e: {  	_ =	swait.ge [sflag:s6], s4  }
0x9f: {  	s4 =	ssub.s32 $0x0, s4;
	[sflag:s6] =	ssyncset.done $0x0  }
0xa0: {  	[sflag:s6] =	ssyncadd.s32 s4;
	_ =	sdelay $0x1  }
0xa1: {  	s23 =	simm.s32 $0x1B8B  }
0xa2: {  	_ =	swait.ge [sflag:s23], $0x1  }
0xa3: {  	[sflag:s23] =	ssyncset.done $0x0  }
0xa4: {  	[sflag:s23] =	ssyncadd.s32 $0xFFFFFFFF  }
0xa5: {  	s4 =	sld [smem:$0x0]  }
0xa6: {  	s5 =	sand.u32 $0xFFFFFFFE, s1  }
0xa7: {  	p0 =	sne.s32 s1, s5  }
0xa8: {  	s5 =	sshll.u32 @p0 s5, $0xE  }
0xa9: {  	s5 =	sadd.s32 @p0 $0x11B8D, s5;
	s6 =	sshll.u32 @p0 s4, $0x11  }
0xaa: {  	s5 =	sor.u32 @p0 s6, s5  }
0xab: {  	[sflag:s5] =	ssyncadd.remote.s32 @p0 $0x1;
	_ =	sdelay $0x1  }
0xac: {  	s5 =	simm.s32 @p0 $0x1B8D  }
0xad: {  	_ =	swait.eq @p0 [sflag:s5], $0x1  }
0xae: {  	[sflag:s5] =	ssyncadd.s32 @p0 $0xFFFFFFFF  }
0xaf: {  	s6 =	sshll.u32 @!p0 s1, $0xE  }
0xb0: {  	s6 =	sor.u32 @!p0 $0x4000, s6;
	s5 =	simm.s32 @!p0 $0x1B8D  }
0xb1: {  	s4 =	sshll.u32 @!p0 s4, $0x11;
	s6 =	sadd.s32 @!p0 $0x11B8D, s6;
	_ =	swait.eq @!p0 [sflag:s5], $0x1  }
0xb2: {  	s4 =	sor.u32 @!p0 s4, s6;
	[sflag:s5] =	ssyncadd.s32 @!p0 $0xFFFFFFFF  }
0xb3: {  	s25 =	simm.s32 $0x1B8E;
	s24 =	sld [smem:$0x3FFE];
	[sflag:s4] =	ssyncadd.remote.s32 @!p0 $0x1  }
0xb4: {  	s26 =	simm.s32 $execute0_lowered;
	[smem:$0x3FD2] =	sst s25  }
0xb5: {  	s5 =	sshll.u32 s26, $0x1;
	_ =	strace $0x80000052;
	[dreg:$0x1] =	wrdreg $0xFFFFFFFF  }
0xb6: {  	s28 =	simm.s32 $_size_execute0_lowered;
	s3 =	sadd.s32 s3, s5;
	[dreg:$0x0] =	wrdreg $0x0  }
0xb7: {  	s5 =	sshll.u32 s28, $0x1;
	[dreg:$0x2] =	wrdreg s3  }
0xb8: {  	[dreg:$0x3] =	wrdreg s5  }
0xb9: {  	[dreg:$0x4] =	wrdreg $0xC0  }
0xba: {  	_ =	task [dreg:s22], $0x5FFFF  }
0xbb: {  	[dreg:$0x1] =	wrdreg $0xFFFFFFFF  }
0xbc: {  	[dreg:$0x0] =	wrdreg $0x60  }
0xbd: {  	[dreg:$0x2] =	wrdreg s24  }
0xbe: {  	[dreg:$0x3] =	wrdreg $0xD  }
0xbf: {  	_ =	task.clear_ibuf [dreg:s22], $0x4FFFF;
	_ =	strace $0x90000052  }
0xc0: {  	s29 =	simm.s32 $0xD;
	_ =	strace $0x80000054  }
0xc1: {  	_ =	swait.ge [sflag:s29], $0x1  }
0xc2: {  	[sflag:s29] =	ssyncadd.s32 $0xFFFFFFFF  }
0xc3: {  	_ =	strace $0x90000054  }
0xc4: {  	_ =	sfence  }
0xc5: {  	s30 =	sld [smem:$0x0];
	_ =	sdelay $0x2  }
0xc6: {  	s31 =	sshll.u32 s1, $0xD;
	s1 =	sshrl.u32 s1, $0x2  }
0xc7: {  	s4 =	sand.u32 $0x4000, s31;
	s1 =	sadd.s32 s1, s30  }
0xc8: {  	s0 =	sor.u32 s4, s0;
	s1 =	sshll.u32 s1, $0x11  }
0xc9: {  	s0 =	sor.u32 s1, s0  }
0xca: {  	s0 =	sadd.s32 $0x8F2B, s0  }
0xcb: {  	[sflag:s0] =	ssyncadd.remote.s32 $0x1  }
0xcc: {  	_ =	sfence.sel $0xFFFF  }
0xcd: {  	[dreg:$0x0] =	wrdreg $0xFFFFFFFF;
	(pc) =	sbr.abs _section_cstart, $3  }
0xce: {  	[dreg:$0x1] =	wrdreg $0xFFFFFFFF  }
0xcf: {  	_ =	task.clear_ibuf [dreg:s22], $0x2FFFF;
	_ =	strace $0x9FFFFFFF  }
0xd0: {  	(tm) =	ssettm $0x7FFFFFFF  }
0xd1: {  	_ =	shalt  }
tec
execute0_lowered:
.L_overlay_start_1:
0x0: {  	(tag) =	ssettag $0x1  }
0x1: {  	s4 =	rddreg [dreg:$0x0]  }
0x2: {  	s0 =	rddreg [dreg:$0x1];
	s2 =	simm.s32 $0x0;
	s3 =	srdreg.scid  }
0x3: {  	s1 =	stileid.u32;
	s10 =	simm.s32 $0x0;
	[smem:$0x7FF] =	sst s2  }
0x4: {  	s5 =	sand.u32 $0x1, s3;
	s6 =	sshll.u32 s1, $0xD;
	s3 =	sadd.s32 $0xC06400, s4  }
0x5: {  	s8 =	sshll.u32 s1, $0x11;
	_ =	strace $0x80000053;
	s7 =	sshll.u32 s5, $0xC  }
0x6: {  	s31 =	ssub.s32 $0x2, s5;
	s8 =	sadd.s32 s8, s4;
	s5 =	sshll.u32 s5, $0x10  }
0x7: {  	s6 =	sor.u32 s7, s6;
	s9 =	sshrl.u32 s31, $0x1;
	s5 =	sadd.s32 s5, s8  }
0x8: {  	s8 =	simm.s32 $0x80;
	s6 =	sshrl.u32 s6, $0x3;
	s7 =	ssub.s32 s31, s9  }
0x9: {  	s5 =	sadd.s32 $0xEC00, s5;
	s9 =	simm.s32 $0x1;
	s6 =	sadd.s32 s6, s4  }
0xa: {  	s4 =	smax.u32 s7, $0x1;
	s7 =	simm.s32 $0x2;
	s6 =	sadd.s32 $0x276C00, s6  }
.LBB2_1:
0xb: {  	s11 =	sadd.s32 $0x0, s6  }
0xc: {  	[tilespmem:s2], [sflag:$0x2] =	stream.linear.gather [hbm4b:s11+s2], $0x80, $0x38;
	[tilespmem:$0x4080] =	vst v63  }
0xd: {  	_ =	swait.ge [sflag:s7], $0x80  }
0xe: {  	[sflag:s7] =	ssyncset.done $0x0  }
0xf: {  	[sflag:s7] =	ssyncadd.s32 $0xFFFFFF80  }
0x10: {  	[tilespmem:s8], [sflag:$0x1] =	stream.indirect.gather [hbm4b:s3+s8], $0x80, s2, s8, $0xb8;
	[tilespmem:$0x4080] =	vst v63  }
0x11: {  	_ =	swait.ge [sflag:s9], $0x4000  }
0x12: {  	[sflag:s9] =	ssyncset.done $0x0  }
0x13: {  	[sflag:s9] =	ssyncadd.s32 $0xFFFFC000  }
0x14: {  	[hbm4b:s5+s2] =	stream.linear.scatter [tilespmem:s8], [sflag:$0x2], $0x4000, $0x38;
	[tilespmem:$0x4080] =	vst v63  }
0x15: {  	s12 =	simm.s32 $0x10;
	_ =	swait.ge [sflag:s7], $0x4000  }
0x16: {  	s13 =	simm.s32 $0x20;
	s11 =	sadd.s32 $0x800, s5;
	[sflag:s7] =	ssyncset.done $0x0  }
.LBB2_2:
0x17: {  	s14 =	sadd.s32 s12, s6  }
0x18: {  	[sflag:s7] =	ssyncadd.s32 $0xFFFFC000;
	s12 =	smov.u32 s13;
	s15 =	sadd.s32 $0x10, s13  }
0x19: {  	[tilespmem:s2], [sflag:$0x2] =	stream.linear.gather [hbm4b:s14+s2], $0x80, $0x38;
	[tilespmem:$0x4080] =	vst v63  }
0x1a: {  	p0 =	sne.s32 s13, $0x1F0;
	_ =	swait.ge [sflag:s7], $0x80  }
0x1b: {  	[sflag:s7] =	ssyncset.done $0x0  }
0x1c: {  	[sflag:s7] =	ssyncadd.s32 $0xFFFFFF80  }
0x1d: {  	[tilespmem:s8], [sflag:$0x1] =	stream.indirect.gather [hbm4b:s3+s8], $0x80, s2, s8, $0xb8;
	[tilespmem:$0x4080] =	vst v63  }
0x1e: {  	_ =	swait.ge [sflag:s9], $0x4000  }
.Ltmp0:
0x1f: {  	[sflag:s9] =	ssyncset.done $0x0;
	(pc) =	sbr.rel @p0 .LBB2_2-.Ltmp0, $4  }
0x20: {  	[sflag:s9] =	ssyncadd.s32 $0xFFFFC000  }
0x21: {  	[hbm4b:s11+s2] =	stream.linear.scatter [tilespmem:s8], [sflag:$0x2], $0x4000, $0x38;
	[tilespmem:$0x4080] =	vst v63  }
0x22: {  	_ =	swait.ge [sflag:s7], $0x4000  }
0x23: {  	s13 =	smov.u32 s15;
	s11 =	sadd.s32 $0x800, s11;
	[sflag:s7] =	ssyncset.done $0x0  }
0x24: {  	s12 =	sadd.s32 s12, s6;
	[sflag:s7] =	ssyncadd.s32 $0xFFFFC000  }
0x25: {  	[tilespmem:s2], [sflag:$0x2] =	stream.linear.gather [hbm4b:s12+s2], $0x80, $0x38;
	[tilespmem:$0x4080] =	vst v63  }
0x26: {  	_ =	swait.ge [sflag:s7], $0x80  }
0x27: {  	[sflag:s7] =	ssyncset.done $0x0  }
0x28: {  	[sflag:s7] =	ssyncadd.s32 $0xFFFFFF80  }
0x29: {  	[tilespmem:s8], [sflag:$0x1] =	stream.indirect.gather [hbm4b:s3+s8], $0x80, s2, s8, $0xb8;
	[tilespmem:$0x4080] =	vst v63  }
0x2a: {  	s10 =	sadd.s32 $0x1, s10;
	_ =	swait.ge [sflag:s9], $0x4000  }
0x2b: {  	p0 =	sne.s32 s10, s4;
	[sflag:s9] =	ssyncset.done $0x0  }
.Ltmp1:
0x2c: {  	[sflag:s9] =	ssyncadd.s32 $0xFFFFC000;
	(pc) =	sbr.rel @p0 .LBB2_1-.Ltmp1, $4  }
0x2d: {  	[hbm4b:s11+s2] =	stream.linear.scatter [tilespmem:s8], [sflag:$0x2], $0x4000, $0x38;
	[tilespmem:$0x4080] =	vst v63  }
0x2e: {  	_ =	swait.ge [sflag:s7], $0x4000  }
0x2f: {  	[sflag:s7] =	ssyncset.done $0x0  }
0x30: {  	[sflag:s7] =	ssyncadd.s32 $0xFFFFC000  }
0x31: {  	_ =	sfence.sel $0x180000  }
0x32: {  	[bflag:$0x0] =	sbarrier.arrive $0xFFFF  }
0x33: {  	p0 =	sne.s32 s1, $0x0;
	_ =	strace $0x90000053  }
0x34: {  	s0 =	sadd.s32 @!p0 $0x100000, s0;
	[bflag:$0x2] =	sbarrier.arrive $0xFFFF  }
0x35: {  	[sflag:s0] =	ssyncadd.tile.s32 @!p0 $0x1;
	_ =	shalt  }
.Lfunc_end2:
_tile_overlayer_lowered:
.L_overlay_start_2:
0x36: {  	(tag) =	ssettag $0x2  }
0x37: {  	s0 =	rddreg [dreg:$0x0];
	s2 =	stileid.u32  }
0x38: {  	s1 =	rddreg [dreg:$0x1];
	p0 =	sne.s32 s2, $0x0  }
0x39: {  	s3 =	rddreg [dreg:$0x2];
	[bflag:$0x3] =	sbarrier.arrive $0xFFFF;
	s2 =	simm.s32 @!p0 $0x1C02  }
0x3a: {  	[timem:s3], [sflag:s2] =	dma.local @!p0 [hbm:s0], s1  }
0x3b: {  	s0 =	simm.s32 @!p0 $0x2  }
0x3c: {  	_ =	swait.ge @!p0 [sflag:s0], s1  }
0x3d: {  	s1 =	ssub.s32 @!p0 $0x0, s1;
	[sflag:s0] =	ssyncset.done @!p0 $0x0  }
0x3e: {  	[sflag:s0] =	ssyncadd.s32 @!p0 s1  }
0x3f: {  	[bflag:$0x3] =	sbarrier.arrive $0xFFFF  }
0x40: {  	_ =	shalt  }

// kernel: sparse-core-data-format-call.1.cloned.1.call-start
scs
called_computation.1_lowered:
.L_overlay_start_0:
0x0: {  	s2 =	sld [smem:$0x3FD9]  }
0x1: {  	s3 =	sld [smem:$0x3FFE];
	_ =	sdelay $0x1  }
0x2: {  	s1 =	srdreg.scid  }
0x3: {  	s0 =	sand.u32 $0x1, s1  }
0x4: {  	s18 =	sshll.u32 s0, $0xA;
	s2 =	sadd.s32 s3, s2  }
0x5: {  	s2 =	sadd.s32 s2, s18  }
0x6: {  	[smem:$0x3FBB] =	sst s2  }
0x7: {  	_ = 	snop  }
0x8: {  	(tm) =	ssettm $0x1  }
0x9: {  	s19 =	sld [smem:$0x3FFB];
	_ =	sdelay $0x3  }
0xa: {  	_ =	strace s19  }
0xb: {  	s2 =	sld [smem:$0x3FFC];
	_ =	sdelay $0x3  }
0xc: {  	_ =	strace s2  }
0xd: {  	s2 =	sld [smem:$0x3FFD];
	_ =	sdelay $0x3  }
0xe: {  	_ =	strace s2  }
0xf: {  	_ =	strace $0x8FFFFFFF  }
0x10: {  	s20 =	sld [smem:$0x3FDB];
	_ =	sdelay $0x1  }
0x11: {  	s21 =	simm.s32 $_scs_section_size  }
0x12: {  	s4 =	simm.s32 $_size__tile_overlayer_lowered;
	s5 =	simm.s32 $_tile_overlayer_lowered  }
0x13: {  	s6 =	simm.s32 $0x1BFF;
	s22 =	sshll.u32 s5, $0x1;
	s3 =	sadd.s32 s21, s20  }
0x14: {  	s23 =	simm.s32 $0x0;
	s4 =	sshll.u32 s4, $0x1;
	s5 =	sadd.s32 s22, s3  }
0x15: {  	[timem:s23], [sflag:s6] =	dma.local [hbm:s5], s4  }
0x16: {  	_ =	swait.ge [sflag:s6], s4  }
0x17: {  	s4 =	ssub.s32 $0x0, s4;
	[sflag:s6] =	ssyncset.done $0x0  }
0x18: {  	[sflag:s6] =	ssyncadd.s32 s4;
	_ =	sdelay $0x1  }
0x19: {  	s24 =	simm.s32 $0x1B8B  }
0x1a: {  	_ =	swait.ge [sflag:s24], $0x1  }
0x1b: {  	[sflag:s24] =	ssyncset.done $0x0  }
0x1c: {  	[sflag:s24] =	ssyncadd.s32 $0xFFFFFFFF  }
0x1d: {  	s4 =	sld [smem:$0x0]  }
0x1e: {  	s5 =	sand.u32 $0xFFFFFFFE, s1  }
0x1f: {  	p0 =	sne.s32 s1, s5  }
0x20: {  	s5 =	sshll.u32 @p0 s5, $0xE  }
0x21: {  	s5 =	sadd.s32 @p0 $0x11B8D, s5;
	s6 =	sshll.u32 @p0 s4, $0x11  }
0x22: {  	s5 =	sor.u32 @p0 s6, s5  }
0x23: {  	[sflag:s5] =	ssyncadd.remote.s32 @p0 $0x1;
	_ =	sdelay $0x1  }
0x24: {  	s5 =	simm.s32 @p0 $0x1B8D  }
0x25: {  	_ =	swait.eq @p0 [sflag:s5], $0x1  }
0x26: {  	[sflag:s5] =	ssyncadd.s32 @p0 $0xFFFFFFFF  }
0x27: {  	s6 =	sshll.u32 @!p0 s1, $0xE  }
0x28: {  	s6 =	sor.u32 @!p0 $0x4000, s6;
	s5 =	simm.s32 @!p0 $0x1B8D  }
0x29: {  	s4 =	sshll.u32 @!p0 s4, $0x11;
	s6 =	sadd.s32 @!p0 $0x11B8D, s6;
	_ =	swait.eq @!p0 [sflag:s5], $0x1  }
0x2a: {  	s4 =	sor.u32 @!p0 s4, s6;
	[sflag:s5] =	ssyncadd.s32 @!p0 $0xFFFFFFFF  }
0x2b: {  	s26 =	simm.s32 $0x1B8E;
	s25 =	sld [smem:$0x3FFE];
	[sflag:s4] =	ssyncadd.remote.s32 @!p0 $0x1  }
0x2c: {  	s27 =	simm.s32 $execute0_lowered;
	[smem:$0x3FD2] =	sst s26  }
0x2d: {  	s5 =	sshll.u32 s27, $0x1;
	_ =	strace $0x80000067;
	[dreg:$0x1] =	wrdreg $0xFFFFFFFF  }
0x2e: {  	s28 =	simm.s32 $_size_execute0_lowered;
	s3 =	sadd.s32 s3, s5;
	[dreg:$0x0] =	wrdreg $0x0  }
0x2f: {  	s5 =	sshll.u32 s28, $0x1;
	[dreg:$0x2] =	wrdreg s3  }
0x30: {  	[dreg:$0x3] =	wrdreg s5  }
0x31: {  	[dreg:$0x4] =	wrdreg $0xC0  }
0x32: {  	_ =	task [dreg:s23], $0x5FFFF  }
0x33: {  	[dreg:$0x1] =	wrdreg $0xFFFFFFFF  }
0x34: {  	[dreg:$0x0] =	wrdreg $0x60  }
0x35: {  	[dreg:$0x2] =	wrdreg s25  }
0x36: {  	[dreg:$0x3] =	wrdreg $0xA  }
0x37: {  	_ =	task.clear_ibuf [dreg:s23], $0x4FFFF;
	_ =	strace $0x90000067  }
0x38: {  	s29 =	simm.s32 $0xA;
	_ =	strace $0x80000069  }
0x39: {  	_ =	swait.ge [sflag:s29], $0x1  }
0x3a: {  	[sflag:s29] =	ssyncadd.s32 $0xFFFFFFFF  }
0x3b: {  	_ =	strace $0x90000069  }
0x3c: {  	_ =	sfence  }
0x3d: {  	s30 =	sld [smem:$0x0];
	_ =	sdelay $0x2  }
0x3e: {  	s31 =	sshll.u32 s1, $0xD;
	s1 =	sshrl.u32 s1, $0x2  }
0x3f: {  	s4 =	sand.u32 $0x4000, s31;
	s1 =	sadd.s32 s1, s30  }
0x40: {  	s0 =	sor.u32 s4, s0;
	s1 =	sshll.u32 s1, $0x11  }
0x41: {  	s0 =	sor.u32 s1, s0  }
0x42: {  	s0 =	sadd.s32 $0x8F2B, s0  }
0x43: {  	[sflag:s0] =	ssyncadd.remote.s32 $0x1  }
0x44: {  	_ =	sfence.sel $0xFFFF  }
0x45: {  	[dreg:$0x0] =	wrdreg $0xFFFFFFFF;
	(pc) =	sbr.abs _section_cstart, $3  }
0x46: {  	[dreg:$0x1] =	wrdreg $0xFFFFFFFF  }
0x47: {  	_ =	task.clear_ibuf [dreg:s23], $0x2FFFF;
	_ =	strace $0x9FFFFFFF  }
0x48: {  	(tm) =	ssettm $0x7FFFFFFF  }
0x49: {  	_ =	shalt  }
tec
execute0_lowered:
.L_overlay_start_1:
0x0: {  	(tag) =	ssettag $0x1  }
0x1: {  	s0 =	srdreg.scid  }
0x2: {  	s1 =	sshll.u32 s0, $0x4  }
0x3: {  	s6 =	rddreg [dreg:$0x0];
	s0 =	stileid.u32;
	s1 =	sand.u32 $0x10, s1  }
0x4: {  	s5 =	simm.s32 $0x1;
	s31 =	simm.s32 $0x2;
	s1 =	sor.u32 s0, s1  }
0x5: {  	s13 =	simm.s32 $0x0;
	s8 =	simm.s32 $0x20000;
	s2 =	sshll.u32 s1, $0x7  }
0x6: {  	s12 =	simm.s32 $0x0;
	s9 =	simm.s32 $0x0;
	s3 =	ssub.s32 $0x2000, s2  }
0x7: {  	s11 =	simm.s32 $0x0;
	s1 =	rddreg [dreg:$0x1];
	s4 =	sand.u32 $0xF80, s3  }
.Ltmp0:
0x8: {  	_ =	strace $0x80000068;
	p0 =	sne.s32 s4, $0x0;
	(pc) =	sbr.rel .LBB1_1-.Ltmp0, $4  }
0x9: {  	s10 =	smov.u32 s2;
	s7 =	sshrl.u32 s3, $0xC;
	s5 =	simm.s32 @!p0 $0x0  }
0xa: {  	s3 =	sadd.s32 $0xA06400, s6;
	s4 =	simm.s32 $0x1;
	s5 =	sadd.s32 s5, s7  }
0xb: {  	s6 =	sadd.s32 $0x20EC00, s6;
	[sflag:s4] =	ssyncpa.u1 $0x0;
	s5 =	sshll.u32 s5, $0x4  }
0xc: {  	p0 =	por $0x0, $0x0;
	[sflag:s31] =	ssyncpa.u1 $0x0;
	s7 =	sor.u32 $0x1, s5  }
.LBB1_4:
0xd: {  	v5 =	vld [tilespmem:s16+$0xFFFFFFD0];
	[tilespmem:s17+$0x2040 ss:$0x81] =	vst.msk $0xffff, v1  }
0xe: {  	v58 =	vld [tilespmem:s16+$0xFFFFFFE0];
	[tilespmem:s17+$0x2850 ss:$0x81] =	vst.msk $0xffff, v2  }
0xf: {  	s18 =	sshra.s32 s18, $0x2;
	v59 =	vld [tilespmem:s16+$0xFFFFFFF0];
	[tilespmem:s17+$0x3060 ss:$0x81] =	vst.msk $0xffff, v3  }
0x10: {  	v60 =	vld [tilespmem:s16+$0x0];
	[tilespmem:s17+$0x0 ss:$0x81] =	vst.msk $0xffff, v0;
	s15 =	sadd.s32 s18, s15  }
0x11: {  	v61 =	vld [tilespmem:s16+$0x10];
	s26 =	sshll.u32 s13, $0xD;
	[tilespmem:s15+$0x3870 ss:$0x81] =	vst.msk $0xffff, v4  }
0x12: {  	v62 =	vld [tilespmem:s16+$0x20];
	s27 =	sand.u32 $0x78, s12;
	s19 =	sshll.u32 s12, $0x3;
	s29 =	sshll.u32 s13, $0x7;
	[tilespmem:s15+$0x810 ss:$0x81] =	vst.msk $0xffff, v5  }
0x13: {  	v63 =	vld [tilespmem:s16+$0xFFFFFFC0];
	s17 =	sand.u32 $0x10000, s26;
	s28 =	sand.u32 $0x1FC00, s19;
	s19 =	sand.u32 $0x1C00, s19;
	[tilespmem:s15+$0x1020 ss:$0x81] =	vst.msk $0xffff, v58  }
0x14: {  	s13 =	sand.u32 $0x380, s29;
	s16 =	sadd.s32 s28, s17;
	s30 =	sor.u32 s27, s19;
	[tilespmem:s15+$0x1830 ss:$0x81] =	vst.msk $0xffff, v59  }
0x15: {  	s16 =	sand.u32 $0x1E000, s16;
	s13 =	sor.u32 s13, s30;
	[tilespmem:s15+$0x2040 ss:$0x81] =	vst.msk $0xffff, v60  }
0x16: {  	s31 =	sand.u32 $0x7, s12;
	s13 =	sor.u32 s16, s13;
	[tilespmem:s15+$0x2850 ss:$0x81] =	vst.msk $0xffff, v61  }
0x17: {  	s12 =	sshll.u32 s31, $0x12;
	[tilespmem:s15+$0x3060 ss:$0x81] =	vst.msk $0xffff, v62;
	s13 =	sshrl.u32 s13, $0x3  }
0x18: {  	s12 =	sor.u32 $0x80, s12;
	[tilespmem:s15+$0x0 ss:$0x81] =	vst.msk $0xffff, v63;
	s13 =	sadd.s32 s6, s13  }
0x19: {  	[hbm4b:s13+s12] =	stream.strided.scatter [tilespmem:s14], [sflag:$0x2], $0x4000, s8, s12, $0x20;
	[tilespmem:$0x10100] =	vst v63  }
.LBB1_5:
0x1a: {  	s14 =	sadd.s32 $0x1, s9  }
0x1b: {  	s12 =	sadd.s32 $0x1000, s10;
	s16 =	smov.u32 s10;
	p2 =	sgt.s32 s14, $0xF  }
0x1c: {  	s16 =	smov.u32 @p2 s12  }
0x1d: {  	s14 =	simm.s32 @p2 $0x0;
	p2 =	sgt.s32 s16, $0x1FFF  }
0x1e: {  	s16 =	smov.u32 @p2 s2;
	p2 =	sne.s32 s11, s7  }
.Ltmp1:
0x1f: {  	p1 =	slt.u32 s11, $0x2;
	(pc) =	sbr.rel @!p2 .LBB1_6-.Ltmp1, $4  }
0x20: {  	s15 =	simm.s32 @!p1 $0x2  }
0x21: {  	s13 =	smov.u32 s9;
	p0 =	por !p0, !p0;
	_ =	swait.ge @!p1 [sflag:s15], $0x4000  }
0x22: {  	s12 =	smov.u32 s10;
	[sflag:s15] =	ssyncset.done @!p1 $0x0;
	s9 =	smov.u32 s14  }
0x23: {  	s11 =	sadd.s32 $0x1, s11;
	[sflag:s15] =	ssyncadd.s32 @!p1 $0xFFFFC000;
	s10 =	smov.u32 s16  }
.LBB1_1:
0x24: {  	p1 =	sge.u32 s11, s5  }
0x25: {  	s31 =	sadd.s32 $0xFFFFFFFF, s11;
	s14 =	sxor.u32 @!p1 $0xFFFFFFFF, s11  }
0x26: {  	s15 =	sshll.u32 @!p1 s10, $0x8;
	s16 =	sshll.u32 @!p1 s9, $0x4;
	s17 =	simm.s32 @!p1 $0x800  }
0x27: {  	s14 =	sshll.u32 @!p1 s14, $0xE;
	s16 =	sand.u32 @!p1 $0xF0, s16;
	s15 =	sadd.s32 @!p1 s3, s15  }
0x28: {  	s14 =	sand.u32 @!p1 $0x4000, s14;
	s15 =	sadd.s32 @!p1 s16, s15;
	s16 =	simm.s32 @!p1 $0x80  }
0x29: {  	[tilespmem:s14], [sflag:$0x1] =	stream.strided.gather @!p1 [hbm4b:s15+s16], $0x4000, s17, s16, $0x38;
	[tilespmem:$0x10100] =	vst v63  }
0x2a: {  	p1 =	sge.u32 s31, s5  }
.Ltmp2:
0x2b: {  	_ = 	snop;
	(pc) =	sbr.rel @p1 .LBB1_5-.Ltmp2, $1  }
0x2c: {  	_ =	sdelay $0x3  }
0x2d: {  	s14 =	simm.s32 $0x1  }
0x2e: {  	_ =	swait.ge [sflag:s4], $0x4000;
	s14 =	simm.s32 @!p0 $0x0  }
0x2f: {  	[sflag:s4] =	ssyncset.done $0x0;
	s15 =	sshll.u32 s14, $0xE  }
0x30: {  	[sflag:s4] =	ssyncadd.s32 $0xFFFFC000;
	s16 =	sor.u32 $0x40, s15  }
0x31: {  	s14 =	smul.u32 $0x10200, s14;
	v0 =	vld [tilespmem:s16+$0x30]  }
0x32: {  	v3 =	vld [tilespmem:s16+$0xFFFFFFD0]  }
0x33: {  	s14 =	sshrl.u32 s14, $0x2;
	v4 =	vld [tilespmem:s16+$0xFFFFFFE0]  }
0x34: {  	v5 =	vld [tilespmem:s16+$0xFFFFFFF0];
	s15 =	sor.u32 $0x8000, s14  }
0x35: {  	s31 =	sand.u32 $0x1, s11;
	v1 =	vld [tilespmem:s16+$0x0];
	s17 =	sadd.s32 $0x0, s15  }
0x36: {  	v2 =	vld [tilespmem:s16+$0x10];
	s14 =	smul.u32 $0x10200, s31;
	[tilespmem:s17+$0x3870 ss:$0x81] =	vst.msk $0xffff, v0  }
0x37: {  	[tilespmem:s17+$0x810 ss:$0x81] =	vst.msk $0xffff, v3;
	v3 =	vld [tilespmem:s16+$0x20]  }
0x38: {  	s14 =	sshrl.u32 s14, $0x2;
	v0 =	vld [tilespmem:s16+$0xFFFFFFC0];
	[tilespmem:s17+$0x1020 ss:$0x81] =	vst.msk $0xffff, v4;
	s16 =	sadd.s32 $0x80, s16  }
0x39: {  	s18 =	simm.s32 $0x4;
	s19 =	simm.s32 $0x8;
	s14 =	sor.u32 $0x8000, s14;
	[tilespmem:s17+$0x1830 ss:$0x81] =	vst.msk $0xffff, v5;
	v4 =	vld [tilespmem:s16+$0x30]  }
.LBB1_3:
0x3a: {  	p1 =	sne.s32 s19, $0x1FC;
	v5 =	vld [tilespmem:s16+$0xFFFFFFD0];
	[tilespmem:s17+$0x2040 ss:$0x81] =	vst.msk $0xffff, v1  }
0x3b: {  	v6 =	vld [tilespmem:s16+$0xFFFFFFE0];
	[tilespmem:s17+$0x2850 ss:$0x81] =	vst.msk $0xffff, v2  }
0x3c: {  	s20 =	sshra.s32 s18, $0x2;
	s18 =	smov.u32 s19;
	v7 =	vld [tilespmem:s16+$0xFFFFFFF0];
	[tilespmem:s17+$0x3060 ss:$0x81] =	vst.msk $0xffff, v3  }
.Ltmp3:
0x3d: {  	v1 =	vld [tilespmem:s16+$0x0];
	[tilespmem:s17+$0x0 ss:$0x81] =	vst.msk $0xffff, v0;
	s17 =	sadd.s32 s20, s15;
	(pc) =	sbr.rel @p1 .LBB1_3-.Ltmp3, $4  }
0x3e: {  	v2 =	vld [tilespmem:s16+$0x10];
	[tilespmem:s17+$0x3870 ss:$0x81] =	vst.msk $0xffff, v4  }
0x3f: {  	[tilespmem:s17+$0x810 ss:$0x81] =	vst.msk $0xffff, v5;
	v3 =	vld [tilespmem:s16+$0x20]  }
0x40: {  	v0 =	vld [tilespmem:s16+$0xFFFFFFC0];
	[tilespmem:s17+$0x1020 ss:$0x81] =	vst.msk $0xffff, v6;
	s16 =	sadd.s32 $0x80, s16  }
0x41: {  	s19 =	sadd.s32 $0x4, s19;
	v4 =	vld [tilespmem:s16+$0x30];
	[tilespmem:s17+$0x1830 ss:$0x81] =	vst.msk $0xffff, v7  }
.Ltmp4:
0x42: {  	_ = 	snop;
	(pc) =	sbr.rel .LBB1_4-.Ltmp4, $1  }
0x43: {  	_ =	sdelay $0x3  }
.LBB1_6:
0x44: {  	_ =	sfence.sel $0x180000  }
0x45: {  	s2 =	simm.s32 $0x1;
	[bflag:$0x0] =	sbarrier.arrive $0xFFFF  }
0x46: {  	s31 =	simm.s32 $0x2;
	[sflag:s2] =	ssyncpa.u1 $0x1  }
0x47: {  	[sflag:s31] =	ssyncpa.u1 $0x1  }
0x48: {  	p0 =	sne.s32 s0, $0x0;
	_ =	strace $0x90000068  }
0x49: {  	s0 =	sadd.s32 @!p0 $0x100000, s1;
	[bflag:$0x2] =	sbarrier.arrive $0xFFFF  }
0x4a: {  	[sflag:s0] =	ssyncadd.tile.s32 @!p0 $0x1;
	_ =	shalt  }
.Lfunc_end1:
_tile_overlayer_lowered:
.L_overlay_start_2:
0x4b: {  	(tag) =	ssettag $0x2  }
0x4c: {  	s0 =	rddreg [dreg:$0x0];
	s2 =	stileid.u32  }
0x4d: {  	s1 =	rddreg [dreg:$0x1];
	p0 =	sne.s32 s2, $0x0  }
0x4e: {  	s3 =	rddreg [dreg:$0x2];
	[bflag:$0x3] =	sbarrier.arrive $0xFFFF;
	s2 =	simm.s32 @!p0 $0x1C01  }
0x4f: {  	[timem:s3], [sflag:s2] =	dma.local @!p0 [hbm:s0], s1  }
0x50: {  	s0 =	simm.s32 @!p0 $0x1  }
0x51: {  	_ =	swait.ge @!p0 [sflag:s0], s1  }
0x52: {  	s1 =	ssub.s32 @!p0 $0x0, s1;
	[sflag:s0] =	ssyncset.done @!p0 $0x0  }
0x53: {  	[sflag:s0] =	ssyncadd.s32 @!p0 s1  }
0x54: {  	[bflag:$0x3] =	sbarrier.arrive $0xFFFF  }
0x55: {  	_ =	shalt  }

// kernel: sparse-core-data-format-call.2.cloned.1.call-start
scs
called_computation.2_lowered:
.L_overlay_start_0:
0x0: {  	s2 =	sld [smem:$0x3FD9]  }
0x1: {  	s3 =	sld [smem:$0x3FFE];
	_ =	sdelay $0x1  }
0x2: {  	s1 =	srdreg.scid  }
0x3: {  	s0 =	sand.u32 $0x1, s1  }
0x4: {  	s18 =	sshll.u32 s0, $0xA;
	s2 =	sadd.s32 s3, s2  }
0x5: {  	s2 =	sadd.s32 s2, s18  }
0x6: {  	[smem:$0x3FBB] =	sst s2  }
0x7: {  	_ = 	snop  }
0x8: {  	(tm) =	ssettm $0x1  }
0x9: {  	s19 =	sld [smem:$0x3FFB];
	_ =	sdelay $0x3  }
0xa: {  	_ =	strace s19  }
0xb: {  	s2 =	sld [smem:$0x3FFC];
	_ =	sdelay $0x3  }
0xc: {  	_ =	strace s2  }
0xd: {  	s2 =	sld [smem:$0x3FFD];
	_ =	sdelay $0x3  }
0xe: {  	_ =	strace s2  }
0xf: {  	_ =	strace $0x8FFFFFFF  }
0x10: {  	s20 =	sld [smem:$0x3FDB];
	_ =	sdelay $0x1  }
0x11: {  	s21 =	simm.s32 $_scs_section_size  }
0x12: {  	s4 =	simm.s32 $_size__tile_overlayer_lowered;
	s5 =	simm.s32 $_tile_overlayer_lowered  }
0x13: {  	s6 =	simm.s32 $0x1BFF;
	s22 =	sshll.u32 s5, $0x1;
	s3 =	sadd.s32 s21, s20  }
0x14: {  	s23 =	simm.s32 $0x0;
	s4 =	sshll.u32 s4, $0x1;
	s5 =	sadd.s32 s22, s3  }
0x15: {  	[timem:s23], [sflag:s6] =	dma.local [hbm:s5], s4  }
0x16: {  	_ =	swait.ge [sflag:s6], s4  }
0x17: {  	s4 =	ssub.s32 $0x0, s4;
	[sflag:s6] =	ssyncset.done $0x0  }
0x18: {  	[sflag:s6] =	ssyncadd.s32 s4;
	_ =	sdelay $0x1  }
0x19: {  	s24 =	simm.s32 $0x1B8B  }
0x1a: {  	_ =	swait.ge [sflag:s24], $0x1  }
0x1b: {  	[sflag:s24] =	ssyncset.done $0x0  }
0x1c: {  	[sflag:s24] =	ssyncadd.s32 $0xFFFFFFFF  }
0x1d: {  	s4 =	sld [smem:$0x0]  }
0x1e: {  	s5 =	sand.u32 $0xFFFFFFFE, s1  }
0x1f: {  	p0 =	sne.s32 s1, s5  }
0x20: {  	s5 =	sshll.u32 @p0 s5, $0xE  }
0x21: {  	s5 =	sadd.s32 @p0 $0x11B8D, s5;
	s6 =	sshll.u32 @p0 s4, $0x11  }
0x22: {  	s5 =	sor.u32 @p0 s6, s5  }
0x23: {  	[sflag:s5] =	ssyncadd.remote.s32 @p0 $0x1;
	_ =	sdelay $0x1  }
0x24: {  	s5 =	simm.s32 @p0 $0x1B8D  }
0x25: {  	_ =	swait.eq @p0 [sflag:s5], $0x1  }
0x26: {  	[sflag:s5] =	ssyncadd.s32 @p0 $0xFFFFFFFF  }
0x27: {  	s6 =	sshll.u32 @!p0 s1, $0xE  }
0x28: {  	s6 =	sor.u32 @!p0 $0x4000, s6;
	s5 =	simm.s32 @!p0 $0x1B8D  }
0x29: {  	s4 =	sshll.u32 @!p0 s4, $0x11;
	s6 =	sadd.s32 @!p0 $0x11B8D, s6;
	_ =	swait.eq @!p0 [sflag:s5], $0x1  }
0x2a: {  	s4 =	sor.u32 @!p0 s4, s6;
	[sflag:s5] =	ssyncadd.s32 @!p0 $0xFFFFFFFF  }
0x2b: {  	s26 =	simm.s32 $0x1B8E;
	s25 =	sld [smem:$0x3FFE];
	[sflag:s4] =	ssyncadd.remote.s32 @!p0 $0x1  }
0x2c: {  	s27 =	simm.s32 $execute0_lowered;
	[smem:$0x3FD2] =	sst s26  }
0x2d: {  	s5 =	sshll.u32 s27, $0x1;
	_ =	strace $0x80000064;
	[dreg:$0x1] =	wrdreg $0xFFFFFFFF  }
0x2e: {  	s28 =	simm.s32 $_size_execute0_lowered;
	s3 =	sadd.s32 s3, s5;
	[dreg:$0x0] =	wrdreg $0x0  }
0x2f: {  	s5 =	sshll.u32 s28, $0x1;
	[dreg:$0x2] =	wrdreg s3  }
0x30: {  	[dreg:$0x3] =	wrdreg s5  }
0x31: {  	[dreg:$0x4] =	wrdreg $0xC0  }
0x32: {  	_ =	task [dreg:s23], $0x5FFFF  }
0x33: {  	[dreg:$0x1] =	wrdreg $0xFFFFFFFF  }
0x34: {  	[dreg:$0x0] =	wrdreg $0x60  }
0x35: {  	[dreg:$0x2] =	wrdreg s25  }
0x36: {  	[dreg:$0x3] =	wrdreg $0xB  }
0x37: {  	_ =	task.clear_ibuf [dreg:s23], $0x4FFFF;
	_ =	strace $0x90000064  }
0x38: {  	s29 =	simm.s32 $0xB;
	_ =	strace $0x80000066  }
0x39: {  	_ =	swait.ge [sflag:s29], $0x1  }
0x3a: {  	[sflag:s29] =	ssyncadd.s32 $0xFFFFFFFF  }
0x3b: {  	_ =	strace $0x90000066  }
0x3c: {  	_ =	sfence  }
0x3d: {  	s30 =	sld [smem:$0x0];
	_ =	sdelay $0x2  }
0x3e: {  	s31 =	sshll.u32 s1, $0xD;
	s1 =	sshrl.u32 s1, $0x2  }
0x3f: {  	s4 =	sand.u32 $0x4000, s31;
	s1 =	sadd.s32 s1, s30  }
0x40: {  	s0 =	sor.u32 s4, s0;
	s1 =	sshll.u32 s1, $0x11  }
0x41: {  	s0 =	sor.u32 s1, s0  }
0x42: {  	s0 =	sadd.s32 $0x8F2B, s0  }
0x43: {  	[sflag:s0] =	ssyncadd.remote.s32 $0x1  }
0x44: {  	_ =	sfence.sel $0xFFFF  }
0x45: {  	[dreg:$0x0] =	wrdreg $0xFFFFFFFF;
	(pc) =	sbr.abs _section_cstart, $3  }
0x46: {  	[dreg:$0x1] =	wrdreg $0xFFFFFFFF  }
0x47: {  	_ =	task.clear_ibuf [dreg:s23], $0x2FFFF;
	_ =	strace $0x9FFFFFFF  }
0x48: {  	(tm) =	ssettm $0x7FFFFFFF  }
0x49: {  	_ =	shalt  }
tec
execute0_lowered:
.L_overlay_start_1:
0x0: {  	(tag) =	ssettag $0x1  }
0x1: {  	s0 =	srdreg.scid  }
0x2: {  	s1 =	sshll.u32 s0, $0x4  }
0x3: {  	s6 =	rddreg [dreg:$0x0];
	s0 =	stileid.u32;
	s1 =	sand.u32 $0x10, s1  }
0x4: {  	s5 =	simm.s32 $0x1;
	s31 =	simm.s32 $0x2;
	s1 =	sor.u32 s0, s1  }
0x5: {  	s13 =	simm.s32 $0x0;
	s8 =	simm.s32 $0x20000;
	s2 =	sshll.u32 s1, $0x7  }
0x6: {  	s12 =	simm.s32 $0x0;
	s9 =	simm.s32 $0x0;
	s3 =	ssub.s32 $0x2000, s2  }
0x7: {  	s11 =	simm.s32 $0x0;
	s1 =	rddreg [dreg:$0x1];
	s4 =	sand.u32 $0xF80, s3  }
.Ltmp0:
0x8: {  	_ =	strace $0x80000065;
	p0 =	sne.s32 s4, $0x0;
	(pc) =	sbr.rel .LBB1_1-.Ltmp0, $4  }
0x9: {  	s10 =	smov.u32 s2;
	s7 =	sshrl.u32 s3, $0xC;
	s5 =	simm.s32 @!p0 $0x0  }
0xa: {  	s3 =	sadd.s32 $0x806400, s6;
	s4 =	simm.s32 $0x1;
	s5 =	sadd.s32 s5, s7  }
0xb: {  	s6 =	sadd.s32 $0x1006400, s6;
	[sflag:s4] =	ssyncpa.u1 $0x0;
	s5 =	sshll.u32 s5, $0x4  }
0xc: {  	p0 =	por $0x0, $0x0;
	[sflag:s31] =	ssyncpa.u1 $0x0;
	s7 =	sor.u32 $0x1, s5  }
.LBB1_4:
0xd: {  	v5 =	vld [tilespmem:s16+$0xFFFFFFD0];
	[tilespmem:s17+$0x2040 ss:$0x81] =	vst.msk $0xffff, v1  }
0xe: {  	v58 =	vld [tilespmem:s16+$0xFFFFFFE0];
	[tilespmem:s17+$0x2850 ss:$0x81] =	vst.msk $0xffff, v2  }
0xf: {  	s18 =	sshra.s32 s18, $0x2;
	v59 =	vld [tilespmem:s16+$0xFFFFFFF0];
	[tilespmem:s17+$0x3060 ss:$0x81] =	vst.msk $0xffff, v3  }
0x10: {  	v60 =	vld [tilespmem:s16+$0x0];
	[tilespmem:s17+$0x0 ss:$0x81] =	vst.msk $0xffff, v0;
	s15 =	sadd.s32 s18, s15  }
0x11: {  	v61 =	vld [tilespmem:s16+$0x10];
	s26 =	sshll.u32 s13, $0xD;
	[tilespmem:s15+$0x3870 ss:$0x81] =	vst.msk $0xffff, v4  }
0x12: {  	v62 =	vld [tilespmem:s16+$0x20];
	s27 =	sand.u32 $0x78, s12;
	s19 =	sshll.u32 s12, $0x3;
	s29 =	sshll.u32 s13, $0x7;
	[tilespmem:s15+$0x810 ss:$0x81] =	vst.msk $0xffff, v5  }
0x13: {  	v63 =	vld [tilespmem:s16+$0xFFFFFFC0];
	s17 =	sand.u32 $0x10000, s26;
	s28 =	sand.u32 $0x1FC00, s19;
	s19 =	sand.u32 $0x1C00, s19;
	[tilespmem:s15+$0x1020 ss:$0x81] =	vst.msk $0xffff, v58  }
0x14: {  	s13 =	sand.u32 $0x380, s29;
	s16 =	sadd.s32 s28, s17;
	s30 =	sor.u32 s27, s19;
	[tilespmem:s15+$0x1830 ss:$0x81] =	vst.msk $0xffff, v59  }
0x15: {  	s16 =	sand.u32 $0x1E000, s16;
	s13 =	sor.u32 s13, s30;
	[tilespmem:s15+$0x2040 ss:$0x81] =	vst.msk $0xffff, v60  }
0x16: {  	s31 =	sand.u32 $0x7, s12;
	s13 =	sor.u32 s16, s13;
	[tilespmem:s15+$0x2850 ss:$0x81] =	vst.msk $0xffff, v61  }
0x17: {  	s12 =	sshll.u32 s31, $0x12;
	[tilespmem:s15+$0x3060 ss:$0x81] =	vst.msk $0xffff, v62;
	s13 =	sshrl.u32 s13, $0x3  }
0x18: {  	s12 =	sor.u32 $0x80, s12;
	[tilespmem:s15+$0x0 ss:$0x81] =	vst.msk $0xffff, v63;
	s13 =	sadd.s32 s6, s13  }
0x19: {  	[hbm4b:s13+s12] =	stream.strided.scatter [tilespmem:s14], [sflag:$0x2], $0x4000, s8, s12, $0x20;
	[tilespmem:$0x10100] =	vst v63  }
.LBB1_5:
0x1a: {  	s14 =	sadd.s32 $0x1, s9  }
0x1b: {  	s12 =	sadd.s32 $0x1000, s10;
	s16 =	smov.u32 s10;
	p2 =	sgt.s32 s14, $0xF  }
0x1c: {  	s16 =	smov.u32 @p2 s12  }
0x1d: {  	s14 =	simm.s32 @p2 $0x0;
	p2 =	sgt.s32 s16, $0x1FFF  }
0x1e: {  	s16 =	smov.u32 @p2 s2;
	p2 =	sne.s32 s11, s7  }
.Ltmp1:
0x1f: {  	p1 =	slt.u32 s11, $0x2;
	(pc) =	sbr.rel @!p2 .LBB1_6-.Ltmp1, $4  }
0x20: {  	s15 =	simm.s32 @!p1 $0x2  }
0x21: {  	s13 =	smov.u32 s9;
	p0 =	por !p0, !p0;
	_ =	swait.ge @!p1 [sflag:s15], $0x4000  }
0x22: {  	s12 =	smov.u32 s10;
	[sflag:s15] =	ssyncset.done @!p1 $0x0;
	s9 =	smov.u32 s14  }
0x23: {  	s11 =	sadd.s32 $0x1, s11;
	[sflag:s15] =	ssyncadd.s32 @!p1 $0xFFFFC000;
	s10 =	smov.u32 s16  }
.LBB1_1:
0x24: {  	p1 =	sge.u32 s11, s5  }
0x25: {  	s31 =	sadd.s32 $0xFFFFFFFF, s11;
	s14 =	sxor.u32 @!p1 $0xFFFFFFFF, s11  }
0x26: {  	s15 =	sshll.u32 @!p1 s10, $0x8;
	s16 =	sshll.u32 @!p1 s9, $0x4;
	s17 =	simm.s32 @!p1 $0x800  }
0x27: {  	s14 =	sshll.u32 @!p1 s14, $0xE;
	s16 =	sand.u32 @!p1 $0xF0, s16;
	s15 =	sadd.s32 @!p1 s3, s15  }
0x28: {  	s14 =	sand.u32 @!p1 $0x4000, s14;
	s15 =	sadd.s32 @!p1 s16, s15;
	s16 =	simm.s32 @!p1 $0x80  }
0x29: {  	[tilespmem:s14], [sflag:$0x1] =	stream.strided.gather @!p1 [hbm4b:s15+s16], $0x4000, s17, s16, $0x38;
	[tilespmem:$0x10100] =	vst v63  }
0x2a: {  	p1 =	sge.u32 s31, s5  }
.Ltmp2:
0x2b: {  	_ = 	snop;
	(pc) =	sbr.rel @p1 .LBB1_5-.Ltmp2, $1  }
0x2c: {  	_ =	sdelay $0x3  }
0x2d: {  	s14 =	simm.s32 $0x1  }
0x2e: {  	_ =	swait.ge [sflag:s4], $0x4000;
	s14 =	simm.s32 @!p0 $0x0  }
0x2f: {  	[sflag:s4] =	ssyncset.done $0x0;
	s15 =	sshll.u32 s14, $0xE  }
0x30: {  	[sflag:s4] =	ssyncadd.s32 $0xFFFFC000;
	s16 =	sor.u32 $0x40, s15  }
0x31: {  	s14 =	smul.u32 $0x10200, s14;
	v0 =	vld [tilespmem:s16+$0x30]  }
0x32: {  	v3 =	vld [tilespmem:s16+$0xFFFFFFD0]  }
0x33: {  	s14 =	sshrl.u32 s14, $0x2;
	v4 =	vld [tilespmem:s16+$0xFFFFFFE0]  }
0x34: {  	v5 =	vld [tilespmem:s16+$0xFFFFFFF0];
	s15 =	sor.u32 $0x8000, s14  }
0x35: {  	s31 =	sand.u32 $0x1, s11;
	v1 =	vld [tilespmem:s16+$0x0];
	s17 =	sadd.s32 $0x0, s15  }
0x36: {  	v2 =	vld [tilespmem:s16+$0x10];
	s14 =	smul.u32 $0x10200, s31;
	[tilespmem:s17+$0x3870 ss:$0x81] =	vst.msk $0xffff, v0  }
0x37: {  	[tilespmem:s17+$0x810 ss:$0x81] =	vst.msk $0xffff, v3;
	v3 =	vld [tilespmem:s16+$0x20]  }
0x38: {  	s14 =	sshrl.u32 s14, $0x2;
	v0 =	vld [tilespmem:s16+$0xFFFFFFC0];
	[tilespmem:s17+$0x1020 ss:$0x81] =	vst.msk $0xffff, v4;
	s16 =	sadd.s32 $0x80, s16  }
0x39: {  	s18 =	simm.s32 $0x4;
	s19 =	simm.s32 $0x8;
	s14 =	sor.u32 $0x8000, s14;
	[tilespmem:s17+$0x1830 ss:$0x81] =	vst.msk $0xffff, v5;
	v4 =	vld [tilespmem:s16+$0x30]  }
.LBB1_3:
0x3a: {  	p1 =	sne.s32 s19, $0x1FC;
	v5 =	vld [tilespmem:s16+$0xFFFFFFD0];
	[tilespmem:s17+$0x2040 ss:$0x81] =	vst.msk $0xffff, v1  }
0x3b: {  	v6 =	vld [tilespmem:s16+$0xFFFFFFE0];
	[tilespmem:s17+$0x2850 ss:$0x81] =	vst.msk $0xffff, v2  }
0x3c: {  	s20 =	sshra.s32 s18, $0x2;
	s18 =	smov.u32 s19;
	v7 =	vld [tilespmem:s16+$0xFFFFFFF0];
	[tilespmem:s17+$0x3060 ss:$0x81] =	vst.msk $0xffff, v3  }
.Ltmp3:
0x3d: {  	v1 =	vld [tilespmem:s16+$0x0];
	[tilespmem:s17+$0x0 ss:$0x81] =	vst.msk $0xffff, v0;
	s17 =	sadd.s32 s20, s15;
	(pc) =	sbr.rel @p1 .LBB1_3-.Ltmp3, $4  }
0x3e: {  	v2 =	vld [tilespmem:s16+$0x10];
	[tilespmem:s17+$0x3870 ss:$0x81] =	vst.msk $0xffff, v4  }
0x3f: {  	[tilespmem:s17+$0x810 ss:$0x81] =	vst.msk $0xffff, v5;
	v3 =	vld [tilespmem:s16+$0x20]  }
0x40: {  	v0 =	vld [tilespmem:s16+$0xFFFFFFC0];
	[tilespmem:s17+$0x1020 ss:$0x81] =	vst.msk $0xffff, v6;
	s16 =	sadd.s32 $0x80, s16  }
0x41: {  	s19 =	sadd.s32 $0x4, s19;
	v4 =	vld [tilespmem:s16+$0x30];
	[tilespmem:s17+$0x1830 ss:$0x81] =	vst.msk $0xffff, v7  }
.Ltmp4:
0x42: {  	_ = 	snop;
	(pc) =	sbr.rel .LBB1_4-.Ltmp4, $1  }
0x43: {  	_ =	sdelay $0x3  }
.LBB1_6:
0x44: {  	_ =	sfence.sel $0x180000  }
0x45: {  	s2 =	simm.s32 $0x1;
	[bflag:$0x0] =	sbarrier.arrive $0xFFFF  }
0x46: {  	s31 =	simm.s32 $0x2;
	[sflag:s2] =	ssyncpa.u1 $0x1  }
0x47: {  	[sflag:s31] =	ssyncpa.u1 $0x1  }
0x48: {  	p0 =	sne.s32 s0, $0x0;
	_ =	strace $0x90000065  }
0x49: {  	s0 =	sadd.s32 @!p0 $0x100000, s1;
	[bflag:$0x2] =	sbarrier.arrive $0xFFFF  }
0x4a: {  	[sflag:s0] =	ssyncadd.tile.s32 @!p0 $0x1;
	_ =	shalt  }
.Lfunc_end1:
_tile_overlayer_lowered:
.L_overlay_start_2:
0x4b: {  	(tag) =	ssettag $0x2  }
0x4c: {  	s0 =	rddreg [dreg:$0x0];
	s2 =	stileid.u32  }
0x4d: {  	s1 =	rddreg [dreg:$0x1];
	p0 =	sne.s32 s2, $0x0  }
0x4e: {  	s3 =	rddreg [dreg:$0x2];
	[bflag:$0x3] =	sbarrier.arrive $0xFFFF;
	s2 =	simm.s32 @!p0 $0x1C01  }
0x4f: {  	[timem:s3], [sflag:s2] =	dma.local @!p0 [hbm:s0], s1  }
0x50: {  	s0 =	simm.s32 @!p0 $0x1  }
0x51: {  	_ =	swait.ge @!p0 [sflag:s0], s1  }
0x52: {  	s1 =	ssub.s32 @!p0 $0x0, s1;
	[sflag:s0] =	ssyncset.done @!p0 $0x0  }
0x53: {  	[sflag:s0] =	ssyncadd.s32 @!p0 s1  }
0x54: {  	[bflag:$0x3] =	sbarrier.arrive $0xFFFF  }
0x55: {  	_ =	shalt  }

// kernel: sparse-core-data-format-call.3.cloned.1.call-start
scs
called_computation.3_lowered:
.L_overlay_start_0:
0x0: {  	s2 =	sld [smem:$0x3FD9]  }
0x1: {  	s3 =	sld [smem:$0x3FFE];
	_ =	sdelay $0x1  }
0x2: {  	s1 =	srdreg.scid  }
0x3: {  	s0 =	sand.u32 $0x1, s1  }
0x4: {  	s18 =	sshll.u32 s0, $0xA;
	s2 =	sadd.s32 s3, s2  }
0x5: {  	s2 =	sadd.s32 s2, s18  }
0x6: {  	[smem:$0x3FBB] =	sst s2  }
0x7: {  	_ = 	snop  }
0x8: {  	(tm) =	ssettm $0x1  }
0x9: {  	s19 =	sld [smem:$0x3FFB];
	_ =	sdelay $0x3  }
0xa: {  	_ =	strace s19  }
0xb: {  	s2 =	sld [smem:$0x3FFC];
	_ =	sdelay $0x3  }
0xc: {  	_ =	strace s2  }
0xd: {  	s2 =	sld [smem:$0x3FFD];
	_ =	sdelay $0x3  }
0xe: {  	_ =	strace s2  }
0xf: {  	_ =	strace $0x8FFFFFFF  }
0x10: {  	s20 =	sld [smem:$0x3FDB];
	_ =	sdelay $0x1  }
0x11: {  	s21 =	simm.s32 $_scs_section_size  }
0x12: {  	s4 =	simm.s32 $_size__tile_overlayer_lowered;
	s5 =	simm.s32 $_tile_overlayer_lowered  }
0x13: {  	s6 =	simm.s32 $0x1BFF;
	s22 =	sshll.u32 s5, $0x1;
	s3 =	sadd.s32 s21, s20  }
0x14: {  	s23 =	simm.s32 $0x0;
	s4 =	sshll.u32 s4, $0x1;
	s5 =	sadd.s32 s22, s3  }
0x15: {  	[timem:s23], [sflag:s6] =	dma.local [hbm:s5], s4  }
0x16: {  	_ =	swait.ge [sflag:s6], s4  }
0x17: {  	s4 =	ssub.s32 $0x0, s4;
	[sflag:s6] =	ssyncset.done $0x0  }
0x18: {  	[sflag:s6] =	ssyncadd.s32 s4;
	_ =	sdelay $0x1  }
0x19: {  	s24 =	simm.s32 $0x1B8B  }
0x1a: {  	_ =	swait.ge [sflag:s24], $0x1  }
0x1b: {  	[sflag:s24] =	ssyncset.done $0x0  }
0x1c: {  	[sflag:s24] =	ssyncadd.s32 $0xFFFFFFFF  }
0x1d: {  	s4 =	sld [smem:$0x0]  }
0x1e: {  	s5 =	sand.u32 $0xFFFFFFFE, s1  }
0x1f: {  	p0 =	sne.s32 s1, s5  }
0x20: {  	s5 =	sshll.u32 @p0 s5, $0xE  }
0x21: {  	s5 =	sadd.s32 @p0 $0x11B8D, s5;
	s6 =	sshll.u32 @p0 s4, $0x11  }
0x22: {  	s5 =	sor.u32 @p0 s6, s5  }
0x23: {  	[sflag:s5] =	ssyncadd.remote.s32 @p0 $0x1;
	_ =	sdelay $0x1  }
0x24: {  	s5 =	simm.s32 @p0 $0x1B8D  }
0x25: {  	_ =	swait.eq @p0 [sflag:s5], $0x1  }
0x26: {  	[sflag:s5] =	ssyncadd.s32 @p0 $0xFFFFFFFF  }
0x27: {  	s6 =	sshll.u32 @!p0 s1, $0xE  }
0x28: {  	s6 =	sor.u32 @!p0 $0x4000, s6;
	s5 =	simm.s32 @!p0 $0x1B8D  }
0x29: {  	s4 =	sshll.u32 @!p0 s4, $0x11;
	s6 =	sadd.s32 @!p0 $0x11B8D, s6;
	_ =	swait.eq @!p0 [sflag:s5], $0x1  }
0x2a: {  	s4 =	sor.u32 @!p0 s4, s6;
	[sflag:s5] =	ssyncadd.s32 @!p0 $0xFFFFFFFF  }
0x2b: {  	s26 =	simm.s32 $0x1B8E;
	s25 =	sld [smem:$0x3FFE];
	[sflag:s4] =	ssyncadd.remote.s32 @!p0 $0x1  }
0x2c: {  	s27 =	simm.s32 $execute0_lowered;
	[smem:$0x3FD2] =	sst s26  }
0x2d: {  	s5 =	sshll.u32 s27, $0x1;
	_ =	strace $0x80000061;
	[dreg:$0x1] =	wrdreg $0xFFFFFFFF  }
0x2e: {  	s28 =	simm.s32 $_size_execute0_lowered;
	s3 =	sadd.s32 s3, s5;
	[dreg:$0x0] =	wrdreg $0x0  }
0x2f: {  	s5 =	sshll.u32 s28, $0x1;
	[dreg:$0x2] =	wrdreg s3  }
0x30: {  	[dreg:$0x3] =	wrdreg s5  }
0x31: {  	[dreg:$0x4] =	wrdreg $0xC0  }
0x32: {  	_ =	task [dreg:s23], $0x5FFFF  }
0x33: {  	[dreg:$0x1] =	wrdreg $0xFFFFFFFF  }
0x34: {  	[dreg:$0x0] =	wrdreg $0x60  }
0x35: {  	[dreg:$0x2] =	wrdreg s25  }
0x36: {  	[dreg:$0x3] =	wrdreg $0xC  }
0x37: {  	_ =	task.clear_ibuf [dreg:s23], $0x4FFFF;
	_ =	strace $0x90000061  }
0x38: {  	s29 =	simm.s32 $0xC;
	_ =	strace $0x80000063  }
0x39: {  	_ =	swait.ge [sflag:s29], $0x1  }
0x3a: {  	[sflag:s29] =	ssyncadd.s32 $0xFFFFFFFF  }
0x3b: {  	_ =	strace $0x90000063  }
0x3c: {  	_ =	sfence  }
0x3d: {  	s30 =	sld [smem:$0x0];
	_ =	sdelay $0x2  }
0x3e: {  	s31 =	sshll.u32 s1, $0xD;
	s1 =	sshrl.u32 s1, $0x2  }
0x3f: {  	s4 =	sand.u32 $0x4000, s31;
	s1 =	sadd.s32 s1, s30  }
0x40: {  	s0 =	sor.u32 s4, s0;
	s1 =	sshll.u32 s1, $0x11  }
0x41: {  	s0 =	sor.u32 s1, s0  }
0x42: {  	s0 =	sadd.s32 $0x8F2B, s0  }
0x43: {  	[sflag:s0] =	ssyncadd.remote.s32 $0x1  }
0x44: {  	_ =	sfence.sel $0xFFFF  }
0x45: {  	[dreg:$0x0] =	wrdreg $0xFFFFFFFF;
	(pc) =	sbr.abs _section_cstart, $3  }
0x46: {  	[dreg:$0x1] =	wrdreg $0xFFFFFFFF  }
0x47: {  	_ =	task.clear_ibuf [dreg:s23], $0x2FFFF;
	_ =	strace $0x9FFFFFFF  }
0x48: {  	(tm) =	ssettm $0x7FFFFFFF  }
0x49: {  	_ =	shalt  }
tec
execute0_lowered:
.L_overlay_start_1:
0x0: {  	(tag) =	ssettag $0x1  }
0x1: {  	s0 =	srdreg.scid  }
0x2: {  	s1 =	sshll.u32 s0, $0x4  }
0x3: {  	s6 =	rddreg [dreg:$0x0];
	s0 =	stileid.u32;
	s1 =	sand.u32 $0x10, s1  }
0x4: {  	s5 =	simm.s32 $0x1;
	s31 =	simm.s32 $0x2;
	s1 =	sor.u32 s0, s1  }
0x5: {  	s13 =	simm.s32 $0x0;
	s8 =	simm.s32 $0x20000;
	s2 =	sshll.u32 s1, $0x7  }
0x6: {  	s12 =	simm.s32 $0x0;
	s9 =	simm.s32 $0x0;
	s3 =	ssub.s32 $0x2000, s2  }
0x7: {  	s11 =	simm.s32 $0x0;
	s1 =	rddreg [dreg:$0x1];
	s4 =	sand.u32 $0xF80, s3  }
.Ltmp0:
0x8: {  	_ =	strace $0x80000062;
	p0 =	sne.s32 s4, $0x0;
	(pc) =	sbr.rel .LBB1_1-.Ltmp0, $4  }
0x9: {  	s10 =	smov.u32 s2;
	s7 =	sshrl.u32 s3, $0xC;
	s5 =	simm.s32 @!p0 $0x0  }
0xa: {  	s3 =	sadd.s32 $0x606400, s6;
	s4 =	simm.s32 $0x1;
	s5 =	sadd.s32 s5, s7  }
0xb: {  	s6 =	sadd.s32 $0xE06400, s6;
	[sflag:s4] =	ssyncpa.u1 $0x0;
	s5 =	sshll.u32 s5, $0x4  }
0xc: {  	p0 =	por $0x0, $0x0;
	[sflag:s31] =	ssyncpa.u1 $0x0;
	s7 =	sor.u32 $0x1, s5  }
.LBB1_4:
0xd: {  	v5 =	vld [tilespmem:s16+$0xFFFFFFD0];
	[tilespmem:s17+$0x2040 ss:$0x81] =	vst.msk $0xffff, v1  }
0xe: {  	v58 =	vld [tilespmem:s16+$0xFFFFFFE0];
	[tilespmem:s17+$0x2850 ss:$0x81] =	vst.msk $0xffff, v2  }
0xf: {  	s18 =	sshra.s32 s18, $0x2;
	v59 =	vld [tilespmem:s16+$0xFFFFFFF0];
	[tilespmem:s17+$0x3060 ss:$0x81] =	vst.msk $0xffff, v3  }
0x10: {  	v60 =	vld [tilespmem:s16+$0x0];
	[tilespmem:s17+$0x0 ss:$0x81] =	vst.msk $0xffff, v0;
	s15 =	sadd.s32 s18, s15  }
0x11: {  	v61 =	vld [tilespmem:s16+$0x10];
	s26 =	sshll.u32 s13, $0xD;
	[tilespmem:s15+$0x3870 ss:$0x81] =	vst.msk $0xffff, v4  }
0x12: {  	v62 =	vld [tilespmem:s16+$0x20];
	s27 =	sand.u32 $0x78, s12;
	s19 =	sshll.u32 s12, $0x3;
	s29 =	sshll.u32 s13, $0x7;
	[tilespmem:s15+$0x810 ss:$0x81] =	vst.msk $0xffff, v5  }
0x13: {  	v63 =	vld [tilespmem:s16+$0xFFFFFFC0];
	s17 =	sand.u32 $0x10000, s26;
	s28 =	sand.u32 $0x1FC00, s19;
	s19 =	sand.u32 $0x1C00, s19;
	[tilespmem:s15+$0x1020 ss:$0x81] =	vst.msk $0xffff, v58  }
0x14: {  	s13 =	sand.u32 $0x380, s29;
	s16 =	sadd.s32 s28, s17;
	s30 =	sor.u32 s27, s19;
	[tilespmem:s15+$0x1830 ss:$0x81] =	vst.msk $0xffff, v59  }
0x15: {  	s16 =	sand.u32 $0x1E000, s16;
	s13 =	sor.u32 s13, s30;
	[tilespmem:s15+$0x2040 ss:$0x81] =	vst.msk $0xffff, v60  }
0x16: {  	s31 =	sand.u32 $0x7, s12;
	s13 =	sor.u32 s16, s13;
	[tilespmem:s15+$0x2850 ss:$0x81] =	vst.msk $0xffff, v61  }
0x17: {  	s12 =	sshll.u32 s31, $0x12;
	[tilespmem:s15+$0x3060 ss:$0x81] =	vst.msk $0xffff, v62;
	s13 =	sshrl.u32 s13, $0x3  }
0x18: {  	s12 =	sor.u32 $0x80, s12;
	[tilespmem:s15+$0x0 ss:$0x81] =	vst.msk $0xffff, v63;
	s13 =	sadd.s32 s6, s13  }
0x19: {  	[hbm4b:s13+s12] =	stream.strided.scatter [tilespmem:s14], [sflag:$0x2], $0x4000, s8, s12, $0x20;
	[tilespmem:$0x10100] =	vst v63  }
.LBB1_5:
0x1a: {  	s14 =	sadd.s32 $0x1, s9  }
0x1b: {  	s12 =	sadd.s32 $0x1000, s10;
	s16 =	smov.u32 s10;
	p2 =	sgt.s32 s14, $0xF  }
0x1c: {  	s16 =	smov.u32 @p2 s12  }
0x1d: {  	s14 =	simm.s32 @p2 $0x0;
	p2 =	sgt.s32 s16, $0x1FFF  }
0x1e: {  	s16 =	smov.u32 @p2 s2;
	p2 =	sne.s32 s11, s7  }
.Ltmp1:
0x1f: {  	p1 =	slt.u32 s11, $0x2;
	(pc) =	sbr.rel @!p2 .LBB1_6-.Ltmp1, $4  }
0x20: {  	s15 =	simm.s32 @!p1 $0x2  }
0x21: {  	s13 =	smov.u32 s9;
	p0 =	por !p0, !p0;
	_ =	swait.ge @!p1 [sflag:s15], $0x4000  }
0x22: {  	s12 =	smov.u32 s10;
	[sflag:s15] =	ssyncset.done @!p1 $0x0;
	s9 =	smov.u32 s14  }
0x23: {  	s11 =	sadd.s32 $0x1, s11;
	[sflag:s15] =	ssyncadd.s32 @!p1 $0xFFFFC000;
	s10 =	smov.u32 s16  }
.LBB1_1:
0x24: {  	p1 =	sge.u32 s11, s5  }
0x25: {  	s31 =	sadd.s32 $0xFFFFFFFF, s11;
	s14 =	sxor.u32 @!p1 $0xFFFFFFFF, s11  }
0x26: {  	s15 =	sshll.u32 @!p1 s10, $0x8;
	s16 =	sshll.u32 @!p1 s9, $0x4;
	s17 =	simm.s32 @!p1 $0x800  }
0x27: {  	s14 =	sshll.u32 @!p1 s14, $0xE;
	s16 =	sand.u32 @!p1 $0xF0, s16;
	s15 =	sadd.s32 @!p1 s3, s15  }
0x28: {  	s14 =	sand.u32 @!p1 $0x4000, s14;
	s15 =	sadd.s32 @!p1 s16, s15;
	s16 =	simm.s32 @!p1 $0x80  }
0x29: {  	[tilespmem:s14], [sflag:$0x1] =	stream.strided.gather @!p1 [hbm4b:s15+s16], $0x4000, s17, s16, $0x38;
	[tilespmem:$0x10100] =	vst v63  }
0x2a: {  	p1 =	sge.u32 s31, s5  }
.Ltmp2:
0x2b: {  	_ = 	snop;
	(pc) =	sbr.rel @p1 .LBB1_5-.Ltmp2, $1  }
0x2c: {  	_ =	sdelay $0x3  }
0x2d: {  	s14 =	simm.s32 $0x1  }
0x2e: {  	_ =	swait.ge [sflag:s4], $0x4000;
	s14 =	simm.s32 @!p0 $0x0  }
0x2f: {  	[sflag:s4] =	ssyncset.done $0x0;
	s15 =	sshll.u32 s14, $0xE  }
0x30: {  	[sflag:s4] =	ssyncadd.s32 $0xFFFFC000;
	s16 =	sor.u32 $0x40, s15  }
0x31: {  	s14 =	smul.u32 $0x10200, s14;
	v0 =	vld [tilespmem:s16+$0x30]  }
0x32: {  	v3 =	vld [tilespmem:s16+$0xFFFFFFD0]  }
0x33: {  	s14 =	sshrl.u32 s14, $0x2;
	v4 =	vld [tilespmem:s16+$0xFFFFFFE0]  }
0x34: {  	v5 =	vld [tilespmem:s16+$0xFFFFFFF0];
	s15 =	sor.u32 $0x8000, s14  }
0x35: {  	s31 =	sand.u32 $0x1, s11;
	v1 =	vld [tilespmem:s16+$0x0];
	s17 =	sadd.s32 $0x0, s15  }
0x36: {  	v2 =	vld [tilespmem:s16+$0x10];
	s14 =	smul.u32 $0x10200, s31;
	[tilespmem:s17+$0x3870 ss:$0x81] =	vst.msk $0xffff, v0  }
0x37: {  	[tilespmem:s17+$0x810 ss:$0x81] =	vst.msk $0xffff, v3;
	v3 =	vld [tilespmem:s16+$0x20]  }
0x38: {  	s14 =	sshrl.u32 s14, $0x2;
	v0 =	vld [tilespmem:s16+$0xFFFFFFC0];
	[tilespmem:s17+$0x1020 ss:$0x81] =	vst.msk $0xffff, v4;
	s16 =	sadd.s32 $0x80, s16  }
0x39: {  	s18 =	simm.s32 $0x4;
	s19 =	simm.s32 $0x8;
	s14 =	sor.u32 $0x8000, s14;
	[tilespmem:s17+$0x1830 ss:$0x81] =	vst.msk $0xffff, v5;
	v4 =	vld [tilespmem:s16+$0x30]  }
.LBB1_3:
0x3a: {  	p1 =	sne.s32 s19, $0x1FC;
	v5 =	vld [tilespmem:s16+$0xFFFFFFD0];
	[tilespmem:s17+$0x2040 ss:$0x81] =	vst.msk $0xffff, v1  }
0x3b: {  	v6 =	vld [tilespmem:s16+$0xFFFFFFE0];
	[tilespmem:s17+$0x2850 ss:$0x81] =	vst.msk $0xffff, v2  }
0x3c: {  	s20 =	sshra.s32 s18, $0x2;
	s18 =	smov.u32 s19;
	v7 =	vld [tilespmem:s16+$0xFFFFFFF0];
	[tilespmem:s17+$0x3060 ss:$0x81] =	vst.msk $0xffff, v3  }
.Ltmp3:
0x3d: {  	v1 =	vld [tilespmem:s16+$0x0];
	[tilespmem:s17+$0x0 ss:$0x81] =	vst.msk $0xffff, v0;
	s17 =	sadd.s32 s20, s15;
	(pc) =	sbr.rel @p1 .LBB1_3-.Ltmp3, $4  }
0x3e: {  	v2 =	vld [tilespmem:s16+$0x10];
	[tilespmem:s17+$0x3870 ss:$0x81] =	vst.msk $0xffff, v4  }
0x3f: {  	[tilespmem:s17+$0x810 ss:$0x81] =	vst.msk $0xffff, v5;
	v3 =	vld [tilespmem:s16+$0x20]  }
0x40: {  	v0 =	vld [tilespmem:s16+$0xFFFFFFC0];
	[tilespmem:s17+$0x1020 ss:$0x81] =	vst.msk $0xffff, v6;
	s16 =	sadd.s32 $0x80, s16  }
0x41: {  	s19 =	sadd.s32 $0x4, s19;
	v4 =	vld [tilespmem:s16+$0x30];
	[tilespmem:s17+$0x1830 ss:$0x81] =	vst.msk $0xffff, v7  }
.Ltmp4:
0x42: {  	_ = 	snop;
	(pc) =	sbr.rel .LBB1_4-.Ltmp4, $1  }
0x43: {  	_ =	sdelay $0x3  }
.LBB1_6:
0x44: {  	_ =	sfence.sel $0x180000  }
0x45: {  	s2 =	simm.s32 $0x1;
	[bflag:$0x0] =	sbarrier.arrive $0xFFFF  }
0x46: {  	s31 =	simm.s32 $0x2;
	[sflag:s2] =	ssyncpa.u1 $0x1  }
0x47: {  	[sflag:s31] =	ssyncpa.u1 $0x1  }
0x48: {  	p0 =	sne.s32 s0, $0x0;
	_ =	strace $0x90000062  }
0x49: {  	s0 =	sadd.s32 @!p0 $0x100000, s1;
	[bflag:$0x2] =	sbarrier.arrive $0xFFFF  }
0x4a: {  	[sflag:s0] =	ssyncadd.tile.s32 @!p0 $0x1;
	_ =	shalt  }
.Lfunc_end1:
_tile_overlayer_lowered:
.L_overlay_start_2:
0x4b: {  	(tag) =	ssettag $0x2  }
0x4c: {  	s0 =	rddreg [dreg:$0x0];
	s2 =	stileid.u32  }
0x4d: {  	s1 =	rddreg [dreg:$0x1];
	p0 =	sne.s32 s2, $0x0  }
0x4e: {  	s3 =	rddreg [dreg:$0x2];
	[bflag:$0x3] =	sbarrier.arrive $0xFFFF;
	s2 =	simm.s32 @!p0 $0x1C01  }
0x4f: {  	[timem:s3], [sflag:s2] =	dma.local @!p0 [hbm:s0], s1  }
0x50: {  	s0 =	simm.s32 @!p0 $0x1  }
0x51: {  	_ =	swait.ge @!p0 [sflag:s0], s1  }
0x52: {  	s1 =	ssub.s32 @!p0 $0x0, s1;
	[sflag:s0] =	ssyncset.done @!p0 $0x0  }
0x53: {  	[sflag:s0] =	ssyncadd.s32 @!p0 s1  }
0x54: {  	[bflag:$0x3] =	sbarrier.arrive $0xFFFF  }
0x55: {  	_ =	shalt  }

// kernel: sparse-core-data-format-call.4.cloned.1.call-start
scs
called_computation.4_lowered:
.L_overlay_start_0:
0x0: {  	s2 =	sld [smem:$0x3FD9]  }
0x1: {  	s3 =	sld [smem:$0x3FFE];
	_ =	sdelay $0x1  }
0x2: {  	s1 =	srdreg.scid  }
0x3: {  	s0 =	sand.u32 $0x1, s1  }
0x4: {  	s18 =	sshll.u32 s0, $0xA;
	s2 =	sadd.s32 s3, s2  }
0x5: {  	s2 =	sadd.s32 s2, s18  }
0x6: {  	[smem:$0x3FBB] =	sst s2  }
0x7: {  	_ = 	snop  }
0x8: {  	(tm) =	ssettm $0x1  }
0x9: {  	s19 =	sld [smem:$0x3FFB];
	_ =	sdelay $0x3  }
0xa: {  	_ =	strace s19  }
0xb: {  	s2 =	sld [smem:$0x3FFC];
	_ =	sdelay $0x3  }
0xc: {  	_ =	strace s2  }
0xd: {  	s2 =	sld [smem:$0x3FFD];
	_ =	sdelay $0x3  }
0xe: {  	_ =	strace s2  }
0xf: {  	_ =	strace $0x8FFFFFFF  }
0x10: {  	s20 =	sld [smem:$0x3FDB];
	_ =	sdelay $0x1  }
0x11: {  	s21 =	simm.s32 $_scs_section_size  }
0x12: {  	s4 =	simm.s32 $_size__tile_overlayer_lowered;
	s5 =	simm.s32 $_tile_overlayer_lowered  }
0x13: {  	s6 =	simm.s32 $0x1BFF;
	s22 =	sshll.u32 s5, $0x1;
	s3 =	sadd.s32 s21, s20  }
0x14: {  	s23 =	simm.s32 $0x0;
	s4 =	sshll.u32 s4, $0x1;
	s5 =	sadd.s32 s22, s3  }
0x15: {  	[timem:s23], [sflag:s6] =	dma.local [hbm:s5], s4  }
0x16: {  	_ =	swait.ge [sflag:s6], s4  }
0x17: {  	s4 =	ssub.s32 $0x0, s4;
	[sflag:s6] =	ssyncset.done $0x0  }
0x18: {  	[sflag:s6] =	ssyncadd.s32 s4;
	_ =	sdelay $0x1  }
0x19: {  	s24 =	simm.s32 $0x1B8B  }
0x1a: {  	_ =	swait.ge [sflag:s24], $0x1  }
0x1b: {  	[sflag:s24] =	ssyncset.done $0x0  }
0x1c: {  	[sflag:s24] =	ssyncadd.s32 $0xFFFFFFFF  }
0x1d: {  	s4 =	sld [smem:$0x0]  }
0x1e: {  	s5 =	sand.u32 $0xFFFFFFFE, s1  }
0x1f: {  	p0 =	sne.s32 s1, s5  }
0x20: {  	s5 =	sshll.u32 @p0 s5, $0xE  }
0x21: {  	s5 =	sadd.s32 @p0 $0x11B8D, s5;
	s6 =	sshll.u32 @p0 s4, $0x11  }
0x22: {  	s5 =	sor.u32 @p0 s6, s5  }
0x23: {  	[sflag:s5] =	ssyncadd.remote.s32 @p0 $0x1;
	_ =	sdelay $0x1  }
0x24: {  	s5 =	simm.s32 @p0 $0x1B8D  }
0x25: {  	_ =	swait.eq @p0 [sflag:s5], $0x1  }
0x26: {  	[sflag:s5] =	ssyncadd.s32 @p0 $0xFFFFFFFF  }
0x27: {  	s6 =	sshll.u32 @!p0 s1, $0xE  }
0x28: {  	s6 =	sor.u32 @!p0 $0x4000, s6;
	s5 =	simm.s32 @!p0 $0x1B8D  }
0x29: {  	s4 =	sshll.u32 @!p0 s4, $0x11;
	s6 =	sadd.s32 @!p0 $0x11B8D, s6;
	_ =	swait.eq @!p0 [sflag:s5], $0x1  }
0x2a: {  	s4 =	sor.u32 @!p0 s4, s6;
	[sflag:s5] =	ssyncadd.s32 @!p0 $0xFFFFFFFF  }
0x2b: {  	s26 =	simm.s32 $0x1B8E;
	s25 =	sld [smem:$0x3FFE];
	[sflag:s4] =	ssyncadd.remote.s32 @!p0 $0x1  }
0x2c: {  	s27 =	simm.s32 $execute0_lowered;
	[smem:$0x3FD2] =	sst s26  }
0x2d: {  	s5 =	sshll.u32 s27, $0x1;
	_ =	strace $0x8000005E;
	[dreg:$0x1] =	wrdreg $0xFFFFFFFF  }
0x2e: {  	s28 =	simm.s32 $_size_execute0_lowered;
	s3 =	sadd.s32 s3, s5;
	[dreg:$0x0] =	wrdreg $0x0  }
0x2f: {  	s5 =	sshll.u32 s28, $0x1;
	[dreg:$0x2] =	wrdreg s3  }
0x30: {  	[dreg:$0x3] =	wrdreg s5  }
0x31: {  	[dreg:$0x4] =	wrdreg $0xC0  }
0x32: {  	_ =	task [dreg:s23], $0x5FFFF  }
0x33: {  	[dreg:$0x1] =	wrdreg $0xFFFFFFFF  }
0x34: {  	[dreg:$0x0] =	wrdreg $0x60  }
0x35: {  	[dreg:$0x2] =	wrdreg s25  }
0x36: {  	[dreg:$0x3] =	wrdreg $0x9  }
0x37: {  	_ =	task.clear_ibuf [dreg:s23], $0x4FFFF;
	_ =	strace $0x9000005E  }
0x38: {  	s29 =	simm.s32 $0x9;
	_ =	strace $0x80000060  }
0x39: {  	_ =	swait.ge [sflag:s29], $0x1  }
0x3a: {  	[sflag:s29] =	ssyncadd.s32 $0xFFFFFFFF  }
0x3b: {  	_ =	strace $0x90000060  }
0x3c: {  	_ =	sfence  }
0x3d: {  	s30 =	sld [smem:$0x0];
	_ =	sdelay $0x2  }
0x3e: {  	s31 =	sshll.u32 s1, $0xD;
	s1 =	sshrl.u32 s1, $0x2  }
0x3f: {  	s4 =	sand.u32 $0x4000, s31;
	s1 =	sadd.s32 s1, s30  }
0x40: {  	s0 =	sor.u32 s4, s0;
	s1 =	sshll.u32 s1, $0x11  }
0x41: {  	s0 =	sor.u32 s1, s0  }
0x42: {  	s0 =	sadd.s32 $0x8F2B, s0  }
0x43: {  	[sflag:s0] =	ssyncadd.remote.s32 $0x1  }
0x44: {  	_ =	sfence.sel $0xFFFF  }
0x45: {  	[dreg:$0x0] =	wrdreg $0xFFFFFFFF;
	(pc) =	sbr.abs _section_cstart, $3  }
0x46: {  	[dreg:$0x1] =	wrdreg $0xFFFFFFFF  }
0x47: {  	_ =	task.clear_ibuf [dreg:s23], $0x2FFFF;
	_ =	strace $0x9FFFFFFF  }
0x48: {  	(tm) =	ssettm $0x7FFFFFFF  }
0x49: {  	_ =	shalt  }
tec
execute0_lowered:
.L_overlay_start_1:
0x0: {  	(tag) =	ssettag $0x1  }
0x1: {  	s0 =	srdreg.scid  }
0x2: {  	s1 =	sshll.u32 s0, $0x4  }
0x3: {  	s6 =	rddreg [dreg:$0x0];
	s0 =	stileid.u32;
	s1 =	sand.u32 $0x10, s1  }
0x4: {  	s5 =	simm.s32 $0x1;
	s31 =	simm.s32 $0x2;
	s1 =	sor.u32 s0, s1  }
0x5: {  	s13 =	simm.s32 $0x0;
	s8 =	simm.s32 $0x20000;
	s2 =	sshll.u32 s1, $0x7  }
0x6: {  	s12 =	simm.s32 $0x0;
	s9 =	simm.s32 $0x0;
	s3 =	ssub.s32 $0x2000, s2  }
0x7: {  	s11 =	simm.s32 $0x0;
	s1 =	rddreg [dreg:$0x1];
	s4 =	sand.u32 $0xF80, s3  }
.Ltmp0:
0x8: {  	_ =	strace $0x8000005F;
	p0 =	sne.s32 s4, $0x0;
	(pc) =	sbr.rel .LBB1_1-.Ltmp0, $4  }
0x9: {  	s10 =	smov.u32 s2;
	s7 =	sshrl.u32 s3, $0xC;
	s5 =	simm.s32 @!p0 $0x0  }
0xa: {  	s3 =	sadd.s32 $0xEC00, s6;
	s4 =	simm.s32 $0x1;
	s5 =	sadd.s32 s5, s7  }
0xb: {  	s6 =	sadd.s32 $0xC06400, s6;
	[sflag:s4] =	ssyncpa.u1 $0x0;
	s5 =	sshll.u32 s5, $0x4  }
0xc: {  	p0 =	por $0x0, $0x0;
	[sflag:s31] =	ssyncpa.u1 $0x0;
	s7 =	sor.u32 $0x1, s5  }
.LBB1_4:
0xd: {  	v5 =	vld [tilespmem:s16+$0xFFFFFFD0];
	[tilespmem:s17+$0x2040 ss:$0x81] =	vst.msk $0xffff, v1  }
0xe: {  	v58 =	vld [tilespmem:s16+$0xFFFFFFE0];
	[tilespmem:s17+$0x2850 ss:$0x81] =	vst.msk $0xffff, v2  }
0xf: {  	s18 =	sshra.s32 s18, $0x2;
	v59 =	vld [tilespmem:s16+$0xFFFFFFF0];
	[tilespmem:s17+$0x3060 ss:$0x81] =	vst.msk $0xffff, v3  }
0x10: {  	v60 =	vld [tilespmem:s16+$0x0];
	[tilespmem:s17+$0x0 ss:$0x81] =	vst.msk $0xffff, v0;
	s15 =	sadd.s32 s18, s15  }
0x11: {  	v61 =	vld [tilespmem:s16+$0x10];
	s26 =	sshll.u32 s13, $0xD;
	[tilespmem:s15+$0x3870 ss:$0x81] =	vst.msk $0xffff, v4  }
0x12: {  	v62 =	vld [tilespmem:s16+$0x20];
	s27 =	sand.u32 $0x78, s12;
	s19 =	sshll.u32 s12, $0x3;
	s29 =	sshll.u32 s13, $0x7;
	[tilespmem:s15+$0x810 ss:$0x81] =	vst.msk $0xffff, v5  }
0x13: {  	v63 =	vld [tilespmem:s16+$0xFFFFFFC0];
	s17 =	sand.u32 $0x10000, s26;
	s28 =	sand.u32 $0x1FC00, s19;
	s19 =	sand.u32 $0x1C00, s19;
	[tilespmem:s15+$0x1020 ss:$0x81] =	vst.msk $0xffff, v58  }
0x14: {  	s13 =	sand.u32 $0x380, s29;
	s16 =	sadd.s32 s28, s17;
	s30 =	sor.u32 s27, s19;
	[tilespmem:s15+$0x1830 ss:$0x81] =	vst.msk $0xffff, v59  }
0x15: {  	s16 =	sand.u32 $0x1E000, s16;
	s13 =	sor.u32 s13, s30;
	[tilespmem:s15+$0x2040 ss:$0x81] =	vst.msk $0xffff, v60  }
0x16: {  	s31 =	sand.u32 $0x7, s12;
	s13 =	sor.u32 s16, s13;
	[tilespmem:s15+$0x2850 ss:$0x81] =	vst.msk $0xffff, v61  }
0x17: {  	s12 =	sshll.u32 s31, $0x12;
	[tilespmem:s15+$0x3060 ss:$0x81] =	vst.msk $0xffff, v62;
	s13 =	sshrl.u32 s13, $0x3  }
0x18: {  	s12 =	sor.u32 $0x80, s12;
	[tilespmem:s15+$0x0 ss:$0x81] =	vst.msk $0xffff, v63;
	s13 =	sadd.s32 s6, s13  }
0x19: {  	[hbm4b:s13+s12] =	stream.strided.scatter [tilespmem:s14], [sflag:$0x2], $0x4000, s8, s12, $0x20;
	[tilespmem:$0x10100] =	vst v63  }
.LBB1_5:
0x1a: {  	s14 =	sadd.s32 $0x1, s9  }
0x1b: {  	s12 =	sadd.s32 $0x1000, s10;
	s16 =	smov.u32 s10;
	p2 =	sgt.s32 s14, $0xF  }
0x1c: {  	s16 =	smov.u32 @p2 s12  }
0x1d: {  	s14 =	simm.s32 @p2 $0x0;
	p2 =	sgt.s32 s16, $0x1FFF  }
0x1e: {  	s16 =	smov.u32 @p2 s2;
	p2 =	sne.s32 s11, s7  }
.Ltmp1:
0x1f: {  	p1 =	slt.u32 s11, $0x2;
	(pc) =	sbr.rel @!p2 .LBB1_6-.Ltmp1, $4  }
0x20: {  	s15 =	simm.s32 @!p1 $0x2  }
0x21: {  	s13 =	smov.u32 s9;
	p0 =	por !p0, !p0;
	_ =	swait.ge @!p1 [sflag:s15], $0x4000  }
0x22: {  	s12 =	smov.u32 s10;
	[sflag:s15] =	ssyncset.done @!p1 $0x0;
	s9 =	smov.u32 s14  }
0x23: {  	s11 =	sadd.s32 $0x1, s11;
	[sflag:s15] =	ssyncadd.s32 @!p1 $0xFFFFC000;
	s10 =	smov.u32 s16  }
.LBB1_1:
0x24: {  	p1 =	sge.u32 s11, s5  }
0x25: {  	s31 =	sadd.s32 $0xFFFFFFFF, s11;
	s14 =	sxor.u32 @!p1 $0xFFFFFFFF, s11  }
0x26: {  	s15 =	sshll.u32 @!p1 s10, $0x8;
	s16 =	sshll.u32 @!p1 s9, $0x4;
	s17 =	simm.s32 @!p1 $0x800  }
0x27: {  	s14 =	sshll.u32 @!p1 s14, $0xE;
	s16 =	sand.u32 @!p1 $0xF0, s16;
	s15 =	sadd.s32 @!p1 s3, s15  }
0x28: {  	s14 =	sand.u32 @!p1 $0x4000, s14;
	s15 =	sadd.s32 @!p1 s16, s15;
	s16 =	simm.s32 @!p1 $0x80  }
0x29: {  	[tilespmem:s14], [sflag:$0x1] =	stream.strided.gather @!p1 [hbm4b:s15+s16], $0x4000, s17, s16, $0x38;
	[tilespmem:$0x10100] =	vst v63  }
0x2a: {  	p1 =	sge.u32 s31, s5  }
.Ltmp2:
0x2b: {  	_ = 	snop;
	(pc) =	sbr.rel @p1 .LBB1_5-.Ltmp2, $1  }
0x2c: {  	_ =	sdelay $0x3  }
0x2d: {  	s14 =	simm.s32 $0x1  }
0x2e: {  	_ =	swait.ge [sflag:s4], $0x4000;
	s14 =	simm.s32 @!p0 $0x0  }
0x2f: {  	[sflag:s4] =	ssyncset.done $0x0;
	s15 =	sshll.u32 s14, $0xE  }
0x30: {  	[sflag:s4] =	ssyncadd.s32 $0xFFFFC000;
	s16 =	sor.u32 $0x40, s15  }
0x31: {  	s14 =	smul.u32 $0x10200, s14;
	v0 =	vld [tilespmem:s16+$0x30]  }
0x32: {  	v3 =	vld [tilespmem:s16+$0xFFFFFFD0]  }
0x33: {  	s14 =	sshrl.u32 s14, $0x2;
	v4 =	vld [tilespmem:s16+$0xFFFFFFE0]  }
0x34: {  	v5 =	vld [tilespmem:s16+$0xFFFFFFF0];
	s15 =	sor.u32 $0x8000, s14  }
0x35: {  	s31 =	sand.u32 $0x1, s11;
	v1 =	vld [tilespmem:s16+$0x0];
	s17 =	sadd.s32 $0x0, s15  }
0x36: {  	v2 =	vld [tilespmem:s16+$0x10];
	s14 =	smul.u32 $0x10200, s31;
	[tilespmem:s17+$0x3870 ss:$0x81] =	vst.msk $0xffff, v0  }
0x37: {  	[tilespmem:s17+$0x810 ss:$0x81] =	vst.msk $0xffff, v3;
	v3 =	vld [tilespmem:s16+$0x20]  }
0x38: {  	s14 =	sshrl.u32 s14, $0x2;
	v0 =	vld [tilespmem:s16+$0xFFFFFFC0];
	[tilespmem:s17+$0x1020 ss:$0x81] =	vst.msk $0xffff, v4;
	s16 =	sadd.s32 $0x80, s16  }
0x39: {  	s18 =	simm.s32 $0x4;
	s19 =	simm.s32 $0x8;
	s14 =	sor.u32 $0x8000, s14;
	[tilespmem:s17+$0x1830 ss:$0x81] =	vst.msk $0xffff, v5;
	v4 =	vld [tilespmem:s16+$0x30]  }
.LBB1_3:
0x3a: {  	p1 =	sne.s32 s19, $0x1FC;
	v5 =	vld [tilespmem:s16+$0xFFFFFFD0];
	[tilespmem:s17+$0x2040 ss:$0x81] =	vst.msk $0xffff, v1  }
0x3b: {  	v6 =	vld [tilespmem:s16+$0xFFFFFFE0];
	[tilespmem:s17+$0x2850 ss:$0x81] =	vst.msk $0xffff, v2  }
0x3c: {  	s20 =	sshra.s32 s18, $0x2;
	s18 =	smov.u32 s19;
	v7 =	vld [tilespmem:s16+$0xFFFFFFF0];
	[tilespmem:s17+$0x3060 ss:$0x81] =	vst.msk $0xffff, v3  }
.Ltmp3:
0x3d: {  	v1 =	vld [tilespmem:s16+$0x0];
	[tilespmem:s17+$0x0 ss:$0x81] =	vst.msk $0xffff, v0;
	s17 =	sadd.s32 s20, s15;
	(pc) =	sbr.rel @p1 .LBB1_3-.Ltmp3, $4  }
0x3e: {  	v2 =	vld [tilespmem:s16+$0x10];
	[tilespmem:s17+$0x3870 ss:$0x81] =	vst.msk $0xffff, v4  }
0x3f: {  	[tilespmem:s17+$0x810 ss:$0x81] =	vst.msk $0xffff, v5;
	v3 =	vld [tilespmem:s16+$0x20]  }
0x40: {  	v0 =	vld [tilespmem:s16+$0xFFFFFFC0];
	[tilespmem:s17+$0x1020 ss:$0x81] =	vst.msk $0xffff, v6;
	s16 =	sadd.s32 $0x80, s16  }
0x41: {  	s19 =	sadd.s32 $0x4, s19;
	v4 =	vld [tilespmem:s16+$0x30];
	[tilespmem:s17+$0x1830 ss:$0x81] =	vst.msk $0xffff, v7  }
.Ltmp4:
0x42: {  	_ = 	snop;
	(pc) =	sbr.rel .LBB1_4-.Ltmp4, $1  }
0x43: {  	_ =	sdelay $0x3  }
.LBB1_6:
0x44: {  	_ =	sfence.sel $0x180000  }
0x45: {  	s2 =	simm.s32 $0x1;
	[bflag:$0x0] =	sbarrier.arrive $0xFFFF  }
0x46: {  	s31 =	simm.s32 $0x2;
	[sflag:s2] =	ssyncpa.u1 $0x1  }
0x47: {  	[sflag:s31] =	ssyncpa.u1 $0x1  }
0x48: {  	p0 =	sne.s32 s0, $0x0;
	_ =	strace $0x9000005F  }
0x49: {  	s0 =	sadd.s32 @!p0 $0x100000, s1;
	[bflag:$0x2] =	sbarrier.arrive $0xFFFF  }
0x4a: {  	[sflag:s0] =	ssyncadd.tile.s32 @!p0 $0x1;
	_ =	shalt  }
.Lfunc_end1:
_tile_overlayer_lowered:
.L_overlay_start_2:
0x4b: {  	(tag) =	ssettag $0x2  }
0x4c: {  	s0 =	rddreg [dreg:$0x0];
	s2 =	stileid.u32  }
0x4d: {  	s1 =	rddreg [dreg:$0x1];
	p0 =	sne.s32 s2, $0x0  }
0x4e: {  	s3 =	rddreg [dreg:$0x2];
	[bflag:$0x3] =	sbarrier.arrive $0xFFFF;
	s2 =	simm.s32 @!p0 $0x1C01  }
0x4f: {  	[timem:s3], [sflag:s2] =	dma.local @!p0 [hbm:s0], s1  }
0x50: {  	s0 =	simm.s32 @!p0 $0x1  }
0x51: {  	_ =	swait.ge @!p0 [sflag:s0], s1  }
0x52: {  	s1 =	ssub.s32 @!p0 $0x0, s1;
	[sflag:s0] =	ssyncset.done @!p0 $0x0  }
0x53: {  	[sflag:s0] =	ssyncadd.s32 @!p0 s1  }
0x54: {  	[bflag:$0x3] =	sbarrier.arrive $0xFFFF  }
0x55: {  	_ =	shalt  }

// kernel: sparse-core-data-format-call.cloned.1.call-start
scs
called_computation_lowered:
.L_overlay_start_0:
0x0: {  	s2 =	sld [smem:$0x3FD9]  }
0x1: {  	s3 =	sld [smem:$0x3FFE];
	_ =	sdelay $0x1  }
0x2: {  	s1 =	srdreg.scid  }
0x3: {  	s0 =	sand.u32 $0x1, s1  }
0x4: {  	s16 =	sshll.u32 s0, $0xA;
	s2 =	sadd.s32 s3, s2  }
0x5: {  	s2 =	sadd.s32 s2, s16  }
0x6: {  	[smem:$0x3FBB] =	sst s2  }
0x7: {  	_ = 	snop  }
0x8: {  	s2 =	sld [smem:$0x3FD0];
	_ =	sdelay $0x2  }
0x9: {  	s17 =	simm.s32 $0xE;
	s4 =	simm.s32 $0x10  }
0xa: {  	[smem:s4], [sflag:s17] =	dma.local [hbm:s2], $0x1  }
0xb: {  	_ =	swait.eq [sflag:s17], $0x1  }
0xc: {  	[sflag:s17] =	ssyncset.done $0x0  }
0xd: {  	s18 =	sld [smem:$0x10];
	[sflag:s17] =	ssyncadd.s32 $0xFFFFFFFF  }
0xe: {  	s19 =	sld [smem:$0x11];
	(tm) =	ssettm $0x1  }
0xf: {  	s20 =	sld [smem:$0x3FFB];
	_ =	sdelay $0x3  }
0x10: {  	_ =	strace s20  }
0x11: {  	s4 =	sld [smem:$0x3FFC];
	_ =	sdelay $0x3  }
0x12: {  	_ =	strace s4  }
0x13: {  	s4 =	sld [smem:$0x3FFD];
	_ =	sdelay $0x3  }
0x14: {  	_ =	strace s4  }
0x15: {  	_ =	strace $0x8FFFFFFF  }
0x16: {  	s21 =	sld [smem:$0x3FDB];
	_ =	sdelay $0x1  }
0x17: {  	s5 =	simm.s32 $_scs_section_size  }
0x18: {  	s6 =	simm.s32 $_size__tile_overlayer_lowered;
	s7 =	simm.s32 $_tile_overlayer_lowered  }
0x19: {  	s24 =	simm.s32 $0x1BFF;
	s23 =	sshll.u32 s7, $0x1;
	s4 =	sadd.s32 s5, s21  }
0x1a: {  	s8 =	simm.s32 $0x0;
	s22 =	sshll.u32 s6, $0x1;
	s6 =	sadd.s32 s23, s4  }
0x1b: {  	[timem:s8], [sflag:s24] =	dma.local [hbm:s6], s22  }
0x1c: {  	_ =	swait.ge [sflag:s24], s22  }
0x1d: {  	s5 =	ssub.s32 $0x0, s22;
	[sflag:s24] =	ssyncset.done $0x0  }
0x1e: {  	[sflag:s24] =	ssyncadd.s32 s5;
	_ =	sdelay $0x1  }
0x1f: {  	s25 =	simm.s32 $0x1B8B  }
0x20: {  	_ =	swait.ge [sflag:s25], $0x1  }
0x21: {  	[sflag:s25] =	ssyncset.done $0x0  }
0x22: {  	s26 =	simm.s32 $0x1B8E;
	[sflag:s25] =	ssyncadd.s32 $0xFFFFFFFF  }
0x23: {  	s27 =	simm.s32 $execute0_lowered;
	[smem:$0x3FD2] =	sst s26  }
0x24: {  	s5 =	sshll.u32 s27, $0x1;
	_ =	strace $0x8000006A;
	[dreg:$0x1] =	wrdreg $0xFFFFFFFF  }
0x25: {  	s28 =	simm.s32 $_size_execute0_lowered;
	s4 =	sadd.s32 s4, s5;
	[dreg:$0x0] =	wrdreg $0x0  }
0x26: {  	s5 =	sshll.u32 s28, $0x1;
	[dreg:$0x2] =	wrdreg s4  }
0x27: {  	[dreg:$0x3] =	wrdreg s5  }
0x28: {  	[dreg:$0x4] =	wrdreg $0xC0  }
0x29: {  	_ =	task [dreg:s8], $0x5FFFF  }
0x2a: {  	[dreg:$0x1] =	wrdreg $0xFFFFFFFF  }
0x2b: {  	[dreg:$0x0] =	wrdreg $0x60  }
0x2c: {  	[dreg:$0x2] =	wrdreg s19  }
0x2d: {  	[dreg:$0x3] =	wrdreg s18  }
0x2e: {  	[dreg:$0x4] =	wrdreg $0x9  }
0x2f: {  	_ =	task.clear_ibuf [dreg:s8], $0x5FFFF;
	_ =	strace $0x9000006A  }
0x30: {  	s29 =	simm.s32 $0x9;
	_ =	strace $0x8000006C  }
0x31: {  	_ =	swait.ge [sflag:s29], $0x1  }
0x32: {  	[sflag:s29] =	ssyncadd.s32 $0xFFFFFFFF  }
0x33: {  	_ =	strace $0x9000006C  }
0x34: {  	_ =	sfence  }
0x35: {  	s30 =	sld [smem:$0x0];
	_ =	sdelay $0x2  }
0x36: {  	s31 =	sshll.u32 s1, $0xD;
	s1 =	sshrl.u32 s1, $0x2  }
0x37: {  	s3 =	sand.u32 $0x4000, s31;
	s1 =	sadd.s32 s1, s30  }
0x38: {  	s0 =	sor.u32 s3, s0;
	s1 =	sshll.u32 s1, $0x11  }
0x39: {  	s0 =	sor.u32 s1, s0  }
0x3a: {  	s0 =	sadd.s32 $0x8F2B, s0  }
0x3b: {  	[sflag:s0] =	ssyncadd.remote.s32 $0x1  }
0x3c: {  	_ =	sfence.sel $0xFFFF  }
0x3d: {  	[dreg:$0x0] =	wrdreg $0xFFFFFFFF;
	(pc) =	sbr.abs _section_cstart, $3  }
0x3e: {  	[dreg:$0x1] =	wrdreg $0xFFFFFFFF  }
0x3f: {  	_ =	task.clear_ibuf [dreg:s8], $0x2FFFF;
	_ =	strace $0x9FFFFFFF  }
0x40: {  	(tm) =	ssettm $0x7FFFFFFF  }
0x41: {  	_ =	shalt  }
tec
execute0_lowered:
.L_overlay_start_1:
0x0: {  	(tag) =	ssettag $0x1  }
0x1: {  	s0 =	stileid.u32  }
0x2: {  	s1 =	rddreg [dreg:$0x0];
	s4 =	srdreg.scid  }
0x3: {  	s3 =	rddreg [dreg:$0x1];
	_ =	strace $0x8000006B;
	s31 =	simm.s32 $0x2  }
0x4: {  	s16 =	simm.s32 $0x0;
	s11 =	simm.s32 $0x0;
	s2 =	sshll.u32 s0, $0x3  }
0x5: {  	s5 =	sshll.u32 s4, $0x8;
	s4 =	sand.u32 $0x8, s0;
	s2 =	sand.u32 $0x38, s2  }
0x6: {  	s17 =	simm.s32 $0x0;
	s8 =	ssub.s32 $0x10, s4;
	s6 =	ssub.s32 $0x40, s2  }
0x7: {  	s5 =	sand.u32 $0x100, s5;
	s9 =	sshrl.u32 s8, $0x3;
	s7 =	sand.u32 $0x38, s6  }
0x8: {  	s8 =	sshrl.u32 s8, $0x4;
	p0 =	sne.s32 s7, $0x0;
	s7 =	simm.s32 $0x1  }
0x9: {  	s6 =	sshrl.u32 s6, $0x6;
	s9 =	sand.u32 $0x1, s9;
	s7 =	simm.s32 @!p0 $0x0  }
0xa: {  	s10 =	ssub.s32 $0x2000, s5;
	s28 =	sadd.s32 s8, s9;
	s6 =	sadd.s32 s7, s6  }
0xb: {  	s18 =	simm.s32 $0x0;
	s29 =	sshrl.u32 s10, $0x8;
	s6 =	smul.u32 s28, s6  }
.Ltmp0:
0xc: {  	s30 =	sshrl.u32 s10, $0x9;
	s8 =	sand.u32 $0x1, s29;
	(pc) =	sbr.rel .LBB1_1-.Ltmp0, $4  }
0xd: {  	s15 =	simm.s32 $0x0;
	s24 =	simm.s32 $0x0;
	s8 =	sadd.s32 s30, s8  }
0xe: {  	s13 =	smov.u32 s4;
	s7 =	simm.s32 $0x1;
	s8 =	smul.u32 s8, s6  }
0xf: {  	s12 =	smov.u32 s5;
	s14 =	smov.u32 s2;
	[sflag:s7] =	ssyncpa.u1 $0x0  }
0x10: {  	s10 =	simm.s32 $0x80000;
	[sflag:s31] =	ssyncpa.u1 $0x0;
	s9 =	sadd.s32 $0x1, s8  }
.LBB1_7:
0x11: {  	s6 =	sadd.s32 $0x200, s12  }
0x12: {  	s16 =	sadd.s32 $0x10, s13;
	s19 =	smov.u32 s13;
	p1 =	sgt.s32 s6, $0x1FFF  }
0x13: {  	s19 =	smov.u32 @p1 s16  }
0x14: {  	s21 =	smov.u32 s14;
	s16 =	sadd.s32 $0x40, s14;
	p2 =	sgt.s32 s19, $0xF  }
0x15: {  	s21 =	smov.u32 @p2 s16  }
0x16: {  	s6 =	smov.u32 @p1 s5;
	p1 =	sgt.s32 s21, $0x3F  }
0x17: {  	p0 =	slt.u32 s15, $0x2;
	s21 =	smov.u32 @p1 s2;
	p1 =	sne.s32 s15, s9  }
.Ltmp1:
0x18: {  	s20 =	simm.s32 @!p0 $0x2;
	(pc) =	sbr.rel @!p1 .LBB1_8-.Ltmp1, $4  }
0x19: {  	s17 =	smov.u32 s13;
	s18 =	smov.u32 s14;
	_ =	swait.ge @!p0 [sflag:s20], $0x4000  }
0x1a: {  	s11 =	sadd.s32 $0x4000, s11;
	[sflag:s20] =	ssyncset.done @!p0 $0x0;
	s19 =	smov.u32 @p2 s4  }
0x1b: {  	s16 =	smov.u32 s12;
	[sflag:s20] =	ssyncadd.s32 @!p0 $0xFFFFC000;
	s12 =	smov.u32 s6  }
0x1c: {  	s13 =	smov.u32 s19;
	s15 =	sadd.s32 $0x1, s15;
	s14 =	smov.u32 s21  }
.LBB1_1:
0x1d: {  	p0 =	sge.u32 s15, s8;
	s31 =	sadd.s32 $0xFFFFFFFF, s15  }
0x1e: {  	s6 =	sxor.u32 @!p0 $0xFFFFFFFF, s15;
	s19 =	sand.u32 @!p0 $0x78, s12;
	s20 =	sshll.u32 @!p0 s13, $0xD  }
0x1f: {  	s21 =	sshll.u32 @!p0 s13, $0x7;
	s22 =	sshll.u32 @!p0 s12, $0x3;
	s6 =	sshll.u32 @!p0 s6, $0xE  }
0x20: {  	s20 =	sand.u32 @!p0 $0x10000, s20;
	s21 =	sand.u32 @!p0 $0x380, s21;
	s6 =	sand.u32 @!p0 $0x4000, s6  }
0x21: {  	s20 =	sadd.s32 @!p0 s20, s22;
	s22 =	sand.u32 @!p0 $0x1C00, s22;
	s19 =	sor.u32 @!p0 s21, s19  }
0x22: {  	s21 =	sshll.u32 @!p0 s14, $0xE;
	s19 =	sor.u32 @!p0 s22, s19;
	s20 =	sshrl.u32 @!p0 s20, $0x3  }
0x23: {  	s21 =	sadd.s32 @!p0 s1, s21;
	s22 =	sand.u32 @!p0 $0x7, s12;
	s20 =	sand.u32 @!p0 $0x3C00, s20  }
0x24: {  	s19 =	sshrl.u32 @!p0 s19, $0x3;
	s20 =	sadd.s32 @!p0 s20, s21;
	s21 =	sshll.u32 @!p0 s22, $0x12  }
0x25: {  	s19 =	sadd.s32 @!p0 s19, s20;
	s20 =	sor.u32 @!p0 $0x800, s21;
	s21 =	simm.s32 @!p0 $0x20000  }
0x26: {  	[tilespmem:s6], [sflag:$0x1] =	stream.strided.gather @!p0 [hbm4b:s19+s20], $0x4000, s21, s20, $0x38;
	[tilespmem:$0x10000] =	vst v63  }
0x27: {  	p0 =	sge.u32 s31, s8  }
.Ltmp2:
0x28: {  	_ = 	snop;
	(pc) =	sbr.rel @p0 .LBB1_7-.Ltmp2, $1  }
0x29: {  	_ =	sdelay $0x3  }
0x2a: {  	s6 =	sshll.u32 s11, $0x2;
	_ =	swait.ge [sflag:s7], $0x4000;
	s19 =	sshll.u32 s15, $0xE  }
0x2b: {  	p0 =	por $0x0, $0x0;
	s25 =	simm.s32 $0x0;
	s26 =	simm.s32 $0x0  }
0x2c: {  	s6 =	sand.u32 $0x10000, s6;
	[sflag:s7] =	ssyncset.done $0x0;
	s22 =	sand.u32 $0x4000, s19  }
0x2d: {  	s6 =	sshrl.u32 s6, $0x2;
	[sflag:s7] =	ssyncadd.s32 $0xFFFFC000;
	s19 =	sor.u32 $0x8000, s22  }
0x2e: {  	s20 =	sor.u32 $0x40, s6;
	s21 =	sor.u32 $0x8410, s6;
	s23 =	sadd.s32 $0x8400, s6  }
.LBB1_3:
0x2f: {  	v1 =	vld [tilespmem:s20+$0xFFFFFFD0]  }
0x30: {  	v2 =	vld [tilespmem:s20+$0x430]  }
0x31: {  	s6 =	sshll.u32 s26, $0xB;
	v4 =	vld [tilespmem:s20+$0xFFFFFFE0]  }
0x32: {  	v7 =	vld [tilespmem:s20+$0xFFFFFFF0];
	v0 =	vmov s6  }
0x33: {  	v8 =	vld [tilespmem:s20+$0x0]  }
0x34: {  	v9 =	vld [tilespmem:s20+$0x10];
	s6 =	sand.u32 $0x300, s24  }
0x35: {  	s27 =	sand.u32 $0x80, s24;
	v10 =	vld [tilespmem:s20+$0x20];
	s6 =	sadd.s32 s6, s22  }
0x36: {  	v11 =	vld [tilespmem:s20+$0x30];
	s6 =	sadd.s32 s27, s6;
	s27 =	simm.s32 $0x1;
	[tilespmem:s21+$0x60] =	vst v2  }
0x37: {  	s27 =	simm.s32 @!p0 $0x0;
	[tilespmem:s21+$0xFFFFFC00] =	vst v1;
	v3 =	vld.idx.msk [tilespmem:v0+s6+$0x400 ss:$0x1], $0xffff;
	s6 =	sshll.u32 s25, $0x2  }
0x38: {  	v6 =	vld [tilespmem:s20+$0x3D0];
	s27 =	sshll.u32 s27, $0x9;
	[tilespmem:s21+$0xFFFFFC10] =	vst v4;
	s6 =	sand.u32 $0xFFFFFC00, s6  }
0x39: {  	v5 =	vld [tilespmem:s20+$0x3E0];
	[tilespmem:s21+$0xFFFFFC20] =	vst v7;
	s6 =	sor.u32 s27, s6  }
0x3a: {  	[tilespmem:s21+$0xFFFFFC30] =	vst v8;
	v4 =	vld [tilespmem:s20+$0x400];
	s6 =	sshrl.u32 s6, $0x2  }
0x3b: {  	[tilespmem:s21+$0xFFFFFC40] =	vst v9;
	v1 =	vld [tilespmem:s20+$0x410];
	s27 =	sadd.s32 s6, s23  }
0x3c: {  	[tilespmem:s27+$0x0] =	vst v3;
	v3 =	vld [tilespmem:s20+$0x3F0]  }
0x3d: {  	s31 =	simm.s32 $0x80;
	s30 =	simm.s32 $0x100;
	[tilespmem:s21+$0xFFFFFC50] =	vst v10;
	v2 =	vld [tilespmem:s20+$0x420]  }
0x3e: {  	s28 =	sadd.s32 $0x80, s20;
	s29 =	smov.u32 s21;
	v7 =	vld [tilespmem:s20+$0xFFFFFFC0];
	[tilespmem:s21+$0xFFFFFC60] =	vst v11;
	s6 =	sand.u32 $0x300, s31  }
.LBB1_4:
0x3f: {  	p1 =	sne.s32 s30, $0x380;
	v8 =	vld [tilespmem:s28+$0xFFFFFFD0];
	s31 =	sand.u32 $0x80, s31;
	s6 =	sadd.s32 s6, s22;
	[tilespmem:s29+$0x0] =	vst v6  }
0x40: {  	s6 =	sadd.s32 s31, s6;
	v6 =	vld [tilespmem:s28+$0x430];
	[tilespmem:s29+$0x10] =	vst v5;
	s31 =	smov.u32 s30  }
0x41: {  	v5 =	vld.idx.msk [tilespmem:v0+s6+$0x400 ss:$0x1], $0xffff;
	[tilespmem:s29+$0x20] =	vst v3  }
0x42: {  	v3 =	vld [tilespmem:s28+$0xFFFFFFE0];
	[tilespmem:s29+$0x30] =	vst v4  }
0x43: {  	v4 =	vld [tilespmem:s28+$0xFFFFFFF0];
	[tilespmem:s29+$0xFFFFFBF0] =	vst v7  }
0x44: {  	v7 =	vld [tilespmem:s28+$0x0];
	[tilespmem:s29+$0x40] =	vst v1  }
0x45: {  	v1 =	vld [tilespmem:s28+$0x10];
	[tilespmem:s29+$0x50] =	vst v2;
	s29 =	sadd.s32 $0x800, s29  }
0x46: {  	s27 =	sadd.s32 $0x800, s27;
	v2 =	vld [tilespmem:s28+$0x20];
	[tilespmem:s29+$0x60] =	vst v6  }
0x47: {  	v9 =	vld [tilespmem:s28+$0x30];
	[tilespmem:s27+$0x0] =	vst v5  }
0x48: {  	[tilespmem:s29+$0xFFFFFC00] =	vst v8;
	v6 =	vld [tilespmem:s28+$0x3D0]  }
0x49: {  	[tilespmem:s29+$0xFFFFFC10] =	vst v3;
	v5 =	vld [tilespmem:s28+$0x3E0]  }
.Ltmp3:
0x4a: {  	[tilespmem:s29+$0xFFFFFC20] =	vst v4;
	v3 =	vld [tilespmem:s28+$0x3F0];
	(pc) =	sbr.rel @p1 .LBB1_4-.Ltmp3, $4  }
0x4b: {  	[tilespmem:s29+$0xFFFFFC30] =	vst v7;
	v4 =	vld [tilespmem:s28+$0x400]  }
0x4c: {  	[tilespmem:s29+$0xFFFFFC40] =	vst v1;
	v1 =	vld [tilespmem:s28+$0x410]  }
0x4d: {  	[tilespmem:s29+$0xFFFFFC50] =	vst v2;
	v2 =	vld [tilespmem:s28+$0x420]  }
0x4e: {  	s30 =	sadd.s32 $0x80, s30;
	s6 =	sand.u32 $0x300, s31;
	v7 =	vld [tilespmem:s28+$0xFFFFFFC0];
	[tilespmem:s29+$0xFFFFFC60] =	vst v9;
	s28 =	sadd.s32 $0x80, s28  }
0x4f: {  	[tilespmem:s29+$0x0] =	vst v6  }
0x50: {  	[tilespmem:s29+$0x10] =	vst v5  }
0x51: {  	v49 =	vld [tilespmem:s28+$0x430];
	[tilespmem:s29+$0x20] =	vst v3  }
0x52: {  	v50 =	vld [tilespmem:s28+$0xFFFFFFD0];
	[tilespmem:s29+$0x30] =	vst v4  }
0x53: {  	v51 =	vld [tilespmem:s28+$0xFFFFFFE0];
	[tilespmem:s29+$0x40] =	vst v1  }
0x54: {  	v52 =	vld [tilespmem:s28+$0xFFFFFFF0];
	[tilespmem:s29+$0x50] =	vst v2  }
0x55: {  	s30 =	sand.u32 $0x80, s31;
	s31 =	sadd.s32 $0x800, s29;
	v53 =	vld [tilespmem:s28+$0x0];
	[tilespmem:s29+$0xFFFFFBF0] =	vst v7  }
0x56: {  	v54 =	vld [tilespmem:s28+$0x10];
	[tilespmem:s31+$0x60] =	vst v49  }
0x57: {  	v55 =	vld [tilespmem:s28+$0x20];
	[tilespmem:s31+$0xFFFFFC00] =	vst v50  }
0x58: {  	v56 =	vld [tilespmem:s28+$0x30];
	[tilespmem:s31+$0xFFFFFC10] =	vst v51  }
0x59: {  	v57 =	vld [tilespmem:s28+$0x3D0];
	[tilespmem:s31+$0xFFFFFC20] =	vst v52  }
0x5a: {  	v58 =	vld [tilespmem:s28+$0x3E0];
	[tilespmem:s31+$0xFFFFFC30] =	vst v53  }
0x5b: {  	v59 =	vld [tilespmem:s28+$0x3F0];
	[tilespmem:s31+$0xFFFFFC40] =	vst v54  }
0x5c: {  	v60 =	vld [tilespmem:s28+$0x400];
	[tilespmem:s31+$0xFFFFFC50] =	vst v55  }
0x5d: {  	v61 =	vld [tilespmem:s28+$0xFFFFFFC0];
	[tilespmem:s31+$0xFFFFFC60] =	vst v56  }
0x5e: {  	s6 =	sadd.s32 s6, s22;
	v62 =	vld [tilespmem:s28+$0x410];
	[tilespmem:s31+$0x0] =	vst v57  }
0x5f: {  	v63 =	vld [tilespmem:s28+$0x420];
	s26 =	sadd.s32 $0x1, s26;
	s6 =	sadd.s32 s30, s6;
	[tilespmem:s31+$0x10] =	vst v58  }
0x60: {  	p1 =	sne.s32 s26, $0x8;
	v0 =	vld.idx.msk [tilespmem:v0+s6+$0x400 ss:$0x1], $0xffff;
	[tilespmem:s31+$0x20] =	vst v59  }
.Ltmp4:
0x61: {  	[tilespmem:s31+$0x30] =	vst v60;
	(pc) =	sbr.rel @p1 .LBB1_3-.Ltmp4, $4  }
0x62: {  	[tilespmem:s31+$0xFFFFFBF0] =	vst v61  }
0x63: {  	[tilespmem:s31+$0x40] =	vst v62  }
0x64: {  	s27 =	sadd.s32 $0x800, s27;
	s20 =	sadd.s32 $0x800, s20;
	[tilespmem:s31+$0x50] =	vst v63  }
0x65: {  	s25 =	sadd.s32 $0x80, s25;
	p0 =	por !p0, !p0;
	s21 =	sadd.s32 $0x80, s21;
	[tilespmem:s27+$0x0] =	vst v0  }
0x66: {  	s6 =	sand.u32 $0x78, s16  }
0x67: {  	s20 =	sshll.u32 s18, $0xD;
	s29 =	sshll.u32 s18, $0x7;
	s21 =	sshll.u32 s16, $0x3  }
0x68: {  	s17 =	sshll.u32 s17, $0x10;
	s31 =	sand.u32 $0x7, s16;
	s20 =	sand.u32 $0x70000, s20  }
0x69: {  	s18 =	sand.u32 $0x380, s29;
	s20 =	sadd.s32 s20, s21;
	s21 =	sand.u32 $0x1C00, s21  }
.Ltmp5:
0x6a: {  	s6 =	sor.u32 s18, s6;
	s30 =	sshrl.u32 s20, $0x3;
	(pc) =	sbr.rel .LBB1_7-.Ltmp5, $4  }
0x6b: {  	s17 =	sadd.s32 s3, s17;
	s6 =	sor.u32 s21, s6;
	s18 =	sand.u32 $0xFC00, s30  }
0x6c: {  	s16 =	sshll.u32 s31, $0x12;
	s6 =	sshrl.u32 s6, $0x3;
	s17 =	sadd.s32 s18, s17  }
0x6d: {  	s16 =	sor.u32 $0x800, s16;
	s6 =	sadd.s32 s6, s17  }
0x6e: {  	[hbm4b:s6+s16] =	stream.strided.scatter [tilespmem:s19], [sflag:$0x2], $0x4000, s10, s16, $0x38;
	[tilespmem:$0x10000] =	vst v63  }
.LBB1_8:
0x6f: {  	_ =	sfence.sel $0x180000  }
0x70: {  	s1 =	simm.s32 $0x1;
	[bflag:$0x0] =	sbarrier.arrive $0xFFFF  }
0x71: {  	s31 =	simm.s32 $0x2;
	[sflag:s1] =	ssyncpa.u1 $0x1  }
0x72: {  	[sflag:s31] =	ssyncpa.u1 $0x1  }
0x73: {  	_ =	strace $0x9000006B  }
0x74: {  	[bflag:$0x2] =	sbarrier.arrive $0xFFFF  }
0x75: {  	p0 =	sne.s32 s0, $0x0;
	s0 =	rddreg [dreg:$0x2]  }
0x76: {  	s0 =	sadd.s32 @!p0 $0x100000, s0  }
0x77: {  	[sflag:s0] =	ssyncadd.tile.s32 @!p0 $0x1;
	_ =	shalt  }
.Lfunc_end1:
_tile_overlayer_lowered:
.L_overlay_start_2:
0x78: {  	(tag) =	ssettag $0x2  }
0x79: {  	s0 =	rddreg [dreg:$0x0];
	s2 =	stileid.u32  }
0x7a: {  	s1 =	rddreg [dreg:$0x1];
	p0 =	sne.s32 s2, $0x0  }
0x7b: {  	s3 =	rddreg [dreg:$0x2];
	[bflag:$0x3] =	sbarrier.arrive $0xFFFF;
	s2 =	simm.s32 @!p0 $0x1C01  }
0x7c: {  	[timem:s3], [sflag:s2] =	dma.local @!p0 [hbm:s0], s1  }
0x7d: {  	s0 =	simm.s32 @!p0 $0x1  }
0x7e: {  	_ =	swait.ge @!p0 [sflag:s0], s1  }
0x7f: {  	s1 =	ssub.s32 @!p0 $0x0, s1;
	[sflag:s0] =	ssyncset.done @!p0 $0x0  }
0x80: {  	[sflag:s0] =	ssyncadd.s32 @!p0 s1  }
0x81: {  	[bflag:$0x3] =	sbarrier.arrive $0xFFFF  }
0x82: {  	_ =	shalt  }

</sc_bundles>
